<compile_context>
chip_gen: v7x
topology: tpu7x:2x2x1
jax: 0.10.2.dev20260603
libtpu: 0.0.44.dev20260713+nightly
codegen_flags: <defaults>
</compile_context>

<pallas_src>
import functools
import jax
import jax.numpy as jnp
import numpy as np
from jax import lax
from jax.experimental import pallas as pl
from jax.experimental.pallas import tpu as pltpu
from jax.experimental.pallas import tpu_sc as plsc

N = 10000
E = 160000
F = 66
HEADS = 10
HOUT = 66
D_GAT = HEADS * HOUT
D_GCN = D_GAT * 2
DP = 672
DW = 768
E2 = E + N
EP = 170240


def _leaky(v, slope):
    return jnp.where(v >= 0, v, slope * v)



def _tc1_body(x_ref, wg_ref, asrc_ref, adst_ref, h_ref, as_ref, ad_ref):
    h = jnp.dot(x_ref[...], wg_ref[...], preferred_element_type=jnp.float32)
    h_ref[...] = h
    as_ref[...] = jnp.dot(h, asrc_ref[...], preferred_element_type=jnp.float32)
    ad_ref[...] = jnp.dot(h, adst_ref[...], preferred_element_type=jnp.float32)


def _tc1(x, wg_pad, A_src, A_dst):
    R = 1000
    grid = (N // R,)
    return pl.pallas_call(
        _tc1_body,
        grid=grid,
        in_specs=[
            pl.BlockSpec((R, F), lambda i: (i, 0)),
            pl.BlockSpec((F, DP), lambda i: (0, 0)),
            pl.BlockSpec((DP, 16), lambda i: (0, 0)),
            pl.BlockSpec((DP, 16), lambda i: (0, 0)),
        ],
        out_specs=[
            pl.BlockSpec((R, DP), lambda i: (i, 0)),
            pl.BlockSpec((R, 16), lambda i: (i, 0)),
            pl.BlockSpec((R, 16), lambda i: (i, 0)),
        ],
        out_shape=[
            jax.ShapeDtypeStruct((N, DP), jnp.float32),
            jax.ShapeDtypeStruct((N, 16), jnp.float32),
            jax.ShapeDtypeStruct((N, 16), jnp.float32),
        ],
    )(x, wg_pad, A_src, A_dst)



def _tc2_body(den_ref, agg_ref, P_ref, bg_ref, x1t_ref, dinv_ref):
    den = den_ref[...]
    agg = agg_ref[...]
    deg = den[:, 10:11]
    dinv = jnp.where(deg > 0, lax.rsqrt(deg), 0.0)
    inv_den = 1.0 / (den + 1e-16)
    invexp = jnp.dot(inv_den, P_ref[...], preferred_element_type=jnp.float32)
    x1 = _leaky(agg * invexp + bg_ref[...], 0.01)
    x1t_ref[...] = jnp.concatenate(
        [x1 * dinv, jnp.zeros((x1.shape[0], DW - DP), jnp.float32)], axis=1)
    dinv_ref[...] = dinv


def _tc2(den, agg, P, bg_pad):
    R = 1024
    grid = (PN // R,)
    return pl.pallas_call(
        _tc2_body,
        grid=grid,
        in_specs=[
            pl.BlockSpec((R, 16), lambda i: (i, 0)),
            pl.BlockSpec((R, DP), lambda i: (i, 0)),
            pl.BlockSpec((16, DP), lambda i: (0, 0)),
            pl.BlockSpec((1, DP), lambda i: (0, 0)),
        ],
        out_specs=[
            pl.BlockSpec((R, DW), lambda i: (i, 0)),
            pl.BlockSpec((R, 1), lambda i: (i, 0)),
        ],
        out_shape=[
            jax.ShapeDtypeStruct((PN, DW), jnp.float32),
            jax.ShapeDtypeStruct((PN, 1), jnp.float32),
        ],
    )(den, agg, P, bg_pad)



def _tc3_body(agg2_ref, dinv_ref, wgcn_ref, bgcn_ref, w1_ref, b1_ref,
              w2_ref, b2_ref, w3_ref, b3_ref, w4_ref, b4_ref, w5_ref, b5_ref,
              out_ref):
    a = agg2_ref[...] * dinv_ref[...]
    x2 = _leaky(jnp.dot(a, wgcn_ref[...], preferred_element_type=jnp.float32)
                + bgcn_ref[...], 0.01)
    x3 = _leaky(jnp.dot(x2, w1_ref[...], preferred_element_type=jnp.float32)
                + b1_ref[...], 0.01)
    x4 = _leaky(jnp.dot(x3, w2_ref[...], preferred_element_type=jnp.float32)
                + b2_ref[...], 0.01)
    x5 = _leaky(jnp.dot(x4, w3_ref[...], preferred_element_type=jnp.float32)
                + b3_ref[...], 0.01)
    x6 = _leaky(jnp.dot(x5, w4_ref[...], preferred_element_type=jnp.float32)
                + b4_ref[...], 0.01)
    out_ref[...] = (jnp.dot(x6, w5_ref[...], preferred_element_type=jnp.float32)
                    + b5_ref[...])


def _tc3(agg2, dinv, wgcn_pad, bgcn, W1, b1, W2, b2, W3, b3, W4, b4, W5, b5):
    R = 1024
    grid = (PN // R,)
    full = lambda r, c: pl.BlockSpec((r, c), lambda i: (0, 0))
    return pl.pallas_call(
        _tc3_body,
        grid=grid,
        in_specs=[
            pl.BlockSpec((R, DW), lambda i: (i, 0)),
            pl.BlockSpec((R, 1), lambda i: (i, 0)),
            full(DW, D_GCN), full(1, D_GCN),
            full(D_GCN, 1000), full(1, 1000),
            full(1000, 64), full(1, 64),
            full(64, 32), full(1, 32),
            full(32, 16), full(1, 16),
            full(16, 1), full(1, 1),
        ],
        out_specs=pl.BlockSpec((R, 1), lambda i: (i, 0)),
        out_shape=jax.ShapeDtypeStruct((PN, 1), jnp.float32),
    )(agg2, dinv, wgcn_pad, bgcn.reshape(1, -1), W1, b1.reshape(1, -1),
      W2, b2.reshape(1, -1), W3, b3.reshape(1, -1), W4, b4.reshape(1, -1),
      W5, b5.reshape(1, -1))



NSUB = 16
NCORE = 2
SLAB = EP // NSUB
CN = 1250
CS = 1280
PN = 8 * CS
G = 32
ZR = 16

@functools.lru_cache(maxsize=None)
def _sc_mesh():
    return plsc.VectorSubcoreMesh(core_axis_name="c", subcore_axis_name="s")


def _zero_zbuf(zbuf):
    def zrow(i, _):
        def zcol(j, _):
            zbuf[i, pl.ds(j * 16, 16)] = jnp.zeros((16,), jnp.float32)
            return 0
        return lax.fori_loop(0, DW // 16, zcol, 0)
    lax.fori_loop(0, ZR, zrow, 0)


def _sc_edge_body(src_hbm, dst_hbm, tab_hbm, out_hbm,
                  ssl, dsl, csrc, cdst, gbuf, zbuf, sem, remap_src):
    cid = lax.axis_index("c")
    sid = lax.axis_index("s")
    base = sid * SLAB
    pltpu.sync_copy(src_hbm.at[pl.ds(base, SLAB)], ssl)
    pltpu.sync_copy(dst_hbm.at[pl.ds(base, SLAB)], dsl)
    _zero_zbuf(zbuf)
    half = cid * (PN // 2)

    def zb(k, _):
        pltpu.sync_copy(zbuf, out_hbm.at[pl.ds(half + sid * (PN // 2 // NSUB)
                                               + k * ZR, ZR)])
        return 0
    lax.fori_loop(0, PN // 2 // NSUB // ZR, zb, 0)
    plsc.subcore_barrier()

    lov = jnp.broadcast_to(cid * (PN // 2), (16,))
    hiv = jnp.broadcast_to((cid + 1) * (PN // 2), (16,))
    cnv = jnp.full((16,), CN, jnp.int32)
    trv = jnp.broadcast_to(half + CN, (16,))

    def fbody(g, _):
        s16 = ssl[pl.ds(g * 16, 16)]
        d16 = dsl[pl.ds(g * 16, 16)]
        if remap_src:
            s16 = s16 + lax.div(s16, cnv) * (CS - CN)
        d16 = d16 + lax.div(d16, cnv) * (CS - CN)
        m = (d16 >= lov) & (d16 < hiv)
        csrc[pl.ds(g * 16, 16)] = jnp.where(m, s16, jnp.zeros((16,), jnp.int32))
        cdst[pl.ds(g * 16, 16)] = jnp.where(m, d16, trv)
        return 0
    lax.fori_loop(0, SLAB // 16, fbody, 0)

    def gbody(g, _):
        pltpu.async_copy(tab_hbm.at[csrc.at[pl.ds(g * G, G)]], gbuf,
                         sem).wait()
        pltpu.sync_copy(gbuf, out_hbm.at[cdst.at[pl.ds(g * G, G)]], add=True)
        return 0
    lax.fori_loop(0, SLAB // G, gbody, 0)


def _sc_gcn_body(src_hbm, dst_hbm, x1t_hbm, out_hbm,
                 ssl, dsl, csrc, cdst, gbuf, zbuf, sem):
    _sc_edge_body(src_hbm, dst_hbm, x1t_hbm, out_hbm,
                  ssl, dsl, csrc, cdst, gbuf, zbuf, sem, True)


@functools.lru_cache(maxsize=None)
def _sc_gcn():
    return pl.kernel(
        _sc_gcn_body,
        out_type=jax.ShapeDtypeStruct((PN, DW), jnp.float32),
        mesh=_sc_mesh(),
        scratch_types=[
            pltpu.VMEM((SLAB,), jnp.int32),
            pltpu.VMEM((SLAB,), jnp.int32),
            pltpu.VMEM((SLAB,), jnp.int32),
            pltpu.VMEM((SLAB,), jnp.int32),
            pltpu.VMEM((G, DW), jnp.float32),
            pltpu.VMEM((ZR, DW), jnp.float32),
            pltpu.SemaphoreType.DMA,
        ],
    )



def _edges_gat_jnp(src, dst, h, a_s, a_d):
    e = a_s[src] + a_d[dst]
    e = _leaky(e, 0.2)
    w = jnp.exp(e)
    valid = (dst < N)
    w = jnp.where(valid[:, None], w, 0.0)
    dstp = jnp.where(valid, dst + (dst // CN) * (CS - CN), PN)
    den = jax.ops.segment_sum(w, dstp, num_segments=PN)
    msg = h[src] * w[:, _PAT_ALL]
    agg = jax.ops.segment_sum(jnp.where(valid[:, None], msg, 0.0),
                              dstp, num_segments=PN)
    return den, agg


_PAT_ALL = np.minimum(np.arange(DP) // HOUT, 15)


def kernel(x, edge_index, batch, W_gat, att_src, att_dst, b_gat, W_gcn, b_gcn,
           W1, b1, W2, b2, W3, b3, W4, b4, W5, b5):
    f32 = jnp.float32
    loop = jnp.arange(N, dtype=jnp.int32)
    padn = EP - E2
    src = jnp.concatenate([edge_index[0].astype(jnp.int32), loop,
                           jnp.zeros((padn,), jnp.int32)])
    dst = jnp.concatenate([edge_index[1].astype(jnp.int32), loop,
                           jnp.full((padn,), N, jnp.int32)])

    wg_pad = jnp.zeros((F, DP), f32).at[:, :D_GAT].set(W_gat)
    cols = np.arange(D_GAT)
    A_src = jnp.zeros((DP, 16), f32).at[cols, cols // HOUT].set(
        att_src.reshape(HEADS, HOUT)[cols // HOUT, cols % HOUT])
    A_dst = jnp.zeros((DP, 16), f32).at[cols, cols // HOUT].set(
        att_dst.reshape(HEADS, HOUT)[cols // HOUT, cols % HOUT])
    P = jnp.zeros((16, DP), f32).at[cols // HOUT, cols].set(1.0)
    bg_pad = jnp.zeros((1, DP), f32).at[0, :D_GAT].set(b_gat)
    wgcn_pad = jnp.zeros((DW, D_GCN), f32).at[:D_GAT, :].set(W_gcn)

    h, a_s, a_d = _tc1(x, wg_pad, A_src, A_dst)
    den, agg = _edges_gat_jnp(src, dst, h, a_s, a_d)
    x1t, dinv = _tc2(den, agg, P, bg_pad)
    valid = (dst < N)
    dstp = jnp.where(valid, dst + (dst // CN) * (CS - CN), PN)
    agg2 = jax.ops.segment_sum(
        jnp.where(valid[:, None], x1t[jnp.where(valid, src + (src // CN) * (CS - CN), 0)], 0.0),
        dstp, num_segments=PN)
    outp = _tc3(agg2, dinv, wgcn_pad, b_gcn, W1, b1, W2, b2, W3, b3,
                W4, b4, W5, b5)
    return outp.reshape(8, CS, 1)[:, :CN].reshape(N, 1)

# --- scband reference (transcript-rebuilt; emitter-appended) ---
"""Pipeline reference for scband-gat-gcn-63402307224303 (READ-ONLY COPY).

The authoritative reference and input builder live on the scoring server;
editing this copy changes nothing except your own understanding.
"""

import jax, jax.numpy as jnp
import numpy as np

N = 10000
E = 160000
F = 66
HEADS = 10
HOUT = 66
D_GAT = HEADS * HOUT  # 660
D_GCN = D_GAT * 2     # 1320
G = 128


def _init(key, shape, fan_in):
    return jax.random.normal(key, shape, dtype=jnp.float32) * (1.0 / np.sqrt(fan_in))


def setup_inputs(seed: int = 0) -> dict:
    key = jax.random.key(seed)
    ks = jax.random.split(key, 24)
    x = jax.random.normal(ks[0], (N, F), dtype=jnp.float32)
    edge_index = jax.random.randint(ks[1], (2, E), 0, N, dtype=jnp.int32)
    batch = jnp.sort(jax.random.randint(ks[2], (N,), 0, G, dtype=jnp.int32))
    W_gat = _init(ks[3], (F, D_GAT), F)
    att_src = _init(ks[4], (1, HEADS, HOUT), HOUT)
    att_dst = _init(ks[5], (1, HEADS, HOUT), HOUT)
    b_gat = jnp.zeros((D_GAT,), dtype=jnp.float32)
    W_gcn = _init(ks[6], (D_GAT, D_GCN), D_GAT)
    b_gcn = jnp.zeros((D_GCN,), dtype=jnp.float32)
    W1 = _init(ks[7], (D_GCN, 1000), D_GCN)
    b1 = jnp.zeros((1000,), dtype=jnp.float32)
    W2 = _init(ks[8], (1000, 64), 1000)
    b2 = jnp.zeros((64,), dtype=jnp.float32)
    W3 = _init(ks[9], (64, 32), 64)
    b3 = jnp.zeros((32,), dtype=jnp.float32)
    W4 = _init(ks[10], (32, 16), 32)
    b4 = jnp.zeros((16,), dtype=jnp.float32)
    W5 = _init(ks[11], (16, 1), 16)
    b5 = jnp.zeros((1,), dtype=jnp.float32)
    return {"x": x, "edge_index": edge_index, "batch": batch,
            "W_gat": W_gat, "att_src": att_src, "att_dst": att_dst, "b_gat": b_gat,
            "W_gcn": W_gcn, "b_gcn": b_gcn,
            "W1": W1, "b1": b1, "W2": W2, "b2": b2, "W3": W3, "b3": b3,
            "W4": W4, "b4": b4, "W5": W5, "b5": b5}


def _leaky(v, slope):
    return jnp.where(v >= 0, v, slope * v)


def reference(x, edge_index, batch,
              W_gat, att_src, att_dst, b_gat,
              W_gcn, b_gcn,
              W1, b1, W2, b2, W3, b3, W4, b4, W5, b5):
    # add self loops (PyG default for both GATConv and GCNConv)
    loop = jnp.arange(N, dtype=edge_index.dtype)
    src = jnp.concatenate([edge_index[0], loop])
    dst = jnp.concatenate([edge_index[1], loop])

    # ---- GATConv(F -> HOUT, heads=10, concat) ----
    h = (x @ W_gat).reshape(N, HEADS, HOUT)
    a_s = jnp.sum(h * att_src, axis=-1)  # [N, HEADS]
    a_d = jnp.sum(h * att_dst, axis=-1)  # [N, HEADS]
    e = _leaky(a_s[src] + a_d[dst], 0.2)  # [E2, HEADS]
    m = jax.lax.stop_gradient(jax.ops.segment_max(e, dst, num_segments=N))
    e = jnp.exp(e - m[dst])
    den = jax.ops.segment_sum(e, dst, num_segments=N)
    alpha = e / (den[dst] + 1e-16)
    msg = h[src] * alpha[:, :, None]
    x1 = jax.ops.segment_sum(msg, dst, num_segments=N).reshape(N, D_GAT) + b_gat
    x1 = _leaky(x1, 0.01)

    # ---- GCNConv(660 -> 1320), sym norm with self loops ----
    deg = jax.ops.segment_sum(jnp.ones((src.shape[0],), dtype=jnp.float32), dst, num_segments=N)
    dinv = jnp.where(deg > 0, 1.0 / jnp.sqrt(deg), 0.0)
    norm = dinv[src] * dinv[dst]
    h2 = x1 @ W_gcn
    x2 = jax.ops.segment_sum(norm[:, None] * h2[src], dst, num_segments=N) + b_gcn
    x2 = _leaky(x2, 0.01)

    # ---- MLP head (dropout = identity in eval) ----
    x3 = _leaky(x2 @ W1 + b1, 0.01)
    x4 = _leaky(x3 @ W2 + b2, 0.01)
    x5 = _leaky(x4 @ W3 + b3, 0.01)
    x6 = _leaky(x5 @ W4 + b4, 0.01)
    out = x6 @ W5 + b5
    return out

if __name__ == "__main__":
    import jax
    _d = setup_inputs()
    print(jax.jit(kernel)(*tuple(_d.values())))

</pallas_src>

<mosaic_0001>
module attributes {stable_mosaic.version = 14 : i64} {
  func.func @_tc1_body(%arg0: i32, %arg1: memref<1000x66xf32, #tpu.memory_space<vmem>>, %arg2: memref<66x672xf32, #tpu.memory_space<vmem>>, %arg3: memref<672x16xf32, #tpu.memory_space<vmem>>, %arg4: memref<672x16xf32, #tpu.memory_space<vmem>>, %arg5: memref<1000x672xf32, #tpu.memory_space<vmem>>, %arg6: memref<1000x16xf32, #tpu.memory_space<vmem>>, %arg7: memref<1000x16xf32, #tpu.memory_space<vmem>>) attributes {dimension_semantics = [#tpu.dimension_semantics<arbitrary>], iteration_bounds = array<i64: 10>, scalar_prefetch = 0 : i64, scratch_operands = 0 : i64, tpu.core_type = #tpu.core_type<tc>, window_params = [{transform_indices = @transform_0, window_bounds = array<i64: 1000, 66>}, {pipeline_mode = #tpu.pipeline_mode<synchronous>, transform_indices = @transform_1, window_bounds = array<i64: 66, 672>}, {pipeline_mode = #tpu.pipeline_mode<synchronous>, transform_indices = @transform_2, window_bounds = array<i64: 672, 16>}, {pipeline_mode = #tpu.pipeline_mode<synchronous>, transform_indices = @transform_3, window_bounds = array<i64: 672, 16>}, {transform_indices = @transform_4, window_bounds = array<i64: 1000, 672>}, {transform_indices = @transform_5, window_bounds = array<i64: 1000, 16>}, {transform_indices = @transform_6, window_bounds = array<i64: 1000, 16>}]} {
    %get3A = arith.constant 0 : index
    %get3A_0 = arith.constant 0 : index
    %get3A_1 = vector.load %arg1[%get3A, %get3A_0] : memref<1000x66xf32, #tpu.memory_space<vmem>>, vector<1000x66xf32>
    %get3A_2 = arith.constant 0 : index
    %get3A_3 = arith.constant 0 : index
    %get3A_4 = vector.load %arg2[%get3A_2, %get3A_3] : memref<66x672xf32, #tpu.memory_space<vmem>>, vector<66x672xf32>
    %dot_general3A = arith.constant dense<0.000000e+00> : vector<1000x672xf32>
    %dot_general3A_5 = tpu.matmul %get3A_1, %get3A_4, %dot_general3A {dimension_numbers = #tpu.dot_dimension_numbers<[1], [0], [0], [1], [0, 0, 1, 1], [], []>, transpose_lhs_hint = false} : vector<1000x66xf32>, vector<66x672xf32>, vector<1000x672xf32> -> vector<1000x672xf32>
    %swap3A = arith.constant 0 : index
    %swap3A_6 = arith.constant 0 : index
    %swap3A_7 = vector.load %arg5[%swap3A, %swap3A_6] : memref<1000x672xf32, #tpu.memory_space<vmem>>, vector<1000x672xf32>
    tpu.vector_store %arg5[%swap3A, %swap3A_6], %dot_general3A_5 {strides = array<i32>} : memref<1000x672xf32, #tpu.memory_space<vmem>>, vector<1000x672xf32>,
    %get3A_8 = arith.constant 0 : index
    %get3A_9 = arith.constant 0 : index
    %get3A_10 = vector.load %arg3[%get3A_8, %get3A_9] : memref<672x16xf32, #tpu.memory_space<vmem>>, vector<672x16xf32>
    %dot_general3A_11 = arith.constant dense<0.000000e+00> : vector<1000x16xf32>
    %dot_general3A_12 = tpu.matmul %dot_general3A_5, %get3A_10, %dot_general3A_11 {dimension_numbers = #tpu.dot_dimension_numbers<[1], [0], [0], [1], [0, 0, 1, 1], [], []>, transpose_lhs_hint = false} : vector<1000x672xf32>, vector<672x16xf32>, vector<1000x16xf32> -> vector<1000x16xf32>
    %swap3A_13 = arith.constant 0 : index
    %swap3A_14 = arith.constant 0 : index
    %swap3A_15 = vector.load %arg6[%swap3A_13, %swap3A_14] : memref<1000x16xf32, #tpu.memory_space<vmem>>, vector<1000x16xf32>
    tpu.vector_store %arg6[%swap3A_13, %swap3A_14], %dot_general3A_12 {strides = array<i32>} : memref<1000x16xf32, #tpu.memory_space<vmem>>, vector<1000x16xf32>,
    %get3A_16 = arith.constant 0 : index
    %get3A_17 = arith.constant 0 : index
    %get3A_18 = vector.load %arg4[%get3A_16, %get3A_17] : memref<672x16xf32, #tpu.memory_space<vmem>>, vector<672x16xf32>
    %dot_general3A_19 = arith.constant dense<0.000000e+00> : vector<1000x16xf32>
    %dot_general3A_20 = tpu.matmul %dot_general3A_5, %get3A_18, %dot_general3A_19 {dimension_numbers = #tpu.dot_dimension_numbers<[1], [0], [0], [1], [0, 0, 1, 1], [], []>, transpose_lhs_hint = false} : vector<1000x672xf32>, vector<672x16xf32>, vector<1000x16xf32> -> vector<1000x16xf32>
    %swap3A_21 = arith.constant 0 : index
    %swap3A_22 = arith.constant 0 : index
    %swap3A_23 = vector.load %arg7[%swap3A_21, %swap3A_22] : memref<1000x16xf32, #tpu.memory_space<vmem>>, vector<1000x16xf32>
    tpu.vector_store %arg7[%swap3A_21, %swap3A_22], %dot_general3A_20 {strides = array<i32>} : memref<1000x16xf32, #tpu.memory_space<vmem>>, vector<1000x16xf32>,
    return
  }
  func.func @transform_0(%arg0: i32) -> (i32, i32) {
    %c0_i32 = arith.constant 0 : i32
    %c0_i32_0 = arith.constant 0 : i32
    return %arg0, %c0_i32 : i32, i32
  }
  func.func @transform_1(%arg0: i32) -> (i32, i32) {
    %c0_i32 = arith.constant 0 : i32
    %c0_i32_0 = arith.constant 0 : i32
    %c0_i32_1 = arith.constant 0 : i32
    return %c0_i32, %c0_i32_0 : i32, i32
  }
  func.func @transform_2(%arg0: i32) -> (i32, i32) {
    %c0_i32 = arith.constant 0 : i32
    %c0_i32_0 = arith.constant 0 : i32
    %c0_i32_1 = arith.constant 0 : i32
    return %c0_i32, %c0_i32_0 : i32, i32
  }
  func.func @transform_3(%arg0: i32) -> (i32, i32) {
    %c0_i32 = arith.constant 0 : i32
    %c0_i32_0 = arith.constant 0 : i32
    %c0_i32_1 = arith.constant 0 : i32
    return %c0_i32, %c0_i32_0 : i32, i32
  }
  func.func @transform_4(%arg0: i32) -> (i32, i32) {
    %c0_i32 = arith.constant 0 : i32
    %c0_i32_0 = arith.constant 0 : i32
    return %arg0, %c0_i32 : i32, i32
  }
  func.func @transform_5(%arg0: i32) -> (i32, i32) {
    %c0_i32 = arith.constant 0 : i32
    %c0_i32_0 = arith.constant 0 : i32
    return %arg0, %c0_i32 : i32, i32
  }
  func.func @transform_6(%arg0: i32) -> (i32, i32) {
    %c0_i32 = arith.constant 0 : i32
    %c0_i32_0 = arith.constant 0 : i32
    return %arg0, %c0_i32 : i32, i32
  }
}

module attributes {stable_mosaic.version = 14 : i64} {
  func.func @_tc2_body(%arg0: i32, %arg1: memref<1024x16xf32, #tpu.memory_space<vmem>>, %arg2: memref<1024x672xf32, #tpu.memory_space<vmem>>, %arg3: memref<16x672xf32, #tpu.memory_space<vmem>>, %arg4: memref<1x672xf32, #tpu.memory_space<vmem>>, %arg5: memref<1024x768xf32, #tpu.memory_space<vmem>>, %arg6: memref<1024x1xf32, #tpu.memory_space<vmem>>) attributes {dimension_semantics = [#tpu.dimension_semantics<arbitrary>], iteration_bounds = array<i64: 10>, scalar_prefetch = 0 : i64, scratch_operands = 0 : i64, tpu.core_type = #tpu.core_type<tc>, window_params = [{transform_indices = @transform_0, window_bounds = array<i64: 1024, 16>}, {transform_indices = @transform_1, window_bounds = array<i64: 1024, 672>}, {pipeline_mode = #tpu.pipeline_mode<synchronous>, transform_indices = @transform_2, window_bounds = array<i64: 16, 672>}, {pipeline_mode = #tpu.pipeline_mode<synchronous>, transform_indices = @transform_3, window_bounds = array<i64: 1, 672>}, {transform_indices = @transform_4, window_bounds = array<i64: 1024, 768>}, {transform_indices = @transform_5, window_bounds = array<i64: 1024, 1>}]} {
    %get3A = arith.constant 0 : index
    %get3A_0 = arith.constant 0 : index
    %get3A_1 = vector.load %arg1[%get3A, %get3A_0] : memref<1024x16xf32, #tpu.memory_space<vmem>>, vector<1024x16xf32>
    %get3A_2 = arith.constant 0 : index
    %get3A_3 = arith.constant 0 : index
    %get3A_4 = vector.load %arg2[%get3A_2, %get3A_3] : memref<1024x672xf32, #tpu.memory_space<vmem>>, vector<1024x672xf32>
    %slice3A = vector.extract_strided_slice %get3A_1 {offsets = [0, 10], sizes = [1024, 1], strides = [1, 1]} : vector<1024x16xf32> to vector<1024x1xf32>
    %gt3A = arith.constant 0.000000e+00 : f32
    %gt3A_5 = vector.broadcast %gt3A : f32 to vector<1024x1xf32>
    %gt3A_6 = arith.cmpf ogt, %slice3A, %gt3A_5 : vector<1024x1xf32>
    %rsqrt3A = math.rsqrt %slice3A : vector<1024x1xf32>
    %jit3A = arith.constant 0.000000e+00 : f32
    %broadcast_in_dim3A = vector.broadcast %jit3A : f32 to vector<1024x1xf32>
    %select_n3A = arith.select %gt3A_6, %rsqrt3A, %broadcast_in_dim3A : vector<1024x1xi1>, vector<1024x1xf32>
    %add3A = arith.constant 1.000000e-16 : f32
    %add3A_7 = vector.broadcast %add3A : f32 to vector<1024x16xf32>
    %add3A_8 = arith.addf %get3A_1, %add3A_7 : vector<1024x16xf32>
    %div3A = arith.constant 1.000000e+00 : f32
    %div3A_9 = vector.broadcast %div3A : f32 to vector<1024x16xf32>
    %div3A_10 = arith.divf %div3A_9, %add3A_8 : vector<1024x16xf32>
    %get3A_11 = arith.constant 0 : index
    %get3A_12 = arith.constant 0 : index
    %get3A_13 = vector.load %arg3[%get3A_11, %get3A_12] : memref<16x672xf32, #tpu.memory_space<vmem>>, vector<16x672xf32>
    %dot_general3A = arith.constant dense<0.000000e+00> : vector<1024x672xf32>
    %dot_general3A_14 = tpu.matmul %div3A_10, %get3A_13, %dot_general3A {dimension_numbers = #tpu.dot_dimension_numbers<[1], [0], [0], [1], [0, 0, 1, 1], [], []>, transpose_lhs_hint = false} : vector<1024x16xf32>, vector<16x672xf32>, vector<1024x672xf32> -> vector<1024x672xf32>
    %mul3A = arith.mulf %get3A_4, %dot_general3A_14 : vector<1024x672xf32>
    %get3A_15 = arith.constant 0 : index
    %get3A_16 = arith.constant 0 : index
    %get3A_17 = vector.load %arg4[%get3A_15, %get3A_16] : memref<1x672xf32, #tpu.memory_space<vmem>>, vector<1x672xf32>
    %add3A_18 = vector.broadcast %get3A_17 : vector<1x672xf32> to vector<1024x672xf32>
    %add3A_19 = arith.addf %mul3A, %add3A_18 : vector<1024x672xf32>
    %ge3A = arith.constant 0.000000e+00 : f32
    %ge3A_20 = vector.broadcast %ge3A : f32 to vector<1024x672xf32>
    %ge3A_21 = arith.cmpf oge, %add3A_19, %ge3A_20 : vector<1024x672xf32>
    %mul3A_22 = arith.constant 0.00999999977 : f32
    %mul3A_23 = vector.broadcast %mul3A_22 : f32 to vector<1024x672xf32>
    %mul3A_24 = arith.mulf %mul3A_23, %add3A_19 : vector<1024x672xf32>
    %select_n3A_25 = arith.select %ge3A_21, %add3A_19, %mul3A_24 : vector<1024x672xi1>, vector<1024x672xf32>
    %mul3A_26 = vector.broadcast %select_n3A : vector<1024x1xf32> to vector<1024x672xf32>
    %mul3A_27 = arith.mulf %select_n3A_25, %mul3A_26 : vector<1024x672xf32>
    %broadcast_in_dim3A_28 = arith.constant 0.000000e+00 : f32
    %broadcast_in_dim3A_29 = vector.broadcast %broadcast_in_dim3A_28 : f32 to vector<1024x96xf32>
    %concatenate3A = tpu.concatenate %mul3A_27, %broadcast_in_dim3A_29 in 1 : vector<1024x672xf32>, vector<1024x96xf32> -> vector<1024x768xf32>
    %swap3A = arith.constant 0 : index
    %swap3A_30 = arith.constant 0 : index
    %swap3A_31 = vector.load %arg5[%swap3A, %swap3A_30] : memref<1024x768xf32, #tpu.memory_space<vmem>>, vector<1024x768xf32>
    tpu.vector_store %arg5[%swap3A, %swap3A_30], %concatenate3A {strides = array<i32>} : memref<1024x768xf32, #tpu.memory_space<vmem>>, vector<1024x768xf32>,
    %swap3A_32 = arith.constant 0 : index
    %swap3A_33 = arith.constant 0 : index
    %swap3A_34 = vector.load %arg6[%swap3A_32, %swap3A_33] : memref<1024x1xf32, #tpu.memory_space<vmem>>, vector<1024x1xf32>
    tpu.vector_store %arg6[%swap3A_32, %swap3A_33], %select_n3A {strides = array<i32>} : memref<1024x1xf32, #tpu.memory_space<vmem>>, vector<1024x1xf32>,
    return
  }
  func.func @transform_0(%arg0: i32) -> (i32, i32) {
    %c0_i32 = arith.constant 0 : i32
    %c0_i32_0 = arith.constant 0 : i32
    return %arg0, %c0_i32 : i32, i32
  }
  func.func @transform_1(%arg0: i32) -> (i32, i32) {
    %c0_i32 = arith.constant 0 : i32
    %c0_i32_0 = arith.constant 0 : i32
    return %arg0, %c0_i32 : i32, i32
  }
  func.func @transform_2(%arg0: i32) -> (i32, i32) {
    %c0_i32 = arith.constant 0 : i32
    %c0_i32_0 = arith.constant 0 : i32
    %c0_i32_1 = arith.constant 0 : i32
    return %c0_i32, %c0_i32_0 : i32, i32
  }
  func.func @transform_3(%arg0: i32) -> (i32, i32) {
    %c0_i32 = arith.constant 0 : i32
    %c0_i32_0 = arith.constant 0 : i32
    %c0_i32_1 = arith.constant 0 : i32
    return %c0_i32, %c0_i32_0 : i32, i32
  }
  func.func @transform_4(%arg0: i32) -> (i32, i32) {
    %c0_i32 = arith.constant 0 : i32
    %c0_i32_0 = arith.constant 0 : i32
    return %arg0, %c0_i32 : i32, i32
  }
  func.func @transform_5(%arg0: i32) -> (i32, i32) {
    %c0_i32 = arith.constant 0 : i32
    %c0_i32_0 = arith.constant 0 : i32
    return %arg0, %c0_i32 : i32, i32
  }
}

module attributes {stable_mosaic.version = 14 : i64} {
  func.func @_tc3_body(%arg0: i32, %arg1: memref<1024x768xf32, #tpu.memory_space<vmem>>, %arg2: memref<1024x1xf32, #tpu.memory_space<vmem>>, %arg3: memref<768x1320xf32, #tpu.memory_space<vmem>>, %arg4: memref<1x1320xf32, #tpu.memory_space<vmem>>, %arg5: memref<1320x1000xf32, #tpu.memory_space<vmem>>, %arg6: memref<1x1000xf32, #tpu.memory_space<vmem>>, %arg7: memref<1000x64xf32, #tpu.memory_space<vmem>>, %arg8: memref<1x64xf32, #tpu.memory_space<vmem>>, %arg9: memref<64x32xf32, #tpu.memory_space<vmem>>, %arg10: memref<1x32xf32, #tpu.memory_space<vmem>>, %arg11: memref<32x16xf32, #tpu.memory_space<vmem>>, %arg12: memref<1x16xf32, #tpu.memory_space<vmem>>, %arg13: memref<16x1xf32, #tpu.memory_space<vmem>>, %arg14: memref<1x1xf32, #tpu.memory_space<vmem>>, %arg15: memref<1024x1xf32, #tpu.memory_space<vmem>>) attributes {dimension_semantics = [#tpu.dimension_semantics<arbitrary>], iteration_bounds = array<i64: 10>, scalar_prefetch = 0 : i64, scratch_operands = 0 : i64, tpu.core_type = #tpu.core_type<tc>, window_params = [{transform_indices = @transform_0, window_bounds = array<i64: 1024, 768>}, {transform_indices = @transform_1, window_bounds = array<i64: 1024, 1>}, {pipeline_mode = #tpu.pipeline_mode<synchronous>, transform_indices = @transform_2, window_bounds = array<i64: 768, 1320>}, {pipeline_mode = #tpu.pipeline_mode<synchronous>, transform_indices = @transform_3, window_bounds = array<i64: 1, 1320>}, {pipeline_mode = #tpu.pipeline_mode<synchronous>, transform_indices = @transform_4, window_bounds = array<i64: 1320, 1000>}, {pipeline_mode = #tpu.pipeline_mode<synchronous>, transform_indices = @transform_5, window_bounds = array<i64: 1, 1000>}, {pipeline_mode = #tpu.pipeline_mode<synchronous>, transform_indices = @transform_6, window_bounds = array<i64: 1000, 64>}, {pipeline_mode = #tpu.pipeline_mode<synchronous>, transform_indices = @transform_7, window_bounds = array<i64: 1, 64>}, {pipeline_mode = #tpu.pipeline_mode<synchronous>, transform_indices = @transform_8, window_bounds = array<i64: 64, 32>}, {pipeline_mode = #tpu.pipeline_mode<synchronous>, transform_indices = @transform_9, window_bounds = array<i64: 1, 32>}, {pipeline_mode = #tpu.pipeline_mode<synchronous>, transform_indices = @transform_10, window_bounds = array<i64: 32, 16>}, {pipeline_mode = #tpu.pipeline_mode<synchronous>, transform_indices = @transform_11, window_bounds = array<i64: 1, 16>}, {pipeline_mode = #tpu.pipeline_mode<synchronous>, transform_indices = @transform_12, window_bounds = array<i64: 16, 1>}, {pipeline_mode = #tpu.pipeline_mode<synchronous>, transform_indices = @transform_13, window_bounds = array<i64: 1, 1>}, {transform_indices = @transform_14, window_bounds = array<i64: 1024, 1>}]} {
    %get3A = arith.constant 0 : index
    %get3A_0 = arith.constant 0 : index
    %get3A_1 = vector.load %arg1[%get3A, %get3A_0] : memref<1024x768xf32, #tpu.memory_space<vmem>>, vector<1024x768xf32>
    %get3A_2 = arith.constant 0 : index
    %get3A_3 = arith.constant 0 : index
    %get3A_4 = vector.load %arg2[%get3A_2, %get3A_3] : memref<1024x1xf32, #tpu.memory_space<vmem>>, vector<1024x1xf32>
    %mul3A = vector.broadcast %get3A_4 : vector<1024x1xf32> to vector<1024x768xf32>
    %mul3A_5 = arith.mulf %get3A_1, %mul3A : vector<1024x768xf32>
    %get3A_6 = arith.constant 0 : index
    %get3A_7 = arith.constant 0 : index
    %get3A_8 = vector.load %arg3[%get3A_6, %get3A_7] : memref<768x1320xf32, #tpu.memory_space<vmem>>, vector<768x1320xf32>
    %dot_general3A = arith.constant dense<0.000000e+00> : vector<1024x1320xf32>
    %dot_general3A_9 = tpu.matmul %mul3A_5, %get3A_8, %dot_general3A {dimension_numbers = #tpu.dot_dimension_numbers<[1], [0], [0], [1], [0, 0, 1, 1], [], []>, transpose_lhs_hint = false} : vector<1024x768xf32>, vector<768x1320xf32>, vector<1024x1320xf32> -> vector<1024x1320xf32>
    %get3A_10 = arith.constant 0 : index
    %get3A_11 = arith.constant 0 : index
    %get3A_12 = vector.load %arg4[%get3A_10, %get3A_11] : memref<1x1320xf32, #tpu.memory_space<vmem>>, vector<1x1320xf32>
    %add3A = vector.broadcast %get3A_12 : vector<1x1320xf32> to vector<1024x1320xf32>
    %add3A_13 = arith.addf %dot_general3A_9, %add3A : vector<1024x1320xf32>
    %ge3A = arith.constant 0.000000e+00 : f32
    %ge3A_14 = vector.broadcast %ge3A : f32 to vector<1024x1320xf32>
    %ge3A_15 = arith.cmpf oge, %add3A_13, %ge3A_14 : vector<1024x1320xf32>
    %mul3A_16 = arith.constant 0.00999999977 : f32
    %mul3A_17 = vector.broadcast %mul3A_16 : f32 to vector<1024x1320xf32>
    %mul3A_18 = arith.mulf %mul3A_17, %add3A_13 : vector<1024x1320xf32>
    %select_n3A = arith.select %ge3A_15, %add3A_13, %mul3A_18 : vector<1024x1320xi1>, vector<1024x1320xf32>
    %get3A_19 = arith.constant 0 : index
    %get3A_20 = arith.constant 0 : index
    %get3A_21 = vector.load %arg5[%get3A_19, %get3A_20] : memref<1320x1000xf32, #tpu.memory_space<vmem>>, vector<1320x1000xf32>
    %dot_general3A_22 = arith.constant dense<0.000000e+00> : vector<1024x1000xf32>
    %dot_general3A_23 = tpu.matmul %select_n3A, %get3A_21, %dot_general3A_22 {dimension_numbers = #tpu.dot_dimension_numbers<[1], [0], [0], [1], [0, 0, 1, 1], [], []>, transpose_lhs_hint = false} : vector<1024x1320xf32>, vector<1320x1000xf32>, vector<1024x1000xf32> -> vector<1024x1000xf32>
    %get3A_24 = arith.constant 0 : index
    %get3A_25 = arith.constant 0 : index
    %get3A_26 = vector.load %arg6[%get3A_24, %get3A_25] : memref<1x1000xf32, #tpu.memory_space<vmem>>, vector<1x1000xf32>
    %add3A_27 = vector.broadcast %get3A_26 : vector<1x1000xf32> to vector<1024x1000xf32>
    %add3A_28 = arith.addf %dot_general3A_23, %add3A_27 : vector<1024x1000xf32>
    %ge3A_29 = arith.constant 0.000000e+00 : f32
    %ge3A_30 = vector.broadcast %ge3A_29 : f32 to vector<1024x1000xf32>
    %ge3A_31 = arith.cmpf oge, %add3A_28, %ge3A_30 : vector<1024x1000xf32>
    %mul3A_32 = arith.constant 0.00999999977 : f32
    %mul3A_33 = vector.broadcast %mul3A_32 : f32 to vector<1024x1000xf32>
    %mul3A_34 = arith.mulf %mul3A_33, %add3A_28 : vector<1024x1000xf32>
    %select_n3A_35 = arith.select %ge3A_31, %add3A_28, %mul3A_34 : vector<1024x1000xi1>, vector<1024x1000xf32>
    %get3A_36 = arith.constant 0 : index
    %get3A_37 = arith.constant 0 : index
    %get3A_38 = vector.load %arg7[%get3A_36, %get3A_37] : memref<1000x64xf32, #tpu.memory_space<vmem>>, vector<1000x64xf32>
    %dot_general3A_39 = arith.constant dense<0.000000e+00> : vector<1024x64xf32>
    %dot_general3A_40 = tpu.matmul %select_n3A_35, %get3A_38, %dot_general3A_39 {dimension_numbers = #tpu.dot_dimension_numbers<[1], [0], [0], [1], [0, 0, 1, 1], [], []>, transpose_lhs_hint = false} : vector<1024x1000xf32>, vector<1000x64xf32>, vector<1024x64xf32> -> vector<1024x64xf32>
    %get3A_41 = arith.constant 0 : index
    %get3A_42 = arith.constant 0 : index
    %get3A_43 = vector.load %arg8[%get3A_41, %get3A_42] : memref<1x64xf32, #tpu.memory_space<vmem>>, vector<1x64xf32>
    %add3A_44 = vector.broadcast %get3A_43 : vector<1x64xf32> to vector<1024x64xf32>
    %add3A_45 = arith.addf %dot_general3A_40, %add3A_44 : vector<1024x64xf32>
    %ge3A_46 = arith.constant 0.000000e+00 : f32
    %ge3A_47 = vector.broadcast %ge3A_46 : f32 to vector<1024x64xf32>
    %ge3A_48 = arith.cmpf oge, %add3A_45, %ge3A_47 : vector<1024x64xf32>
    %mul3A_49 = arith.constant 0.00999999977 : f32
    %mul3A_50 = vector.broadcast %mul3A_49 : f32 to vector<1024x64xf32>
    %mul3A_51 = arith.mulf %mul3A_50, %add3A_45 : vector<1024x64xf32>
    %select_n3A_52 = arith.select %ge3A_48, %add3A_45, %mul3A_51 : vector<1024x64xi1>, vector<1024x64xf32>
    %get3A_53 = arith.constant 0 : index
    %get3A_54 = arith.constant 0 : index
    %get3A_55 = vector.load %arg9[%get3A_53, %get3A_54] : memref<64x32xf32, #tpu.memory_space<vmem>>, vector<64x32xf32>
    %dot_general3A_56 = arith.constant dense<0.000000e+00> : vector<1024x32xf32>
    %dot_general3A_57 = tpu.matmul %select_n3A_52, %get3A_55, %dot_general3A_56 {dimension_numbers = #tpu.dot_dimension_numbers<[1], [0], [0], [1], [0, 0, 1, 1], [], []>, transpose_lhs_hint = false} : vector<1024x64xf32>, vector<64x32xf32>, vector<1024x32xf32> -> vector<1024x32xf32>
    %get3A_58 = arith.constant 0 : index
    %get3A_59 = arith.constant 0 : index
    %get3A_60 = vector.load %arg10[%get3A_58, %get3A_59] : memref<1x32xf32, #tpu.memory_space<vmem>>, vector<1x32xf32>
    %add3A_61 = vector.broadcast %get3A_60 : vector<1x32xf32> to vector<1024x32xf32>
    %add3A_62 = arith.addf %dot_general3A_57, %add3A_61 : vector<1024x32xf32>
    %ge3A_63 = arith.constant 0.000000e+00 : f32
    %ge3A_64 = vector.broadcast %ge3A_63 : f32 to vector<1024x32xf32>
    %ge3A_65 = arith.cmpf oge, %add3A_62, %ge3A_64 : vector<1024x32xf32>
    %mul3A_66 = arith.constant 0.00999999977 : f32
    %mul3A_67 = vector.broadcast %mul3A_66 : f32 to vector<1024x32xf32>
    %mul3A_68 = arith.mulf %mul3A_67, %add3A_62 : vector<1024x32xf32>
    %select_n3A_69 = arith.select %ge3A_65, %add3A_62, %mul3A_68 : vector<1024x32xi1>, vector<1024x32xf32>
    %get3A_70 = arith.constant 0 : index
    %get3A_71 = arith.constant 0 : index
    %get3A_72 = vector.load %arg11[%get3A_70, %get3A_71] : memref<32x16xf32, #tpu.memory_space<vmem>>, vector<32x16xf32>
    %dot_general3A_73 = arith.constant dense<0.000000e+00> : vector<1024x16xf32>
    %dot_general3A_74 = tpu.matmul %select_n3A_69, %get3A_72, %dot_general3A_73 {dimension_numbers = #tpu.dot_dimension_numbers<[1], [0], [0], [1], [0, 0, 1, 1], [], []>, transpose_lhs_hint = false} : vector<1024x32xf32>, vector<32x16xf32>, vector<1024x16xf32> -> vector<1024x16xf32>
    %get3A_75 = arith.constant 0 : index
    %get3A_76 = arith.constant 0 : index
    %get3A_77 = vector.load %arg12[%get3A_75, %get3A_76] : memref<1x16xf32, #tpu.memory_space<vmem>>, vector<1x16xf32>
    %add3A_78 = vector.broadcast %get3A_77 : vector<1x16xf32> to vector<1024x16xf32>
    %add3A_79 = arith.addf %dot_general3A_74, %add3A_78 : vector<1024x16xf32>
    %ge3A_80 = arith.constant 0.000000e+00 : f32
    %ge3A_81 = vector.broadcast %ge3A_80 : f32 to vector<1024x16xf32>
    %ge3A_82 = arith.cmpf oge, %add3A_79, %ge3A_81 : vector<1024x16xf32>
    %mul3A_83 = arith.constant 0.00999999977 : f32
    %mul3A_84 = vector.broadcast %mul3A_83 : f32 to vector<1024x16xf32>
    %mul3A_85 = arith.mulf %mul3A_84, %add3A_79 : vector<1024x16xf32>
    %select_n3A_86 = arith.select %ge3A_82, %add3A_79, %mul3A_85 : vector<1024x16xi1>, vector<1024x16xf32>
    %get3A_87 = arith.constant 0 : index
    %get3A_88 = arith.constant 0 : index
    %get3A_89 = vector.load %arg13[%get3A_87, %get3A_88] : memref<16x1xf32, #tpu.memory_space<vmem>>, vector<16x1xf32>
    %dot_general3A_90 = arith.constant dense<0.000000e+00> : vector<1024x1xf32>
    %dot_general3A_91 = tpu.matmul %select_n3A_86, %get3A_89, %dot_general3A_90 {dimension_numbers = #tpu.dot_dimension_numbers<[1], [0], [0], [1], [0, 0, 1, 1], [], []>, transpose_lhs_hint = false} : vector<1024x16xf32>, vector<16x1xf32>, vector<1024x1xf32> -> vector<1024x1xf32>
    %get3A_92 = arith.constant 0 : index
    %get3A_93 = arith.constant 0 : index
    %get3A_94 = vector.load %arg14[%get3A_92, %get3A_93] : memref<1x1xf32, #tpu.memory_space<vmem>>, vector<1x1xf32>
    %add3A_95 = vector.broadcast %get3A_94 : vector<1x1xf32> to vector<1024x1xf32>
    %add3A_96 = arith.addf %dot_general3A_91, %add3A_95 : vector<1024x1xf32>
    %swap3A = arith.constant 0 : index
    %swap3A_97 = arith.constant 0 : index
    %swap3A_98 = vector.load %arg15[%swap3A, %swap3A_97] : memref<1024x1xf32, #tpu.memory_space<vmem>>, vector<1024x1xf32>
    tpu.vector_store %arg15[%swap3A, %swap3A_97], %add3A_96 {strides = array<i32>} : memref<1024x1xf32, #tpu.memory_space<vmem>>, vector<1024x1xf32>,
    return
  }
  func.func @transform_0(%arg0: i32) -> (i32, i32) {
    %c0_i32 = arith.constant 0 : i32
    %c0_i32_0 = arith.constant 0 : i32
    return %arg0, %c0_i32 : i32, i32
  }
  func.func @transform_1(%arg0: i32) -> (i32, i32) {
    %c0_i32 = arith.constant 0 : i32
    %c0_i32_0 = arith.constant 0 : i32
    return %arg0, %c0_i32 : i32, i32
  }
  func.func @transform_2(%arg0: i32) -> (i32, i32) {
    %c0_i32 = arith.constant 0 : i32
    %c0_i32_0 = arith.constant 0 : i32
    %c0_i32_1 = arith.constant 0 : i32
    return %c0_i32, %c0_i32_0 : i32, i32
  }
  func.func @transform_3(%arg0: i32) -> (i32, i32) {
    %c0_i32 = arith.constant 0 : i32
    %c0_i32_0 = arith.constant 0 : i32
    %c0_i32_1 = arith.constant 0 : i32
    return %c0_i32, %c0_i32_0 : i32, i32
  }
  func.func @transform_4(%arg0: i32) -> (i32, i32) {
    %c0_i32 = arith.constant 0 : i32
    %c0_i32_0 = arith.constant 0 : i32
    %c0_i32_1 = arith.constant 0 : i32
    return %c0_i32, %c0_i32_0 : i32, i32
  }
  func.func @transform_5(%arg0: i32) -> (i32, i32) {
    %c0_i32 = arith.constant 0 : i32
    %c0_i32_0 = arith.constant 0 : i32
    %c0_i32_1 = arith.constant 0 : i32
    return %c0_i32, %c0_i32_0 : i32, i32
  }
  func.func @transform_6(%arg0: i32) -> (i32, i32) {
    %c0_i32 = arith.constant 0 : i32
    %c0_i32_0 = arith.constant 0 : i32
    %c0_i32_1 = arith.constant 0 : i32
    return %c0_i32, %c0_i32_0 : i32, i32
  }
  func.func @transform_7(%arg0: i32) -> (i32, i32) {
    %c0_i32 = arith.constant 0 : i32
    %c0_i32_0 = arith.constant 0 : i32
    %c0_i32_1 = arith.constant 0 : i32
    return %c0_i32, %c0_i32_0 : i32, i32
  }
  func.func @transform_8(%arg0: i32) -> (i32, i32) {
    %c0_i32 = arith.constant 0 : i32
    %c0_i32_0 = arith.constant 0 : i32
    %c0_i32_1 = arith.constant 0 : i32
    return %c0_i32, %c0_i32_0 : i32, i32
  }
  func.func @transform_9(%arg0: i32) -> (i32, i32) {
    %c0_i32 = arith.constant 0 : i32
    %c0_i32_0 = arith.constant 0 : i32
    %c0_i32_1 = arith.constant 0 : i32
    return %c0_i32, %c0_i32_0 : i32, i32
  }
  func.func @transform_10(%arg0: i32) -> (i32, i32) {
    %c0_i32 = arith.constant 0 : i32
    %c0_i32_0 = arith.constant 0 : i32
    %c0_i32_1 = arith.constant 0 : i32
    return %c0_i32, %c0_i32_0 : i32, i32
  }
  func.func @transform_11(%arg0: i32) -> (i32, i32) {
    %c0_i32 = arith.constant 0 : i32
    %c0_i32_0 = arith.constant 0 : i32
    %c0_i32_1 = arith.constant 0 : i32
    return %c0_i32, %c0_i32_0 : i32, i32
  }
  func.func @transform_12(%arg0: i32) -> (i32, i32) {
    %c0_i32 = arith.constant 0 : i32
    %c0_i32_0 = arith.constant 0 : i32
    %c0_i32_1 = arith.constant 0 : i32
    return %c0_i32, %c0_i32_0 : i32, i32
  }
  func.func @transform_13(%arg0: i32) -> (i32, i32) {
    %c0_i32 = arith.constant 0 : i32
    %c0_i32_0 = arith.constant 0 : i32
    %c0_i32_1 = arith.constant 0 : i32
    return %c0_i32, %c0_i32_0 : i32, i32
  }
  func.func @transform_14(%arg0: i32) -> (i32, i32) {
    %c0_i32 = arith.constant 0 : i32
    %c0_i32_0 = arith.constant 0 : i32
    return %arg0, %c0_i32 : i32, i32
  }
}

</mosaic_0001>

<sc_bundles>
// kernel: scatter_offload_async_start.1
scs
__scs_entry_jumppad:
0x0: {  	(pc) =	sbr.rel $0x88, $3  }
0x1: {  	(tag) =	ssettag $0x0;
	lr =	simm.s32 $0x1  }
0x2: {  	[smem:$0x3F8F] =	sst lr;
	_ =	strace $0xD0000000  }
0x3: {  	_ = 	snop  }
0x4: {  	_ = 	snop  }
0x5: {  	_ = 	snop  }
0x6: {  	_ = 	snop  }
0x7: {  	_ = 	snop  }
__scs_overlays_trampoline_lowered:
0x8: {  	[smem:$0x3F9E] =	sst s0  }
0x9: {  	[smem:$0x3F9F] =	sst s1  }
0xa: {  	[smem:$0x3FA0] =	sst s2  }
0xb: {  	[smem:$0x3FA1] =	sst s3  }
0xc: {  	[smem:$0x3FA2] =	sst s4  }
0xd: {  	[smem:$0x3FA3] =	sst s5  }
0xe: {  	[smem:$0x3FA4] =	sst s6  }
0xf: {  	[smem:$0x3FA5] =	sst s7  }
0x10: {  	[smem:$0x3FA6] =	sst s8  }
0x11: {  	[smem:$0x3FA7] =	sst s9;
	s0 =	simm.s32 @!p0 $0x0  }
0x12: {  	s1 =	sld [smem:$0x3F8D];
	s0 =	simm.s32 @p0 $0x1  }
0x13: {  	[smem:$0x3FA8] =	sst s0;
	s0 =	simm.s32 @!p1 $0x0  }
0x14: {  	s2 =	sld [smem:$0x3F8C];
	s0 =	simm.s32 @p1 $0x1  }
0x15: {  	[smem:$0x3FA9] =	sst s0;
	s0 =	simm.s32 @!p2 $0x0  }
0x16: {  	s3 =	sld [smem:$0x3FDB];
	s0 =	simm.s32 @p2 $0x1  }
0x17: {  	s4 =	simm.s32 $0x1BF5;
	[smem:$0x3FAB] =	sst s0  }
0x18: {  	s0 =	sld [smem:$0x3F8E];
	_ =	swait.ge [sflag:s4], $0x0  }
0x19: {  	s7 =	sld [smem:$0x3F8F]  }
0x1a: {  	s8 =	sadd.s32 $0xFFFFE003, lr  }
0x1b: {  	s9 =	sadd.s32 $0xFFFFFEF7, lr;
	s5 =	simm.s32 $0xFFFFFFFF;
	p2 =	slt.u32 s8, $0xFFFFF086  }
0x1c: {  	p1 =	slt.u32 s9, $0xF7A;
	s5 =	simm.s32 @!p2 $0x0  }
0x1d: {  	s5 =	simm.s32 @p1 $0x1;
	p0 =	seq.s32 s7, s2  }
0x1e: {  	s7 =	smul.u32 @!p0 $0xF7A, s2;
	p2 =	seq.s32 @!p0 s5, $0x0  }
0x1f: {  	s9 =	smul.u32 $0xF7A, s1;
	s8 =	simm.s32 @!p0 $0x1BF5;
	p2 =	por !p2, p0  }
0x20: {  	[sflag:s8] =	ssyncset.s32 @!p0 $0xFFFFF086;
	s6 =	sadd.s32 @!p0 s3, s7;
	s7 =	simm.s32 @!p0 $0x108  }
0x21: {  	s3 =	sadd.s32 s3, s9;
	s6 =	sadd.s32 @!p0 $0x88, s6;
	s7 =	simm.s32 @p2 $0x1082  }
0x22: {  	[simem:s7], [sflag:s8] =	dma.local @!p0 [hbm:s6], $0xF7A  }
0x23: {  	s9 =	sor.u32 $0xD0000000, s2;
	s6 =	simm.s32 $0x108;
	_ =	swait.ge @!p0 [sflag:s8], $0x0  }
0x24: {  	s3 =	sadd.s32 $0x88, s3;
	s6 =	simm.s32 @!p1 $0x1082;
	[sflag:s4] =	ssyncset.s32 $0xFFFFF086  }
0x25: {  	[simem:s6], [sflag:s4] =	dma.local [hbm:s3], $0xF7A  }
0x26: {  	[smem:$0x3F8F] =	sst s1;
	(tag) =	ssettag s2;
	_ =	strace s9  }
0x27: {  	s1 =	sld [smem:$0x3F9F]  }
0x28: {  	s2 =	sld [smem:$0x3FA0]  }
0x29: {  	s4 =	sld [smem:$0x3FA2]  }
0x2a: {  	p0 =	seq.s32 s5, $0x0;
	s5 =	sld [smem:$0x3FA3]  }
0x2b: {  	s6 =	sld [smem:$0x3FA4]  }
0x2c: {  	s7 =	sld [smem:$0x3FA5]  }
0x2d: {  	s3 =	simm.s32 $0x108;
	s8 =	sld [smem:$0x3FA6]  }
0x2e: {  	s3 =	simm.s32 @!p0 $0x1082;
	s9 =	sld [smem:$0x3FA7]  }
0x2f: {  	lr =	sadd.s32 s0, s3;
	s0 =	sld [smem:$0x3F9E]  }
0x30: {  	s3 =	sld [smem:$0x3FA1]  }
0x31: {  	[smem:$0x3FAA] =	sst s10  }
0x32: {  	s10 =	sld [smem:$0x3FA8];
	_ =	sdelay $0x3  }
0x33: {  	p0 =	seq.s32 s10, $0x1;
	s10 =	sld [smem:$0x3FAA];
	_ =	sdelay $0x3  }
0x34: {  	[smem:$0x3FAA] =	sst s10  }
0x35: {  	s10 =	sld [smem:$0x3FA9];
	_ =	sdelay $0x3  }
0x36: {  	p1 =	seq.s32 s10, $0x1;
	s10 =	sld [smem:$0x3FAA];
	_ =	sdelay $0x3  }
0x37: {  	[smem:$0x3FAA] =	sst s10  }
0x38: {  	s10 =	sld [smem:$0x3FAB]  }
0x39: {  	_ = 	snop;
	(pc) =	sbr.ind lr, $3  }
0x3a: {  	_ = 	snop  }
0x3b: {  	_ = 	snop  }
0x3c: {  	p2 =	seq.s32 s10, $0x1;
	s10 =	sld [smem:$0x3FAA]  }
0x3d: {  	_ =	shalt  }
0x3e: {  	_ =	shalt  }
0x3f: {  	_ =	shalt  }
0x40: {  	_ =	shalt  }
0x41: {  	_ =	shalt  }
0x42: {  	_ =	shalt  }
0x43: {  	_ =	shalt  }
0x44: {  	_ =	shalt  }
0x45: {  	_ =	shalt  }
0x46: {  	_ =	shalt  }
0x47: {  	_ =	shalt  }
0x48: {  	_ =	shalt  }
0x49: {  	_ =	shalt  }
0x4a: {  	_ =	shalt  }
0x4b: {  	_ =	shalt  }
0x4c: {  	_ =	shalt  }
0x4d: {  	_ =	shalt  }
0x4e: {  	_ =	shalt  }
0x4f: {  	_ =	shalt  }
0x50: {  	_ =	shalt  }
0x51: {  	_ =	shalt  }
0x52: {  	_ =	shalt  }
0x53: {  	_ =	shalt  }
0x54: {  	_ =	shalt  }
0x55: {  	_ =	shalt  }
0x56: {  	_ =	shalt  }
0x57: {  	_ =	shalt  }
0x58: {  	_ =	shalt  }
0x59: {  	_ =	shalt  }
0x5a: {  	_ =	shalt  }
0x5b: {  	_ =	shalt  }
0x5c: {  	_ =	shalt  }
0x5d: {  	_ =	shalt  }
0x5e: {  	_ =	shalt  }
0x5f: {  	_ =	shalt  }
0x60: {  	_ =	shalt  }
0x61: {  	_ =	shalt  }
0x62: {  	_ =	shalt  }
0x63: {  	_ =	shalt  }
0x64: {  	_ =	shalt  }
0x65: {  	_ =	shalt  }
0x66: {  	_ =	shalt  }
0x67: {  	_ =	shalt  }
0x68: {  	_ =	shalt  }
0x69: {  	_ =	shalt  }
0x6a: {  	_ =	shalt  }
0x6b: {  	_ =	shalt  }
0x6c: {  	_ =	shalt  }
0x6d: {  	_ =	shalt  }
0x6e: {  	_ =	shalt  }
0x6f: {  	_ =	shalt  }
0x70: {  	_ =	shalt  }
0x71: {  	_ =	shalt  }
0x72: {  	_ =	shalt  }
0x73: {  	_ =	shalt  }
0x74: {  	_ =	shalt  }
0x75: {  	_ =	shalt  }
0x76: {  	_ =	shalt  }
0x77: {  	_ =	shalt  }
0x78: {  	_ =	shalt  }
0x79: {  	_ =	shalt  }
0x7a: {  	_ =	shalt  }
0x7b: {  	_ =	shalt  }
0x7c: {  	_ =	shalt  }
0x7d: {  	_ =	shalt  }
0x7e: {  	_ =	shalt  }
0x7f: {  	_ =	shalt  }
0x80: {  	_ =	shalt  }
0x81: {  	_ =	shalt  }
0x82: {  	_ =	shalt  }
0x83: {  	_ =	shalt  }
0x84: {  	_ =	shalt  }
0x85: {  	_ =	shalt  }
0x86: {  	_ =	shalt  }
0x87: {  	_ =	shalt  }
.Lfunc_end0:
.L_simem_size_0:
called_computation.1_lowered:
.L_overlay_start_0:
0x88: {  	s2 =	sld [smem:$0x3FD9]  }
0x89: {  	s3 =	sld [smem:$0x3FFE];
	_ =	sdelay $0x1  }
0x8a: {  	s1 =	srdreg.scid  }
0x8b: {  	s0 =	sand.u32 $0x1, s1  }
0x8c: {  	s17 =	sshll.u32 s0, $0xA;
	s2 =	sadd.s32 s3, s2  }
0x8d: {  	s2 =	sadd.s32 s2, s17  }
0x8e: {  	[smem:$0x3FB6] =	sst s2  }
0x8f: {  	_ = 	snop  }
0x90: {  	(tm) =	ssettm $0x1  }
0x91: {  	s18 =	sld [smem:$0x3FFB];
	_ =	sdelay $0x3  }
0x92: {  	_ =	strace s18  }
0x93: {  	s2 =	sld [smem:$0x3FFC];
	_ =	sdelay $0x3  }
0x94: {  	_ =	strace s2  }
0x95: {  	s2 =	sld [smem:$0x3FFD];
	_ =	sdelay $0x3  }
0x96: {  	_ =	strace s2  }
0x97: {  	_ =	strace $0x8FFFFFFF  }
0x98: {  	s19 =	sld [smem:$0x3FDB];
	_ =	sdelay $0x1  }
0x99: {  	s20 =	simm.s32 $_scs_section_size  }
0x9a: {  	s4 =	simm.s32 $_size__tile_overlayer_lowered;
	s5 =	simm.s32 $_tile_overlayer_lowered  }
0x9b: {  	s6 =	simm.s32 $0x1BFF;
	s21 =	sshll.u32 s5, $0x1;
	s3 =	sadd.s32 s20, s19  }
0x9c: {  	s22 =	simm.s32 $0x0;
	s4 =	sshll.u32 s4, $0x1;
	s5 =	sadd.s32 s21, s3  }
0x9d: {  	[timem:s22], [sflag:s6] =	dma.local [hbm:s5], s4  }
0x9e: {  	_ =	swait.ge [sflag:s6], s4  }
0x9f: {  	s4 =	ssub.s32 $0x0, s4;
	[sflag:s6] =	ssyncset.done $0x0  }
0xa0: {  	[sflag:s6] =	ssyncadd.s32 s4;
	_ =	sdelay $0x1  }
0xa1: {  	s23 =	simm.s32 $0x1B8B  }
0xa2: {  	_ =	swait.ge [sflag:s23], $0x1  }
0xa3: {  	[sflag:s23] =	ssyncset.done $0x0  }
0xa4: {  	[sflag:s23] =	ssyncadd.s32 $0xFFFFFFFF  }
0xa5: {  	s4 =	sld [smem:$0x0]  }
0xa6: {  	s5 =	sand.u32 $0xFFFFFFFE, s1  }
0xa7: {  	p0 =	sne.s32 s1, s5  }
0xa8: {  	s5 =	sshll.u32 @p0 s5, $0xE  }
0xa9: {  	s5 =	sadd.s32 @p0 $0x11B8D, s5;
	s6 =	sshll.u32 @p0 s4, $0x11  }
0xaa: {  	s5 =	sor.u32 @p0 s6, s5  }
0xab: {  	[sflag:s5] =	ssyncadd.remote.s32 @p0 $0x1;
	_ =	sdelay $0x1  }
0xac: {  	s5 =	simm.s32 @p0 $0x1B8D  }
0xad: {  	_ =	swait.eq @p0 [sflag:s5], $0x1  }
0xae: {  	[sflag:s5] =	ssyncadd.s32 @p0 $0xFFFFFFFF  }
0xaf: {  	s6 =	sshll.u32 @!p0 s1, $0xE  }
0xb0: {  	s6 =	sor.u32 @!p0 $0x4000, s6;
	s5 =	simm.s32 @!p0 $0x1B8D  }
0xb1: {  	s7 =	sshll.u32 @!p0 s4, $0x11;
	s6 =	sadd.s32 @!p0 $0x11B8D, s6;
	_ =	swait.eq @!p0 [sflag:s5], $0x1  }
0xb2: {  	[sflag:s5] =	ssyncadd.s32 @!p0 $0xFFFFFFFF;
	s5 =	sor.u32 @!p0 s7, s6  }
0xb3: {  	s25 =	simm.s32 $0x1B8E;
	s24 =	sld [smem:$0x3FFE];
	[sflag:s5] =	ssyncadd.remote.s32 @!p0 $0x1  }
0xb4: {  	s26 =	simm.s32 $execute0_lowered;
	[smem:$0x3FD2] =	sst s25  }
0xb5: {  	s6 =	sshll.u32 s26, $0x1;
	_ =	strace $0x80000052;
	[dreg:$0x1] =	wrdreg $0xFFFFFFFF  }
0xb6: {  	s28 =	simm.s32 $_size_execute0_lowered;
	s3 =	sadd.s32 s3, s6;
	[dreg:$0x0] =	wrdreg $0x0  }
0xb7: {  	s6 =	sshll.u32 s28, $0x1;
	[dreg:$0x2] =	wrdreg s3  }
0xb8: {  	[dreg:$0x3] =	wrdreg s6  }
0xb9: {  	[dreg:$0x4] =	wrdreg $0xC0  }
0xba: {  	_ =	task [dreg:s22], $0x5FFFF  }
0xbb: {  	[dreg:$0x1] =	wrdreg $0xFFFFFFFF  }
0xbc: {  	[dreg:$0x0] =	wrdreg $0x60  }
0xbd: {  	[dreg:$0x2] =	wrdreg s24  }
0xbe: {  	[dreg:$0x3] =	wrdreg s1  }
0xbf: {  	[dreg:$0x4] =	wrdreg s4  }
0xc0: {  	[dreg:$0x5] =	wrdreg $0xA  }
0xc1: {  	_ =	task.clear_ibuf [dreg:s22], $0x6FFFF;
	_ =	strace $0x90000052  }
0xc2: {  	s29 =	simm.s32 $0xA;
	_ =	strace $0x80000054  }
0xc3: {  	_ =	swait.ge [sflag:s29], $0x1  }
0xc4: {  	[sflag:s29] =	ssyncadd.s32 $0xFFFFFFFF  }
0xc5: {  	_ =	strace $0x90000054  }
0xc6: {  	_ =	sfence  }
0xc7: {  	s30 =	sld [smem:$0x0];
	_ =	sdelay $0x2  }
0xc8: {  	s31 =	sshll.u32 s1, $0xD;
	s1 =	sshrl.u32 s1, $0x2  }
0xc9: {  	s4 =	sand.u32 $0x4000, s31;
	s1 =	sadd.s32 s1, s30  }
0xca: {  	s0 =	sor.u32 s4, s0;
	s1 =	sshll.u32 s1, $0x11  }
0xcb: {  	s0 =	sor.u32 s1, s0  }
0xcc: {  	s0 =	sadd.s32 $0x8F2B, s0  }
0xcd: {  	[sflag:s0] =	ssyncadd.remote.s32 $0x1  }
0xce: {  	_ =	sfence.sel $0xFFFF  }
0xcf: {  	[dreg:$0x0] =	wrdreg $0xFFFFFFFF;
	(pc) =	sbr.abs _section_cstart, $3  }
0xd0: {  	[dreg:$0x1] =	wrdreg $0xFFFFFFFF  }
0xd1: {  	_ =	task.clear_ibuf [dreg:s22], $0x2FFFF;
	_ =	strace $0x9FFFFFFF  }
0xd2: {  	(tm) =	ssettm $0x7FFFFFFF  }
0xd3: {  	_ =	shalt  }
tec
execute0_lowered:
.L_overlay_start_1:
0x0: {  	(tag) =	ssettag $0x1  }
0x1: {  	s5 =	rddreg [dreg:$0x0]  }
0x2: {  	s6 =	rddreg [dreg:$0x1];
	_ =	strace $0x80000053;
	s0 =	simm.s32 $0x1  }
0x3: {  	v0 =	vimm.s32 $0x0;
	[sflag:s0] =	ssyncpa.u1 $0x0  }
0x4: {  	[tilespmem:$0x548] =	vst v0  }
0x5: {  	[tilespmem:$0x558] =	vst v0  }
0x6: {  	[tilespmem:$0x568] =	vst v0  }
0x7: {  	[tilespmem:$0x578] =	vst v0  }
0x8: {  	[tilespmem:$0x588] =	vst v0  }
0x9: {  	[tilespmem:$0x598] =	vst v0  }
0xa: {  	[tilespmem:$0x5A8] =	vst v0  }
0xb: {  	[tilespmem:$0x5B8] =	vst v0  }
0xc: {  	[tilespmem:$0x5C8] =	vst v0  }
0xd: {  	[tilespmem:$0x5D8] =	vst v0  }
0xe: {  	[tilespmem:$0x5E8] =	vst v0  }
0xf: {  	[tilespmem:$0x5F8] =	vst v0  }
0x10: {  	[tilespmem:$0x608] =	vst v0  }
0x11: {  	[tilespmem:$0x618] =	vst v0  }
0x12: {  	[tilespmem:$0x628] =	vst v0  }
0x13: {  	[tilespmem:$0x638] =	vst v0  }
0x14: {  	[tilespmem:$0x648] =	vst v0  }
0x15: {  	[tilespmem:$0x658] =	vst v0  }
0x16: {  	[tilespmem:$0x668] =	vst v0  }
0x17: {  	[tilespmem:$0x678] =	vst v0  }
0x18: {  	[tilespmem:$0x688] =	vst v0  }
0x19: {  	[tilespmem:$0x698] =	vst v0  }
0x1a: {  	[tilespmem:$0x6A8] =	vst v0  }
0x1b: {  	[tilespmem:$0x6B8] =	vst v0  }
0x1c: {  	[tilespmem:$0x6C8] =	vst v0  }
0x1d: {  	[tilespmem:$0x6D8] =	vst v0  }
0x1e: {  	[tilespmem:$0x6E8] =	vst v0  }
0x1f: {  	[tilespmem:$0x6F8] =	vst v0  }
0x20: {  	[tilespmem:$0x708] =	vst v0  }
0x21: {  	[tilespmem:$0x718] =	vst v0  }
0x22: {  	[tilespmem:$0x728] =	vst v0  }
0x23: {  	[tilespmem:$0x738] =	vst v0  }
0x24: {  	[tilespmem:$0x748] =	vst v0  }
0x25: {  	[tilespmem:$0x758] =	vst v0  }
0x26: {  	[tilespmem:$0x768] =	vst v0  }
0x27: {  	[tilespmem:$0x778] =	vst v0  }
0x28: {  	[tilespmem:$0x788] =	vst v0  }
0x29: {  	[tilespmem:$0x798] =	vst v0  }
0x2a: {  	[tilespmem:$0x7A8] =	vst v0  }
0x2b: {  	[tilespmem:$0x7B8] =	vst v0  }
0x2c: {  	[tilespmem:$0x7C8] =	vst v0  }
0x2d: {  	[tilespmem:$0x7D8] =	vst v0  }
0x2e: {  	[tilespmem:$0x7E8] =	vst v0  }
0x2f: {  	[tilespmem:$0x7F8] =	vst v0  }
0x30: {  	[tilespmem:$0x808] =	vst v0  }
0x31: {  	[tilespmem:$0x818] =	vst v0  }
0x32: {  	[tilespmem:$0x828] =	vst v0  }
0x33: {  	[tilespmem:$0x838] =	vst v0  }
0x34: {  	[tilespmem:$0x848] =	vst v0  }
0x35: {  	[tilespmem:$0x858] =	vst v0  }
0x36: {  	[tilespmem:$0x868] =	vst v0  }
0x37: {  	[tilespmem:$0x878] =	vst v0  }
0x38: {  	[tilespmem:$0x888] =	vst v0  }
0x39: {  	[tilespmem:$0x898] =	vst v0  }
0x3a: {  	[tilespmem:$0x8A8] =	vst v0  }
0x3b: {  	[tilespmem:$0x8B8] =	vst v0  }
0x3c: {  	[tilespmem:$0x8C8] =	vst v0  }
0x3d: {  	[tilespmem:$0x8D8] =	vst v0  }
0x3e: {  	[tilespmem:$0x8E8] =	vst v0  }
0x3f: {  	[tilespmem:$0x8F8] =	vst v0  }
0x40: {  	[tilespmem:$0x908] =	vst v0  }
0x41: {  	[tilespmem:$0x918] =	vst v0  }
0x42: {  	[tilespmem:$0x928] =	vst v0  }
0x43: {  	[tilespmem:$0x938] =	vst v0  }
0x44: {  	[tilespmem:$0x948] =	vst v0  }
0x45: {  	[tilespmem:$0x958] =	vst v0  }
0x46: {  	[tilespmem:$0x968] =	vst v0  }
0x47: {  	[tilespmem:$0x978] =	vst v0  }
0x48: {  	[tilespmem:$0x988] =	vst v0  }
0x49: {  	[tilespmem:$0x998] =	vst v0  }
0x4a: {  	[tilespmem:$0x9A8] =	vst v0  }
0x4b: {  	[tilespmem:$0x9B8] =	vst v0  }
0x4c: {  	[tilespmem:$0x9C8] =	vst v0  }
0x4d: {  	[tilespmem:$0x9D8] =	vst v0  }
0x4e: {  	[tilespmem:$0x9E8] =	vst v0  }
0x4f: {  	[tilespmem:$0x9F8] =	vst v0  }
0x50: {  	[tilespmem:$0xA08] =	vst v0  }
0x51: {  	[tilespmem:$0xA18] =	vst v0  }
0x52: {  	[tilespmem:$0xA28] =	vst v0  }
0x53: {  	[tilespmem:$0xA38] =	vst v0  }
0x54: {  	[tilespmem:$0xA48] =	vst v0  }
0x55: {  	[tilespmem:$0xA58] =	vst v0  }
0x56: {  	[tilespmem:$0xA68] =	vst v0  }
0x57: {  	[tilespmem:$0xA78] =	vst v0  }
0x58: {  	[tilespmem:$0xA88] =	vst v0  }
0x59: {  	[tilespmem:$0xA98] =	vst v0  }
0x5a: {  	[tilespmem:$0xAA8] =	vst v0  }
0x5b: {  	[tilespmem:$0xAB8] =	vst v0  }
0x5c: {  	[tilespmem:$0xAC8] =	vst v0  }
0x5d: {  	[tilespmem:$0xAD8] =	vst v0  }
0x5e: {  	[tilespmem:$0xAE8] =	vst v0  }
0x5f: {  	[tilespmem:$0xAF8] =	vst v0  }
0x60: {  	[tilespmem:$0xB08] =	vst v0  }
0x61: {  	[tilespmem:$0xB18] =	vst v0  }
0x62: {  	[tilespmem:$0xB28] =	vst v0  }
0x63: {  	[tilespmem:$0xB38] =	vst v0  }
0x64: {  	[tilespmem:$0xB48] =	vst v0  }
0x65: {  	[tilespmem:$0xB58] =	vst v0  }
0x66: {  	[tilespmem:$0xB68] =	vst v0  }
0x67: {  	[tilespmem:$0xB78] =	vst v0  }
0x68: {  	[tilespmem:$0xB88] =	vst v0  }
0x69: {  	[tilespmem:$0xB98] =	vst v0  }
0x6a: {  	[tilespmem:$0xBA8] =	vst v0  }
0x6b: {  	[tilespmem:$0xBB8] =	vst v0  }
0x6c: {  	[tilespmem:$0xBC8] =	vst v0  }
0x6d: {  	[tilespmem:$0xBD8] =	vst v0  }
0x6e: {  	[tilespmem:$0xBE8] =	vst v0  }
0x6f: {  	[tilespmem:$0xBF8] =	vst v0  }
0x70: {  	[tilespmem:$0xC08] =	vst v0  }
0x71: {  	[tilespmem:$0xC18] =	vst v0  }
0x72: {  	[tilespmem:$0xC28] =	vst v0  }
0x73: {  	[tilespmem:$0xC38] =	vst v0  }
0x74: {  	[tilespmem:$0xC48] =	vst v0  }
0x75: {  	[tilespmem:$0xC58] =	vst v0  }
0x76: {  	[tilespmem:$0xC68] =	vst v0  }
0x77: {  	[tilespmem:$0xC78] =	vst v0  }
0x78: {  	[tilespmem:$0xC88] =	vst v0  }
0x79: {  	[tilespmem:$0xC98] =	vst v0  }
0x7a: {  	[tilespmem:$0xCA8] =	vst v0  }
0x7b: {  	[tilespmem:$0xCB8] =	vst v0  }
0x7c: {  	[tilespmem:$0xCC8] =	vst v0  }
0x7d: {  	[tilespmem:$0xCD8] =	vst v0  }
0x7e: {  	[tilespmem:$0xCE8] =	vst v0  }
0x7f: {  	[tilespmem:$0xCF8] =	vst v0  }
0x80: {  	[tilespmem:$0xD08] =	vst v0  }
0x81: {  	[tilespmem:$0xD18] =	vst v0  }
0x82: {  	[tilespmem:$0xD28] =	vst v0  }
0x83: {  	[tilespmem:$0xD38] =	vst v0  }
0x84: {  	[tilespmem:$0xD48] =	vst v0  }
0x85: {  	[tilespmem:$0xD58] =	vst v0  }
0x86: {  	[tilespmem:$0xD68] =	vst v0  }
0x87: {  	[tilespmem:$0xD78] =	vst v0  }
0x88: {  	[tilespmem:$0xD88] =	vst v0  }
0x89: {  	[tilespmem:$0xD98] =	vst v0  }
0x8a: {  	[tilespmem:$0xDA8] =	vst v0  }
0x8b: {  	[tilespmem:$0xDB8] =	vst v0  }
0x8c: {  	[tilespmem:$0xDC8] =	vst v0  }
0x8d: {  	[tilespmem:$0xDD8] =	vst v0  }
0x8e: {  	[tilespmem:$0xDE8] =	vst v0  }
0x8f: {  	[tilespmem:$0xDF8] =	vst v0  }
0x90: {  	[tilespmem:$0xE08] =	vst v0  }
0x91: {  	[tilespmem:$0xE18] =	vst v0  }
0x92: {  	[tilespmem:$0xE28] =	vst v0  }
0x93: {  	[tilespmem:$0xE38] =	vst v0  }
0x94: {  	[tilespmem:$0xE48] =	vst v0  }
0x95: {  	[tilespmem:$0xE58] =	vst v0  }
0x96: {  	[tilespmem:$0xE68] =	vst v0  }
0x97: {  	[tilespmem:$0xE78] =	vst v0  }
0x98: {  	[tilespmem:$0xE88] =	vst v0  }
0x99: {  	[tilespmem:$0xE98] =	vst v0  }
0x9a: {  	[tilespmem:$0xEA8] =	vst v0  }
0x9b: {  	[tilespmem:$0xEB8] =	vst v0  }
0x9c: {  	[tilespmem:$0xEC8] =	vst v0  }
0x9d: {  	[tilespmem:$0xED8] =	vst v0  }
0x9e: {  	[tilespmem:$0xEE8] =	vst v0  }
0x9f: {  	[tilespmem:$0xEF8] =	vst v0  }
0xa0: {  	[tilespmem:$0xF08] =	vst v0  }
0xa1: {  	[tilespmem:$0xF18] =	vst v0  }
0xa2: {  	[tilespmem:$0xF28] =	vst v0  }
0xa3: {  	[tilespmem:$0xF38] =	vst v0  }
0xa4: {  	[tilespmem:$0xF48] =	vst v0  }
0xa5: {  	[tilespmem:$0xF58] =	vst v0  }
0xa6: {  	[tilespmem:$0xF68] =	vst v0  }
0xa7: {  	[tilespmem:$0xF78] =	vst v0  }
0xa8: {  	[tilespmem:$0xF88] =	vst v0  }
0xa9: {  	[tilespmem:$0xF98] =	vst v0  }
0xaa: {  	[tilespmem:$0xFA8] =	vst v0  }
0xab: {  	[tilespmem:$0xFB8] =	vst v0  }
0xac: {  	[tilespmem:$0xFC8] =	vst v0  }
0xad: {  	[tilespmem:$0xFD8] =	vst v0  }
0xae: {  	[tilespmem:$0xFE8] =	vst v0  }
0xaf: {  	[tilespmem:$0xFF8] =	vst v0  }
0xb0: {  	[tilespmem:$0x1008] =	vst v0  }
0xb1: {  	[tilespmem:$0x1018] =	vst v0  }
0xb2: {  	[tilespmem:$0x1028] =	vst v0  }
0xb3: {  	[tilespmem:$0x1038] =	vst v0  }
0xb4: {  	[tilespmem:$0x1048] =	vst v0  }
0xb5: {  	[tilespmem:$0x1058] =	vst v0  }
0xb6: {  	[tilespmem:$0x1068] =	vst v0  }
0xb7: {  	[tilespmem:$0x1078] =	vst v0  }
0xb8: {  	[tilespmem:$0x1088] =	vst v0  }
0xb9: {  	[tilespmem:$0x1098] =	vst v0  }
0xba: {  	[tilespmem:$0x10A8] =	vst v0  }
0xbb: {  	[tilespmem:$0x10B8] =	vst v0  }
0xbc: {  	[tilespmem:$0x10C8] =	vst v0  }
0xbd: {  	[tilespmem:$0x10D8] =	vst v0  }
0xbe: {  	[tilespmem:$0x10E8] =	vst v0  }
0xbf: {  	[tilespmem:$0x10F8] =	vst v0  }
0xc0: {  	[tilespmem:$0x1108] =	vst v0  }
0xc1: {  	[tilespmem:$0x1118] =	vst v0  }
0xc2: {  	[tilespmem:$0x1128] =	vst v0  }
0xc3: {  	[tilespmem:$0x1138] =	vst v0  }
0xc4: {  	[tilespmem:$0x1148] =	vst v0  }
0xc5: {  	[tilespmem:$0x1158] =	vst v0  }
0xc6: {  	[tilespmem:$0x1168] =	vst v0  }
0xc7: {  	[tilespmem:$0x1178] =	vst v0  }
0xc8: {  	[tilespmem:$0x1188] =	vst v0  }
0xc9: {  	[tilespmem:$0x1198] =	vst v0  }
0xca: {  	[tilespmem:$0x11A8] =	vst v0  }
0xcb: {  	[tilespmem:$0x11B8] =	vst v0  }
0xcc: {  	[tilespmem:$0x11C8] =	vst v0  }
0xcd: {  	[tilespmem:$0x11D8] =	vst v0  }
0xce: {  	[tilespmem:$0x11E8] =	vst v0  }
0xcf: {  	[tilespmem:$0x11F8] =	vst v0  }
0xd0: {  	[tilespmem:$0x1208] =	vst v0  }
0xd1: {  	[tilespmem:$0x1218] =	vst v0  }
0xd2: {  	[tilespmem:$0x1228] =	vst v0  }
0xd3: {  	[tilespmem:$0x1238] =	vst v0  }
0xd4: {  	[tilespmem:$0x1248] =	vst v0  }
0xd5: {  	[tilespmem:$0x1258] =	vst v0  }
0xd6: {  	[tilespmem:$0x1268] =	vst v0  }
0xd7: {  	[tilespmem:$0x1278] =	vst v0  }
0xd8: {  	[tilespmem:$0x1288] =	vst v0  }
0xd9: {  	[tilespmem:$0x1298] =	vst v0  }
0xda: {  	[tilespmem:$0x12A8] =	vst v0  }
0xdb: {  	[tilespmem:$0x12B8] =	vst v0  }
0xdc: {  	[tilespmem:$0x12C8] =	vst v0  }
0xdd: {  	[tilespmem:$0x12D8] =	vst v0  }
0xde: {  	[tilespmem:$0x12E8] =	vst v0  }
0xdf: {  	[tilespmem:$0x12F8] =	vst v0  }
0xe0: {  	[tilespmem:$0x1308] =	vst v0  }
0xe1: {  	[tilespmem:$0x1318] =	vst v0  }
0xe2: {  	[tilespmem:$0x1328] =	vst v0  }
0xe3: {  	[tilespmem:$0x1338] =	vst v0  }
0xe4: {  	[tilespmem:$0x1348] =	vst v0  }
0xe5: {  	[tilespmem:$0x1358] =	vst v0  }
0xe6: {  	[tilespmem:$0x1368] =	vst v0  }
0xe7: {  	[tilespmem:$0x1378] =	vst v0  }
0xe8: {  	[tilespmem:$0x1388] =	vst v0  }
0xe9: {  	[tilespmem:$0x1398] =	vst v0  }
0xea: {  	[tilespmem:$0x13A8] =	vst v0  }
0xeb: {  	[tilespmem:$0x13B8] =	vst v0  }
0xec: {  	[tilespmem:$0x13C8] =	vst v0  }
0xed: {  	[tilespmem:$0x13D8] =	vst v0  }
0xee: {  	[tilespmem:$0x13E8] =	vst v0  }
0xef: {  	[tilespmem:$0x13F8] =	vst v0  }
0xf0: {  	[tilespmem:$0x1408] =	vst v0  }
0xf1: {  	[tilespmem:$0x1418] =	vst v0  }
0xf2: {  	[tilespmem:$0x1428] =	vst v0  }
0xf3: {  	[tilespmem:$0x1438] =	vst v0  }
0xf4: {  	[tilespmem:$0x1448] =	vst v0  }
0xf5: {  	[tilespmem:$0x1458] =	vst v0  }
0xf6: {  	[tilespmem:$0x1468] =	vst v0  }
0xf7: {  	[tilespmem:$0x1478] =	vst v0  }
0xf8: {  	[tilespmem:$0x1488] =	vst v0  }
0xf9: {  	[tilespmem:$0x1498] =	vst v0  }
0xfa: {  	[tilespmem:$0x14A8] =	vst v0  }
0xfb: {  	[tilespmem:$0x14B8] =	vst v0  }
0xfc: {  	[tilespmem:$0x14C8] =	vst v0  }
0xfd: {  	[tilespmem:$0x14D8] =	vst v0  }
0xfe: {  	[tilespmem:$0x14E8] =	vst v0  }
0xff: {  	[tilespmem:$0x14F8] =	vst v0  }
0x100: {  	[tilespmem:$0x1508] =	vst v0  }
0x101: {  	[tilespmem:$0x1518] =	vst v0  }
0x102: {  	[tilespmem:$0x1528] =	vst v0  }
0x103: {  	[tilespmem:$0x1DC8] =	vst v0  }
0x104: {  	[tilespmem:$0x1DB8] =	vst v0  }
0x105: {  	[tilespmem:$0x1DA8] =	vst v0  }
0x106: {  	[tilespmem:$0x1538] =	vst v0  }
0x107: {  	[tilespmem:$0x1548] =	vst v0  }
0x108: {  	[tilespmem:$0x1558] =	vst v0  }
0x109: {  	[tilespmem:$0x1568] =	vst v0  }
0x10a: {  	[tilespmem:$0x1578] =	vst v0  }
0x10b: {  	[tilespmem:$0x1588] =	vst v0  }
0x10c: {  	[tilespmem:$0x1598] =	vst v0  }
0x10d: {  	[tilespmem:$0x15A8] =	vst v0  }
0x10e: {  	[tilespmem:$0x15B8] =	vst v0  }
0x10f: {  	[tilespmem:$0x15C8] =	vst v0  }
0x110: {  	[tilespmem:$0x15D8] =	vst v0  }
0x111: {  	[tilespmem:$0x15E8] =	vst v0  }
0x112: {  	[tilespmem:$0x15F8] =	vst v0  }
0x113: {  	[tilespmem:$0x1608] =	vst v0  }
0x114: {  	[tilespmem:$0x1618] =	vst v0  }
0x115: {  	[tilespmem:$0x1628] =	vst v0  }
0x116: {  	[tilespmem:$0x1638] =	vst v0  }
0x117: {  	[tilespmem:$0x1648] =	vst v0  }
0x118: {  	[tilespmem:$0x1658] =	vst v0  }
0x119: {  	[tilespmem:$0x1668] =	vst v0  }
0x11a: {  	[tilespmem:$0x1678] =	vst v0  }
0x11b: {  	[tilespmem:$0x1688] =	vst v0  }
0x11c: {  	[tilespmem:$0x1698] =	vst v0  }
0x11d: {  	[tilespmem:$0x16A8] =	vst v0  }
0x11e: {  	[tilespmem:$0x16B8] =	vst v0  }
0x11f: {  	[tilespmem:$0x16C8] =	vst v0  }
0x120: {  	[tilespmem:$0x16D8] =	vst v0  }
0x121: {  	[tilespmem:$0x16E8] =	vst v0  }
0x122: {  	[tilespmem:$0x16F8] =	vst v0  }
0x123: {  	[tilespmem:$0x1708] =	vst v0  }
0x124: {  	[tilespmem:$0x1718] =	vst v0  }
0x125: {  	[tilespmem:$0x1728] =	vst v0  }
0x126: {  	[tilespmem:$0x1738] =	vst v0  }
0x127: {  	[tilespmem:$0x1748] =	vst v0  }
0x128: {  	[tilespmem:$0x1758] =	vst v0  }
0x129: {  	[tilespmem:$0x1768] =	vst v0  }
0x12a: {  	[tilespmem:$0x1778] =	vst v0  }
0x12b: {  	[tilespmem:$0x1788] =	vst v0  }
0x12c: {  	[tilespmem:$0x1798] =	vst v0  }
0x12d: {  	[tilespmem:$0x17A8] =	vst v0  }
0x12e: {  	[tilespmem:$0x17B8] =	vst v0  }
0x12f: {  	[tilespmem:$0x17C8] =	vst v0  }
0x130: {  	[tilespmem:$0x17D8] =	vst v0  }
0x131: {  	[tilespmem:$0x17E8] =	vst v0  }
0x132: {  	[tilespmem:$0x17F8] =	vst v0  }
0x133: {  	[tilespmem:$0x1808] =	vst v0  }
0x134: {  	[tilespmem:$0x1818] =	vst v0  }
0x135: {  	[tilespmem:$0x1828] =	vst v0  }
0x136: {  	[tilespmem:$0x1838] =	vst v0  }
0x137: {  	[tilespmem:$0x1848] =	vst v0  }
0x138: {  	[tilespmem:$0x1858] =	vst v0  }
0x139: {  	[tilespmem:$0x1868] =	vst v0  }
0x13a: {  	[tilespmem:$0x1878] =	vst v0  }
0x13b: {  	[tilespmem:$0x1888] =	vst v0  }
0x13c: {  	[tilespmem:$0x1898] =	vst v0  }
0x13d: {  	[tilespmem:$0x18A8] =	vst v0  }
0x13e: {  	[tilespmem:$0x18B8] =	vst v0  }
0x13f: {  	[tilespmem:$0x18C8] =	vst v0  }
0x140: {  	[tilespmem:$0x18D8] =	vst v0  }
0x141: {  	[tilespmem:$0x18E8] =	vst v0  }
0x142: {  	[tilespmem:$0x18F8] =	vst v0  }
0x143: {  	[tilespmem:$0x1908] =	vst v0  }
0x144: {  	[tilespmem:$0x1918] =	vst v0  }
0x145: {  	[tilespmem:$0x1928] =	vst v0  }
0x146: {  	[tilespmem:$0x1938] =	vst v0  }
0x147: {  	[tilespmem:$0x1948] =	vst v0  }
0x148: {  	[tilespmem:$0x1958] =	vst v0  }
0x149: {  	[tilespmem:$0x1968] =	vst v0  }
0x14a: {  	[tilespmem:$0x1978] =	vst v0  }
0x14b: {  	[tilespmem:$0x1988] =	vst v0  }
0x14c: {  	[tilespmem:$0x1998] =	vst v0  }
0x14d: {  	[tilespmem:$0x19A8] =	vst v0  }
0x14e: {  	[tilespmem:$0x19B8] =	vst v0  }
0x14f: {  	[tilespmem:$0x19C8] =	vst v0  }
0x150: {  	[tilespmem:$0x19D8] =	vst v0  }
0x151: {  	[tilespmem:$0x19E8] =	vst v0  }
0x152: {  	[tilespmem:$0x19F8] =	vst v0  }
0x153: {  	[tilespmem:$0x1A08] =	vst v0  }
0x154: {  	[tilespmem:$0x1A18] =	vst v0  }
0x155: {  	[tilespmem:$0x1A28] =	vst v0  }
0x156: {  	[tilespmem:$0x1A38] =	vst v0  }
0x157: {  	[tilespmem:$0x1A48] =	vst v0  }
0x158: {  	[tilespmem:$0x1A58] =	vst v0  }
0x159: {  	[tilespmem:$0x1A68] =	vst v0  }
0x15a: {  	[tilespmem:$0x1A78] =	vst v0  }
0x15b: {  	[tilespmem:$0x1A88] =	vst v0  }
0x15c: {  	[tilespmem:$0x1A98] =	vst v0  }
0x15d: {  	[tilespmem:$0x1AA8] =	vst v0  }
0x15e: {  	[tilespmem:$0x1AB8] =	vst v0  }
0x15f: {  	[tilespmem:$0x1AC8] =	vst v0  }
0x160: {  	[tilespmem:$0x1AD8] =	vst v0  }
0x161: {  	[tilespmem:$0x1AE8] =	vst v0  }
0x162: {  	[tilespmem:$0x1AF8] =	vst v0  }
0x163: {  	[tilespmem:$0x1B08] =	vst v0  }
0x164: {  	[tilespmem:$0x1B18] =	vst v0  }
0x165: {  	[tilespmem:$0x1B28] =	vst v0  }
0x166: {  	[tilespmem:$0x1B38] =	vst v0  }
0x167: {  	[tilespmem:$0x1B48] =	vst v0  }
0x168: {  	[tilespmem:$0x1B58] =	vst v0  }
0x169: {  	[tilespmem:$0x1B68] =	vst v0  }
0x16a: {  	[tilespmem:$0x1B78] =	vst v0  }
0x16b: {  	[tilespmem:$0x1B88] =	vst v0  }
0x16c: {  	[tilespmem:$0x1B98] =	vst v0  }
0x16d: {  	[tilespmem:$0x1BA8] =	vst v0  }
0x16e: {  	[tilespmem:$0x1BB8] =	vst v0  }
0x16f: {  	[tilespmem:$0x1BC8] =	vst v0  }
0x170: {  	[tilespmem:$0x1BD8] =	vst v0  }
0x171: {  	[tilespmem:$0x1BE8] =	vst v0  }
0x172: {  	[tilespmem:$0x1BF8] =	vst v0  }
0x173: {  	[tilespmem:$0x1C08] =	vst v0  }
0x174: {  	[tilespmem:$0x1C18] =	vst v0  }
0x175: {  	[tilespmem:$0x1C28] =	vst v0  }
0x176: {  	[tilespmem:$0x1C38] =	vst v0  }
0x177: {  	[tilespmem:$0x1C48] =	vst v0  }
0x178: {  	[tilespmem:$0x1C58] =	vst v0  }
0x179: {  	[tilespmem:$0x1C68] =	vst v0  }
0x17a: {  	[tilespmem:$0x1C78] =	vst v0  }
0x17b: {  	[tilespmem:$0x1C88] =	vst v0  }
0x17c: {  	[tilespmem:$0x1C98] =	vst v0  }
0x17d: {  	[tilespmem:$0x1CA8] =	vst v0  }
0x17e: {  	[tilespmem:$0x1CB8] =	vst v0  }
0x17f: {  	[tilespmem:$0x1CC8] =	vst v0  }
0x180: {  	[tilespmem:$0x1CD8] =	vst v0  }
0x181: {  	[tilespmem:$0x1CE8] =	vst v0  }
0x182: {  	[tilespmem:$0x1CF8] =	vst v0  }
0x183: {  	[tilespmem:$0x1D08] =	vst v0  }
0x184: {  	[tilespmem:$0x1D18] =	vst v0  }
0x185: {  	[tilespmem:$0x1D28] =	vst v0  }
0x186: {  	[tilespmem:$0x1D38] =	vst v0  }
0x187: {  	[tilespmem:$0x1D48] =	vst v0  }
0x188: {  	[tilespmem:$0x1D58] =	vst v0  }
0x189: {  	[tilespmem:$0x1D68] =	vst v0  }
0x18a: {  	[tilespmem:$0x1D78] =	vst v0  }
0x18b: {  	[tilespmem:$0x1D88] =	vst v0  }
0x18c: {  	[tilespmem:$0x1D98] =	vst v0  }
0x18d: {  	[tilespmem:$0x1DD8] =	vst v0  }
0x18e: {  	[tilespmem:$0x1DE8] =	vst v0  }
0x18f: {  	[tilespmem:$0x1DF8] =	vst v0  }
0x190: {  	[tilespmem:$0x1E08] =	vst v0  }
0x191: {  	[tilespmem:$0x1E18] =	vst v0  }
0x192: {  	[tilespmem:$0x1E28] =	vst v0  }
0x193: {  	[tilespmem:$0x1E38] =	vst v0  }
0x194: {  	[tilespmem:$0x1E48] =	vst v0  }
0x195: {  	[tilespmem:$0x1E58] =	vst v0  }
0x196: {  	[tilespmem:$0x1E68] =	vst v0  }
0x197: {  	[tilespmem:$0x1E78] =	vst v0  }
0x198: {  	[tilespmem:$0x1E88] =	vst v0  }
0x199: {  	[tilespmem:$0x1E98] =	vst v0  }
0x19a: {  	[tilespmem:$0x1EA8] =	vst v0  }
0x19b: {  	[tilespmem:$0x1EB8] =	vst v0  }
0x19c: {  	[tilespmem:$0x1EC8] =	vst v0  }
0x19d: {  	[tilespmem:$0x1ED8] =	vst v0  }
0x19e: {  	[tilespmem:$0x1EE8] =	vst v0  }
0x19f: {  	[tilespmem:$0x1EF8] =	vst v0  }
0x1a0: {  	[tilespmem:$0x1F08] =	vst v0  }
0x1a1: {  	[tilespmem:$0x1F18] =	vst v0  }
0x1a2: {  	[tilespmem:$0x1F28] =	vst v0  }
0x1a3: {  	[tilespmem:$0x1F38] =	vst v0  }
0x1a4: {  	[tilespmem:$0x1F48] =	vst v0  }
0x1a5: {  	[tilespmem:$0x1F58] =	vst v0  }
0x1a6: {  	[tilespmem:$0x1F68] =	vst v0  }
0x1a7: {  	[tilespmem:$0x1F78] =	vst v0  }
0x1a8: {  	[tilespmem:$0x1F88] =	vst v0  }
0x1a9: {  	[tilespmem:$0x1F98] =	vst v0  }
0x1aa: {  	[tilespmem:$0x1FA8] =	vst v0  }
0x1ab: {  	[tilespmem:$0x1FB8] =	vst v0  }
0x1ac: {  	[tilespmem:$0x1FC8] =	vst v0  }
0x1ad: {  	[tilespmem:$0x1FD8] =	vst v0  }
0x1ae: {  	[tilespmem:$0x1FE8] =	vst v0  }
0x1af: {  	[tilespmem:$0x1FF8] =	vst v0  }
0x1b0: {  	[tilespmem:$0x2008] =	vst v0  }
0x1b1: {  	[tilespmem:$0x2018] =	vst v0  }
0x1b2: {  	[tilespmem:$0x2028] =	vst v0  }
0x1b3: {  	[tilespmem:$0x2038] =	vst v0  }
0x1b4: {  	[tilespmem:$0x2048] =	vst v0  }
0x1b5: {  	[tilespmem:$0x2058] =	vst v0  }
0x1b6: {  	[tilespmem:$0x2068] =	vst v0  }
0x1b7: {  	[tilespmem:$0x2078] =	vst v0  }
0x1b8: {  	[tilespmem:$0x2088] =	vst v0  }
0x1b9: {  	[tilespmem:$0x2098] =	vst v0  }
0x1ba: {  	[tilespmem:$0x20A8] =	vst v0  }
0x1bb: {  	[tilespmem:$0x20B8] =	vst v0  }
0x1bc: {  	[tilespmem:$0x20C8] =	vst v0  }
0x1bd: {  	[tilespmem:$0x20D8] =	vst v0  }
0x1be: {  	[tilespmem:$0x20E8] =	vst v0  }
0x1bf: {  	[tilespmem:$0x20F8] =	vst v0  }
0x1c0: {  	[tilespmem:$0x2108] =	vst v0  }
0x1c1: {  	[tilespmem:$0x2118] =	vst v0  }
0x1c2: {  	[tilespmem:$0x2128] =	vst v0  }
0x1c3: {  	[tilespmem:$0x2138] =	vst v0  }
0x1c4: {  	[tilespmem:$0x2148] =	vst v0  }
0x1c5: {  	[tilespmem:$0x2158] =	vst v0  }
0x1c6: {  	[tilespmem:$0x2168] =	vst v0  }
0x1c7: {  	[tilespmem:$0x2178] =	vst v0  }
0x1c8: {  	[tilespmem:$0x2188] =	vst v0  }
0x1c9: {  	[tilespmem:$0x2198] =	vst v0  }
0x1ca: {  	[tilespmem:$0x21A8] =	vst v0  }
0x1cb: {  	[tilespmem:$0x21B8] =	vst v0  }
0x1cc: {  	[tilespmem:$0x21C8] =	vst v0  }
0x1cd: {  	[tilespmem:$0x21D8] =	vst v0  }
0x1ce: {  	[tilespmem:$0x21E8] =	vst v0  }
0x1cf: {  	[tilespmem:$0x21F8] =	vst v0  }
0x1d0: {  	[tilespmem:$0x2208] =	vst v0  }
0x1d1: {  	[tilespmem:$0x2218] =	vst v0  }
0x1d2: {  	[tilespmem:$0x2228] =	vst v0  }
0x1d3: {  	[tilespmem:$0x2238] =	vst v0  }
0x1d4: {  	[tilespmem:$0x2248] =	vst v0  }
0x1d5: {  	[tilespmem:$0x2258] =	vst v0  }
0x1d6: {  	[tilespmem:$0x2268] =	vst v0  }
0x1d7: {  	[tilespmem:$0x2278] =	vst v0  }
0x1d8: {  	[tilespmem:$0x2288] =	vst v0  }
0x1d9: {  	[tilespmem:$0x2298] =	vst v0  }
0x1da: {  	[tilespmem:$0x22A8] =	vst v0  }
0x1db: {  	[tilespmem:$0x22B8] =	vst v0  }
0x1dc: {  	[tilespmem:$0x22C8] =	vst v0  }
0x1dd: {  	[tilespmem:$0x22D8] =	vst v0  }
0x1de: {  	[tilespmem:$0x22E8] =	vst v0  }
0x1df: {  	[tilespmem:$0x22F8] =	vst v0  }
0x1e0: {  	[tilespmem:$0x2308] =	vst v0  }
0x1e1: {  	[tilespmem:$0x2318] =	vst v0  }
0x1e2: {  	[tilespmem:$0x2328] =	vst v0  }
0x1e3: {  	[tilespmem:$0x2338] =	vst v0  }
0x1e4: {  	[tilespmem:$0x2348] =	vst v0  }
0x1e5: {  	[tilespmem:$0x2358] =	vst v0  }
0x1e6: {  	[tilespmem:$0x2368] =	vst v0  }
0x1e7: {  	[tilespmem:$0x2378] =	vst v0  }
0x1e8: {  	[tilespmem:$0x2388] =	vst v0  }
0x1e9: {  	[tilespmem:$0x2398] =	vst v0  }
0x1ea: {  	[tilespmem:$0x23A8] =	vst v0  }
0x1eb: {  	[tilespmem:$0x23B8] =	vst v0  }
0x1ec: {  	[tilespmem:$0x23C8] =	vst v0  }
0x1ed: {  	[tilespmem:$0x23D8] =	vst v0  }
0x1ee: {  	[tilespmem:$0x23E8] =	vst v0  }
0x1ef: {  	[tilespmem:$0x23F8] =	vst v0  }
0x1f0: {  	[tilespmem:$0x2408] =	vst v0  }
0x1f1: {  	[tilespmem:$0x2418] =	vst v0  }
0x1f2: {  	[tilespmem:$0x2428] =	vst v0  }
0x1f3: {  	[tilespmem:$0x2438] =	vst v0  }
0x1f4: {  	[tilespmem:$0x2448] =	vst v0  }
0x1f5: {  	[tilespmem:$0x2458] =	vst v0  }
0x1f6: {  	[tilespmem:$0x2468] =	vst v0  }
0x1f7: {  	[tilespmem:$0x2478] =	vst v0  }
0x1f8: {  	[tilespmem:$0x2488] =	vst v0  }
0x1f9: {  	[tilespmem:$0x2498] =	vst v0  }
0x1fa: {  	[tilespmem:$0x24A8] =	vst v0  }
0x1fb: {  	[tilespmem:$0x24B8] =	vst v0  }
0x1fc: {  	[tilespmem:$0x24C8] =	vst v0  }
0x1fd: {  	[tilespmem:$0x24D8] =	vst v0  }
0x1fe: {  	[tilespmem:$0x24E8] =	vst v0  }
0x1ff: {  	[tilespmem:$0x24F8] =	vst v0  }
0x200: {  	[tilespmem:$0x2508] =	vst v0  }
0x201: {  	[tilespmem:$0x2518] =	vst v0  }
0x202: {  	[tilespmem:$0x2528] =	vst v0  }
0x203: {  	[tilespmem:$0x2538] =	vst v0  }
0x204: {  	[tilespmem:$0x2548] =	vst v0  }
0x205: {  	[tilespmem:$0x2558] =	vst v0  }
0x206: {  	[tilespmem:$0x2568] =	vst v0  }
0x207: {  	[tilespmem:$0x2578] =	vst v0  }
0x208: {  	[tilespmem:$0x2588] =	vst v0  }
0x209: {  	[tilespmem:$0x2598] =	vst v0  }
0x20a: {  	[tilespmem:$0x25A8] =	vst v0  }
0x20b: {  	[tilespmem:$0x25B8] =	vst v0  }
0x20c: {  	[tilespmem:$0x25C8] =	vst v0  }
0x20d: {  	[tilespmem:$0x25D8] =	vst v0  }
0x20e: {  	[tilespmem:$0x25E8] =	vst v0  }
0x20f: {  	[tilespmem:$0x25F8] =	vst v0  }
0x210: {  	[tilespmem:$0x2608] =	vst v0  }
0x211: {  	[tilespmem:$0x2618] =	vst v0  }
0x212: {  	[tilespmem:$0x2628] =	vst v0  }
0x213: {  	[tilespmem:$0x2638] =	vst v0  }
0x214: {  	[tilespmem:$0x2648] =	vst v0  }
0x215: {  	[tilespmem:$0x2658] =	vst v0  }
0x216: {  	[tilespmem:$0x2668] =	vst v0  }
0x217: {  	[tilespmem:$0x2678] =	vst v0  }
0x218: {  	[tilespmem:$0x2688] =	vst v0  }
0x219: {  	[tilespmem:$0x2698] =	vst v0  }
0x21a: {  	[tilespmem:$0x26A8] =	vst v0  }
0x21b: {  	[tilespmem:$0x26B8] =	vst v0  }
0x21c: {  	[tilespmem:$0x26C8] =	vst v0  }
0x21d: {  	[tilespmem:$0x26D8] =	vst v0  }
0x21e: {  	[tilespmem:$0x26E8] =	vst v0  }
0x21f: {  	[tilespmem:$0x26F8] =	vst v0  }
0x220: {  	[tilespmem:$0x2708] =	vst v0  }
0x221: {  	[tilespmem:$0x2718] =	vst v0  }
0x222: {  	[tilespmem:$0x2728] =	vst v0  }
0x223: {  	[tilespmem:$0x2738] =	vst v0  }
0x224: {  	[tilespmem:$0x2748] =	vst v0  }
0x225: {  	[tilespmem:$0x2758] =	vst v0  }
0x226: {  	[tilespmem:$0x2768] =	vst v0  }
0x227: {  	[tilespmem:$0x2778] =	vst v0  }
0x228: {  	[tilespmem:$0x2788] =	vst v0  }
0x229: {  	[tilespmem:$0x2798] =	vst v0  }
0x22a: {  	[tilespmem:$0x27A8] =	vst v0  }
0x22b: {  	[tilespmem:$0x27B8] =	vst v0  }
0x22c: {  	[tilespmem:$0x27C8] =	vst v0  }
0x22d: {  	[tilespmem:$0x27D8] =	vst v0  }
0x22e: {  	[tilespmem:$0x27E8] =	vst v0  }
0x22f: {  	[tilespmem:$0x27F8] =	vst v0  }
0x230: {  	[tilespmem:$0x2808] =	vst v0  }
0x231: {  	[tilespmem:$0x2818] =	vst v0  }
0x232: {  	[tilespmem:$0x2828] =	vst v0  }
0x233: {  	[tilespmem:$0x2838] =	vst v0  }
0x234: {  	[tilespmem:$0x2848] =	vst v0  }
0x235: {  	[tilespmem:$0x2858] =	vst v0  }
0x236: {  	[tilespmem:$0x2868] =	vst v0  }
0x237: {  	[tilespmem:$0x2878] =	vst v0  }
0x238: {  	[tilespmem:$0x2888] =	vst v0  }
0x239: {  	[tilespmem:$0x2898] =	vst v0  }
0x23a: {  	[tilespmem:$0x28A8] =	vst v0  }
0x23b: {  	[tilespmem:$0x28B8] =	vst v0  }
0x23c: {  	[tilespmem:$0x28C8] =	vst v0  }
0x23d: {  	[tilespmem:$0x28D8] =	vst v0  }
0x23e: {  	[tilespmem:$0x28E8] =	vst v0  }
0x23f: {  	[tilespmem:$0x28F8] =	vst v0  }
0x240: {  	[tilespmem:$0x2908] =	vst v0  }
0x241: {  	[tilespmem:$0x2918] =	vst v0  }
0x242: {  	[tilespmem:$0x2928] =	vst v0  }
0x243: {  	[tilespmem:$0x2938] =	vst v0  }
0x244: {  	[tilespmem:$0x2948] =	vst v0  }
0x245: {  	[tilespmem:$0x2958] =	vst v0  }
0x246: {  	[tilespmem:$0x2968] =	vst v0  }
0x247: {  	[tilespmem:$0x2978] =	vst v0  }
0x248: {  	[tilespmem:$0x2988] =	vst v0  }
0x249: {  	[tilespmem:$0x2998] =	vst v0  }
0x24a: {  	[tilespmem:$0x29A8] =	vst v0  }
0x24b: {  	[tilespmem:$0x29B8] =	vst v0  }
0x24c: {  	[tilespmem:$0x29C8] =	vst v0  }
0x24d: {  	[tilespmem:$0x29D8] =	vst v0  }
0x24e: {  	[tilespmem:$0x29E8] =	vst v0  }
0x24f: {  	[tilespmem:$0x29F8] =	vst v0  }
0x250: {  	[tilespmem:$0x2A08] =	vst v0  }
0x251: {  	[tilespmem:$0x2A18] =	vst v0  }
0x252: {  	[tilespmem:$0x2A28] =	vst v0  }
0x253: {  	[tilespmem:$0x2A38] =	vst v0  }
0x254: {  	[tilespmem:$0x2A48] =	vst v0  }
0x255: {  	[tilespmem:$0x2A58] =	vst v0  }
0x256: {  	[tilespmem:$0x2A68] =	vst v0  }
0x257: {  	[tilespmem:$0x2A78] =	vst v0  }
0x258: {  	[tilespmem:$0x2A88] =	vst v0  }
0x259: {  	[tilespmem:$0x2A98] =	vst v0  }
0x25a: {  	[tilespmem:$0x2AA8] =	vst v0  }
0x25b: {  	[tilespmem:$0x2AB8] =	vst v0  }
0x25c: {  	[tilespmem:$0x2AC8] =	vst v0  }
0x25d: {  	[tilespmem:$0x2AD8] =	vst v0  }
0x25e: {  	[tilespmem:$0x2AE8] =	vst v0  }
0x25f: {  	[tilespmem:$0x2AF8] =	vst v0  }
0x260: {  	[tilespmem:$0x2B08] =	vst v0  }
0x261: {  	[tilespmem:$0x2B18] =	vst v0  }
0x262: {  	[tilespmem:$0x2B28] =	vst v0  }
0x263: {  	[tilespmem:$0x2B38] =	vst v0  }
0x264: {  	[tilespmem:$0x2B48] =	vst v0  }
0x265: {  	[tilespmem:$0x2B58] =	vst v0  }
0x266: {  	[tilespmem:$0x2B68] =	vst v0  }
0x267: {  	[tilespmem:$0x2B78] =	vst v0  }
0x268: {  	[tilespmem:$0x2B88] =	vst v0  }
0x269: {  	[tilespmem:$0x2B98] =	vst v0  }
0x26a: {  	[tilespmem:$0x2BA8] =	vst v0  }
0x26b: {  	[tilespmem:$0x2BB8] =	vst v0  }
0x26c: {  	[tilespmem:$0x2BC8] =	vst v0  }
0x26d: {  	[tilespmem:$0x2BD8] =	vst v0  }
0x26e: {  	[tilespmem:$0x2BE8] =	vst v0  }
0x26f: {  	[tilespmem:$0x2BF8] =	vst v0  }
0x270: {  	[tilespmem:$0x2C08] =	vst v0  }
0x271: {  	[tilespmem:$0x2C18] =	vst v0  }
0x272: {  	[tilespmem:$0x2C28] =	vst v0  }
0x273: {  	[tilespmem:$0x2C38] =	vst v0  }
0x274: {  	[tilespmem:$0x2C48] =	vst v0  }
0x275: {  	[tilespmem:$0x2C58] =	vst v0  }
0x276: {  	[tilespmem:$0x2C68] =	vst v0  }
0x277: {  	[tilespmem:$0x2C78] =	vst v0  }
0x278: {  	[tilespmem:$0x2C88] =	vst v0  }
0x279: {  	[tilespmem:$0x2C98] =	vst v0  }
0x27a: {  	[tilespmem:$0x2CA8] =	vst v0  }
0x27b: {  	[tilespmem:$0x2CB8] =	vst v0  }
0x27c: {  	[tilespmem:$0x2CC8] =	vst v0  }
0x27d: {  	[tilespmem:$0x2CD8] =	vst v0  }
0x27e: {  	[tilespmem:$0x2CE8] =	vst v0  }
0x27f: {  	[tilespmem:$0x2CF8] =	vst v0  }
0x280: {  	[tilespmem:$0x2D08] =	vst v0  }
0x281: {  	[tilespmem:$0x2D18] =	vst v0  }
0x282: {  	[tilespmem:$0x2D28] =	vst v0  }
0x283: {  	[tilespmem:$0x2D38] =	vst v0  }
0x284: {  	[tilespmem:$0x2D48] =	vst v0  }
0x285: {  	[tilespmem:$0x2D58] =	vst v0  }
0x286: {  	[tilespmem:$0x2D68] =	vst v0  }
0x287: {  	[tilespmem:$0x2D78] =	vst v0  }
0x288: {  	[tilespmem:$0x2D88] =	vst v0  }
0x289: {  	[tilespmem:$0x2D98] =	vst v0  }
0x28a: {  	[tilespmem:$0x2DA8] =	vst v0  }
0x28b: {  	[tilespmem:$0x3CD8] =	vst v0  }
0x28c: {  	[tilespmem:$0x3CC8] =	vst v0  }
0x28d: {  	[tilespmem:$0x3CB8] =	vst v0  }
0x28e: {  	[tilespmem:$0x3D08] =	vst v0  }
0x28f: {  	[tilespmem:$0x3CF8] =	vst v0  }
0x290: {  	[tilespmem:$0x3CE8] =	vst v0  }
0x291: {  	[tilespmem:$0x2DB8] =	vst v0  }
0x292: {  	[tilespmem:$0x2DC8] =	vst v0  }
0x293: {  	[tilespmem:$0x2DD8] =	vst v0  }
0x294: {  	[tilespmem:$0x2DE8] =	vst v0  }
0x295: {  	[tilespmem:$0x2DF8] =	vst v0  }
0x296: {  	[tilespmem:$0x2E08] =	vst v0  }
0x297: {  	[tilespmem:$0x2E18] =	vst v0  }
0x298: {  	[tilespmem:$0x2E28] =	vst v0  }
0x299: {  	[tilespmem:$0x2E38] =	vst v0  }
0x29a: {  	[tilespmem:$0x2E48] =	vst v0  }
0x29b: {  	[tilespmem:$0x2E58] =	vst v0  }
0x29c: {  	[tilespmem:$0x2E68] =	vst v0  }
0x29d: {  	[tilespmem:$0x2E78] =	vst v0  }
0x29e: {  	[tilespmem:$0x2E88] =	vst v0  }
0x29f: {  	[tilespmem:$0x2E98] =	vst v0  }
0x2a0: {  	[tilespmem:$0x2EA8] =	vst v0  }
0x2a1: {  	[tilespmem:$0x2EB8] =	vst v0  }
0x2a2: {  	[tilespmem:$0x2EC8] =	vst v0  }
0x2a3: {  	[tilespmem:$0x2ED8] =	vst v0  }
0x2a4: {  	[tilespmem:$0x2EE8] =	vst v0  }
0x2a5: {  	[tilespmem:$0x2EF8] =	vst v0  }
0x2a6: {  	[tilespmem:$0x2F08] =	vst v0  }
0x2a7: {  	[tilespmem:$0x2F18] =	vst v0  }
0x2a8: {  	[tilespmem:$0x2F28] =	vst v0  }
0x2a9: {  	[tilespmem:$0x2F38] =	vst v0  }
0x2aa: {  	[tilespmem:$0x2F48] =	vst v0  }
0x2ab: {  	[tilespmem:$0x2F58] =	vst v0  }
0x2ac: {  	[tilespmem:$0x2F68] =	vst v0  }
0x2ad: {  	[tilespmem:$0x2F78] =	vst v0  }
0x2ae: {  	[tilespmem:$0x2F88] =	vst v0  }
0x2af: {  	[tilespmem:$0x2F98] =	vst v0  }
0x2b0: {  	[tilespmem:$0x2FA8] =	vst v0  }
0x2b1: {  	[tilespmem:$0x2FB8] =	vst v0  }
0x2b2: {  	[tilespmem:$0x2FC8] =	vst v0  }
0x2b3: {  	[tilespmem:$0x2FD8] =	vst v0  }
0x2b4: {  	[tilespmem:$0x2FE8] =	vst v0  }
0x2b5: {  	[tilespmem:$0x2FF8] =	vst v0  }
0x2b6: {  	[tilespmem:$0x3008] =	vst v0  }
0x2b7: {  	[tilespmem:$0x3018] =	vst v0  }
0x2b8: {  	[tilespmem:$0x3028] =	vst v0  }
0x2b9: {  	[tilespmem:$0x3038] =	vst v0  }
0x2ba: {  	[tilespmem:$0x3048] =	vst v0  }
0x2bb: {  	[tilespmem:$0x3058] =	vst v0  }
0x2bc: {  	[tilespmem:$0x3068] =	vst v0  }
0x2bd: {  	[tilespmem:$0x3078] =	vst v0  }
0x2be: {  	[tilespmem:$0x3088] =	vst v0  }
0x2bf: {  	[tilespmem:$0x3098] =	vst v0  }
0x2c0: {  	[tilespmem:$0x30A8] =	vst v0  }
0x2c1: {  	[tilespmem:$0x30B8] =	vst v0  }
0x2c2: {  	[tilespmem:$0x30C8] =	vst v0  }
0x2c3: {  	[tilespmem:$0x30D8] =	vst v0  }
0x2c4: {  	[tilespmem:$0x30E8] =	vst v0  }
0x2c5: {  	[tilespmem:$0x30F8] =	vst v0  }
0x2c6: {  	[tilespmem:$0x3108] =	vst v0  }
0x2c7: {  	[tilespmem:$0x3118] =	vst v0  }
0x2c8: {  	[tilespmem:$0x3128] =	vst v0  }
0x2c9: {  	[tilespmem:$0x3138] =	vst v0  }
0x2ca: {  	[tilespmem:$0x3148] =	vst v0  }
0x2cb: {  	[tilespmem:$0x3158] =	vst v0  }
0x2cc: {  	[tilespmem:$0x3168] =	vst v0  }
0x2cd: {  	[tilespmem:$0x3178] =	vst v0  }
0x2ce: {  	[tilespmem:$0x3188] =	vst v0  }
0x2cf: {  	[tilespmem:$0x3198] =	vst v0  }
0x2d0: {  	[tilespmem:$0x31A8] =	vst v0  }
0x2d1: {  	[tilespmem:$0x31B8] =	vst v0  }
0x2d2: {  	[tilespmem:$0x31C8] =	vst v0  }
0x2d3: {  	[tilespmem:$0x31D8] =	vst v0  }
0x2d4: {  	[tilespmem:$0x31E8] =	vst v0  }
0x2d5: {  	[tilespmem:$0x31F8] =	vst v0  }
0x2d6: {  	[tilespmem:$0x3208] =	vst v0  }
0x2d7: {  	[tilespmem:$0x3218] =	vst v0  }
0x2d8: {  	[tilespmem:$0x3228] =	vst v0  }
0x2d9: {  	[tilespmem:$0x3238] =	vst v0  }
0x2da: {  	[tilespmem:$0x3248] =	vst v0  }
0x2db: {  	[tilespmem:$0x3258] =	vst v0  }
0x2dc: {  	[tilespmem:$0x3268] =	vst v0  }
0x2dd: {  	[tilespmem:$0x3278] =	vst v0  }
0x2de: {  	[tilespmem:$0x3288] =	vst v0  }
0x2df: {  	[tilespmem:$0x3298] =	vst v0  }
0x2e0: {  	[tilespmem:$0x32A8] =	vst v0  }
0x2e1: {  	[tilespmem:$0x32B8] =	vst v0  }
0x2e2: {  	[tilespmem:$0x32C8] =	vst v0  }
0x2e3: {  	[tilespmem:$0x32D8] =	vst v0  }
0x2e4: {  	[tilespmem:$0x32E8] =	vst v0  }
0x2e5: {  	[tilespmem:$0x32F8] =	vst v0  }
0x2e6: {  	[tilespmem:$0x3308] =	vst v0  }
0x2e7: {  	[tilespmem:$0x3318] =	vst v0  }
0x2e8: {  	[tilespmem:$0x3328] =	vst v0  }
0x2e9: {  	[tilespmem:$0x3338] =	vst v0  }
0x2ea: {  	[tilespmem:$0x3348] =	vst v0  }
0x2eb: {  	[tilespmem:$0x3358] =	vst v0  }
0x2ec: {  	[tilespmem:$0x3368] =	vst v0  }
0x2ed: {  	[tilespmem:$0x3378] =	vst v0  }
0x2ee: {  	[tilespmem:$0x3388] =	vst v0  }
0x2ef: {  	[tilespmem:$0x3398] =	vst v0  }
0x2f0: {  	[tilespmem:$0x33A8] =	vst v0  }
0x2f1: {  	[tilespmem:$0x33B8] =	vst v0  }
0x2f2: {  	[tilespmem:$0x33C8] =	vst v0  }
0x2f3: {  	[tilespmem:$0x33D8] =	vst v0  }
0x2f4: {  	[tilespmem:$0x33E8] =	vst v0  }
0x2f5: {  	[tilespmem:$0x33F8] =	vst v0  }
0x2f6: {  	[tilespmem:$0x3408] =	vst v0  }
0x2f7: {  	[tilespmem:$0x3418] =	vst v0  }
0x2f8: {  	[tilespmem:$0x3428] =	vst v0  }
0x2f9: {  	[tilespmem:$0x3438] =	vst v0  }
0x2fa: {  	[tilespmem:$0x3448] =	vst v0  }
0x2fb: {  	[tilespmem:$0x3458] =	vst v0  }
0x2fc: {  	[tilespmem:$0x3468] =	vst v0  }
0x2fd: {  	[tilespmem:$0x3478] =	vst v0  }
0x2fe: {  	[tilespmem:$0x3488] =	vst v0  }
0x2ff: {  	[tilespmem:$0x3498] =	vst v0  }
0x300: {  	[tilespmem:$0x34A8] =	vst v0  }
0x301: {  	[tilespmem:$0x34B8] =	vst v0  }
0x302: {  	[tilespmem:$0x34C8] =	vst v0  }
0x303: {  	[tilespmem:$0x34D8] =	vst v0  }
0x304: {  	[tilespmem:$0x34E8] =	vst v0  }
0x305: {  	[tilespmem:$0x34F8] =	vst v0  }
0x306: {  	[tilespmem:$0x3508] =	vst v0  }
0x307: {  	[tilespmem:$0x3518] =	vst v0  }
0x308: {  	[tilespmem:$0x3528] =	vst v0  }
0x309: {  	[tilespmem:$0x3538] =	vst v0  }
0x30a: {  	[tilespmem:$0x3548] =	vst v0  }
0x30b: {  	[tilespmem:$0x3558] =	vst v0  }
0x30c: {  	[tilespmem:$0x3568] =	vst v0  }
0x30d: {  	[tilespmem:$0x3578] =	vst v0  }
0x30e: {  	[tilespmem:$0x3588] =	vst v0  }
0x30f: {  	[tilespmem:$0x3598] =	vst v0  }
0x310: {  	[tilespmem:$0x35A8] =	vst v0  }
0x311: {  	[tilespmem:$0x35B8] =	vst v0  }
0x312: {  	[tilespmem:$0x35C8] =	vst v0  }
0x313: {  	[tilespmem:$0x35D8] =	vst v0  }
0x314: {  	[tilespmem:$0x35E8] =	vst v0  }
0x315: {  	[tilespmem:$0x35F8] =	vst v0  }
0x316: {  	[tilespmem:$0x3608] =	vst v0  }
0x317: {  	[tilespmem:$0x3618] =	vst v0  }
0x318: {  	[tilespmem:$0x3628] =	vst v0  }
0x319: {  	[tilespmem:$0x3638] =	vst v0  }
0x31a: {  	[tilespmem:$0x3648] =	vst v0  }
0x31b: {  	[tilespmem:$0x3658] =	vst v0  }
0x31c: {  	[tilespmem:$0x3668] =	vst v0  }
0x31d: {  	[tilespmem:$0x3678] =	vst v0  }
0x31e: {  	[tilespmem:$0x3688] =	vst v0  }
0x31f: {  	[tilespmem:$0x3698] =	vst v0  }
0x320: {  	[tilespmem:$0x36A8] =	vst v0  }
0x321: {  	[tilespmem:$0x36B8] =	vst v0  }
0x322: {  	[tilespmem:$0x36C8] =	vst v0  }
0x323: {  	[tilespmem:$0x36D8] =	vst v0  }
0x324: {  	[tilespmem:$0x36E8] =	vst v0  }
0x325: {  	[tilespmem:$0x36F8] =	vst v0  }
0x326: {  	[tilespmem:$0x3708] =	vst v0  }
0x327: {  	[tilespmem:$0x3718] =	vst v0  }
0x328: {  	[tilespmem:$0x3728] =	vst v0  }
0x329: {  	[tilespmem:$0x3738] =	vst v0  }
0x32a: {  	[tilespmem:$0x3748] =	vst v0  }
0x32b: {  	[tilespmem:$0x3758] =	vst v0  }
0x32c: {  	[tilespmem:$0x3768] =	vst v0  }
0x32d: {  	[tilespmem:$0x3778] =	vst v0  }
0x32e: {  	[tilespmem:$0x3788] =	vst v0  }
0x32f: {  	[tilespmem:$0x3798] =	vst v0  }
0x330: {  	[tilespmem:$0x37A8] =	vst v0  }
0x331: {  	[tilespmem:$0x37B8] =	vst v0  }
0x332: {  	[tilespmem:$0x37C8] =	vst v0  }
0x333: {  	[tilespmem:$0x37D8] =	vst v0  }
0x334: {  	[tilespmem:$0x37E8] =	vst v0  }
0x335: {  	[tilespmem:$0x37F8] =	vst v0  }
0x336: {  	[tilespmem:$0x3808] =	vst v0  }
0x337: {  	[tilespmem:$0x3818] =	vst v0  }
0x338: {  	[tilespmem:$0x3828] =	vst v0  }
0x339: {  	[tilespmem:$0x3838] =	vst v0  }
0x33a: {  	[tilespmem:$0x3848] =	vst v0  }
0x33b: {  	[tilespmem:$0x3858] =	vst v0  }
0x33c: {  	[tilespmem:$0x3868] =	vst v0  }
0x33d: {  	[tilespmem:$0x3878] =	vst v0  }
0x33e: {  	[tilespmem:$0x3888] =	vst v0  }
0x33f: {  	[tilespmem:$0x3898] =	vst v0  }
0x340: {  	[tilespmem:$0x38A8] =	vst v0  }
0x341: {  	[tilespmem:$0x38B8] =	vst v0  }
0x342: {  	[tilespmem:$0x38C8] =	vst v0  }
0x343: {  	[tilespmem:$0x38D8] =	vst v0  }
0x344: {  	[tilespmem:$0x38E8] =	vst v0  }
0x345: {  	[tilespmem:$0x38F8] =	vst v0  }
0x346: {  	[tilespmem:$0x3908] =	vst v0  }
0x347: {  	[tilespmem:$0x3918] =	vst v0  }
0x348: {  	[tilespmem:$0x3928] =	vst v0  }
0x349: {  	[tilespmem:$0x3938] =	vst v0  }
0x34a: {  	[tilespmem:$0x3948] =	vst v0  }
0x34b: {  	[tilespmem:$0x3958] =	vst v0  }
0x34c: {  	[tilespmem:$0x3968] =	vst v0  }
0x34d: {  	[tilespmem:$0x3978] =	vst v0  }
0x34e: {  	[tilespmem:$0x3988] =	vst v0  }
0x34f: {  	[tilespmem:$0x3998] =	vst v0  }
0x350: {  	[tilespmem:$0x39A8] =	vst v0  }
0x351: {  	[tilespmem:$0x39B8] =	vst v0  }
0x352: {  	[tilespmem:$0x39C8] =	vst v0  }
0x353: {  	[tilespmem:$0x39D8] =	vst v0  }
0x354: {  	[tilespmem:$0x39E8] =	vst v0  }
0x355: {  	[tilespmem:$0x39F8] =	vst v0  }
0x356: {  	[tilespmem:$0x3A08] =	vst v0  }
0x357: {  	[tilespmem:$0x3A18] =	vst v0  }
0x358: {  	[tilespmem:$0x3A28] =	vst v0  }
0x359: {  	[tilespmem:$0x3A38] =	vst v0  }
0x35a: {  	[tilespmem:$0x3A48] =	vst v0  }
0x35b: {  	[tilespmem:$0x3A58] =	vst v0  }
0x35c: {  	[tilespmem:$0x3A68] =	vst v0  }
0x35d: {  	[tilespmem:$0x3A78] =	vst v0  }
0x35e: {  	[tilespmem:$0x3A88] =	vst v0  }
0x35f: {  	[tilespmem:$0x3A98] =	vst v0  }
0x360: {  	[tilespmem:$0x3AA8] =	vst v0  }
0x361: {  	[tilespmem:$0x3AB8] =	vst v0  }
0x362: {  	[tilespmem:$0x3AC8] =	vst v0  }
0x363: {  	[tilespmem:$0x3AD8] =	vst v0  }
0x364: {  	[tilespmem:$0x3AE8] =	vst v0  }
0x365: {  	[tilespmem:$0x3AF8] =	vst v0  }
0x366: {  	[tilespmem:$0x3B08] =	vst v0  }
0x367: {  	[tilespmem:$0x3B18] =	vst v0  }
0x368: {  	[tilespmem:$0x3B28] =	vst v0  }
0x369: {  	[tilespmem:$0x3B38] =	vst v0  }
0x36a: {  	[tilespmem:$0x3B48] =	vst v0  }
0x36b: {  	[tilespmem:$0x3B58] =	vst v0  }
0x36c: {  	[tilespmem:$0x3B68] =	vst v0  }
0x36d: {  	[tilespmem:$0x3B78] =	vst v0  }
0x36e: {  	[tilespmem:$0x3B88] =	vst v0  }
0x36f: {  	[tilespmem:$0x3B98] =	vst v0  }
0x370: {  	[tilespmem:$0x3BA8] =	vst v0  }
0x371: {  	[tilespmem:$0x3BB8] =	vst v0  }
0x372: {  	[tilespmem:$0x3BC8] =	vst v0  }
0x373: {  	[tilespmem:$0x3BD8] =	vst v0  }
0x374: {  	[tilespmem:$0x3BE8] =	vst v0  }
0x375: {  	[tilespmem:$0x3BF8] =	vst v0  }
0x376: {  	[tilespmem:$0x3C08] =	vst v0  }
0x377: {  	[tilespmem:$0x3C18] =	vst v0  }
0x378: {  	[tilespmem:$0x3C28] =	vst v0  }
0x379: {  	[tilespmem:$0x3C38] =	vst v0  }
0x37a: {  	[tilespmem:$0x3C48] =	vst v0  }
0x37b: {  	[tilespmem:$0x3C58] =	vst v0  }
0x37c: {  	[tilespmem:$0x3C68] =	vst v0  }
0x37d: {  	[tilespmem:$0x3C78] =	vst v0  }
0x37e: {  	[tilespmem:$0x3C88] =	vst v0  }
0x37f: {  	[tilespmem:$0x3C98] =	vst v0  }
0x380: {  	[tilespmem:$0x3CA8] =	vst v0  }
0x381: {  	[tilespmem:$0x3D18] =	vst v0  }
0x382: {  	[tilespmem:$0x3D28] =	vst v0  }
0x383: {  	[tilespmem:$0x3D38] =	vst v0  }
0x384: {  	[tilespmem:$0x3D48] =	vst v0  }
0x385: {  	[tilespmem:$0x3D58] =	vst v0  }
0x386: {  	[tilespmem:$0x3D68] =	vst v0  }
0x387: {  	[tilespmem:$0x3D78] =	vst v0  }
0x388: {  	[tilespmem:$0x3D88] =	vst v0  }
0x389: {  	[tilespmem:$0x3D98] =	vst v0  }
0x38a: {  	[tilespmem:$0x3DA8] =	vst v0  }
0x38b: {  	[tilespmem:$0x3DB8] =	vst v0  }
0x38c: {  	[tilespmem:$0x3DC8] =	vst v0  }
0x38d: {  	[tilespmem:$0x3DD8] =	vst v0  }
0x38e: {  	[tilespmem:$0x3DE8] =	vst v0  }
0x38f: {  	[tilespmem:$0x3DF8] =	vst v0  }
0x390: {  	[tilespmem:$0x3E08] =	vst v0  }
0x391: {  	[tilespmem:$0x3E18] =	vst v0  }
0x392: {  	[tilespmem:$0x3E28] =	vst v0  }
0x393: {  	[tilespmem:$0x3E38] =	vst v0  }
0x394: {  	[tilespmem:$0x3E48] =	vst v0  }
0x395: {  	[tilespmem:$0x3E58] =	vst v0  }
0x396: {  	[tilespmem:$0x3E68] =	vst v0  }
0x397: {  	[tilespmem:$0x3E78] =	vst v0  }
0x398: {  	[tilespmem:$0x3E88] =	vst v0  }
0x399: {  	[tilespmem:$0x3E98] =	vst v0  }
0x39a: {  	[tilespmem:$0x3EA8] =	vst v0  }
0x39b: {  	[tilespmem:$0x3EB8] =	vst v0  }
0x39c: {  	[tilespmem:$0x3EC8] =	vst v0  }
0x39d: {  	[tilespmem:$0x3ED8] =	vst v0  }
0x39e: {  	[tilespmem:$0x3EE8] =	vst v0  }
0x39f: {  	[tilespmem:$0x3EF8] =	vst v0  }
0x3a0: {  	[tilespmem:$0x3F08] =	vst v0  }
0x3a1: {  	[tilespmem:$0x3F18] =	vst v0  }
0x3a2: {  	[tilespmem:$0x3F28] =	vst v0  }
0x3a3: {  	[tilespmem:$0x3F38] =	vst v0  }
0x3a4: {  	[tilespmem:$0x3F48] =	vst v0  }
0x3a5: {  	[tilespmem:$0x3F58] =	vst v0  }
0x3a6: {  	[tilespmem:$0x3F68] =	vst v0  }
0x3a7: {  	[tilespmem:$0x3F78] =	vst v0  }
0x3a8: {  	[tilespmem:$0x3F88] =	vst v0  }
0x3a9: {  	[tilespmem:$0x3F98] =	vst v0  }
0x3aa: {  	[tilespmem:$0x3FA8] =	vst v0  }
0x3ab: {  	[tilespmem:$0x3FB8] =	vst v0  }
0x3ac: {  	[tilespmem:$0x3FC8] =	vst v0  }
0x3ad: {  	[tilespmem:$0x3FD8] =	vst v0  }
0x3ae: {  	[tilespmem:$0x3FE8] =	vst v0  }
0x3af: {  	[tilespmem:$0x3FF8] =	vst v0  }
0x3b0: {  	[tilespmem:$0x4008] =	vst v0  }
0x3b1: {  	[tilespmem:$0x4018] =	vst v0  }
0x3b2: {  	[tilespmem:$0x4028] =	vst v0  }
0x3b3: {  	[tilespmem:$0x4038] =	vst v0  }
0x3b4: {  	[tilespmem:$0x4048] =	vst v0  }
0x3b5: {  	[tilespmem:$0x4058] =	vst v0  }
0x3b6: {  	[tilespmem:$0x4068] =	vst v0  }
0x3b7: {  	[tilespmem:$0x4078] =	vst v0  }
0x3b8: {  	[tilespmem:$0x4088] =	vst v0  }
0x3b9: {  	[tilespmem:$0x4098] =	vst v0  }
0x3ba: {  	[tilespmem:$0x40A8] =	vst v0  }
0x3bb: {  	[tilespmem:$0x40B8] =	vst v0  }
0x3bc: {  	[tilespmem:$0x40C8] =	vst v0  }
0x3bd: {  	[tilespmem:$0x40D8] =	vst v0  }
0x3be: {  	[tilespmem:$0x40E8] =	vst v0  }
0x3bf: {  	[tilespmem:$0x40F8] =	vst v0  }
0x3c0: {  	[tilespmem:$0x4108] =	vst v0  }
0x3c1: {  	[tilespmem:$0x4118] =	vst v0  }
0x3c2: {  	[tilespmem:$0x4128] =	vst v0  }
0x3c3: {  	[tilespmem:$0x4138] =	vst v0  }
0x3c4: {  	[tilespmem:$0x4148] =	vst v0  }
0x3c5: {  	[tilespmem:$0x4158] =	vst v0  }
0x3c6: {  	[tilespmem:$0x4168] =	vst v0  }
0x3c7: {  	[tilespmem:$0x4178] =	vst v0  }
0x3c8: {  	[tilespmem:$0x4188] =	vst v0  }
0x3c9: {  	[tilespmem:$0x4198] =	vst v0  }
0x3ca: {  	[tilespmem:$0x41A8] =	vst v0  }
0x3cb: {  	[tilespmem:$0x41B8] =	vst v0  }
0x3cc: {  	[tilespmem:$0x41C8] =	vst v0  }
0x3cd: {  	[tilespmem:$0x41D8] =	vst v0  }
0x3ce: {  	[tilespmem:$0x41E8] =	vst v0  }
0x3cf: {  	[tilespmem:$0x41F8] =	vst v0  }
0x3d0: {  	[tilespmem:$0x4208] =	vst v0  }
0x3d1: {  	[tilespmem:$0x4218] =	vst v0  }
0x3d2: {  	[tilespmem:$0x4228] =	vst v0  }
0x3d3: {  	[tilespmem:$0x4238] =	vst v0  }
0x3d4: {  	[tilespmem:$0x4248] =	vst v0  }
0x3d5: {  	[tilespmem:$0x4258] =	vst v0  }
0x3d6: {  	[tilespmem:$0x4268] =	vst v0  }
0x3d7: {  	[tilespmem:$0x4278] =	vst v0  }
0x3d8: {  	[tilespmem:$0x4288] =	vst v0  }
0x3d9: {  	[tilespmem:$0x4298] =	vst v0  }
0x3da: {  	[tilespmem:$0x42A8] =	vst v0  }
0x3db: {  	[tilespmem:$0x42B8] =	vst v0  }
0x3dc: {  	[tilespmem:$0x42C8] =	vst v0  }
0x3dd: {  	[tilespmem:$0x42D8] =	vst v0  }
0x3de: {  	[tilespmem:$0x42E8] =	vst v0  }
0x3df: {  	[tilespmem:$0x42F8] =	vst v0  }
0x3e0: {  	[tilespmem:$0x4308] =	vst v0  }
0x3e1: {  	[tilespmem:$0x4318] =	vst v0  }
0x3e2: {  	[tilespmem:$0x4328] =	vst v0  }
0x3e3: {  	[tilespmem:$0x4338] =	vst v0  }
0x3e4: {  	[tilespmem:$0x4348] =	vst v0  }
0x3e5: {  	[tilespmem:$0x4358] =	vst v0  }
0x3e6: {  	[tilespmem:$0x4368] =	vst v0  }
0x3e7: {  	[tilespmem:$0x4378] =	vst v0  }
0x3e8: {  	[tilespmem:$0x4388] =	vst v0  }
0x3e9: {  	[tilespmem:$0x4398] =	vst v0  }
0x3ea: {  	[tilespmem:$0x43A8] =	vst v0  }
0x3eb: {  	[tilespmem:$0x43B8] =	vst v0  }
0x3ec: {  	[tilespmem:$0x43C8] =	vst v0  }
0x3ed: {  	[tilespmem:$0x43D8] =	vst v0  }
0x3ee: {  	[tilespmem:$0x43E8] =	vst v0  }
0x3ef: {  	[tilespmem:$0x43F8] =	vst v0  }
0x3f0: {  	[tilespmem:$0x4408] =	vst v0  }
0x3f1: {  	[tilespmem:$0x4418] =	vst v0  }
0x3f2: {  	[tilespmem:$0x4428] =	vst v0  }
0x3f3: {  	[tilespmem:$0x4438] =	vst v0  }
0x3f4: {  	[tilespmem:$0x4448] =	vst v0  }
0x3f5: {  	[tilespmem:$0x4458] =	vst v0  }
0x3f6: {  	[tilespmem:$0x4468] =	vst v0  }
0x3f7: {  	[tilespmem:$0x4478] =	vst v0  }
0x3f8: {  	[tilespmem:$0x4488] =	vst v0  }
0x3f9: {  	[tilespmem:$0x4498] =	vst v0  }
0x3fa: {  	[tilespmem:$0x44A8] =	vst v0  }
0x3fb: {  	[tilespmem:$0x44B8] =	vst v0  }
0x3fc: {  	[tilespmem:$0x44C8] =	vst v0  }
0x3fd: {  	[tilespmem:$0x44D8] =	vst v0  }
0x3fe: {  	[tilespmem:$0x44E8] =	vst v0  }
0x3ff: {  	[tilespmem:$0x44F8] =	vst v0  }
0x400: {  	[tilespmem:$0x4508] =	vst v0  }
0x401: {  	[tilespmem:$0x4518] =	vst v0  }
0x402: {  	[tilespmem:$0x4528] =	vst v0  }
0x403: {  	[tilespmem:$0x4538] =	vst v0  }
0x404: {  	[tilespmem:$0x4548] =	vst v0  }
0x405: {  	[tilespmem:$0x4558] =	vst v0  }
0x406: {  	[tilespmem:$0x4568] =	vst v0  }
0x407: {  	[tilespmem:$0x4578] =	vst v0  }
0x408: {  	[tilespmem:$0x4588] =	vst v0  }
0x409: {  	[tilespmem:$0x4598] =	vst v0  }
0x40a: {  	[tilespmem:$0x45A8] =	vst v0  }
0x40b: {  	[tilespmem:$0x45B8] =	vst v0  }
0x40c: {  	[tilespmem:$0x45C8] =	vst v0  }
0x40d: {  	[tilespmem:$0x45D8] =	vst v0  }
0x40e: {  	[tilespmem:$0x45E8] =	vst v0  }
0x40f: {  	[tilespmem:$0x45F8] =	vst v0  }
0x410: {  	[tilespmem:$0x4608] =	vst v0  }
0x411: {  	[tilespmem:$0x4618] =	vst v0  }
0x412: {  	[tilespmem:$0x4628] =	vst v0  }
0x413: {  	[tilespmem:$0x4638] =	vst v0  }
0x414: {  	[tilespmem:$0x4648] =	vst v0  }
0x415: {  	[tilespmem:$0x4658] =	vst v0  }
0x416: {  	[tilespmem:$0x4668] =	vst v0  }
0x417: {  	[tilespmem:$0x4678] =	vst v0  }
0x418: {  	[tilespmem:$0x4688] =	vst v0  }
0x419: {  	[tilespmem:$0x4698] =	vst v0  }
0x41a: {  	[tilespmem:$0x46A8] =	vst v0  }
0x41b: {  	[tilespmem:$0x46B8] =	vst v0  }
0x41c: {  	[tilespmem:$0x46C8] =	vst v0  }
0x41d: {  	[tilespmem:$0x46D8] =	vst v0  }
0x41e: {  	[tilespmem:$0x46E8] =	vst v0  }
0x41f: {  	[tilespmem:$0x46F8] =	vst v0  }
0x420: {  	[tilespmem:$0x4708] =	vst v0  }
0x421: {  	[tilespmem:$0x4718] =	vst v0  }
0x422: {  	[tilespmem:$0x4728] =	vst v0  }
0x423: {  	[tilespmem:$0x4738] =	vst v0  }
0x424: {  	[tilespmem:$0x4748] =	vst v0  }
0x425: {  	[tilespmem:$0x4758] =	vst v0  }
0x426: {  	[tilespmem:$0x4768] =	vst v0  }
0x427: {  	[tilespmem:$0x4778] =	vst v0  }
0x428: {  	[tilespmem:$0x4788] =	vst v0  }
0x429: {  	[tilespmem:$0x4798] =	vst v0  }
0x42a: {  	[tilespmem:$0x47A8] =	vst v0  }
0x42b: {  	[tilespmem:$0x47B8] =	vst v0  }
0x42c: {  	[tilespmem:$0x47C8] =	vst v0  }
0x42d: {  	[tilespmem:$0x47D8] =	vst v0  }
0x42e: {  	[tilespmem:$0x47E8] =	vst v0  }
0x42f: {  	[tilespmem:$0x47F8] =	vst v0  }
0x430: {  	[tilespmem:$0x4808] =	vst v0  }
0x431: {  	[tilespmem:$0x4818] =	vst v0  }
0x432: {  	[tilespmem:$0x4828] =	vst v0  }
0x433: {  	[tilespmem:$0x4838] =	vst v0  }
0x434: {  	[tilespmem:$0x4848] =	vst v0  }
0x435: {  	[tilespmem:$0x4858] =	vst v0  }
0x436: {  	[tilespmem:$0x4868] =	vst v0  }
0x437: {  	[tilespmem:$0x4878] =	vst v0  }
0x438: {  	[tilespmem:$0x4888] =	vst v0  }
0x439: {  	[tilespmem:$0x4898] =	vst v0  }
0x43a: {  	[tilespmem:$0x48A8] =	vst v0  }
0x43b: {  	[tilespmem:$0x48B8] =	vst v0  }
0x43c: {  	[tilespmem:$0x48C8] =	vst v0  }
0x43d: {  	[tilespmem:$0x48D8] =	vst v0  }
0x43e: {  	[tilespmem:$0x48E8] =	vst v0  }
0x43f: {  	[tilespmem:$0x48F8] =	vst v0  }
0x440: {  	[tilespmem:$0x4908] =	vst v0  }
0x441: {  	[tilespmem:$0x4918] =	vst v0  }
0x442: {  	[tilespmem:$0x4928] =	vst v0  }
0x443: {  	[tilespmem:$0x4938] =	vst v0  }
0x444: {  	[tilespmem:$0x4948] =	vst v0  }
0x445: {  	[tilespmem:$0x4958] =	vst v0  }
0x446: {  	[tilespmem:$0x4968] =	vst v0  }
0x447: {  	[tilespmem:$0x4978] =	vst v0  }
0x448: {  	[tilespmem:$0x4988] =	vst v0  }
0x449: {  	[tilespmem:$0x4998] =	vst v0  }
0x44a: {  	[tilespmem:$0x49A8] =	vst v0  }
0x44b: {  	[tilespmem:$0x49B8] =	vst v0  }
0x44c: {  	[tilespmem:$0x49C8] =	vst v0  }
0x44d: {  	[tilespmem:$0x49D8] =	vst v0  }
0x44e: {  	[tilespmem:$0x49E8] =	vst v0  }
0x44f: {  	[tilespmem:$0x49F8] =	vst v0  }
0x450: {  	[tilespmem:$0x4A08] =	vst v0  }
0x451: {  	[tilespmem:$0x4A18] =	vst v0  }
0x452: {  	[tilespmem:$0x4A28] =	vst v0  }
0x453: {  	[tilespmem:$0x4A38] =	vst v0  }
0x454: {  	[tilespmem:$0x4A48] =	vst v0  }
0x455: {  	[tilespmem:$0x4A58] =	vst v0  }
0x456: {  	[tilespmem:$0x4A68] =	vst v0  }
0x457: {  	[tilespmem:$0x4A78] =	vst v0  }
0x458: {  	[tilespmem:$0x4A88] =	vst v0  }
0x459: {  	[tilespmem:$0x4A98] =	vst v0  }
0x45a: {  	[tilespmem:$0x4AA8] =	vst v0  }
0x45b: {  	[tilespmem:$0x4AB8] =	vst v0  }
0x45c: {  	[tilespmem:$0x4AC8] =	vst v0  }
0x45d: {  	[tilespmem:$0x4AD8] =	vst v0  }
0x45e: {  	[tilespmem:$0x4AE8] =	vst v0  }
0x45f: {  	[tilespmem:$0x4AF8] =	vst v0  }
0x460: {  	[tilespmem:$0x4B08] =	vst v0  }
0x461: {  	[tilespmem:$0x4B18] =	vst v0  }
0x462: {  	[tilespmem:$0x4B28] =	vst v0  }
0x463: {  	[tilespmem:$0x4B38] =	vst v0  }
0x464: {  	[tilespmem:$0x4B48] =	vst v0  }
0x465: {  	[tilespmem:$0x4B58] =	vst v0  }
0x466: {  	[tilespmem:$0x4B68] =	vst v0  }
0x467: {  	[tilespmem:$0x4B78] =	vst v0  }
0x468: {  	[tilespmem:$0x4B88] =	vst v0  }
0x469: {  	[tilespmem:$0x4B98] =	vst v0  }
0x46a: {  	[tilespmem:$0x4BA8] =	vst v0  }
0x46b: {  	[tilespmem:$0x4BB8] =	vst v0  }
0x46c: {  	[tilespmem:$0x4BC8] =	vst v0  }
0x46d: {  	[tilespmem:$0x4BD8] =	vst v0  }
0x46e: {  	[tilespmem:$0x4BE8] =	vst v0  }
0x46f: {  	[tilespmem:$0x4BF8] =	vst v0  }
0x470: {  	[tilespmem:$0x4C08] =	vst v0  }
0x471: {  	[tilespmem:$0x4C18] =	vst v0  }
0x472: {  	[tilespmem:$0x4C28] =	vst v0  }
0x473: {  	[tilespmem:$0x4C38] =	vst v0  }
0x474: {  	[tilespmem:$0x4C48] =	vst v0  }
0x475: {  	[tilespmem:$0x4C58] =	vst v0  }
0x476: {  	[tilespmem:$0x4C68] =	vst v0  }
0x477: {  	[tilespmem:$0x4C78] =	vst v0  }
0x478: {  	[tilespmem:$0x4C88] =	vst v0  }
0x479: {  	[tilespmem:$0x4C98] =	vst v0  }
0x47a: {  	[tilespmem:$0x4CA8] =	vst v0  }
0x47b: {  	[tilespmem:$0x4CB8] =	vst v0  }
0x47c: {  	[tilespmem:$0x4CC8] =	vst v0  }
0x47d: {  	[tilespmem:$0x4CD8] =	vst v0  }
0x47e: {  	[tilespmem:$0x4CF8] =	vst v0  }
0x47f: {  	[tilespmem:$0x4D28] =	vst v0  }
0x480: {  	[tilespmem:$0x4D58] =	vst v0  }
0x481: {  	[tilespmem:$0x5BD8] =	vst v0  }
0x482: {  	[tilespmem:$0x5BC8] =	vst v0  }
0x483: {  	[tilespmem:$0x5BB8] =	vst v0  }
0x484: {  	[tilespmem:$0x5BA8] =	vst v0  }
0x485: {  	[tilespmem:$0x5B98] =	vst v0  }
0x486: {  	[tilespmem:$0x5B88] =	vst v0  }
0x487: {  	[tilespmem:$0x5B78] =	vst v0  }
0x488: {  	[tilespmem:$0x5B68] =	vst v0  }
0x489: {  	[tilespmem:$0x5B58] =	vst v0  }
0x48a: {  	[tilespmem:$0x5B48] =	vst v0  }
0x48b: {  	[tilespmem:$0x5B38] =	vst v0  }
0x48c: {  	[tilespmem:$0x5B28] =	vst v0  }
0x48d: {  	[tilespmem:$0x5B18] =	vst v0  }
0x48e: {  	[tilespmem:$0x5B08] =	vst v0  }
0x48f: {  	[tilespmem:$0x5AF8] =	vst v0  }
0x490: {  	[tilespmem:$0x5AE8] =	vst v0  }
0x491: {  	[tilespmem:$0x5AD8] =	vst v0  }
0x492: {  	[tilespmem:$0x5AC8] =	vst v0  }
0x493: {  	[tilespmem:$0x5AB8] =	vst v0  }
0x494: {  	[tilespmem:$0x5AA8] =	vst v0  }
0x495: {  	[tilespmem:$0x5A98] =	vst v0  }
0x496: {  	[tilespmem:$0x5A88] =	vst v0  }
0x497: {  	[tilespmem:$0x5A78] =	vst v0  }
0x498: {  	[tilespmem:$0x5A68] =	vst v0  }
0x499: {  	[tilespmem:$0x5A58] =	vst v0  }
0x49a: {  	[tilespmem:$0x5A48] =	vst v0  }
0x49b: {  	[tilespmem:$0x5A38] =	vst v0  }
0x49c: {  	[tilespmem:$0x5A28] =	vst v0  }
0x49d: {  	[tilespmem:$0x5A18] =	vst v0  }
0x49e: {  	[tilespmem:$0x5A08] =	vst v0  }
0x49f: {  	[tilespmem:$0x59F8] =	vst v0  }
0x4a0: {  	[tilespmem:$0x59E8] =	vst v0  }
0x4a1: {  	[tilespmem:$0x59D8] =	vst v0  }
0x4a2: {  	[tilespmem:$0x59C8] =	vst v0  }
0x4a3: {  	[tilespmem:$0x59B8] =	vst v0  }
0x4a4: {  	[tilespmem:$0x59A8] =	vst v0  }
0x4a5: {  	[tilespmem:$0x5998] =	vst v0  }
0x4a6: {  	[tilespmem:$0x5988] =	vst v0  }
0x4a7: {  	[tilespmem:$0x5978] =	vst v0  }
0x4a8: {  	[tilespmem:$0x5968] =	vst v0  }
0x4a9: {  	[tilespmem:$0x5958] =	vst v0  }
0x4aa: {  	[tilespmem:$0x5948] =	vst v0  }
0x4ab: {  	[tilespmem:$0x5938] =	vst v0  }
0x4ac: {  	[tilespmem:$0x5928] =	vst v0  }
0x4ad: {  	[tilespmem:$0x5918] =	vst v0  }
0x4ae: {  	[tilespmem:$0x5908] =	vst v0  }
0x4af: {  	[tilespmem:$0x58F8] =	vst v0  }
0x4b0: {  	[tilespmem:$0x58E8] =	vst v0  }
0x4b1: {  	[tilespmem:$0x58D8] =	vst v0  }
0x4b2: {  	[tilespmem:$0x58C8] =	vst v0  }
0x4b3: {  	[tilespmem:$0x58B8] =	vst v0  }
0x4b4: {  	[tilespmem:$0x58A8] =	vst v0  }
0x4b5: {  	[tilespmem:$0x5898] =	vst v0  }
0x4b6: {  	[tilespmem:$0x5888] =	vst v0  }
0x4b7: {  	[tilespmem:$0x5878] =	vst v0  }
0x4b8: {  	[tilespmem:$0x5868] =	vst v0  }
0x4b9: {  	[tilespmem:$0x5858] =	vst v0  }
0x4ba: {  	[tilespmem:$0x5848] =	vst v0  }
0x4bb: {  	[tilespmem:$0x5838] =	vst v0  }
0x4bc: {  	[tilespmem:$0x5828] =	vst v0  }
0x4bd: {  	[tilespmem:$0x5818] =	vst v0  }
0x4be: {  	[tilespmem:$0x5808] =	vst v0  }
0x4bf: {  	[tilespmem:$0x57F8] =	vst v0  }
0x4c0: {  	[tilespmem:$0x57E8] =	vst v0  }
0x4c1: {  	[tilespmem:$0x57D8] =	vst v0  }
0x4c2: {  	[tilespmem:$0x57C8] =	vst v0  }
0x4c3: {  	[tilespmem:$0x57B8] =	vst v0  }
0x4c4: {  	[tilespmem:$0x57A8] =	vst v0  }
0x4c5: {  	[tilespmem:$0x5798] =	vst v0  }
0x4c6: {  	[tilespmem:$0x5788] =	vst v0  }
0x4c7: {  	[tilespmem:$0x5778] =	vst v0  }
0x4c8: {  	[tilespmem:$0x5768] =	vst v0  }
0x4c9: {  	[tilespmem:$0x5758] =	vst v0  }
0x4ca: {  	[tilespmem:$0x5748] =	vst v0  }
0x4cb: {  	[tilespmem:$0x5738] =	vst v0  }
0x4cc: {  	[tilespmem:$0x5728] =	vst v0  }
0x4cd: {  	[tilespmem:$0x5718] =	vst v0  }
0x4ce: {  	[tilespmem:$0x5708] =	vst v0  }
0x4cf: {  	[tilespmem:$0x56F8] =	vst v0  }
0x4d0: {  	[tilespmem:$0x56E8] =	vst v0  }
0x4d1: {  	[tilespmem:$0x56D8] =	vst v0  }
0x4d2: {  	[tilespmem:$0x56C8] =	vst v0  }
0x4d3: {  	[tilespmem:$0x56B8] =	vst v0  }
0x4d4: {  	[tilespmem:$0x56A8] =	vst v0  }
0x4d5: {  	[tilespmem:$0x5698] =	vst v0  }
0x4d6: {  	[tilespmem:$0x5688] =	vst v0  }
0x4d7: {  	[tilespmem:$0x5678] =	vst v0  }
0x4d8: {  	[tilespmem:$0x5668] =	vst v0  }
0x4d9: {  	[tilespmem:$0x5658] =	vst v0  }
0x4da: {  	[tilespmem:$0x5648] =	vst v0  }
0x4db: {  	[tilespmem:$0x5638] =	vst v0  }
0x4dc: {  	[tilespmem:$0x5628] =	vst v0  }
0x4dd: {  	[tilespmem:$0x5618] =	vst v0  }
0x4de: {  	[tilespmem:$0x5608] =	vst v0  }
0x4df: {  	[tilespmem:$0x55F8] =	vst v0  }
0x4e0: {  	[tilespmem:$0x55E8] =	vst v0  }
0x4e1: {  	[tilespmem:$0x55D8] =	vst v0  }
0x4e2: {  	[tilespmem:$0x55C8] =	vst v0  }
0x4e3: {  	[tilespmem:$0x55B8] =	vst v0  }
0x4e4: {  	[tilespmem:$0x55A8] =	vst v0  }
0x4e5: {  	[tilespmem:$0x5598] =	vst v0  }
0x4e6: {  	[tilespmem:$0x5588] =	vst v0  }
0x4e7: {  	[tilespmem:$0x5578] =	vst v0  }
0x4e8: {  	[tilespmem:$0x5568] =	vst v0  }
0x4e9: {  	[tilespmem:$0x5558] =	vst v0  }
0x4ea: {  	[tilespmem:$0x5548] =	vst v0  }
0x4eb: {  	[tilespmem:$0x5538] =	vst v0  }
0x4ec: {  	[tilespmem:$0x5528] =	vst v0  }
0x4ed: {  	[tilespmem:$0x5518] =	vst v0  }
0x4ee: {  	[tilespmem:$0x5508] =	vst v0  }
0x4ef: {  	[tilespmem:$0x54F8] =	vst v0  }
0x4f0: {  	[tilespmem:$0x54E8] =	vst v0  }
0x4f1: {  	[tilespmem:$0x54D8] =	vst v0  }
0x4f2: {  	[tilespmem:$0x54C8] =	vst v0  }
0x4f3: {  	[tilespmem:$0x54B8] =	vst v0  }
0x4f4: {  	[tilespmem:$0x54A8] =	vst v0  }
0x4f5: {  	[tilespmem:$0x5498] =	vst v0  }
0x4f6: {  	[tilespmem:$0x5488] =	vst v0  }
0x4f7: {  	[tilespmem:$0x5478] =	vst v0  }
0x4f8: {  	[tilespmem:$0x5468] =	vst v0  }
0x4f9: {  	[tilespmem:$0x5458] =	vst v0  }
0x4fa: {  	[tilespmem:$0x5448] =	vst v0  }
0x4fb: {  	[tilespmem:$0x5438] =	vst v0  }
0x4fc: {  	[tilespmem:$0x5428] =	vst v0  }
0x4fd: {  	[tilespmem:$0x5418] =	vst v0  }
0x4fe: {  	[tilespmem:$0x5408] =	vst v0  }
0x4ff: {  	[tilespmem:$0x53F8] =	vst v0  }
0x500: {  	[tilespmem:$0x53E8] =	vst v0  }
0x501: {  	[tilespmem:$0x53D8] =	vst v0  }
0x502: {  	[tilespmem:$0x53C8] =	vst v0  }
0x503: {  	[tilespmem:$0x53B8] =	vst v0  }
0x504: {  	[tilespmem:$0x53A8] =	vst v0  }
0x505: {  	[tilespmem:$0x5398] =	vst v0  }
0x506: {  	[tilespmem:$0x5388] =	vst v0  }
0x507: {  	[tilespmem:$0x5378] =	vst v0  }
0x508: {  	[tilespmem:$0x5368] =	vst v0  }
0x509: {  	[tilespmem:$0x5358] =	vst v0  }
0x50a: {  	[tilespmem:$0x5348] =	vst v0  }
0x50b: {  	[tilespmem:$0x5338] =	vst v0  }
0x50c: {  	[tilespmem:$0x5328] =	vst v0  }
0x50d: {  	[tilespmem:$0x5318] =	vst v0  }
0x50e: {  	[tilespmem:$0x5308] =	vst v0  }
0x50f: {  	[tilespmem:$0x52F8] =	vst v0  }
0x510: {  	[tilespmem:$0x52E8] =	vst v0  }
0x511: {  	[tilespmem:$0x52D8] =	vst v0  }
0x512: {  	[tilespmem:$0x52C8] =	vst v0  }
0x513: {  	[tilespmem:$0x52B8] =	vst v0  }
0x514: {  	[tilespmem:$0x52A8] =	vst v0  }
0x515: {  	[tilespmem:$0x5298] =	vst v0  }
0x516: {  	[tilespmem:$0x5288] =	vst v0  }
0x517: {  	[tilespmem:$0x5278] =	vst v0  }
0x518: {  	[tilespmem:$0x5268] =	vst v0  }
0x519: {  	[tilespmem:$0x5258] =	vst v0  }
0x51a: {  	[tilespmem:$0x5248] =	vst v0  }
0x51b: {  	[tilespmem:$0x5238] =	vst v0  }
0x51c: {  	[tilespmem:$0x5228] =	vst v0  }
0x51d: {  	[tilespmem:$0x5218] =	vst v0  }
0x51e: {  	[tilespmem:$0x5208] =	vst v0  }
0x51f: {  	[tilespmem:$0x51F8] =	vst v0  }
0x520: {  	[tilespmem:$0x51E8] =	vst v0  }
0x521: {  	[tilespmem:$0x51D8] =	vst v0  }
0x522: {  	[tilespmem:$0x51C8] =	vst v0  }
0x523: {  	[tilespmem:$0x51B8] =	vst v0  }
0x524: {  	[tilespmem:$0x51A8] =	vst v0  }
0x525: {  	[tilespmem:$0x5198] =	vst v0  }
0x526: {  	[tilespmem:$0x5188] =	vst v0  }
0x527: {  	[tilespmem:$0x5178] =	vst v0  }
0x528: {  	[tilespmem:$0x5168] =	vst v0  }
0x529: {  	[tilespmem:$0x5158] =	vst v0  }
0x52a: {  	[tilespmem:$0x5148] =	vst v0  }
0x52b: {  	[tilespmem:$0x5138] =	vst v0  }
0x52c: {  	[tilespmem:$0x5128] =	vst v0  }
0x52d: {  	[tilespmem:$0x5118] =	vst v0  }
0x52e: {  	[tilespmem:$0x5108] =	vst v0  }
0x52f: {  	[tilespmem:$0x50F8] =	vst v0  }
0x530: {  	[tilespmem:$0x50E8] =	vst v0  }
0x531: {  	[tilespmem:$0x50D8] =	vst v0  }
0x532: {  	[tilespmem:$0x50C8] =	vst v0  }
0x533: {  	[tilespmem:$0x50B8] =	vst v0  }
0x534: {  	[tilespmem:$0x50A8] =	vst v0  }
0x535: {  	[tilespmem:$0x5098] =	vst v0  }
0x536: {  	[tilespmem:$0x5088] =	vst v0  }
0x537: {  	[tilespmem:$0x5078] =	vst v0  }
0x538: {  	[tilespmem:$0x5068] =	vst v0  }
0x539: {  	[tilespmem:$0x5058] =	vst v0  }
0x53a: {  	[tilespmem:$0x5048] =	vst v0  }
0x53b: {  	[tilespmem:$0x5038] =	vst v0  }
0x53c: {  	[tilespmem:$0x5028] =	vst v0  }
0x53d: {  	[tilespmem:$0x5018] =	vst v0  }
0x53e: {  	[tilespmem:$0x5008] =	vst v0  }
0x53f: {  	[tilespmem:$0x4FF8] =	vst v0  }
0x540: {  	[tilespmem:$0x4FE8] =	vst v0  }
0x541: {  	[tilespmem:$0x4FD8] =	vst v0  }
0x542: {  	[tilespmem:$0x4FC8] =	vst v0  }
0x543: {  	[tilespmem:$0x4FB8] =	vst v0  }
0x544: {  	[tilespmem:$0x4FA8] =	vst v0  }
0x545: {  	[tilespmem:$0x4F98] =	vst v0  }
0x546: {  	[tilespmem:$0x4F88] =	vst v0  }
0x547: {  	[tilespmem:$0x4F78] =	vst v0  }
0x548: {  	[tilespmem:$0x4F68] =	vst v0  }
0x549: {  	[tilespmem:$0x4F58] =	vst v0  }
0x54a: {  	[tilespmem:$0x4F48] =	vst v0  }
0x54b: {  	[tilespmem:$0x4F38] =	vst v0  }
0x54c: {  	[tilespmem:$0x4F28] =	vst v0  }
0x54d: {  	[tilespmem:$0x4F18] =	vst v0  }
0x54e: {  	[tilespmem:$0x4F08] =	vst v0  }
0x54f: {  	[tilespmem:$0x4EF8] =	vst v0  }
0x550: {  	[tilespmem:$0x4EE8] =	vst v0  }
0x551: {  	[tilespmem:$0x4ED8] =	vst v0  }
0x552: {  	[tilespmem:$0x4EC8] =	vst v0  }
0x553: {  	[tilespmem:$0x4EB8] =	vst v0  }
0x554: {  	[tilespmem:$0x4EA8] =	vst v0  }
0x555: {  	[tilespmem:$0x4E98] =	vst v0  }
0x556: {  	[tilespmem:$0x4E88] =	vst v0  }
0x557: {  	[tilespmem:$0x4E78] =	vst v0  }
0x558: {  	[tilespmem:$0x4E68] =	vst v0  }
0x559: {  	[tilespmem:$0x4E58] =	vst v0  }
0x55a: {  	[tilespmem:$0x4E48] =	vst v0  }
0x55b: {  	[tilespmem:$0x4E38] =	vst v0  }
0x55c: {  	[tilespmem:$0x4E28] =	vst v0  }
0x55d: {  	[tilespmem:$0x4E18] =	vst v0  }
0x55e: {  	[tilespmem:$0x4E08] =	vst v0  }
0x55f: {  	[tilespmem:$0x4DF8] =	vst v0  }
0x560: {  	[tilespmem:$0x4DE8] =	vst v0  }
0x561: {  	[tilespmem:$0x4DD8] =	vst v0  }
0x562: {  	[tilespmem:$0x4DC8] =	vst v0  }
0x563: {  	[tilespmem:$0x4DB8] =	vst v0  }
0x564: {  	[tilespmem:$0x4DA8] =	vst v0  }
0x565: {  	[tilespmem:$0x4D98] =	vst v0  }
0x566: {  	[tilespmem:$0x4D88] =	vst v0  }
0x567: {  	s7 =	stileid.u32;
	s2 =	simm.s32 $0x14E0;
	s8 =	simm.s32 $0x2;
	[tilespmem:$0x4D78] =	vst v0  }
0x568: {  	s28 =	simm.s32 $0x9;
	s29 =	simm.s32 $0xA;
	s3 =	simm.s32 $0xB;
	[tilespmem:$0x4D68] =	vst v0  }
0x569: {  	p1 =	por $0x0, $0x0;
	s19 =	simm.s32 $0x80;
	s20 =	simm.s32 $0x400;
	[tilespmem:$0x4D48] =	vst v0  }
0x56a: {  	s18 =	simm.s32 $0xC;
	s22 =	simm.s32 $0x0;
	s24 =	simm.s32 $0x0;
	[tilespmem:$0x4D38] =	vst v0  }
0x56b: {  	s25 =	smul.u32 $0xA6, s7;
	s4 =	sadd.s32 $0x17600, s5;
	s1 =	smin.u32 s7, $0x4;
	[tilespmem:$0x4D18] =	vst v0  }
0x56c: {  	p0 =	slt.u32 s7, $0x4;
	s26 =	sand.u32 $0x1, s6;
	s30 =	smul.u32 $0x1500, s7;
	[tilespmem:$0x4D08] =	vst v0  }
0x56d: {  	s2 =	simm.s32 @!p0 $0x14C0;
	[tilespmem:$0x4CE8] =	vst v0;
	[sflag:s8] =	ssyncpa.u1 $0x0;
	s0 =	sadd.s32 s1, s25  }
0x56e: {  	v0 =	vimm.s32 $0xFFFFFFFF;
	[dreg:$0x4] =	wrdreg s26;
	s1 =	smul.u32 $0x2990, s26;
	s12 =	sshll.u32 s0, $0x5  }
0x56f: {  	[tilespmem:$0xB288] =	vst v0;
	[sflag:s28] =	ssyncpa.u1 $0x0;
	s17 =	sshrl.u32 s30, $0x2;
	s0 =	sadd.s32 s2, s12  }
0x570: {  	s25 =	simm.s32 $0x0;
	[sflag:s29] =	ssyncpa.u1 $0x0;
	s10 =	smin.u32 s0, $0x14C80  }
.Ltmp0:
0x571: {  	s1 =	sadd.s32 s1, s5;
	s0 =	ssub.s32 s10, s12;
	(pc) =	sbr.rel .LBB2_1-.Ltmp0, $4  }
0x572: {  	s5 =	sadd.s32 $0x21D9200, s5;
	[sflag:s3] =	ssyncpa.u1 $0x0;
	p0 =	sgt.s32 s0, $0x0  }
0x573: {  	s23 =	smov.u32 s12;
	s31 =	sadd.s32 $0x2600, s1;
	s0 =	simm.s32 @!p0 $0x0  }
0x574: {  	s21 =	sadd.s32 $0x7A00, s1;
	[dreg:$0x5] =	wrdreg s31;
	s14 =	sshrl.u32 s0, $0x5  }
0x575: {  	v0 =	vlaneseq.u32;
	p0 =	por $0x1, $0x1;
	s15 =	sadd.s32 $0x1, s14;
	[dreg:$0x6] =	wrdreg s14  }
.LBB2_28:
0x576: {  	s1 =	sshrl.u32 s1, $0x2  }
.LBB2_30:
0x577: {  	_ =	swait.ge [sflag:s18], s1  }
0x578: {  	s31 =	ssub.s32 $0x0, s1;
	v1 =	vmov s28;
	vm0 =	veq.s32 v0, $0x0;
	[sflag:s18] =	ssyncset.done $0x0  }
0x579: {  	vm15 =	veq.s32 v0, $0x2;
	v1 =	vsel vm0, s0, v1;
	[sflag:s18] =	ssyncadd.s32 s31  }
0x57a: {  	v1 =	vsel vm15, s25, v1;
	[sflag:s18] =	ssyncpa.u1 $0x1  }
0x57b: {  	[tilespmem:$0xB288] =	vst v1  }
.LBB2_31:
0x57c: {  	s0 =	sadd.s32 $0x20, s23  }
0x57d: {  	s1 =	smov.u32 s12;
	p2 =	slt.s32 s0, s10  }
0x57e: {  	s1 =	smov.u32 @p2 s0;
	p2 =	sne.s32 s24, s15  }
.Ltmp1:
0x57f: {  	_ = 	snop;
	(pc) =	sbr.rel @!p2 .LBB2_32-.Ltmp1, $4  }
0x580: {  	_ = 	snop  }
0x581: {  	s25 =	smov.u32 s22  }
0x582: {  	s31 =	sadd.s32 $0x1, s24;
	s22 =	smov.u32 s23;
	p0 =	por !p0, !p0  }
0x583: {  	p1 =	por !p1, !p1;
	s24 =	smov.u32 s31;
	s23 =	smov.u32 s1  }
.LBB2_1:
0x584: {  	p2 =	sge.u32 s24, s14  }
0x585: {  	s0 =	smov.u32 s23;
	p3 =	sgt.s32 @!p2 s23, $0x14C60  }
0x586: {  	s1 =	sshra.s32 @!p2 s23, $0x1F;
	s2 =	smulhi.u32 @!p2 $0xAAAAAAAB, s24;
	p3 =	por !p3, p2  }
0x587: {  	s1 =	sand.u32 @!p2 s1, s23;
	s0 =	simm.s32 @p3 $0x14C60  }
0x588: {  	s0 =	ssub.s32 @!p2 s0, s1;
	s1 =	sshrl.u32 @!p2 s2, $0x1  }
0x589: {  	s0 =	sadd.s32 @!p2 $0xFFFEB3A0, s0;
	s1 =	smul.u32 @!p2 $0x3, s1  }
0x58a: {  	s6 =	sand.u32 @!p2 $0x7, s23;
	s2 =	sshll.u32 @!p2 s0, $0x2;
	p3 =	sgt.s32 @!p2 s0, $0x1F  }
0x58b: {  	s0 =	ssub.s32 @!p2 $0x80, s2;
	s1 =	ssub.s32 @!p2 s24, s1;
	p3 =	por !p3, p2  }
0x58c: {  	s2 =	sshrl.u32 @!p2 s23, $0x3;
	s0 =	sshrl.u32 @!p2 s0, $0x2;
	s1 =	sshll.u32 @!p2 s1, $0x5  }
0x58d: {  	s2 =	sadd.s32 @!p2 s2, s21;
	s0 =	simm.s32 @!p3 $0x0;
	s1 =	sadd.s32 @!p2 $0x106C8, s1  }
0x58e: {  	[tilespmem:s1], [sflag:$0xA] =	stream.linear.gather @!p2 [hbm4b:s2+s6], s0, $0x38;
	[tilespmem:$0x1C768] =	vst v63  }
0x58f: {  	s0 =	sadd.s32 $0xFFFFFFFF, s24  }
0x590: {  	p2 =	slt.u32 s0, s14  }
.Ltmp2:
0x591: {  	_ = 	snop;
	(pc) =	sbr.rel @!p2 .LBB2_7-.Ltmp2, $1  }
0x592: {  	_ =	sdelay $0x3  }
0x593: {  	p2 =	sgt.s32 s22, $0x14C60;
	s1 =	smov.u32 s22;
	s2 =	sshra.s32 s22, $0x1F  }
0x594: {  	s1 =	simm.s32 @!p2 $0x14C60;
	s2 =	sand.u32 s2, s22  }
0x595: {  	s3 =	smulhi.u32 $0xAAAAAAAB, s0;
	s1 =	ssub.s32 s1, s2  }
0x596: {  	s1 =	sadd.s32 $0xFFFEB3A0, s1  }
0x597: {  	s2 =	sshrl.u32 s3, $0x1;
	s6 =	sshll.u32 s1, $0x2  }
0x598: {  	s7 =	sand.u32 $0x1, s0;
	s2 =	smul.u32 $0x3, s2;
	s6 =	ssub.s32 $0x80, s6  }
0x599: {  	s11 =	sshrl.u32 s22, $0x3;
	p2 =	sgt.s32 s1, $0x1F;
	s1 =	sshrl.u32 s6, $0x2  }
0x59a: {  	s3 =	simm.s32 $0xA;
	s8 =	ssub.s32 s0, s2;
	s1 =	simm.s32 @p2 $0x0  }
0x59b: {  	s6 =	sshll.u32 s7, $0x5;
	s7 =	sand.u32 $0x7, s22;
	_ =	swait.ge [sflag:s3], s1  }
0x59c: {  	s9 =	ssub.s32 $0x0, s1;
	[sflag:s3] =	ssyncset.done $0x0;
	s13 =	rddreg [dreg:$0x5]  }
0x59d: {  	s6 =	sadd.s32 $0x10728, s6;
	[sflag:s3] =	ssyncadd.s32 s9;
	s2 =	sadd.s32 s11, s13  }
0x59e: {  	[tilespmem:s6], [sflag:$0xB] =	stream.linear.gather [hbm4b:s2+s7], s1, $0x38;
	[tilespmem:$0x1C768] =	vst v63  }
0x59f: {  	s1 =	sshll.u32 s8, $0x5  }
0x5a0: {  	v1 =	vld.msk [tilespmem:s1+$0x106C8], $0xffff;
	_ =	sdelay $0x3  }
0x5a1: {  	s16 =	simm.s32 $0x0  }
0x5a2: {  	(v2sf) =	vpush v1, s16;
	_ =	sdelay $0x5  }
0x5a3: {  	s26 =	simm.s32 $0x1  }
0x5a4: {  	(v2sf) =	vpush v1, s26;
	_ =	sdelay $0x4  }
0x5a5: {  	s31 =	simm.s32 $0x2  }
0x5a6: {  	(v2sf) =	vpush v1, s31  }
0x5a7: {  	s8 =	simm.s32 $0x3  }
0x5a8: {  	s28 =	spop (v2sf);
	(v2sf) =	vpush v1, s8;
	_ =	sdelay $0x1  }
0x5a9: {  	s2 =	simm.s32 $0x1;
	s29 =	sshrl.u32 s28, $0x3  }
0x5aa: {  	s2 =	simm.s32 @!p0 $0x0;
	s0 =	sshll.u32 s28, $0x7;
	s6 =	smul.u32 $0x1800, s29  }
0x5ab: {  	s2 =	smul.u32 $0x18000, s2;
	s0 =	sand.u32 $0x380, s0  }
0x5ac: {  	s0 =	sor.u32 s0, s6  }
0x5ad: {  	s30 =	sshrl.u32 s2, $0x2;
	s0 =	sshrl.u32 s0, $0x3  }
0x5ae: {  	s2 =	sor.u32 $0x10768, s30;
	s7 =	spop (v2sf);
	s0 =	sadd.s32 s5, s0  }
0x5af: {  	[tilespmem:s2], [sflag:$0x9] =	stream.strided.gather [hbm4b:s0+s19], $0x300, s20, s19, $0x38;
	[tilespmem:$0x1C768] =	vst v63  }
0x5b0: {  	s8 =	sshrl.u32 s7, $0x3;
	s6 =	simm.s32 $0x4;
	s0 =	sadd.s32 $0x13768, s30  }
.LBB2_3:
0x5b1: {  	(v2sf) =	vpush v1, s6;
	s8 =	smul.u32 $0x1800, s8;
	s7 =	sshll.u32 s7, $0x7;
	p2 =	seq.s32 s6, $0xF  }
.Ltmp3:
0x5b2: {  	s6 =	sadd.s32 $0x1, s6;
	s7 =	sand.u32 $0x380, s7;
	(pc) =	sbr.rel @!p2 .LBB2_3-.Ltmp3, $4  }
0x5b3: {  	s8 =	sor.u32 s7, s8  }
0x5b4: {  	s7 =	spop (v2sf);
	s11 =	sshrl.u32 s8, $0x3  }
0x5b5: {  	s2 =	sadd.s32 $0x300, s2;
	s8 =	sshrl.u32 s7, $0x3;
	s11 =	sadd.s32 s5, s11  }
0x5b6: {  	[tilespmem:s2], [sflag:$0x9] =	stream.strided.gather [hbm4b:s11+s19], $0x300, s20, s19, $0x38;
	[tilespmem:$0x1C768] =	vst v63  }
0x5b7: {  	s6 =	smul.u32 $0x1800, s8;
	s7 =	sshll.u32 s7, $0x7  }
0x5b8: {  	s7 =	sand.u32 $0x380, s7  }
0x5b9: {  	s31 =	spop (v2sf);
	s2 =	sadd.s32 $0x300, s2;
	s6 =	sor.u32 s7, s6  }
0x5ba: {  	s3 =	sshrl.u32 s31, $0x3;
	s7 =	sshll.u32 s31, $0x7;
	s6 =	sshrl.u32 s6, $0x3  }
0x5bb: {  	s8 =	smul.u32 $0x1800, s3;
	s7 =	sand.u32 $0x380, s7;
	s6 =	sadd.s32 s5, s6  }
0x5bc: {  	[tilespmem:s2], [sflag:$0x9] =	stream.strided.gather [hbm4b:s6+s19], $0x300, s20, s19, $0x38;
	[tilespmem:$0x1C768] =	vst v63  }
0x5bd: {  	s6 =	sor.u32 s7, s8  }
0x5be: {  	s6 =	sshrl.u32 s6, $0x3  }
0x5bf: {  	s2 =	sadd.s32 $0x300, s2;
	s6 =	sadd.s32 s5, s6  }
0x5c0: {  	[tilespmem:s2], [sflag:$0x9] =	stream.strided.gather [hbm4b:s6+s19], $0x300, s20, s19, $0x38;
	[tilespmem:$0x1C768] =	vst v63  }
0x5c1: {  	s9 =	spop (v2sf)  }
0x5c2: {  	s11 =	sshrl.u32 s9, $0x3  }
0x5c3: {  	s7 =	sshll.u32 s9, $0x7;
	s13 =	smul.u32 $0x1800, s11  }
0x5c4: {  	s7 =	sand.u32 $0x380, s7  }
0x5c5: {  	s6 =	sor.u32 s7, s13  }
0x5c6: {  	s6 =	sshrl.u32 s6, $0x3  }
0x5c7: {  	s2 =	sadd.s32 $0x300, s2;
	s6 =	sadd.s32 s5, s6  }
0x5c8: {  	[tilespmem:s2], [sflag:$0x9] =	stream.strided.gather [hbm4b:s6+s19], $0x300, s20, s19, $0x38;
	[tilespmem:$0x1C768] =	vst v63  }
0x5c9: {  	v1 =	vld.msk [tilespmem:s1+$0x106D8], $0xffff;
	_ =	sdelay $0x3  }
0x5ca: {  	s16 =	simm.s32 $0x0  }
0x5cb: {  	(v2sf) =	vpush v1, s16;
	_ =	sdelay $0x7  }
0x5cc: {  	s26 =	simm.s32 $0x1  }
0x5cd: {  	(v2sf) =	vpush v1, s26;
	_ =	sdelay $0x4  }
0x5ce: {  	s30 =	simm.s32 $0x2  }
0x5cf: {  	s28 =	spop (v2sf);
	(v2sf) =	vpush v1, s30  }
0x5d0: {  	s31 =	simm.s32 $0x3  }
0x5d1: {  	(v2sf) =	vpush v1, s31;
	_ =	sdelay $0x1  }
0x5d2: {  	s29 =	sshrl.u32 s28, $0x3  }
0x5d3: {  	s1 =	sshll.u32 s28, $0x7;
	s2 =	smul.u32 $0x1800, s29  }
0x5d4: {  	s1 =	sand.u32 $0x380, s1  }
0x5d5: {  	s1 =	sor.u32 s1, s2  }
0x5d6: {  	s1 =	sshrl.u32 s1, $0x3  }
0x5d7: {  	s2 =	spop (v2sf);
	s1 =	sadd.s32 s5, s1  }
0x5d8: {  	[tilespmem:s0], [sflag:$0x9] =	stream.strided.gather [hbm4b:s1+s19], $0x300, s20, s19, $0x38;
	[tilespmem:$0x1C768] =	vst v63  }
0x5d9: {  	s6 =	sshrl.u32 s2, $0x3;
	s1 =	simm.s32 $0x4  }
.LBB2_5:
0x5da: {  	(v2sf) =	vpush v1, s1;
	s6 =	smul.u32 $0x1800, s6;
	s2 =	sshll.u32 s2, $0x7;
	p2 =	seq.s32 s1, $0xF  }
.Ltmp4:
0x5db: {  	s1 =	sadd.s32 $0x1, s1;
	s2 =	sand.u32 $0x380, s2;
	(pc) =	sbr.rel @!p2 .LBB2_5-.Ltmp4, $4  }
0x5dc: {  	s6 =	sor.u32 s2, s6  }
0x5dd: {  	s2 =	spop (v2sf);
	s7 =	sshrl.u32 s6, $0x3  }
0x5de: {  	s0 =	sadd.s32 $0x300, s0;
	s6 =	sshrl.u32 s2, $0x3;
	s7 =	sadd.s32 s5, s7  }
0x5df: {  	[tilespmem:s0], [sflag:$0x9] =	stream.strided.gather [hbm4b:s7+s19], $0x300, s20, s19, $0x38;
	[tilespmem:$0x1C768] =	vst v63  }
0x5e0: {  	s1 =	smul.u32 $0x1800, s6;
	s2 =	sshll.u32 s2, $0x7  }
0x5e1: {  	s2 =	sand.u32 $0x380, s2  }
0x5e2: {  	s16 =	spop (v2sf);
	s0 =	sadd.s32 $0x300, s0;
	s1 =	sor.u32 s2, s1  }
0x5e3: {  	s26 =	sshrl.u32 s16, $0x3;
	s2 =	sshll.u32 s16, $0x7;
	s1 =	sshrl.u32 s1, $0x3  }
0x5e4: {  	s28 =	smul.u32 $0x1800, s26;
	s2 =	sand.u32 $0x380, s2;
	s1 =	sadd.s32 s5, s1  }
0x5e5: {  	[tilespmem:s0], [sflag:$0x9] =	stream.strided.gather [hbm4b:s1+s19], $0x300, s20, s19, $0x38;
	[tilespmem:$0x1C768] =	vst v63  }
0x5e6: {  	s1 =	sor.u32 s2, s28  }
0x5e7: {  	s1 =	sshrl.u32 s1, $0x3  }
0x5e8: {  	s0 =	sadd.s32 $0x300, s0;
	s1 =	sadd.s32 s5, s1  }
0x5e9: {  	[tilespmem:s0], [sflag:$0x9] =	stream.strided.gather [hbm4b:s1+s19], $0x300, s20, s19, $0x38;
	[tilespmem:$0x1C768] =	vst v63  }
0x5ea: {  	s29 =	spop (v2sf)  }
0x5eb: {  	s30 =	sshrl.u32 s29, $0x3  }
0x5ec: {  	s2 =	sshll.u32 s29, $0x7;
	s31 =	smul.u32 $0x1800, s30  }
0x5ed: {  	s2 =	sand.u32 $0x380, s2  }
0x5ee: {  	s1 =	sor.u32 s2, s31  }
0x5ef: {  	s1 =	sshrl.u32 s1, $0x3  }
0x5f0: {  	s0 =	sadd.s32 $0x300, s0;
	s1 =	sadd.s32 s5, s1  }
0x5f1: {  	[tilespmem:s0], [sflag:$0x9] =	stream.strided.gather [hbm4b:s1+s19], $0x300, s20, s19, $0x38;
	[tilespmem:$0x1C768] =	vst v63  }
.LBB2_7:
0x5f2: {  	p2 =	slt.u32 s24, $0x2  }
.Ltmp5:
0x5f3: {  	_ = 	snop;
	(pc) =	sbr.rel @p2 .LBB2_31-.Ltmp5, $1  }
0x5f4: {  	_ =	sdelay $0x3  }
0x5f5: {  	p2 =	sgt.s32 s25, $0x14C60;
	s0 =	smov.u32 s25;
	s1 =	sshra.s32 s25, $0x1F  }
0x5f6: {  	s0 =	simm.s32 @!p2 $0x14C60;
	s1 =	sand.u32 s1, s25  }
0x5f7: {  	s0 =	ssub.s32 s0, s1  }
0x5f8: {  	s0 =	sadd.s32 $0xFFFEB3A0, s0  }
0x5f9: {  	s2 =	simm.s32 $0x9;
	s29 =	sshll.u32 s0, $0x2  }
0x5fa: {  	_ =	swait.ge [sflag:s2], $0x6000;
	s1 =	ssub.s32 $0x80, s29  }
0x5fb: {  	[sflag:s2] =	ssyncset.done $0x0;
	p2 =	sgt.s32 s0, $0x1F;
	s0 =	sshrl.u32 s1, $0x2  }
0x5fc: {  	s30 =	simm.s32 $0xB;
	[sflag:s2] =	ssyncadd.s32 $0xFFFFA000;
	s0 =	simm.s32 @p2 $0x0  }
0x5fd: {  	_ =	swait.ge [sflag:s30], s0  }
0x5fe: {  	s0 =	ssub.s32 $0x0, s0;
	[sflag:s30] =	ssyncset.done $0x0  }
0x5ff: {  	[sflag:s30] =	ssyncadd.s32 s0  }
0x600: {  	v1 =	vld [tilespmem:$0xB288];
	_ =	sdelay $0x4  }
0x601: {  	(v2sf) =	vpush v1, $0x0  }
0x602: {  	(v2sf) =	vpush v1, $0x1  }
0x603: {  	(v2sf) =	vpush v1, $0x2;
	_ =	sdelay $0x3  }
0x604: {  	s0 =	sadd.s32 $0x20, s25  }
0x605: {  	s6 =	ssub.s32 $0x29900, s25;
	p2 =	slt.s32 s10, s0  }
0x606: {  	s0 =	smov.u32 @p2 s10;
	p2 =	sgt.s32 s6, $0x0  }
0x607: {  	s26 =	ssub.s32 s0, s25;
	s6 =	simm.s32 @!p2 $0x0  }
0x608: {  	p2 =	slt.s32 s6, s26  }
0x609: {  	s26 =	smov.u32 @p2 s6  }
0x60a: {  	p2 =	slt.s32 s26, $0x1  }
.Ltmp6:
0x60b: {  	_ = 	snop;
	(pc) =	sbr.rel @p2 .LBB2_12-.Ltmp6, $4  }
0x60c: {  	s2 =	simm.s32 $0x1  }
0x60d: {  	s2 =	simm.s32 @!p1 $0x0;
	s1 =	spop (v2sf)  }
0x60e: {  	s31 =	sshll.u32 s2, $0x5;
	s6 =	spop (v2sf)  }
0x60f: {  	s0 =	sadd.s32 $0x10728, s31;
	s25 =	spop (v2sf)  }
0x610: {  	s7 =	smin.u32 s26, $0x10  }
0x611: {  	v1 =	vmov s7  }
0x612: {  	vm1 =	vgt.u32 v1, v0;
	_ =	sdelay $0x1  }
0x613: {  	p3 =	sgt.s32 s26, $0x10  }
.Ltmp7:
0x614: {  	_ = 	snop;
	(pc) =	sbr.rel @!p3 .LBB2_11-.Ltmp7, $3  }
0x615: {  	_ =	sdelay $0x1  }
0x616: {  	v1 =	vld.msk [tilespmem:s0+$0x0 ss:$0x1], vm1  }
0x617: {  	s16 =	simm.s32 $0x10;
	s28 =	sadd.s32 $0xFFFFFFF0, s26;
	s7 =	smov.u32 s0;
	vm0 =	vmmov vm1  }
.LBB2_10:
0x618: {  	s8 =	smin.u32 s28, $0x10;
	s16 =	sadd.s32 $0x10, s16  }
0x619: {  	v2 =	vmov s8;
	p3 =	slt.s32 s16, s26  }
0x61a: {  	vm1 =	vgt.u32 v2, v0  }
0x61b: {  	v2 =	vshrl.u32 v1, $0x3  }
0x61c: {  	v1 =	vshll.u32 v1, $0x4;
	v2 =	vmul.u32 $0x300, v2  }
0x61d: {  	v1 =	vand.u32 $0x70, v1  }
.Ltmp8:
0x61e: {  	v1 =	vor.u32 v1, v2;
	(pc) =	sbr.rel @p3 .LBB2_10-.Ltmp8, $3  }
0x61f: {  	[tilespmem:s7+$0x0] =	vst.msk vm0, v1;
	s7 =	sadd.s32 $0x10, s7;
	vm0 =	vmmov vm1  }
0x620: {  	v1 =	vld.msk [tilespmem:s7+$0x0 ss:$0x1], vm1;
	_ =	sdelay $0x1  }
0x621: {  	s28 =	sadd.s32 $0xFFFFFFF0, s28  }
.LBB2_11:
0x622: {  	_ =	sdelay $0x2  }
0x623: {  	v2 =	vshrl.u32 v1, $0x3  }
0x624: {  	v1 =	vshll.u32 v1, $0x4;
	v2 =	vmul.u32 $0x300, v2  }
0x625: {  	v1 =	vand.u32 $0x70, v1  }
0x626: {  	v1 =	vor.u32 v1, v2  }
0x627: {  	[tilespmem:s7+$0x0] =	vst.msk vm0, v1  }
.LBB2_12:
0x628: {  	s7 =	sand.u32 $0x1, s24  }
0x629: {  	p3 =	sne.s32 s6, $0xFFFFFFFF;
	s7 =	sshll.u32 s7, $0x5  }
0x62a: {  	v1 =	vld.msk @!p3 [tilespmem:s7+$0x10728], $0x1;
	_ =	sdelay $0x4  }
0x62b: {  	(v2sf) =	vpush @!p3 v1, $0x0;
	_ =	sdelay $0xc  }
.Ltmp9:
0x62c: {  	_ = 	snop;
	(pc) =	sbr.rel @p2 .LBB2_29-.Ltmp9, $4  }
0x62d: {  	_ = 	snop  }
0x62e: {  	s31 =	spop @!p3 (v2sf)  }
0x62f: {  	s25 =	simm.s32 @!p3 $0x0;
	s28 =	smov.u32 s31  }
0x630: {  	[sflag:s18] =	ssyncpa.u1 $0x0;
	s31 =	smov.u32 @p3 s1;
	s28 =	smov.u32 @p3 s6  }
0x631: {  	v1 =	vld.msk [tilespmem:s0+$0x0], $0x1;
	_ =	sdelay $0x4  }
0x632: {  	(v2sf) =	vpush v1, $0x0;
	_ =	sdelay $0xe  }
0x633: {  	s14 =	smov.u32 s10;
	s10 =	smov.u32 s15;
	s1 =	spop (v2sf)  }
0x634: {  	s2 =	smul.u32 $0x18000, s2;
	s29 =	simm.s32 $0x0;
	p2 =	seq.s32 s31, s1  }
0x635: {  	s3 =	smov.u32 s12;
	p3 =	sgt.s32 @!p2 s31, $0x0;
	s6 =	smul.u32 @!p2 $0xA80, s29  }
0x636: {  	s8 =	smov.u32 s31;
	s2 =	sshrl.u32 s2, $0x2;
	p3 =	por !p3, p2  }
0x637: {  	s30 =	sor.u32 $0x10768, s2;
	s8 =	simm.s32 @p3 $0x0;
	s12 =	sshra.s32 @!p2 s6, $0x2  }
0x638: {  	s8 =	smin.u32 @!p2 s8, $0xEFD7C;
	s2 =	sadd.s32 @!p2 $0x5BE8, s12;
	s11 =	sadd.s32 @!p2 $0x5C68, s12  }
0x639: {  	s6 =	sand.u32 @!p2 $0xFFFF8, s8;
	s16 =	sadd.s32 @!p2 $0x80, s8;
	s13 =	sadd.s32 @!p2 $0x100, s8  }
0x63a: {  	s15 =	sadd.s32 @!p2 s4, s6;
	s6 =	sand.u32 @!p2 $0x7, s8;
	s16 =	sand.u32 @!p2 $0x1FFFF8, s16  }
0x63b: {  	[tilespmem:s2], [sflag:$0x2] =	stream.linear.gather @!p2 [hbm4b:s15+s6], $0x80, $0x38;
	[tilespmem:$0x1C768] =	vst v63  }
0x63c: {  	s13 =	sand.u32 @!p2 $0x1FFFF8, s13;
	s2 =	sadd.s32 @!p2 s4, s16;
	s15 =	sadd.s32 @!p2 $0x180, s8  }
0x63d: {  	[tilespmem:s11], [sflag:$0x2] =	stream.linear.gather @!p2 [hbm4b:s2+s6], $0x80, $0x38;
	[tilespmem:$0x1C768] =	vst v63  }
0x63e: {  	s2 =	sadd.s32 @!p2 s4, s13;
	s11 =	sadd.s32 @!p2 $0x5CE8, s12;
	s13 =	sand.u32 @!p2 $0x1FFFF8, s15  }
0x63f: {  	[tilespmem:s11], [sflag:$0x2] =	stream.linear.gather @!p2 [hbm4b:s2+s6], $0x80, $0x38;
	[tilespmem:$0x1C768] =	vst v63  }
0x640: {  	s18 =	ssub.s32 $0x0, s26;
	s2 =	sadd.s32 @!p2 s4, s13;
	s11 =	sadd.s32 @!p2 $0x5D68, s12  }
0x641: {  	[tilespmem:s11], [sflag:$0x2] =	stream.linear.gather @!p2 [hbm4b:s2+s6], $0x80, $0x38;
	[tilespmem:$0x1C768] =	vst v63  }
0x642: {  	s2 =	sadd.s32 $0x10728, s7;
	s7 =	sadd.s32 $0x1, s18  }
0x643: {  	p3 =	seq.s32 s7, $0x0  }
.Ltmp10:
0x644: {  	s13 =	sadd.s32 @!p2 $0x200, s8;
	(pc) =	sbr.rel @p3 .LBB2_15-.Ltmp10, $4  }
0x645: {  	s16 =	simm.s32 @!p2 $0x1;
	s11 =	sand.u32 @!p2 $0x1FFFF8, s13  }
0x646: {  	s8 =	sadd.s32 @!p2 $0x280, s8;
	s13 =	sadd.s32 @!p2 $0x5DE8, s12;
	s11 =	sadd.s32 @!p2 s4, s11  }
0x647: {  	[tilespmem:s13], [sflag:$0x2] =	stream.linear.gather @!p2 [hbm4b:s11+s6], $0x80, $0x38;
	[tilespmem:$0x1C768] =	vst v63  }
0x648: {  	s16 =	smov.u32 @p2 s29;
	s11 =	sand.u32 @!p2 $0x1FFFF8, s8;
	s8 =	sadd.s32 @!p2 $0x5E68, s12  }
.LBB2_14:
0x649: {  	s12 =	smov.u32 s16  }
0x64a: {  	s7 =	sadd.s32 $0x1, s7;
	s11 =	sadd.s32 @!p2 s4, s11;
	s0 =	sadd.s32 $0x1, s0  }
0x64b: {  	[tilespmem:s8], [sflag:$0x2] =	stream.linear.gather @!p2 [hbm4b:s11+s6], $0x20, $0x38;
	[tilespmem:$0x1C768] =	vst v63  }
0x64c: {  	p3 =	seq.s32 s7, $0x0;
	s6 =	smov.u32 s1;
	v1 =	vld.msk [tilespmem:s0+$0x0], $0x1;
	_ =	sdelay $0x4  }
0x64d: {  	(v2sf) =	vpush v1, $0x0;
	_ =	sdelay $0xe  }
0x64e: {  	s1 =	spop (v2sf)  }
0x64f: {  	p2 =	seq.s32 s6, s1  }
0x650: {  	p4 =	sgt.s32 @!p2 s6, $0x0;
	s8 =	smul.u32 @!p2 $0xA80, s16;
	s16 =	sadd.s32 @!p2 $0x1, s16  }
0x651: {  	p4 =	por !p4, p2;
	s16 =	smov.u32 @p2 s12  }
0x652: {  	s6 =	simm.s32 @p4 $0x0;
	s8 =	sshra.s32 @!p2 s8, $0x2  }
0x653: {  	s11 =	smin.u32 @!p2 s6, $0xEFD7C;
	s12 =	sadd.s32 @!p2 $0x5BE8, s8;
	s13 =	sadd.s32 @!p2 $0x5C68, s8  }
0x654: {  	s6 =	sand.u32 @!p2 $0xFFFF8, s11;
	s15 =	sadd.s32 @!p2 $0x80, s11;
	s18 =	sadd.s32 @!p2 $0x100, s11  }
0x655: {  	s9 =	sadd.s32 @!p2 s4, s6;
	s6 =	sand.u32 @!p2 $0x7, s11;
	s15 =	sand.u32 @!p2 $0x1FFFF8, s15  }
0x656: {  	[tilespmem:s12], [sflag:$0x2] =	stream.linear.gather @!p2 [hbm4b:s9+s6], $0x80, $0x38;
	[tilespmem:$0x1C768] =	vst v63  }
0x657: {  	s9 =	sadd.s32 @!p2 s4, s15;
	s12 =	sand.u32 @!p2 $0x1FFFF8, s18;
	s15 =	sadd.s32 @!p2 $0x180, s11  }
0x658: {  	[tilespmem:s13], [sflag:$0x2] =	stream.linear.gather @!p2 [hbm4b:s9+s6], $0x80, $0x38;
	[tilespmem:$0x1C768] =	vst v63  }
0x659: {  	s9 =	sadd.s32 @!p2 s4, s12;
	s12 =	sadd.s32 @!p2 $0x5CE8, s8;
	s13 =	sand.u32 @!p2 $0x1FFFF8, s15  }
0x65a: {  	[tilespmem:s12], [sflag:$0x2] =	stream.linear.gather @!p2 [hbm4b:s9+s6], $0x80, $0x38;
	[tilespmem:$0x1C768] =	vst v63  }
0x65b: {  	s9 =	sadd.s32 @!p2 s4, s13  }
.Ltmp11:
0x65c: {  	s12 =	sadd.s32 @!p2 $0x5D68, s8;
	s13 =	sadd.s32 @!p2 $0x200, s11;
	(pc) =	sbr.rel @!p3 .LBB2_14-.Ltmp11, $4  }
0x65d: {  	[tilespmem:s12], [sflag:$0x2] =	stream.linear.gather @!p2 [hbm4b:s9+s6], $0x80, $0x38;
	[tilespmem:$0x1C768] =	vst v63  }
0x65e: {  	s11 =	sadd.s32 @!p2 $0x280, s11;
	s9 =	sand.u32 @!p2 $0x1FFFF8, s13;
	s12 =	sadd.s32 @!p2 $0x5DE8, s8  }
0x65f: {  	s11 =	sand.u32 @!p2 $0x1FFFF8, s11;
	s8 =	sadd.s32 @!p2 $0x5E68, s8;
	s9 =	sadd.s32 @!p2 s4, s9  }
0x660: {  	[tilespmem:s12], [sflag:$0x2] =	stream.linear.gather @!p2 [hbm4b:s9+s6], $0x80, $0x38;
	[tilespmem:$0x1C768] =	vst v63  }
.LBB2_15:
0x661: {  	s0 =	sadd.s32 @!p2 s4, s11;
	s1 =	smul.u32 $0xA80, s16  }
0x662: {  	[tilespmem:s8], [sflag:$0x2] =	stream.linear.gather @!p2 [hbm4b:s0+s6], $0x20, $0x38;
	[tilespmem:$0x1C768] =	vst v63  }
.Ltmp12:
0x663: {  	s18 =	simm.s32 $0x2;
	v1 =	vmov s2;
	s2 =	simm.s32 $0x0;
	(pc) =	sbr.rel .LBB2_16-.Ltmp12, $4  }
0x664: {  	s12 =	smov.u32 s3;
	s3 =	simm.s32 $0x1;
	s16 =	sshrl.u32 s1, $0x2  }
0x665: {  	s15 =	smov.u32 s10;
	s10 =	smov.u32 s14;
	_ =	swait.ge [sflag:s18], s16  }
0x666: {  	s1 =	simm.s32 $0x0;
	s0 =	ssub.s32 $0x0, s16;
	[sflag:s18] =	ssyncset.done $0x0  }
0x667: {  	s14 =	rddreg [dreg:$0x6];
	[sflag:s18] =	ssyncadd.s32 s0;
	s18 =	simm.s32 $0xC  }
.LBB2_26:
0x668: {  	[tilespmem:s6+$0x0] =	vst v2;
	s29 =	sadd.s32 $0x1, s29  }
.LBB2_27:
0x669: {  	s2 =	sadd.s32 $0x1, s2  }
0x66a: {  	p2 =	sne.s32 s2, s26  }
.Ltmp13:
0x66b: {  	_ = 	snop;
	(pc) =	sbr.rel @!p2 .LBB2_28-.Ltmp13, $2  }
0x66c: {  	_ =	sdelay $0x2  }
0x66d: {  	s30 =	sadd.s32 $0x300, s30;
	s31 =	smov.u32 s0  }
.LBB2_16:
0x66e: {  	_ =	sdelay $0x3  }
0x66f: {  	v2 =	vld.idx.msk [tilespmem:v1+s2+$0x0 ss:$0x1], $0x1;
	_ =	sdelay $0x4  }
0x670: {  	(v2sf) =	vpush v2, $0x0;
	_ =	sdelay $0xe  }
0x671: {  	s0 =	spop (v2sf)  }
0x672: {  	p2 =	sne.s32 s31, s0  }
.Ltmp14:
0x673: {  	_ = 	snop;
	(pc) =	sbr.rel @p2 .LBB2_20-.Ltmp14, $3  }
0x674: {  	_ = 	snop  }
0x675: {  	s6 =	smul.u32 $0xA80, s25;
	_ =	sdelay $0x1  }
0x676: {  	s6 =	sshra.s32 s6, $0x2  }
0x677: {  	s6 =	sadd.s32 $0x548, s6;
	s7 =	simm.s32 $0x0;
	v2 =	vld [tilespmem:s30+$0x0];
	s8 =	smov.u32 s30  }
.LBB2_18:
0x678: {  	s7 =	sadd.s32 $0x10, s7  }
0x679: {  	p2 =	slt.u32 s7, $0x290  }
.Ltmp15:
0x67a: {  	_ = 	snop;
	(pc) =	sbr.rel @p2 .LBB2_18-.Ltmp15, $3  }
0x67b: {  	_ =	sdelay $0x1  }
0x67c: {  	s8 =	sadd.s32 $0x10, s8;
	[tilespmem:s6+$0x0] =	vst.add.f32.msk $0xffff, v2;
	s6 =	sadd.s32 $0x10, s6  }
0x67d: {  	v2 =	vld [tilespmem:s8+$0x0]  }
.Ltmp16:
0x67e: {  	_ = 	snop;
	(pc) =	sbr.rel .LBB2_27-.Ltmp16, $2  }
0x67f: {  	_ =	sdelay $0x2  }
0x680: {  	[tilespmem:s6+$0x0] =	vst.add.f32.msk $0xffff, v2  }
.LBB2_20:
0x681: {  	p2 =	seq.s32 s31, s28  }
.Ltmp17:
0x682: {  	_ = 	snop;
	(pc) =	sbr.rel @!p2 .LBB2_21-.Ltmp17, $1  }
0x683: {  	_ =	sdelay $0x3  }
.Ltmp18:
0x684: {  	s6 =	sadd.s32 $0x548, s6;
	(pc) =	sbr.rel .LBB2_24-.Ltmp18, $4  }
0x685: {  	[spmem:s17] =	stream.linear.scatter [tilespmem:s6], [sflag:$0x1], $0x2A0, $0x38;
	[tilespmem:$0x1C768] =	vst v63  }
0x686: {  	_ =	swait.ge [sflag:s3], $0x2A0  }
0x687: {  	[sflag:s3] =	ssyncset.done $0x0  }
0x688: {  	[sflag:s3] =	ssyncadd.s32 $0xFFFFFD60  }
.LBB2_21:
0x689: {  	s7 =	smul.u32 $0xA80, s29;
	_ =	sdelay $0x1  }
0x68a: {  	s7 =	sshra.s32 s7, $0x2  }
0x68b: {  	s8 =	sadd.s32 $0x5BE8, s7;
	s7 =	sadd.s32 $0x548, s6  }
0x68c: {  	s16 =	simm.s32 $0x0;
	v2 =	vld [tilespmem:s8+$0x0];
	s11 =	smov.u32 s7  }
.LBB2_22:
0x68d: {  	s16 =	sadd.s32 $0x10, s16  }
0x68e: {  	p2 =	slt.u32 s16, $0x290  }
.Ltmp19:
0x68f: {  	_ = 	snop;
	(pc) =	sbr.rel @p2 .LBB2_22-.Ltmp19, $3  }
0x690: {  	_ =	sdelay $0x1  }
0x691: {  	s8 =	sadd.s32 $0x10, s8;
	[tilespmem:s11+$0x0] =	vst.add.f32.msk $0xffff, v2;
	s11 =	sadd.s32 $0x10, s11  }
0x692: {  	v2 =	vld [tilespmem:s8+$0x0]  }
0x693: {  	_ =	sdelay $0x1  }
0x694: {  	p2 =	sgt.u32 s31, $0xEFD7C  }
0x695: {  	s8 =	sand.u32 @!p2 $0xFFFF8, s31  }
0x696: {  	s9 =	sand.u32 @!p2 $0x7, s31;
	s8 =	sadd.s32 @!p2 s4, s8;
	[tilespmem:s11+$0x0] =	vst.add.f32.msk $0xffff, v2  }
0x697: {  	[hbm4b:s8+s9] =	stream.linear.scatter @!p2 [tilespmem:s7], [sflag:$0xC], $0x80, $0x38;
	[tilespmem:$0x1C768] =	vst v63  }
0x698: {  	s7 =	sadd.s32 @!p2 $0x80, s31  }
0x699: {  	s7 =	sand.u32 @!p2 $0x1FFFF8, s7  }
0x69a: {  	s8 =	sadd.s32 @!p2 $0x5C8, s6;
	s7 =	sadd.s32 @!p2 s4, s7  }
0x69b: {  	[hbm4b:s7+s9] =	stream.linear.scatter @!p2 [tilespmem:s8], [sflag:$0xC], $0x80, $0x38;
	[tilespmem:$0x1C768] =	vst v63  }
0x69c: {  	s7 =	sadd.s32 @!p2 $0x100, s31  }
0x69d: {  	s7 =	sand.u32 @!p2 $0x1FFFF8, s7  }
0x69e: {  	s8 =	sadd.s32 @!p2 $0x648, s6;
	s7 =	sadd.s32 @!p2 s4, s7  }
0x69f: {  	[hbm4b:s7+s9] =	stream.linear.scatter @!p2 [tilespmem:s8], [sflag:$0xC], $0x80, $0x38;
	[tilespmem:$0x1C768] =	vst v63  }
0x6a0: {  	s7 =	sadd.s32 @!p2 $0x180, s31  }
0x6a1: {  	s7 =	sand.u32 @!p2 $0x1FFFF8, s7  }
0x6a2: {  	s8 =	sadd.s32 @!p2 $0x6C8, s6;
	s7 =	sadd.s32 @!p2 s4, s7  }
0x6a3: {  	[hbm4b:s7+s9] =	stream.linear.scatter @!p2 [tilespmem:s8], [sflag:$0xC], $0x80, $0x38;
	[tilespmem:$0x1C768] =	vst v63  }
0x6a4: {  	s7 =	sadd.s32 @!p2 $0x200, s31  }
0x6a5: {  	s7 =	sand.u32 @!p2 $0x1FFFF8, s7  }
0x6a6: {  	s8 =	sadd.s32 @!p2 $0x748, s6;
	s7 =	sadd.s32 @!p2 s4, s7  }
0x6a7: {  	[hbm4b:s7+s9] =	stream.linear.scatter @!p2 [tilespmem:s8], [sflag:$0xC], $0x80, $0x38;
	[tilespmem:$0x1C768] =	vst v63  }
0x6a8: {  	s7 =	sadd.s32 @!p2 $0x280, s31;
	s8 =	simm.s32 $0x0  }
0x6a9: {  	s7 =	sand.u32 @!p2 $0x1FFFF8, s7;
	s8 =	simm.s32 @!p2 $0xA80  }
0x6aa: {  	s6 =	sadd.s32 @!p2 $0x7C8, s6;
	s7 =	sadd.s32 @!p2 s4, s7;
	s1 =	sadd.s32 s8, s1  }
0x6ab: {  	[hbm4b:s7+s9] =	stream.linear.scatter @!p2 [tilespmem:s6], [sflag:$0xC], $0x20, $0x38;
	[tilespmem:$0x1C768] =	vst v63  }
.LBB2_24:
0x6ac: {  	s6 =	sadd.s32 $0x1, s25  }
0x6ad: {  	s25 =	sand.u32 $0x1F, s6  }
0x6ae: {  	s6 =	smul.u32 $0xA80, s25;
	_ =	sdelay $0x1  }
0x6af: {  	s6 =	sshrl.u32 s6, $0x2  }
0x6b0: {  	s7 =	simm.s32 $0x0;
	v2 =	vld [tilespmem:s30+$0x0];
	s8 =	smov.u32 s30;
	s6 =	sadd.s32 $0x548, s6  }
.LBB2_25:
0x6b1: {  	s7 =	sadd.s32 $0x10, s7  }
0x6b2: {  	p2 =	slt.u32 s7, $0x290  }
.Ltmp20:
0x6b3: {  	_ = 	snop;
	(pc) =	sbr.rel @p2 .LBB2_25-.Ltmp20, $3  }
0x6b4: {  	_ =	sdelay $0x1  }
0x6b5: {  	[tilespmem:s6+$0x0] =	vst v2;
	s6 =	sadd.s32 $0x10, s6;
	s8 =	sadd.s32 $0x10, s8  }
0x6b6: {  	v2 =	vld [tilespmem:s8+$0x0]  }
.Ltmp21:
0x6b7: {  	_ = 	snop;
	(pc) =	sbr.rel .LBB2_26-.Ltmp21, $1  }
0x6b8: {  	_ =	sdelay $0x3  }
.LBB2_29:
.Ltmp22:
0x6b9: {  	(pc) =	sbr.rel .LBB2_30-.Ltmp22, $4  }
0x6ba: {  	_ = 	snop  }
0x6bb: {  	s0 =	simm.s32 $0x2  }
0x6bc: {  	_ =	swait.ge [sflag:s0], $0x0  }
0x6bd: {  	s1 =	simm.s32 $0x0;
	[sflag:s0] =	ssyncset.done $0x0;
	s0 =	smov.u32 s31  }
.LBB2_32:
0x6be: {  	_ =	sfence.sel $0x180000  }
0x6bf: {  	s0 =	simm.s32 $0x9;
	[bflag:$0x0] =	sbarrier.arrive $0xFFFF  }
0x6c0: {  	s24 =	simm.s32 $0xA;
	[sflag:s0] =	ssyncpa.u1 $0x1  }
0x6c1: {  	s25 =	simm.s32 $0xB;
	[sflag:s24] =	ssyncpa.u1 $0x1  }
0x6c2: {  	s26 =	simm.s32 $0x2;
	[sflag:s25] =	ssyncpa.u1 $0x1  }
0x6c3: {  	[sflag:s26] =	ssyncpa.u1 $0x1  }
0x6c4: {  	v0 =	vld [tilespmem:$0xB288];
	_ =	sdelay $0x4  }
0x6c5: {  	(v2sf) =	vpush v0, $0x0  }
0x6c6: {  	(v2sf) =	vpush v0, $0x1  }
0x6c7: {  	(v2sf) =	vpush v0, $0x2;
	_ =	sdelay $0xc  }
0x6c8: {  	s0 =	spop (v2sf)  }
0x6c9: {  	s1 =	spop (v2sf)  }
0x6ca: {  	s2 =	smov.u32 s0;
	p0 =	sne.s32 s0, s1;
	s3 =	spop (v2sf)  }
0x6cb: {  	s2 =	simm.s32 @!p0 $0xFFFFFFFF;
	p0 =	seq.s32 s3, $0xFFFFFFFF  }
0x6cc: {  	v2 =	vimm.s32 $0x1;
	v3 =	vlaneseq.u32;
	v1 =	vmov s2;
	p1 =	sne.s32 @!p0 s0, s1  }
0x6cd: {  	s18 =	stileid.u32;
	v0 =	vperm.xlane v0, v2;
	s0 =	simm.s32 @!p0 $0x1;
	v1 =	vperm.xlane v1, v3;
	p1 =	por !p1, p0  }
0x6ce: {  	vm0 =	vcmask $0x3F04;
	s2 =	sshll.u32 s18, $0x1;
	s1 =	smul.u32 @!p0 $0xA80, s3;
	s0 =	simm.s32 @p1 $0x0  }
0x6cf: {  	s6 =	simm.s32 $0xB288;
	v0 =	vsel vm0, v1, v0;
	s0 =	sor.u32 @!p0 s0, s2  }
0x6d0: {  	s5 =	sor.u32 $0x5400, s2;
	s1 =	sshra.s32 @!p0 s1, $0x2;
	[tilespmem:$0xB288] =	vst v0;
	s0 =	smul.u32 @!p0 $0xA80, s0  }
0x6d1: {  	[spmem:s5] =	stream.linear.scatter [tilespmem:s6], [sflag:$0x1], $0x2, $0x38;
	[tilespmem:$0x1C768] =	vst v63  }
0x6d2: {  	s1 =	sadd.s32 @!p0 $0x548, s1;
	s0 =	sshrl.u32 @!p0 s0, $0x2  }
0x6d3: {  	[spmem:s0] =	stream.linear.scatter @!p0 [tilespmem:s1], [sflag:$0x1], $0x2A0, $0x38;
	[tilespmem:$0x1C768] =	vst v63  }
0x6d4: {  	s0 =	simm.s32 @!p0 $0x2A2  }
0x6d5: {  	s28 =	simm.s32 $0x1;
	s0 =	simm.s32 @p0 $0x2  }
0x6d6: {  	_ =	swait.ge [sflag:s28], s0  }
0x6d7: {  	s0 =	ssub.s32 $0x0, s0;
	[sflag:s28] =	ssyncset.done $0x0  }
0x6d8: {  	p0 =	sne.s32 s18, $0x0;
	[sflag:s28] =	ssyncadd.s32 s0  }
.Ltmp23:
0x6d9: {  	_ =	sfence.stream.spmem;
	(pc) =	sbr.rel @p0 .LBB2_57-.Ltmp23, $4  }
0x6da: {  	s29 =	simm.s32 $0x3;
	[bflag:$0x0] =	sbarrier.arrive $0xFFFF  }
0x6db: {  	s30 =	simm.s32 $0x4;
	[sflag:s29] =	ssyncpa.u1 $0x1  }
0x6dc: {  	s31 =	simm.s32 $0x3C;
	[sflag:s30] =	ssyncpa.u1 $0x1  }
0x6dd: {  	s19 =	rddreg [dreg:$0x4];
	[sflag:s31] =	ssyncpa.u1 $0x1  }
0x6de: {  	_ =	sfence.stream.spmem;
	s0 =	simm.s32 $0x5  }
0x6df: {  	s1 =	simm.s32 $0x5400;
	s2 =	simm.s32 $0xB298;
	[sflag:s0] =	ssyncpa.u1 $0x0  }
0x6e0: {  	[tilespmem:s2], [sflag:$0x5] =	stream.linear.gather [spmem:s1], $0x20, $0x38;
	[tilespmem:$0x1C768] =	vst v63  }
0x6e1: {  	s26 =	simm.s32 $0x0;
	s28 =	simm.s32 $0xB2B8  }
0x6e2: {  	[tilespmem:s28], [sflag:$0x5] =	stream.linear.gather [spmem:s26], $0x5400, $0x38;
	[tilespmem:$0x1C768] =	vst v63  }
0x6e3: {  	_ =	swait.ge [sflag:s0], $0x5420  }
0x6e4: {  	[sflag:s0] =	ssyncset.done $0x0  }
0x6e5: {  	s29 =	simm.s32 $0x0;
	[sflag:s0] =	ssyncadd.s32 $0xFFFFABE0  }
0x6e6: {  	v0 =	vld.msk [tilespmem:s29+$0xB298], $0x1;
	_ =	sdelay $0x1  }
0x6e7: {  	s30 =	simm.s32 $0x1  }
0x6e8: {  	v1 =	vld.msk [tilespmem:s30+$0xB298], $0x1;
	_ =	sdelay $0x1  }
0x6e9: {  	(v2sf) =	vpush v0, $0x0;
	_ =	sdelay $0x2  }
0x6ea: {  	(v2sf) =	vpush v1, $0x0;
	_ =	sdelay $0x2  }
0x6eb: {  	s31 =	simm.s32 $0x2  }
0x6ec: {  	v0 =	vld.msk [tilespmem:s31+$0xB298], $0x1;
	_ =	sdelay $0x2  }
0x6ed: {  	s2 =	simm.s32 $0xFFFFFFFF;
	s1 =	simm.s32 $0xFFFFFFFF;
	s0 =	simm.s32 $0xC  }
.LBB2_34:
0x6ee: {  	s3 =	smov.u32 s1;
	s5 =	smov.u32 s2  }
0x6ef: {  	s1 =	sshra.s32 s0, $0x2;
	p1 =	sne.s32 s0, $0x7C;
	s0 =	sadd.s32 $0x4, s0;
	(v2sf) =	vpush v0, $0x0  }
0x6f0: {  	v0 =	vld.msk [tilespmem:s1+$0xB298], $0x1  }
.Ltmp24:
0x6f1: {  	(pc) =	sbr.rel @p1 .LBB2_34-.Ltmp24, $4  }
0x6f2: {  	s1 =	spop (v2sf)  }
0x6f3: {  	p2 =	sne.s32 s2, $0xFFFFFFFF;
	s2 =	smov.u32 s1  }
0x6f4: {  	p3 =	seq.s32 s1, $0xFFFFFFFF;
	s2 =	smov.u32 @p2 s5  }
0x6f5: {  	s1 =	smov.u32 @p3 s3;
	s2 =	smov.u32 @p3 s5  }
0x6f6: {  	(v2sf) =	vpush v0, $0x0;
	_ =	sdelay $0x7  }
0x6f7: {  	s3 =	spop (v2sf);
	p1 =	sne.s32 s2, $0xFFFFFFFF  }
0x6f8: {  	s8 =	simm.s32 $0x6;
	s9 =	simm.s32 $0xB2B8;
	s10 =	simm.s32 $0xB068  }
0x6f9: {  	s11 =	simm.s32 $0xB0E8;
	s12 =	simm.s32 $0xB168;
	s0 =	smov.u32 s3  }
0x6fa: {  	s13 =	simm.s32 $0xB1E8;
	p2 =	seq.s32 s3, $0xFFFFFFFF;
	s0 =	smov.u32 @p1 s2  }
0x6fb: {  	s14 =	simm.s32 $0xB268;
	s0 =	smov.u32 @p2 s2;
	s2 =	spop (v2sf)  }
0x6fc: {  	s15 =	simm.s32 $0x0;
	p1 =	sne.s32 s0, $0xFFFFFFFF;
	s6 =	smov.u32 s2  }
.Ltmp25:
0x6fd: {  	s6 =	smov.u32 @p1 s0;
	p1 =	seq.s32 s2, $0xFFFFFFFF;
	(pc) =	sbr.rel .LBB2_36-.Ltmp25, $4  }
0x6fe: {  	[sflag:s8] =	ssyncpa.u1 $0x0;
	s6 =	smov.u32 @p1 s0;
	s5 =	spop (v2sf)  }
0x6ff: {  	s3 =	smov.u32 @p2 s1;
	p2 =	sne.s32 s6, $0xFFFFFFFF;
	s0 =	smov.u32 s5  }
0x700: {  	s2 =	smov.u32 @p1 s3;
	p1 =	seq.s32 s5, $0xFFFFFFFF;
	s0 =	smov.u32 @p2 s6  }
0x701: {  	s3 =	simm.s32 $0x0;
	s5 =	smov.u32 @p1 s2;
	s0 =	smov.u32 @p1 s6  }
.LBB2_51:
0x702: {  	s15 =	sadd.s32 $0x1, s15  }
0x703: {  	p1 =	sne.s32 s15, $0x20  }
.Ltmp26:
0x704: {  	_ = 	snop;
	(pc) =	sbr.rel @!p1 .LBB2_52-.Ltmp26, $2  }
0x705: {  	_ =	sdelay $0x2  }
0x706: {  	s9 =	sadd.s32 $0x2A0, s9  }
.LBB2_36:
0x707: {  	v0 =	vld.msk [tilespmem:s15+$0xB298], $0x1;
	_ =	sdelay $0x4  }
0x708: {  	(v2sf) =	vpush v0, $0x0;
	_ =	sdelay $0xe  }
0x709: {  	s1 =	spop (v2sf)  }
0x70a: {  	p1 =	seq.s32 s1, $0xFFFFFFFF  }
.Ltmp27:
0x70b: {  	_ = 	snop;
	(pc) =	sbr.rel @p1 .LBB2_51-.Ltmp27, $1  }
0x70c: {  	_ =	sdelay $0x3  }
0x70d: {  	p1 =	slt.s32 s3, $0x1  }
.Ltmp28:
0x70e: {  	_ = 	snop;
	(pc) =	sbr.rel @p1 .LBB2_44-.Ltmp28, $1  }
0x70f: {  	_ =	sdelay $0x3  }
0x710: {  	s2 =	simm.s32 $0xB298;
	p1 =	por $0x0, $0x0  }
0x711: {  	v1 =	vld.msk @!p1 [tilespmem:s2+$0x0], $0x1;
	_ =	sdelay $0x4  }
0x712: {  	(v2sf) =	vpush @!p1 v1, $0x0;
	_ =	sdelay $0xd  }
0x713: {  	p3 =	sne.s32 s3, $0x1  }
.Ltmp29:
0x714: {  	s6 =	spop @!p1 (v2sf);
	(pc) =	sbr.rel @!p3 .LBB2_40-.Ltmp29, $4  }
0x715: {  	p2 =	seq.s32 @!p1 s1, s6  }
0x716: {  	s6 =	simm.s32 $0x0;
	p2 =	por !p2, p1  }
0x717: {  	s16 =	simm.s32 $0xFFFFFFFF;
	s6 =	simm.s32 @p2 $0xFFFFFFFF  }
0x718: {  	s7 =	simm.s32 $0x1;
	s6 =	smov.u32 @p1 s16  }
.LBB2_39:
0x719: {  	s16 =	smov.u32 s6;
	p1 =	sne.s32 s6, $0xFFFFFFFF  }
0x71a: {  	s2 =	sadd.s32 $0x1, s2;
	s6 =	smov.u32 s7;
	s7 =	sadd.s32 $0x1, s7  }
0x71b: {  	p2 =	sne.s32 s3, s7;
	v1 =	vld.msk @!p1 [tilespmem:s2+$0x0], $0x1;
	_ =	sdelay $0x4  }
0x71c: {  	(v2sf) =	vpush @!p1 v1, $0x0;
	_ =	sdelay $0xe  }
.Ltmp30:
0x71d: {  	s17 =	spop @!p1 (v2sf);
	(pc) =	sbr.rel @p2 .LBB2_39-.Ltmp30, $4  }
0x71e: {  	p3 =	seq.s32 @!p1 s1, s17  }
0x71f: {  	p3 =	por !p3, p1  }
0x720: {  	s6 =	simm.s32 @p3 $0xFFFFFFFF  }
0x721: {  	s6 =	smov.u32 @p1 s16  }
.LBB2_40:
0x722: {  	p1 =	seq.s32 s6, $0xFFFFFFFF  }
.Ltmp31:
0x723: {  	_ = 	snop;
	(pc) =	sbr.rel @p1 .LBB2_44-.Ltmp31, $1  }
0x724: {  	_ =	sdelay $0x3  }
0x725: {  	s1 =	smul.u32 $0xA80, s6;
	_ =	sdelay $0x1  }
0x726: {  	s1 =	sshra.s32 s1, $0x2  }
0x727: {  	s2 =	simm.s32 $0x0;
	v0 =	vld [tilespmem:s9+$0x0];
	s6 =	smov.u32 s9;
	s1 =	sadd.s32 $0xB2B8, s1  }
.LBB2_42:
0x728: {  	s2 =	sadd.s32 $0x10, s2  }
0x729: {  	p1 =	slt.u32 s2, $0x290  }
.Ltmp32:
0x72a: {  	_ = 	snop;
	(pc) =	sbr.rel @p1 .LBB2_42-.Ltmp32, $3  }
0x72b: {  	_ =	sdelay $0x1  }
0x72c: {  	s6 =	sadd.s32 $0x10, s6;
	[tilespmem:s1+$0x0] =	vst.add.f32.msk $0xffff, v0;
	s1 =	sadd.s32 $0x10, s1  }
0x72d: {  	v0 =	vld [tilespmem:s6+$0x0]  }
.Ltmp33:
0x72e: {  	_ = 	snop;
	(pc) =	sbr.rel .LBB2_51-.Ltmp33, $2  }
0x72f: {  	_ =	sdelay $0x2  }
0x730: {  	[tilespmem:s1+$0x0] =	vst.add.f32.msk $0xffff, v0  }
.LBB2_44:
0x731: {  	p1 =	sgt.u32 s1, $0xEFD7C  }
0x732: {  	p2 =	seq.s32 @!p1 s1, s0  }
0x733: {  	p1 =	por p1, p2  }
0x734: {  	p2 =	seq.s32 @!p1 s1, s5  }
0x735: {  	p1 =	por p1, p2  }
.Ltmp34:
0x736: {  	_ = 	snop;
	(pc) =	sbr.rel @p1 .LBB2_48-.Ltmp34, $1  }
0x737: {  	_ =	sdelay $0x3  }
0x738: {  	s2 =	sand.u32 $0xFFFF8, s1;
	s7 =	sand.u32 $0x7, s1  }
0x739: {  	s26 =	sadd.s32 $0x80, s1;
	s6 =	sadd.s32 s4, s2;
	s2 =	simm.s32 $0xAFE8  }
0x73a: {  	[tilespmem:s2], [sflag:$0x6] =	stream.linear.gather [hbm4b:s6+s7], $0x80, $0x38;
	[tilespmem:$0x1C768] =	vst v63  }
0x73b: {  	s6 =	sand.u32 $0x1FFFF8, s26  }
0x73c: {  	s28 =	sadd.s32 $0x100, s1;
	s6 =	sadd.s32 s4, s6  }
0x73d: {  	[tilespmem:s10], [sflag:$0x6] =	stream.linear.gather [hbm4b:s6+s7], $0x80, $0x38;
	[tilespmem:$0x1C768] =	vst v63  }
0x73e: {  	s6 =	sand.u32 $0x1FFFF8, s28  }
0x73f: {  	s29 =	sadd.s32 $0x180, s1;
	s6 =	sadd.s32 s4, s6  }
0x740: {  	[tilespmem:s11], [sflag:$0x6] =	stream.linear.gather [hbm4b:s6+s7], $0x80, $0x38;
	[tilespmem:$0x1C768] =	vst v63  }
0x741: {  	s6 =	sand.u32 $0x1FFFF8, s29  }
0x742: {  	s30 =	sadd.s32 $0x200, s1;
	s6 =	sadd.s32 s4, s6  }
0x743: {  	[tilespmem:s12], [sflag:$0x6] =	stream.linear.gather [hbm4b:s6+s7], $0x80, $0x38;
	[tilespmem:$0x1C768] =	vst v63  }
0x744: {  	s31 =	sadd.s32 $0x280, s1;
	s6 =	sand.u32 $0x1FFFF8, s30  }
0x745: {  	s1 =	sand.u32 $0x1FFFF8, s31;
	s6 =	sadd.s32 s4, s6  }
0x746: {  	[tilespmem:s13], [sflag:$0x6] =	stream.linear.gather [hbm4b:s6+s7], $0x80, $0x38;
	[tilespmem:$0x1C768] =	vst v63  }
0x747: {  	s1 =	sadd.s32 s4, s1  }
0x748: {  	[tilespmem:s14], [sflag:$0x6] =	stream.linear.gather [hbm4b:s1+s7], $0x20, $0x38;
	[tilespmem:$0x1C768] =	vst v63  }
0x749: {  	_ =	swait.ge [sflag:s8], $0x2A0  }
0x74a: {  	[sflag:s8] =	ssyncset.done $0x0  }
0x74b: {  	[sflag:s8] =	ssyncadd.s32 $0xFFFFFD60  }
0x74c: {  	s6 =	smov.u32 s9;
	s1 =	simm.s32 $0x0;
	v1 =	vld [tilespmem:s2+$0x0]  }
.LBB2_46:
0x74d: {  	s1 =	sadd.s32 $0x10, s1  }
0x74e: {  	p1 =	slt.u32 s1, $0x290  }
.Ltmp35:
0x74f: {  	_ = 	snop;
	(pc) =	sbr.rel @p1 .LBB2_46-.Ltmp35, $3  }
0x750: {  	_ =	sdelay $0x1  }
0x751: {  	s2 =	sadd.s32 $0x10, s2;
	[tilespmem:s6+$0x0] =	vst.add.f32.msk $0xffff, v1;
	s6 =	sadd.s32 $0x10, s6  }
0x752: {  	v1 =	vld [tilespmem:s2+$0x0]  }
0x753: {  	_ =	sdelay $0x3  }
0x754: {  	[tilespmem:s6+$0x0] =	vst.add.f32.msk $0xffff, v1  }
.LBB2_48:
0x755: {  	s1 =	smul.u32 $0xA80, s3;
	_ =	sdelay $0x1  }
0x756: {  	[tilespmem:s3+$0xB298] =	vst.msk $0x1, v0;
	s1 =	sshra.s32 s1, $0x2  }
0x757: {  	s2 =	simm.s32 $0x0;
	s6 =	smov.u32 s9;
	v0 =	vld [tilespmem:s9+$0x0];
	s1 =	sadd.s32 $0xB2B8, s1  }
.LBB2_49:
0x758: {  	s2 =	sadd.s32 $0x10, s2  }
0x759: {  	p1 =	slt.u32 s2, $0x290  }
.Ltmp36:
0x75a: {  	_ = 	snop;
	(pc) =	sbr.rel @p1 .LBB2_49-.Ltmp36, $3  }
0x75b: {  	_ =	sdelay $0x1  }
0x75c: {  	s6 =	sadd.s32 $0x10, s6;
	[tilespmem:s1+$0x0] =	vst v0;
	s1 =	sadd.s32 $0x10, s1  }
0x75d: {  	v0 =	vld [tilespmem:s6+$0x0]  }
.Ltmp37:
0x75e: {  	_ = 	snop;
	(pc) =	sbr.rel .LBB2_51-.Ltmp37, $2  }
0x75f: {  	_ =	sdelay $0x2  }
0x760: {  	s3 =	sadd.s32 $0x1, s3;
	[tilespmem:s1+$0x0] =	vst v0  }
.LBB2_52:
0x761: {  	s1 =	simm.s32 $0x6;
	p1 =	seq.s32 s3, $0x0  }
0x762: {  	[sflag:s1] =	ssyncpa.u1 $0x1;
	v0 =	vimm.s32 @p1 $0xFFFFFFFF  }
0x763: {  	s1 =	sadd.s32 $0xFFFFFFFF, s3;
	[tilespmem:$0x106B8] =	vst @p1 v0  }
0x764: {  	v0 =	vld.msk @!p1 [tilespmem:s1+$0xB298], $0x1;
	_ =	sdelay $0x1  }
0x765: {  	v1 =	vld.msk @!p1 [tilespmem:$0xB298], $0x1;
	_ =	sdelay $0x2  }
0x766: {  	p2 =	seq.s32 @!p1 s1, $0x0;
	v0 =	vbroadcast @!p1 v0, $0x0  }
0x767: {  	vm0 =	vmmov @!p1 $0x1;
	p3 =	por !p2, p1  }
0x768: {  	p2 =	sne.s32 @!p1 s0, s5;
	v1 =	vnsel @!p1 vm0, $0xFFFFFFFF, v1;
	vm0 =	vcmask @!p1 $0x308;
	v0 =	vpsel !p3, $0xFFFFFFFF, v0  }
0x769: {  	p3 =	por !p2, p1;
	v0 =	vsel @!p1 vm0, v1, v0  }
0x76a: {  	s2 =	simm.s32 @!p1 $0x0;
	s0 =	simm.s32 @!p1 $0xB2B8;
	s5 =	smul.u32 @!p3 $0xA80, s1;
	[tilespmem:$0x106B8] =	vst @!p1 v0  }
0x76b: {  	[spmem:s2] =	stream.linear.scatter @!p1 [tilespmem:s0], [sflag:$0x1], $0x2A0, $0x38;
	[tilespmem:$0x1C768] =	vst v63  }
0x76c: {  	s0 =	sshra.s32 @!p3 s5, $0x2  }
0x76d: {  	s2 =	simm.s32 @!p3 $0x2A0;
	s0 =	sadd.s32 @!p3 $0xB2B8, s0  }
0x76e: {  	[spmem:s2] =	stream.linear.scatter @!p3 [tilespmem:s0], [sflag:$0x1], $0x2A0, $0x38;
	[tilespmem:$0x1C768] =	vst v63  }
0x76f: {  	s0 =	simm.s32 @!p3 $0x1  }
0x770: {  	_ =	swait.ge @!p3 [sflag:s0], $0x540  }
0x771: {  	p1 =	por p2, p1;
	[sflag:s0] =	ssyncset.done @!p3 $0x0  }
0x772: {  	[sflag:s0] =	ssyncadd.s32 @!p3 $0xFFFFFAC0;
	s0 =	simm.s32 @!p1 $0x1  }
0x773: {  	_ =	swait.ge @!p1 [sflag:s0], $0x2A0  }
0x774: {  	s29 =	simm.s32 $0x106B8;
	[sflag:s0] =	ssyncset.done @!p1 $0x0  }
0x775: {  	s30 =	simm.s32 $0x5400;
	s31 =	simm.s32 $0x1;
	[sflag:s0] =	ssyncadd.s32 @!p1 $0xFFFFFD60  }
0x776: {  	[spmem:s30] =	stream.linear.scatter [tilespmem:s29], [sflag:$0x1], $0x10, $0x38;
	[tilespmem:$0x1C768] =	vst v63  }
0x777: {  	_ =	swait.ge [sflag:s31], $0x10  }
0x778: {  	[sflag:s31] =	ssyncset.done $0x0  }
0x779: {  	p1 =	seq.s32 s19, $0x0;
	s9 =	rddreg [dreg:$0x1];
	[sflag:s31] =	ssyncadd.s32 $0xFFFFFFF0  }
0x77a: {  	s2 =	sshll.u32 @p1 s9, $0xE;
	s8 =	rddreg [dreg:$0x2]  }
0x77b: {  	s0 =	sadd.s32 @p1 $0x15C3C, s2;
	s2 =	sshll.u32 @p1 s8, $0x11  }
0x77c: {  	_ =	sfence.stream.spmem;
	s0 =	sor.u32 @p1 s2, s0  }
0x77d: {  	[sflag:s0] =	ssyncadd.remote.s32 @p1 $0x1;
	s0 =	simm.s32 @p1 $0x4  }
0x77e: {  	s5 =	simm.s32 @!p1 $0x3C;
	s2 =	sand.u32 $0xFFFFFFFE, s9;
	_ =	swait.ge @p1 [sflag:s0], $0xAA  }
0x77f: {  	s6 =	simm.s32 @!p1 $0x0;
	s2 =	sadd.s32 @!p1 $0x4, s2;
	[sflag:s0] =	ssyncset.done @p1 $0x0  }
0x780: {  	s7 =	simm.s32 @!p1 $0x540;
	[sflag:s0] =	ssyncadd.s32 @p1 $0xFFFFFF56;
	s0 =	sshll.u32 @!p1 s2, $0x1A  }
0x781: {  	s2 =	sshll.u32 @!p1 s2, $0xD;
	s0 =	sor.u32 @!p1 s0, s8;
	_ =	swait.eq @!p1 [sflag:s5], $0x1  }
0x782: {  	s2 =	sor.u32 @!p1 $0x1C04, s2;
	s5 =	simm.s32 @!p1 $0x1C03;
	s0 =	sor.u32 @!p1 $0x80004000, s0  }
0x783: {  	[spmem:s7], [sflag:s2] =	dma.general @!p1 [spmem:s6], [sflag:s5], length:$0xA8, [dreg:$0x0], stride_count:$0x0, ici_dest:s0, dma_misc:DstOpCode:WRITE  }
0x784: {  	p2 =	slt.s32 s1, $0x2;
	s6 =	simm.s32 @!p1 $0xA80;
	s7 =	simm.s32 @!p1 $0xA82  }
0x785: {  	[spmem:s7], [sflag:s2] =	dma.general @!p1 [spmem:s6], [sflag:s5], length:$0x2, [dreg:$0x0], stride_count:$0x0, ici_dest:s0, dma_misc:DstOpCode:WRITE  }
.Ltmp38:
0x786: {  	s0 =	simm.s32 @!p1 $0x3;
	(pc) =	sbr.rel @p2 .LBB2_56-.Ltmp38, $4  }
0x787: {  	s2 =	sshll.u32 @!p1 s9, $0xE;
	_ =	swait.ge @!p1 [sflag:s0], $0xAA  }
0x788: {  	s5 =	sshll.u32 @!p1 s8, $0x11;
	s2 =	sadd.s32 @!p1 $0x11C3C, s2;
	[sflag:s0] =	ssyncset.done @!p1 $0x0  }
0x789: {  	[sflag:s0] =	ssyncadd.s32 @!p1 $0xFFFFFF56;
	s0 =	sor.u32 @!p1 s5, s2  }
0x78a: {  	[sflag:s0] =	ssyncadd.remote.s32 @!p1 $0xFFFFFFFF;
	s0 =	simm.s32 $0x0  }
0x78b: {  	s0 =	simm.s32 $0xB299  }
0x78c: {  	v0 =	vld.msk [tilespmem:s0+$0x0], $0x1;
	_ =	sdelay $0x4  }
0x78d: {  	(v2sf) =	vpush v0, $0x0;
	_ =	sdelay $0xd  }
0x78e: {  	s1 =	sadd.s32 $0xFFFFFFFE, s3;
	s2 =	simm.s32 $0xB558  }
0x78f: {  	s3 =	simm.s32 $0xB29A;
	s5 =	simm.s32 $0xB7F8;
	s7 =	spop (v2sf)  }
0x790: {  	s0 =	simm.s32 $0x0;
	s1 =	sadd.s32 $0xFFFFFFFF, s1;
	p1 =	sgt.u32 s7, $0xEFD7C  }
0x791: {  	p2 =	sne.s32 s1, $0x0;
	s6 =	sand.u32 @!p1 $0xFFFF8, s7;
	s9 =	sadd.s32 @!p1 $0x80, s7  }
0x792: {  	s8 =	sadd.s32 @!p1 s4, s6;
	s6 =	sand.u32 @!p1 $0x7, s7;
	s9 =	sand.u32 @!p1 $0x1FFFF8, s9  }
0x793: {  	[hbm4b:s8+s6] =	stream.linear.scatter @!p1 [tilespmem:s2], [sflag:$0x5], $0x80, $0x38;
	[tilespmem:$0x1C768] =	vst v63  }
0x794: {  	s11 =	simm.s32 @!p1 $0xB5D8;
	s8 =	sadd.s32 @!p1 $0x100, s7;
	s9 =	sadd.s32 @!p1 s4, s9  }
0x795: {  	[hbm4b:s9+s6] =	stream.linear.scatter @!p1 [tilespmem:s11], [sflag:$0x5], $0x80, $0x38;
	[tilespmem:$0x1C768] =	vst v63  }
.Ltmp39:
0x796: {  	s10 =	sadd.s32 @!p1 $0x180, s7;
	s8 =	sand.u32 @!p1 $0x1FFFF8, s8;
	(pc) =	sbr.rel @!p2 .LBB2_55-.Ltmp39, $4  }
0x797: {  	s9 =	simm.s32 @!p1 $0xB658;
	s8 =	sadd.s32 @!p1 s4, s8;
	s11 =	sand.u32 @!p1 $0x1FFFF8, s10  }
0x798: {  	[hbm4b:s8+s6] =	stream.linear.scatter @!p1 [tilespmem:s9], [sflag:$0x5], $0x80, $0x38;
	[tilespmem:$0x1C768] =	vst v63  }
0x799: {  	s10 =	simm.s32 @!p1 $0xB6D8;
	s11 =	sadd.s32 @!p1 s4, s11;
	s9 =	sadd.s32 @!p1 $0x200, s7  }
0x79a: {  	s8 =	sadd.s32 @!p1 $0x280, s7;
	s7 =	simm.s32 $0x0;
	s9 =	sand.u32 @!p1 $0x1FFFF8, s9  }
.LBB2_54:
0x79b: {  	[hbm4b:s11+s6] =	stream.linear.scatter @!p1 [tilespmem:s10], [sflag:$0x5], $0x80, $0x38;
	[tilespmem:$0x1C768] =	vst v63  }
0x79c: {  	s10 =	sadd.s32 @!p1 $0x200, s2;
	s9 =	sadd.s32 @!p1 s4, s9;
	s8 =	sand.u32 @!p1 $0x1FFFF8, s8  }
0x79d: {  	[hbm4b:s9+s6] =	stream.linear.scatter @!p1 [tilespmem:s10], [sflag:$0x5], $0x80, $0x38;
	[tilespmem:$0x1C768] =	vst v63  }
0x79e: {  	s9 =	simm.s32 $0x0  }
0x79f: {  	s2 =	sadd.s32 @!p1 $0x280, s2;
	s8 =	sadd.s32 @!p1 s4, s8;
	s9 =	simm.s32 @!p1 $0xA80  }
0x7a0: {  	[hbm4b:s8+s6] =	stream.linear.scatter @!p1 [tilespmem:s2], [sflag:$0x5], $0x20, $0x38;
	[tilespmem:$0x1C768] =	vst v63  }
0x7a1: {  	s1 =	sadd.s32 $0xFFFFFFFF, s1;
	s7 =	sadd.s32 s7, s9;
	s2 =	smov.u32 s5;
	v0 =	vld.msk [tilespmem:s3+$0x0], $0x1  }
0x7a2: {  	p2 =	sne.s32 s1, $0x0;
	_ =	sdelay $0x3  }
0x7a3: {  	(v2sf) =	vpush v0, $0x0;
	_ =	sdelay $0xe  }
0x7a4: {  	s8 =	spop (v2sf)  }
0x7a5: {  	p1 =	sgt.u32 s8, $0xEFD7C  }
0x7a6: {  	s5 =	sadd.s32 $0x2A0, s5;
	s3 =	sadd.s32 $0x1, s3;
	s6 =	sand.u32 @!p1 $0xFFFF8, s8  }
0x7a7: {  	s9 =	sadd.s32 @!p1 $0x100, s8;
	s10 =	sadd.s32 @!p1 $0x180, s8;
	s12 =	sadd.s32 @!p1 $0x80, s8  }
0x7a8: {  	s13 =	sadd.s32 @!p1 $0x100, s2;
	s11 =	sadd.s32 @!p1 s4, s6;
	s6 =	sand.u32 @!p1 $0x7, s8  }
0x7a9: {  	[hbm4b:s11+s6] =	stream.linear.scatter @!p1 [tilespmem:s2], [sflag:$0x5], $0x80, $0x38;
	[tilespmem:$0x1C768] =	vst v63  }
0x7aa: {  	s12 =	sand.u32 @!p1 $0x1FFFF8, s12;
	s9 =	sand.u32 @!p1 $0x1FFFF8, s9;
	s11 =	sadd.s32 @!p1 $0x80, s2  }
.Ltmp40:
0x7ab: {  	s12 =	sadd.s32 @!p1 s4, s12;
	s9 =	sadd.s32 @!p1 s4, s9;
	(pc) =	sbr.rel @p2 .LBB2_54-.Ltmp40, $4  }
0x7ac: {  	[hbm4b:s12+s6] =	stream.linear.scatter @!p1 [tilespmem:s11], [sflag:$0x5], $0x80, $0x38;
	[tilespmem:$0x1C768] =	vst v63  }
0x7ad: {  	s11 =	sand.u32 @!p1 $0x1FFFF8, s10;
	s12 =	sadd.s32 @!p1 $0x200, s8;
	s8 =	sadd.s32 @!p1 $0x280, s8  }
0x7ae: {  	[hbm4b:s9+s6] =	stream.linear.scatter @!p1 [tilespmem:s13], [sflag:$0x5], $0x80, $0x38;
	[tilespmem:$0x1C768] =	vst v63  }
0x7af: {  	s10 =	sadd.s32 @!p1 $0x180, s2;
	s11 =	sadd.s32 @!p1 s4, s11;
	s9 =	sand.u32 @!p1 $0x1FFFF8, s12  }
.LBB2_55:
0x7b0: {  	[hbm4b:s11+s6] =	stream.linear.scatter @!p1 [tilespmem:s10], [sflag:$0x5], $0x80, $0x38;
	[tilespmem:$0x1C768] =	vst v63  }
0x7b1: {  	s1 =	sadd.s32 @!p1 $0x200, s2;
	s0 =	simm.s32 @!p1 $0xA80  }
0x7b2: {  	s3 =	sadd.s32 @!p1 s4, s9;
	s5 =	sand.u32 @!p1 $0x1FFFF8, s8;
	s0 =	sadd.s32 s7, s0  }
0x7b3: {  	[hbm4b:s3+s6] =	stream.linear.scatter @!p1 [tilespmem:s1], [sflag:$0x5], $0x80, $0x38;
	[tilespmem:$0x1C768] =	vst v63  }
0x7b4: {  	s1 =	sadd.s32 @!p1 $0x280, s2;
	s2 =	sadd.s32 @!p1 s4, s5;
	s0 =	sshrl.u32 s0, $0x2  }
0x7b5: {  	[hbm4b:s2+s6] =	stream.linear.scatter @!p1 [tilespmem:s1], [sflag:$0x5], $0x20, $0x38;
	[tilespmem:$0x1C768] =	vst v63  }
.LBB2_56:
0x7b6: {  	s1 =	simm.s32 $0x5  }
0x7b7: {  	_ =	swait.ge [sflag:s1], s0  }
0x7b8: {  	s31 =	ssub.s32 $0x0, s0;
	[sflag:s1] =	ssyncset.done $0x0  }
0x7b9: {  	[sflag:s1] =	ssyncadd.s32 s31  }
0x7ba: {  	[sflag:s1] =	ssyncpa.u1 $0x1  }
.LBB2_57:
0x7bb: {  	s0 =	sor.u32 s19, s18  }
0x7bc: {  	p1 =	sne.s32 s0, $0x0  }
.Ltmp41:
0x7bd: {  	_ = 	snop;
	(pc) =	sbr.rel @p1 .LBB2_80-.Ltmp41, $3  }
0x7be: {  	_ =	sdelay $0x1  }
0x7bf: {  	[bflag:$0x0] =	sbarrier.arrive $0xFFFF  }
0x7c0: {  	_ =	sfence  }
0x7c1: {  	s2 =	simm.s32 $0x7  }
0x7c2: {  	s0 =	simm.s32 $0x5400;
	s1 =	simm.s32 $0xB298;
	[sflag:s2] =	ssyncpa.u1 $0x0  }
0x7c3: {  	[tilespmem:s1], [sflag:$0x7] =	stream.linear.gather [spmem:s0], $0x20, $0x38;
	[tilespmem:$0x1C768] =	vst v63  }
0x7c4: {  	s0 =	simm.s32 $0x0;
	s1 =	simm.s32 $0xB2B8  }
0x7c5: {  	[tilespmem:s1], [sflag:$0x7] =	stream.linear.gather [spmem:s0], $0x5400, $0x38;
	[tilespmem:$0x1C768] =	vst v63  }
.Ltmp42:
0x7c6: {  	_ = 	snop;
	(pc) =	sbr.rel .LBB2_59-.Ltmp42, $4  }
0x7c7: {  	s3 =	simm.s32 $0xB068;
	_ =	swait.ge [sflag:s2], $0x5420  }
0x7c8: {  	s5 =	simm.s32 $0xB0E8;
	s6 =	simm.s32 $0xB168;
	[sflag:s2] =	ssyncset.done $0x0  }
0x7c9: {  	s7 =	simm.s32 $0xB1E8;
	[sflag:s2] =	ssyncadd.s32 $0xFFFFABE0;
	s2 =	simm.s32 $0x8  }
0x7ca: {  	s8 =	simm.s32 $0xB268;
	s9 =	simm.s32 $0x0;
	[sflag:s2] =	ssyncpa.u1 $0x0  }
.LBB2_74:
0x7cb: {  	s9 =	sadd.s32 $0x1, s9  }
0x7cc: {  	p1 =	sne.s32 s9, $0x20  }
.Ltmp43:
0x7cd: {  	_ = 	snop;
	(pc) =	sbr.rel @!p1 .LBB2_75-.Ltmp43, $2  }
0x7ce: {  	_ =	sdelay $0x2  }
0x7cf: {  	s1 =	sadd.s32 $0x2A0, s1  }
.LBB2_59:
0x7d0: {  	v0 =	vld.msk [tilespmem:s9+$0xB298], $0x1;
	_ =	sdelay $0x4  }
0x7d1: {  	(v2sf) =	vpush v0, $0x0;
	_ =	sdelay $0xe  }
0x7d2: {  	s10 =	spop (v2sf)  }
0x7d3: {  	p1 =	seq.s32 s10, $0xFFFFFFFF  }
.Ltmp44:
0x7d4: {  	_ = 	snop;
	(pc) =	sbr.rel @p1 .LBB2_74-.Ltmp44, $1  }
0x7d5: {  	_ =	sdelay $0x3  }
0x7d6: {  	p1 =	slt.s32 s0, $0x1  }
.Ltmp45:
0x7d7: {  	_ = 	snop;
	(pc) =	sbr.rel @p1 .LBB2_67-.Ltmp45, $1  }
0x7d8: {  	_ =	sdelay $0x3  }
0x7d9: {  	s11 =	simm.s32 $0xB298;
	p1 =	por $0x0, $0x0  }
0x7da: {  	v1 =	vld.msk @!p1 [tilespmem:s11+$0x0], $0x1;
	_ =	sdelay $0x4  }
0x7db: {  	(v2sf) =	vpush @!p1 v1, $0x0;
	_ =	sdelay $0xd  }
0x7dc: {  	p3 =	sne.s32 s0, $0x1  }
.Ltmp46:
0x7dd: {  	s12 =	spop @!p1 (v2sf);
	(pc) =	sbr.rel @!p3 .LBB2_63-.Ltmp46, $4  }
0x7de: {  	p2 =	seq.s32 @!p1 s10, s12  }
0x7df: {  	s12 =	simm.s32 $0x0;
	p2 =	por !p2, p1  }
0x7e0: {  	s14 =	simm.s32 $0xFFFFFFFF;
	s12 =	simm.s32 @p2 $0xFFFFFFFF  }
0x7e1: {  	s13 =	simm.s32 $0x1;
	s12 =	smov.u32 @p1 s14  }
.LBB2_62:
0x7e2: {  	s14 =	smov.u32 s12;
	p1 =	sne.s32 s12, $0xFFFFFFFF  }
0x7e3: {  	s11 =	sadd.s32 $0x1, s11;
	s12 =	smov.u32 s13;
	s13 =	sadd.s32 $0x1, s13  }
0x7e4: {  	p2 =	sne.s32 s0, s13;
	v1 =	vld.msk @!p1 [tilespmem:s11+$0x0], $0x1;
	_ =	sdelay $0x4  }
0x7e5: {  	(v2sf) =	vpush @!p1 v1, $0x0;
	_ =	sdelay $0xe  }
.Ltmp47:
0x7e6: {  	s15 =	spop @!p1 (v2sf);
	(pc) =	sbr.rel @p2 .LBB2_62-.Ltmp47, $4  }
0x7e7: {  	p3 =	seq.s32 @!p1 s10, s15  }
0x7e8: {  	p3 =	por !p3, p1  }
0x7e9: {  	s12 =	simm.s32 @p3 $0xFFFFFFFF  }
0x7ea: {  	s12 =	smov.u32 @p1 s14  }
.LBB2_63:
0x7eb: {  	p1 =	seq.s32 s12, $0xFFFFFFFF  }
.Ltmp48:
0x7ec: {  	_ = 	snop;
	(pc) =	sbr.rel @p1 .LBB2_67-.Ltmp48, $1  }
0x7ed: {  	_ =	sdelay $0x3  }
0x7ee: {  	s10 =	smul.u32 $0xA80, s12;
	_ =	sdelay $0x1  }
0x7ef: {  	s10 =	sshra.s32 s10, $0x2  }
0x7f0: {  	s11 =	simm.s32 $0x0;
	v0 =	vld [tilespmem:s1+$0x0];
	s12 =	smov.u32 s1;
	s10 =	sadd.s32 $0xB2B8, s10  }
.LBB2_65:
0x7f1: {  	s11 =	sadd.s32 $0x10, s11  }
0x7f2: {  	p1 =	slt.u32 s11, $0x290  }
.Ltmp49:
0x7f3: {  	_ = 	snop;
	(pc) =	sbr.rel @p1 .LBB2_65-.Ltmp49, $3  }
0x7f4: {  	_ =	sdelay $0x1  }
0x7f5: {  	s12 =	sadd.s32 $0x10, s12;
	[tilespmem:s10+$0x0] =	vst.add.f32.msk $0xffff, v0;
	s10 =	sadd.s32 $0x10, s10  }
0x7f6: {  	v0 =	vld [tilespmem:s12+$0x0]  }
.Ltmp50:
0x7f7: {  	_ = 	snop;
	(pc) =	sbr.rel .LBB2_74-.Ltmp50, $2  }
0x7f8: {  	_ =	sdelay $0x2  }
0x7f9: {  	[tilespmem:s10+$0x0] =	vst.add.f32.msk $0xffff, v0  }
.LBB2_67:
0x7fa: {  	p1 =	sgt.u32 s10, $0xEFD7C  }
.Ltmp51:
0x7fb: {  	_ = 	snop;
	(pc) =	sbr.rel @p1 .LBB2_71-.Ltmp51, $1  }
0x7fc: {  	_ =	sdelay $0x3  }
0x7fd: {  	s11 =	sand.u32 $0xFFFF8, s10;
	s13 =	sand.u32 $0x7, s10  }
0x7fe: {  	s26 =	sadd.s32 $0x80, s10;
	s12 =	sadd.s32 s4, s11;
	s11 =	simm.s32 $0xAFE8  }
0x7ff: {  	[tilespmem:s11], [sflag:$0x8] =	stream.linear.gather [hbm4b:s12+s13], $0x80, $0x38;
	[tilespmem:$0x1C768] =	vst v63  }
0x800: {  	s12 =	sand.u32 $0x1FFFF8, s26  }
0x801: {  	s28 =	sadd.s32 $0x100, s10;
	s12 =	sadd.s32 s4, s12  }
0x802: {  	[tilespmem:s3], [sflag:$0x8] =	stream.linear.gather [hbm4b:s12+s13], $0x80, $0x38;
	[tilespmem:$0x1C768] =	vst v63  }
0x803: {  	s12 =	sand.u32 $0x1FFFF8, s28  }
0x804: {  	s29 =	sadd.s32 $0x180, s10;
	s12 =	sadd.s32 s4, s12  }
0x805: {  	[tilespmem:s5], [sflag:$0x8] =	stream.linear.gather [hbm4b:s12+s13], $0x80, $0x38;
	[tilespmem:$0x1C768] =	vst v63  }
0x806: {  	s12 =	sand.u32 $0x1FFFF8, s29  }
0x807: {  	s30 =	sadd.s32 $0x200, s10;
	s12 =	sadd.s32 s4, s12  }
0x808: {  	[tilespmem:s6], [sflag:$0x8] =	stream.linear.gather [hbm4b:s12+s13], $0x80, $0x38;
	[tilespmem:$0x1C768] =	vst v63  }
0x809: {  	s31 =	sadd.s32 $0x280, s10;
	s12 =	sand.u32 $0x1FFFF8, s30  }
0x80a: {  	s10 =	sand.u32 $0x1FFFF8, s31;
	s12 =	sadd.s32 s4, s12  }
0x80b: {  	[tilespmem:s7], [sflag:$0x8] =	stream.linear.gather [hbm4b:s12+s13], $0x80, $0x38;
	[tilespmem:$0x1C768] =	vst v63  }
0x80c: {  	s10 =	sadd.s32 s4, s10  }
0x80d: {  	[tilespmem:s8], [sflag:$0x8] =	stream.linear.gather [hbm4b:s10+s13], $0x20, $0x38;
	[tilespmem:$0x1C768] =	vst v63  }
0x80e: {  	_ =	swait.ge [sflag:s2], $0x2A0  }
0x80f: {  	[sflag:s2] =	ssyncset.done $0x0  }
0x810: {  	[sflag:s2] =	ssyncadd.s32 $0xFFFFFD60  }
0x811: {  	s12 =	smov.u32 s1;
	s10 =	simm.s32 $0x0;
	v1 =	vld [tilespmem:s11+$0x0]  }
.LBB2_69:
0x812: {  	s10 =	sadd.s32 $0x10, s10  }
0x813: {  	p1 =	slt.u32 s10, $0x290  }
.Ltmp52:
0x814: {  	_ = 	snop;
	(pc) =	sbr.rel @p1 .LBB2_69-.Ltmp52, $3  }
0x815: {  	_ =	sdelay $0x1  }
0x816: {  	s11 =	sadd.s32 $0x10, s11;
	[tilespmem:s12+$0x0] =	vst.add.f32.msk $0xffff, v1;
	s12 =	sadd.s32 $0x10, s12  }
0x817: {  	v1 =	vld [tilespmem:s11+$0x0]  }
0x818: {  	_ =	sdelay $0x3  }
0x819: {  	[tilespmem:s12+$0x0] =	vst.add.f32.msk $0xffff, v1  }
.LBB2_71:
0x81a: {  	s10 =	smul.u32 $0xA80, s0;
	_ =	sdelay $0x1  }
0x81b: {  	[tilespmem:s0+$0xB298] =	vst.msk $0x1, v0;
	s10 =	sshra.s32 s10, $0x2  }
0x81c: {  	s11 =	simm.s32 $0x0;
	s12 =	smov.u32 s1;
	v0 =	vld [tilespmem:s1+$0x0];
	s10 =	sadd.s32 $0xB2B8, s10  }
.LBB2_72:
0x81d: {  	s11 =	sadd.s32 $0x10, s11  }
0x81e: {  	p1 =	slt.u32 s11, $0x290  }
.Ltmp53:
0x81f: {  	_ = 	snop;
	(pc) =	sbr.rel @p1 .LBB2_72-.Ltmp53, $3  }
0x820: {  	_ =	sdelay $0x1  }
0x821: {  	s12 =	sadd.s32 $0x10, s12;
	[tilespmem:s10+$0x0] =	vst v0;
	s10 =	sadd.s32 $0x10, s10  }
0x822: {  	v0 =	vld [tilespmem:s12+$0x0]  }
.Ltmp54:
0x823: {  	_ = 	snop;
	(pc) =	sbr.rel .LBB2_74-.Ltmp54, $2  }
0x824: {  	_ =	sdelay $0x2  }
0x825: {  	s0 =	sadd.s32 $0x1, s0;
	[tilespmem:s10+$0x0] =	vst v0  }
.LBB2_75:
0x826: {  	p1 =	slt.s32 s0, $0x1  }
.Ltmp55:
0x827: {  	_ = 	snop;
	(pc) =	sbr.rel @p1 .LBB2_79-.Ltmp55, $3  }
0x828: {  	_ =	sdelay $0x1  }
0x829: {  	s1 =	simm.s32 $0x8  }
0x82a: {  	[sflag:s1] =	ssyncpa.u1 $0x1;
	s1 =	simm.s32 $0x0  }
0x82b: {  	s2 =	simm.s32 $0xB298  }
0x82c: {  	v0 =	vld.msk [tilespmem:s2+$0x0], $0x1;
	_ =	sdelay $0x4  }
0x82d: {  	(v2sf) =	vpush v0, $0x0;
	_ =	sdelay $0xe  }
0x82e: {  	s3 =	simm.s32 $0xB2B8;
	s0 =	sadd.s32 $0xFFFFFFFF, s0;
	s8 =	spop (v2sf)  }
0x82f: {  	s5 =	simm.s32 $0xB299;
	s2 =	simm.s32 $0x0;
	p1 =	sgt.u32 s8, $0xEFD7C  }
0x830: {  	p2 =	sne.s32 s0, $0x0;
	s6 =	sand.u32 @!p1 $0xFFFF8, s8;
	s9 =	sadd.s32 @!p1 $0x80, s8  }
0x831: {  	s7 =	sand.u32 @!p1 $0x7, s8;
	s6 =	sadd.s32 @!p1 s4, s6;
	s9 =	sand.u32 @!p1 $0x1FFFF8, s9  }
0x832: {  	[hbm4b:s6+s7] =	stream.linear.scatter @!p1 [tilespmem:s3], [sflag:$0x7], $0x80, $0x38;
	[tilespmem:$0x1C768] =	vst v63  }
0x833: {  	s10 =	sadd.s32 @!p1 $0x100, s8;
	s11 =	simm.s32 @!p1 $0xB338;
	s9 =	sadd.s32 @!p1 s4, s9  }
0x834: {  	[hbm4b:s9+s7] =	stream.linear.scatter @!p1 [tilespmem:s11], [sflag:$0x7], $0x80, $0x38;
	[tilespmem:$0x1C768] =	vst v63  }
.Ltmp56:
0x835: {  	s12 =	sadd.s32 @!p1 $0x200, s8;
	s10 =	sand.u32 @!p1 $0x1FFFF8, s10;
	(pc) =	sbr.rel @!p2 .LBB2_78-.Ltmp56, $4  }
0x836: {  	s6 =	simm.s32 $0xB558;
	s10 =	sadd.s32 @!p1 s4, s10;
	s9 =	sadd.s32 @!p1 $0x180, s8  }
0x837: {  	s11 =	simm.s32 @!p1 $0xB3B8;
	s8 =	sadd.s32 @!p1 $0x280, s8;
	s9 =	sand.u32 @!p1 $0x1FFFF8, s9  }
0x838: {  	[hbm4b:s10+s7] =	stream.linear.scatter @!p1 [tilespmem:s11], [sflag:$0x7], $0x80, $0x38;
	[tilespmem:$0x1C768] =	vst v63  }
0x839: {  	s10 =	simm.s32 @!p1 $0xB438;
	s11 =	sadd.s32 @!p1 s4, s9;
	s9 =	sand.u32 @!p1 $0x1FFFF8, s12  }
.LBB2_77:
0x83a: {  	[hbm4b:s11+s7] =	stream.linear.scatter @!p1 [tilespmem:s10], [sflag:$0x7], $0x80, $0x38;
	[tilespmem:$0x1C768] =	vst v63  }
0x83b: {  	s10 =	sadd.s32 @!p1 $0x200, s3;
	s9 =	sadd.s32 @!p1 s4, s9;
	s8 =	sand.u32 @!p1 $0x1FFFF8, s8  }
0x83c: {  	[hbm4b:s9+s7] =	stream.linear.scatter @!p1 [tilespmem:s10], [sflag:$0x7], $0x80, $0x38;
	[tilespmem:$0x1C768] =	vst v63  }
0x83d: {  	s9 =	simm.s32 $0x0  }
0x83e: {  	s3 =	sadd.s32 @!p1 $0x280, s3;
	s8 =	sadd.s32 @!p1 s4, s8;
	s9 =	simm.s32 @!p1 $0xA80  }
0x83f: {  	[hbm4b:s8+s7] =	stream.linear.scatter @!p1 [tilespmem:s3], [sflag:$0x7], $0x20, $0x38;
	[tilespmem:$0x1C768] =	vst v63  }
0x840: {  	s0 =	sadd.s32 $0xFFFFFFFF, s0;
	s1 =	sadd.s32 s1, s9;
	s3 =	smov.u32 s6;
	v0 =	vld.msk [tilespmem:s5+$0x0], $0x1  }
0x841: {  	p2 =	sne.s32 s0, $0x0;
	_ =	sdelay $0x3  }
0x842: {  	(v2sf) =	vpush v0, $0x0;
	_ =	sdelay $0xe  }
0x843: {  	s8 =	spop (v2sf)  }
0x844: {  	p1 =	sgt.u32 s8, $0xEFD7C  }
0x845: {  	s6 =	sadd.s32 $0x2A0, s6;
	s5 =	sadd.s32 $0x1, s5;
	s7 =	sand.u32 @!p1 $0xFFFF8, s8  }
0x846: {  	s9 =	sadd.s32 @!p1 $0x100, s8;
	s10 =	sadd.s32 @!p1 $0x180, s8;
	s12 =	sadd.s32 @!p1 $0x80, s8  }
0x847: {  	s13 =	sadd.s32 @!p1 $0x100, s3;
	s11 =	sadd.s32 @!p1 s4, s7;
	s7 =	sand.u32 @!p1 $0x7, s8  }
0x848: {  	[hbm4b:s11+s7] =	stream.linear.scatter @!p1 [tilespmem:s3], [sflag:$0x7], $0x80, $0x38;
	[tilespmem:$0x1C768] =	vst v63  }
0x849: {  	s12 =	sand.u32 @!p1 $0x1FFFF8, s12;
	s9 =	sand.u32 @!p1 $0x1FFFF8, s9;
	s11 =	sadd.s32 @!p1 $0x80, s3  }
.Ltmp57:
0x84a: {  	s12 =	sadd.s32 @!p1 s4, s12;
	s9 =	sadd.s32 @!p1 s4, s9;
	(pc) =	sbr.rel @p2 .LBB2_77-.Ltmp57, $4  }
0x84b: {  	[hbm4b:s12+s7] =	stream.linear.scatter @!p1 [tilespmem:s11], [sflag:$0x7], $0x80, $0x38;
	[tilespmem:$0x1C768] =	vst v63  }
0x84c: {  	s11 =	sand.u32 @!p1 $0x1FFFF8, s10;
	s12 =	sadd.s32 @!p1 $0x200, s8;
	s8 =	sadd.s32 @!p1 $0x280, s8  }
0x84d: {  	[hbm4b:s9+s7] =	stream.linear.scatter @!p1 [tilespmem:s13], [sflag:$0x7], $0x80, $0x38;
	[tilespmem:$0x1C768] =	vst v63  }
0x84e: {  	s10 =	sadd.s32 @!p1 $0x180, s3;
	s11 =	sadd.s32 @!p1 s4, s11;
	s9 =	sand.u32 @!p1 $0x1FFFF8, s12  }
.LBB2_78:
0x84f: {  	[hbm4b:s11+s7] =	stream.linear.scatter @!p1 [tilespmem:s10], [sflag:$0x7], $0x80, $0x38;
	[tilespmem:$0x1C768] =	vst v63  }
0x850: {  	s0 =	sadd.s32 @!p1 $0x200, s3;
	s2 =	simm.s32 @!p1 $0xA80  }
0x851: {  	s5 =	sadd.s32 @!p1 s4, s9;
	s6 =	sand.u32 @!p1 $0x1FFFF8, s8;
	s31 =	sadd.s32 s1, s2  }
0x852: {  	[hbm4b:s5+s7] =	stream.linear.scatter @!p1 [tilespmem:s0], [sflag:$0x7], $0x80, $0x38;
	[tilespmem:$0x1C768] =	vst v63  }
0x853: {  	s0 =	sadd.s32 @!p1 $0x280, s3;
	s3 =	sadd.s32 @!p1 s4, s6;
	s1 =	sshrl.u32 s31, $0x2  }
0x854: {  	[hbm4b:s3+s7] =	stream.linear.scatter @!p1 [tilespmem:s0], [sflag:$0x7], $0x20, $0x38;
	[tilespmem:$0x1C768] =	vst v63  }
.LBB2_79:
0x855: {  	s0 =	simm.s32 $0x7  }
0x856: {  	_ =	swait.ge [sflag:s0], s1  }
0x857: {  	s31 =	ssub.s32 $0x0, s1;
	[sflag:s0] =	ssyncset.done $0x0  }
0x858: {  	[sflag:s0] =	ssyncadd.s32 s31  }
0x859: {  	[sflag:s0] =	ssyncpa.u1 $0x1  }
.LBB2_80:
0x85a: {  	_ =	sfence;
	s0 =	simm.s32 $0x1  }
0x85b: {  	[sflag:s0] =	ssyncpa.u1 $0x1  }
0x85c: {  	_ =	strace $0x90000053  }
0x85d: {  	[bflag:$0x2] =	sbarrier.arrive $0xFFFF  }
0x85e: {  	s0 =	rddreg [dreg:$0x3]  }
0x85f: {  	s0 =	sadd.s32 @!p0 $0x100000, s0  }
0x860: {  	[sflag:s0] =	ssyncadd.tile.s32 @!p0 $0x1;
	_ =	shalt  }
.Lfunc_end2:
_tile_overlayer_lowered:
.L_overlay_start_2:
0x861: {  	(tag) =	ssettag $0x2  }
0x862: {  	s0 =	rddreg [dreg:$0x0];
	s2 =	stileid.u32  }
0x863: {  	s1 =	rddreg [dreg:$0x1];
	p0 =	sne.s32 s2, $0x0  }
0x864: {  	s3 =	rddreg [dreg:$0x2];
	[bflag:$0x3] =	sbarrier.arrive $0xFFFF;
	s2 =	simm.s32 @!p0 $0x1C01  }
0x865: {  	[timem:s3], [sflag:s2] =	dma.local @!p0 [hbm:s0], s1  }
0x866: {  	s0 =	simm.s32 @!p0 $0x1  }
0x867: {  	_ =	swait.ge @!p0 [sflag:s0], s1  }
0x868: {  	s1 =	ssub.s32 @!p0 $0x0, s1;
	[sflag:s0] =	ssyncset.done @!p0 $0x0  }
0x869: {  	[sflag:s0] =	ssyncadd.s32 @!p0 s1  }
0x86a: {  	[bflag:$0x3] =	sbarrier.arrive $0xFFFF  }
0x86b: {  	_ =	shalt  }

// kernel: scatter_offload_async_start.2
scs
__scs_entry_jumppad:
0x0: {  	(pc) =	sbr.rel $0x88, $3  }
0x1: {  	(tag) =	ssettag $0x0;
	lr =	simm.s32 $0x1  }
0x2: {  	[smem:$0x3F8F] =	sst lr;
	_ =	strace $0xD0000000  }
0x3: {  	_ = 	snop  }
0x4: {  	_ = 	snop  }
0x5: {  	_ = 	snop  }
0x6: {  	_ = 	snop  }
0x7: {  	_ = 	snop  }
__scs_overlays_trampoline_lowered:
0x8: {  	[smem:$0x3F9E] =	sst s0  }
0x9: {  	[smem:$0x3F9F] =	sst s1  }
0xa: {  	[smem:$0x3FA0] =	sst s2  }
0xb: {  	[smem:$0x3FA1] =	sst s3  }
0xc: {  	[smem:$0x3FA2] =	sst s4  }
0xd: {  	[smem:$0x3FA3] =	sst s5  }
0xe: {  	[smem:$0x3FA4] =	sst s6  }
0xf: {  	[smem:$0x3FA5] =	sst s7  }
0x10: {  	[smem:$0x3FA6] =	sst s8  }
0x11: {  	[smem:$0x3FA7] =	sst s9;
	s0 =	simm.s32 @!p0 $0x0  }
0x12: {  	s1 =	sld [smem:$0x3F8D];
	s0 =	simm.s32 @p0 $0x1  }
0x13: {  	[smem:$0x3FA8] =	sst s0;
	s0 =	simm.s32 @!p1 $0x0  }
0x14: {  	s2 =	sld [smem:$0x3F8C];
	s0 =	simm.s32 @p1 $0x1  }
0x15: {  	[smem:$0x3FA9] =	sst s0;
	s0 =	simm.s32 @!p2 $0x0  }
0x16: {  	s3 =	sld [smem:$0x3FDB];
	s0 =	simm.s32 @p2 $0x1  }
0x17: {  	s4 =	simm.s32 $0x1BF5;
	[smem:$0x3FAB] =	sst s0  }
0x18: {  	s0 =	sld [smem:$0x3F8E];
	_ =	swait.ge [sflag:s4], $0x0  }
0x19: {  	s7 =	sld [smem:$0x3F8F]  }
0x1a: {  	s8 =	sadd.s32 $0xFFFFE003, lr  }
0x1b: {  	s9 =	sadd.s32 $0xFFFFFEF7, lr;
	s5 =	simm.s32 $0xFFFFFFFF;
	p2 =	slt.u32 s8, $0xFFFFF086  }
0x1c: {  	p1 =	slt.u32 s9, $0xF7A;
	s5 =	simm.s32 @!p2 $0x0  }
0x1d: {  	s5 =	simm.s32 @p1 $0x1;
	p0 =	seq.s32 s7, s2  }
0x1e: {  	s7 =	smul.u32 @!p0 $0xF7A, s2;
	p2 =	seq.s32 @!p0 s5, $0x0  }
0x1f: {  	s9 =	smul.u32 $0xF7A, s1;
	s8 =	simm.s32 @!p0 $0x1BF5;
	p2 =	por !p2, p0  }
0x20: {  	[sflag:s8] =	ssyncset.s32 @!p0 $0xFFFFF086;
	s6 =	sadd.s32 @!p0 s3, s7;
	s7 =	simm.s32 @!p0 $0x108  }
0x21: {  	s3 =	sadd.s32 s3, s9;
	s6 =	sadd.s32 @!p0 $0x88, s6;
	s7 =	simm.s32 @p2 $0x1082  }
0x22: {  	[simem:s7], [sflag:s8] =	dma.local @!p0 [hbm:s6], $0xF7A  }
0x23: {  	s9 =	sor.u32 $0xD0000000, s2;
	s6 =	simm.s32 $0x108;
	_ =	swait.ge @!p0 [sflag:s8], $0x0  }
0x24: {  	s3 =	sadd.s32 $0x88, s3;
	s6 =	simm.s32 @!p1 $0x1082;
	[sflag:s4] =	ssyncset.s32 $0xFFFFF086  }
0x25: {  	[simem:s6], [sflag:s4] =	dma.local [hbm:s3], $0xF7A  }
0x26: {  	[smem:$0x3F8F] =	sst s1;
	(tag) =	ssettag s2;
	_ =	strace s9  }
0x27: {  	s1 =	sld [smem:$0x3F9F]  }
0x28: {  	s2 =	sld [smem:$0x3FA0]  }
0x29: {  	s4 =	sld [smem:$0x3FA2]  }
0x2a: {  	p0 =	seq.s32 s5, $0x0;
	s5 =	sld [smem:$0x3FA3]  }
0x2b: {  	s6 =	sld [smem:$0x3FA4]  }
0x2c: {  	s7 =	sld [smem:$0x3FA5]  }
0x2d: {  	s3 =	simm.s32 $0x108;
	s8 =	sld [smem:$0x3FA6]  }
0x2e: {  	s3 =	simm.s32 @!p0 $0x1082;
	s9 =	sld [smem:$0x3FA7]  }
0x2f: {  	lr =	sadd.s32 s0, s3;
	s0 =	sld [smem:$0x3F9E]  }
0x30: {  	s3 =	sld [smem:$0x3FA1]  }
0x31: {  	[smem:$0x3FAA] =	sst s10  }
0x32: {  	s10 =	sld [smem:$0x3FA8];
	_ =	sdelay $0x3  }
0x33: {  	p0 =	seq.s32 s10, $0x1;
	s10 =	sld [smem:$0x3FAA];
	_ =	sdelay $0x3  }
0x34: {  	[smem:$0x3FAA] =	sst s10  }
0x35: {  	s10 =	sld [smem:$0x3FA9];
	_ =	sdelay $0x3  }
0x36: {  	p1 =	seq.s32 s10, $0x1;
	s10 =	sld [smem:$0x3FAA];
	_ =	sdelay $0x3  }
0x37: {  	[smem:$0x3FAA] =	sst s10  }
0x38: {  	s10 =	sld [smem:$0x3FAB]  }
0x39: {  	_ = 	snop;
	(pc) =	sbr.ind lr, $3  }
0x3a: {  	_ = 	snop  }
0x3b: {  	_ = 	snop  }
0x3c: {  	p2 =	seq.s32 s10, $0x1;
	s10 =	sld [smem:$0x3FAA]  }
0x3d: {  	_ =	shalt  }
0x3e: {  	_ =	shalt  }
0x3f: {  	_ =	shalt  }
0x40: {  	_ =	shalt  }
0x41: {  	_ =	shalt  }
0x42: {  	_ =	shalt  }
0x43: {  	_ =	shalt  }
0x44: {  	_ =	shalt  }
0x45: {  	_ =	shalt  }
0x46: {  	_ =	shalt  }
0x47: {  	_ =	shalt  }
0x48: {  	_ =	shalt  }
0x49: {  	_ =	shalt  }
0x4a: {  	_ =	shalt  }
0x4b: {  	_ =	shalt  }
0x4c: {  	_ =	shalt  }
0x4d: {  	_ =	shalt  }
0x4e: {  	_ =	shalt  }
0x4f: {  	_ =	shalt  }
0x50: {  	_ =	shalt  }
0x51: {  	_ =	shalt  }
0x52: {  	_ =	shalt  }
0x53: {  	_ =	shalt  }
0x54: {  	_ =	shalt  }
0x55: {  	_ =	shalt  }
0x56: {  	_ =	shalt  }
0x57: {  	_ =	shalt  }
0x58: {  	_ =	shalt  }
0x59: {  	_ =	shalt  }
0x5a: {  	_ =	shalt  }
0x5b: {  	_ =	shalt  }
0x5c: {  	_ =	shalt  }
0x5d: {  	_ =	shalt  }
0x5e: {  	_ =	shalt  }
0x5f: {  	_ =	shalt  }
0x60: {  	_ =	shalt  }
0x61: {  	_ =	shalt  }
0x62: {  	_ =	shalt  }
0x63: {  	_ =	shalt  }
0x64: {  	_ =	shalt  }
0x65: {  	_ =	shalt  }
0x66: {  	_ =	shalt  }
0x67: {  	_ =	shalt  }
0x68: {  	_ =	shalt  }
0x69: {  	_ =	shalt  }
0x6a: {  	_ =	shalt  }
0x6b: {  	_ =	shalt  }
0x6c: {  	_ =	shalt  }
0x6d: {  	_ =	shalt  }
0x6e: {  	_ =	shalt  }
0x6f: {  	_ =	shalt  }
0x70: {  	_ =	shalt  }
0x71: {  	_ =	shalt  }
0x72: {  	_ =	shalt  }
0x73: {  	_ =	shalt  }
0x74: {  	_ =	shalt  }
0x75: {  	_ =	shalt  }
0x76: {  	_ =	shalt  }
0x77: {  	_ =	shalt  }
0x78: {  	_ =	shalt  }
0x79: {  	_ =	shalt  }
0x7a: {  	_ =	shalt  }
0x7b: {  	_ =	shalt  }
0x7c: {  	_ =	shalt  }
0x7d: {  	_ =	shalt  }
0x7e: {  	_ =	shalt  }
0x7f: {  	_ =	shalt  }
0x80: {  	_ =	shalt  }
0x81: {  	_ =	shalt  }
0x82: {  	_ =	shalt  }
0x83: {  	_ =	shalt  }
0x84: {  	_ =	shalt  }
0x85: {  	_ =	shalt  }
0x86: {  	_ =	shalt  }
0x87: {  	_ =	shalt  }
.Lfunc_end0:
.L_simem_size_0:
called_computation.2_lowered:
.L_overlay_start_0:
0x88: {  	s2 =	sld [smem:$0x3FD9]  }
0x89: {  	s3 =	sld [smem:$0x3FFE];
	_ =	sdelay $0x1  }
0x8a: {  	s1 =	srdreg.scid  }
0x8b: {  	s0 =	sand.u32 $0x1, s1  }
0x8c: {  	s15 =	sshll.u32 s0, $0xA;
	s2 =	sadd.s32 s3, s2  }
0x8d: {  	s2 =	sadd.s32 s2, s15  }
0x8e: {  	[smem:$0x3FB6] =	sst s2  }
0x8f: {  	_ = 	snop  }
0x90: {  	(tm) =	ssettm $0x1  }
0x91: {  	s16 =	sld [smem:$0x3FFB];
	_ =	sdelay $0x3  }
0x92: {  	_ =	strace s16  }
0x93: {  	s2 =	sld [smem:$0x3FFC];
	_ =	sdelay $0x3  }
0x94: {  	_ =	strace s2  }
0x95: {  	s2 =	sld [smem:$0x3FFD];
	_ =	sdelay $0x3  }
0x96: {  	_ =	strace s2  }
0x97: {  	_ =	strace $0x8FFFFFFF  }
0x98: {  	s17 =	sld [smem:$0x3FDB];
	_ =	sdelay $0x1  }
0x99: {  	s18 =	simm.s32 $_scs_section_size  }
0x9a: {  	s4 =	simm.s32 $_size__tile_overlayer_lowered;
	s5 =	simm.s32 $_tile_overlayer_lowered  }
0x9b: {  	s21 =	simm.s32 $0x1BFF;
	s20 =	sshll.u32 s5, $0x1;
	s2 =	sadd.s32 s18, s17  }
0x9c: {  	s6 =	simm.s32 $0x0;
	s19 =	sshll.u32 s4, $0x1;
	s4 =	sadd.s32 s20, s2  }
0x9d: {  	[timem:s6], [sflag:s21] =	dma.local [hbm:s4], s19  }
0x9e: {  	_ =	swait.ge [sflag:s21], s19  }
0x9f: {  	s3 =	ssub.s32 $0x0, s19;
	[sflag:s21] =	ssyncset.done $0x0  }
0xa0: {  	[sflag:s21] =	ssyncadd.s32 s3;
	_ =	sdelay $0x1  }
0xa1: {  	s22 =	simm.s32 $0x1B8B  }
0xa2: {  	_ =	swait.ge [sflag:s22], $0x1  }
0xa3: {  	[sflag:s22] =	ssyncset.done $0x0  }
0xa4: {  	s23 =	sld [smem:$0x3FFE];
	[sflag:s22] =	ssyncadd.s32 $0xFFFFFFFF  }
0xa5: {  	s25 =	simm.s32 $0x1B8E;
	s24 =	sld [smem:$0x0]  }
0xa6: {  	s26 =	simm.s32 $execute0_lowered;
	[smem:$0x3FD2] =	sst s25  }
0xa7: {  	s5 =	sshll.u32 s26, $0x1;
	_ =	strace $0x80000055;
	[dreg:$0x1] =	wrdreg $0xFFFFFFFF  }
0xa8: {  	s28 =	simm.s32 $_size_execute0_lowered;
	s2 =	sadd.s32 s2, s5;
	[dreg:$0x0] =	wrdreg $0x0  }
0xa9: {  	s5 =	sshll.u32 s28, $0x1;
	[dreg:$0x2] =	wrdreg s2  }
0xaa: {  	[dreg:$0x3] =	wrdreg s5  }
0xab: {  	[dreg:$0x4] =	wrdreg $0xC0  }
0xac: {  	_ =	task [dreg:s6], $0x5FFFF  }
0xad: {  	[dreg:$0x1] =	wrdreg $0xFFFFFFFF  }
0xae: {  	[dreg:$0x0] =	wrdreg $0x60  }
0xaf: {  	[dreg:$0x2] =	wrdreg s23  }
0xb0: {  	[dreg:$0x3] =	wrdreg s1  }
0xb1: {  	[dreg:$0x4] =	wrdreg s24  }
0xb2: {  	[dreg:$0x5] =	wrdreg $0x9  }
0xb3: {  	_ =	task.clear_ibuf [dreg:s6], $0x6FFFF;
	_ =	strace $0x90000055  }
0xb4: {  	s29 =	simm.s32 $0x9;
	_ =	strace $0x80000057  }
0xb5: {  	_ =	swait.ge [sflag:s29], $0x1  }
0xb6: {  	[sflag:s29] =	ssyncadd.s32 $0xFFFFFFFF  }
0xb7: {  	_ =	strace $0x90000057  }
0xb8: {  	_ =	sfence  }
0xb9: {  	s30 =	sld [smem:$0x0];
	_ =	sdelay $0x2  }
0xba: {  	s31 =	sshll.u32 s1, $0xD;
	s1 =	sshrl.u32 s1, $0x2  }
0xbb: {  	s3 =	sand.u32 $0x4000, s31;
	s1 =	sadd.s32 s1, s30  }
0xbc: {  	s0 =	sor.u32 s3, s0;
	s1 =	sshll.u32 s1, $0x11  }
0xbd: {  	s0 =	sor.u32 s1, s0  }
0xbe: {  	s0 =	sadd.s32 $0x8F2B, s0  }
0xbf: {  	[sflag:s0] =	ssyncadd.remote.s32 $0x1  }
0xc0: {  	_ =	sfence.sel $0xFFFF  }
0xc1: {  	[dreg:$0x0] =	wrdreg $0xFFFFFFFF;
	(pc) =	sbr.abs _section_cstart, $3  }
0xc2: {  	[dreg:$0x1] =	wrdreg $0xFFFFFFFF  }
0xc3: {  	_ =	task.clear_ibuf [dreg:s6], $0x2FFFF;
	_ =	strace $0x9FFFFFFF  }
0xc4: {  	(tm) =	ssettm $0x7FFFFFFF  }
0xc5: {  	_ =	shalt  }
tec
execute0_lowered:
.L_overlay_start_1:
0x0: {  	(tag) =	ssettag $0x1  }
0x1: {  	s2 =	rddreg [dreg:$0x0]  }
0x2: {  	s4 =	rddreg [dreg:$0x1];
	_ =	strace $0x80000056;
	s0 =	simm.s32 $0x1  }
0x3: {  	s3 =	simm.s32 $0x608;
	v0 =	vimm.s32 $0x0;
	[sflag:s0] =	ssyncpa.u1 $0x0  }
0x4: {  	[tilespmem:s3+$0x70] =	vst v0  }
0x5: {  	[tilespmem:s3+$0x60] =	vst v0  }
0x6: {  	[tilespmem:s3+$0x50] =	vst v0  }
0x7: {  	[tilespmem:s3+$0x40] =	vst v0  }
0x8: {  	[tilespmem:s3+$0x30] =	vst v0  }
0x9: {  	s1 =	sadd.s32 $0x3F600, s2;
	s0 =	sadd.s32 $0x2600, s2;
	s6 =	sadd.s32 $0x1F7600, s2;
	[tilespmem:s3+$0x20] =	vst v0  }
0xa: {  	s2 =	sadd.s32 $0x7A00, s2;
	s7 =	sand.u32 $0x1, s4;
	s4 =	simm.s32 $0x40;
	[tilespmem:s3+$0x10] =	vst v0  }
.LBB2_1:
0xb: {  	s4 =	sadd.s32 $0x40, s4;
	[tilespmem:s3+$0x0] =	vst v0;
	s3 =	sadd.s32 $0x80, s3  }
0xc: {  	p0 =	slt.u32 s4, $0x3180;
	[tilespmem:s3+$0x70] =	vst v0  }
0xd: {  	[tilespmem:s3+$0x60] =	vst v0  }
.Ltmp0:
0xe: {  	[tilespmem:s3+$0x50] =	vst v0;
	(pc) =	sbr.rel @p0 .LBB2_1-.Ltmp0, $4  }
0xf: {  	[tilespmem:s3+$0x40] =	vst v0  }
0x10: {  	[tilespmem:s3+$0x30] =	vst v0  }
0x11: {  	[tilespmem:s3+$0x20] =	vst v0  }
0x12: {  	[tilespmem:s3+$0x10] =	vst v0  }
0x13: {  	s8 =	stileid.u32  }
0x14: {  	s24 =	simm.s32 $0x2;
	s26 =	simm.s32 $0x9;
	s28 =	simm.s32 $0xA  }
0x15: {  	[dreg:$0x4] =	wrdreg s7;
	s29 =	smul.u32 $0x2990, s7;
	s30 =	simm.s32 $0xB  }
0x16: {  	p1 =	por $0x0, $0x0;
	s18 =	simm.s32 $0x1;
	s4 =	smul.u32 $0xA6, s8  }
0x17: {  	s19 =	simm.s32 $0x80;
	s20 =	simm.s32 $0x400;
	s5 =	smin.u32 s8, $0x4  }
0x18: {  	p0 =	slt.u32 s8, $0x4;
	s4 =	sadd.s32 s5, s4;
	s5 =	simm.s32 $0x14E0  }
0x19: {  	s17 =	simm.s32 $0xC;
	s21 =	sshll.u32 s4, $0x5;
	s5 =	simm.s32 @!p0 $0x14C0  }
0x1a: {  	[tilespmem:s3+$0x0] =	vst v0;
	s22 =	simm.s32 $0x0;
	[sflag:s24] =	ssyncpa.u1 $0x0;
	s25 =	sadd.s32 s5, s21  }
0x1b: {  	v0 =	vimm.s32 $0xFFFFFFFF;
	s31 =	smul.u32 $0x1800, s8;
	s24 =	simm.s32 $0x0;
	s9 =	smin.u32 s25, $0x14C80  }
0x1c: {  	[tilespmem:$0xCC08] =	vst v0;
	[sflag:s26] =	ssyncpa.u1 $0x0;
	s12 =	sadd.s32 s29, s2;
	s3 =	ssub.s32 s9, s21  }
.Ltmp1:
0x1d: {  	s0 =	sadd.s32 s29, s0;
	p0 =	sgt.s32 s3, $0x0;
	(pc) =	sbr.rel .LBB2_3-.Ltmp1, $4  }
0x1e: {  	[sflag:s28] =	ssyncpa.u1 $0x0;
	[dreg:$0x6] =	wrdreg s0;
	s3 =	simm.s32 @!p0 $0x0  }
0x1f: {  	s16 =	sshrl.u32 s31, $0x2;
	[sflag:s30] =	ssyncpa.u1 $0x0;
	s13 =	sshrl.u32 s3, $0x5  }
0x20: {  	s23 =	smov.u32 s21;
	s14 =	sadd.s32 $0x1, s13;
	[dreg:$0x5] =	wrdreg s13  }
0x21: {  	v0 =	vlaneseq.u32;
	s25 =	simm.s32 $0x0;
	p0 =	por $0x1, $0x1;
	[dreg:$0x7] =	wrdreg s14  }
.LBB2_30:
0x22: {  	s2 =	sshrl.u32 s4, $0x2  }
.LBB2_32:
0x23: {  	_ =	swait.ge [sflag:s17], s2  }
0x24: {  	s31 =	ssub.s32 $0x0, s2;
	v1 =	vmov s28;
	vm0 =	veq.s32 v0, $0x0;
	[sflag:s17] =	ssyncset.done $0x0  }
0x25: {  	vm15 =	veq.s32 v0, $0x2;
	v1 =	vsel vm0, s0, v1;
	[sflag:s17] =	ssyncadd.s32 s31  }
0x26: {  	v1 =	vsel vm15, s25, v1;
	[sflag:s17] =	ssyncpa.u1 $0x1  }
0x27: {  	[tilespmem:$0xCC08] =	vst v1  }
.LBB2_33:
0x28: {  	s0 =	sadd.s32 $0x20, s23  }
0x29: {  	s2 =	smov.u32 s21;
	p2 =	slt.s32 s0, s9  }
0x2a: {  	s2 =	smov.u32 @p2 s0;
	p2 =	sne.s32 s24, s14  }
.Ltmp2:
0x2b: {  	_ = 	snop;
	(pc) =	sbr.rel @!p2 .LBB2_34-.Ltmp2, $4  }
0x2c: {  	_ = 	snop  }
0x2d: {  	s25 =	smov.u32 s22  }
0x2e: {  	s31 =	sadd.s32 $0x1, s24;
	s22 =	smov.u32 s23;
	p0 =	por !p0, !p0  }
0x2f: {  	p1 =	por !p1, !p1;
	s24 =	smov.u32 s31;
	s23 =	smov.u32 s2  }
.LBB2_3:
0x30: {  	p2 =	sge.u32 s24, s13  }
0x31: {  	s0 =	smov.u32 s23;
	p3 =	sgt.s32 @!p2 s23, $0x14C60  }
0x32: {  	s2 =	sshra.s32 @!p2 s23, $0x1F;
	s3 =	smulhi.u32 @!p2 $0xAAAAAAAB, s24;
	p3 =	por !p3, p2  }
0x33: {  	s2 =	sand.u32 @!p2 s2, s23;
	s0 =	simm.s32 @p3 $0x14C60  }
0x34: {  	s0 =	ssub.s32 @!p2 s0, s2;
	s2 =	sshrl.u32 @!p2 s3, $0x1  }
0x35: {  	s0 =	sadd.s32 @!p2 $0xFFFEB3A0, s0;
	s2 =	smul.u32 @!p2 $0x3, s2  }
0x36: {  	s4 =	sand.u32 @!p2 $0x7, s23;
	s3 =	sshll.u32 @!p2 s0, $0x2;
	p3 =	sgt.s32 @!p2 s0, $0x1F  }
0x37: {  	s0 =	ssub.s32 @!p2 $0x80, s3;
	s2 =	ssub.s32 @!p2 s24, s2;
	p3 =	por !p3, p2  }
0x38: {  	s3 =	sshrl.u32 @!p2 s23, $0x3;
	s0 =	sshrl.u32 @!p2 s0, $0x2;
	s2 =	sshll.u32 @!p2 s2, $0x5  }
0x39: {  	s3 =	sadd.s32 @!p2 s3, s12;
	s0 =	simm.s32 @!p3 $0x0;
	s2 =	sadd.s32 @!p2 $0x12C48, s2  }
0x3a: {  	[tilespmem:s2], [sflag:$0xA] =	stream.linear.gather @!p2 [hbm4b:s3+s4], s0, $0x38;
	[tilespmem:$0x1ECE8] =	vst v63  }
0x3b: {  	s0 =	sadd.s32 $0xFFFFFFFF, s24  }
0x3c: {  	p2 =	slt.u32 s0, s13  }
.Ltmp3:
0x3d: {  	_ = 	snop;
	(pc) =	sbr.rel @!p2 .LBB2_9-.Ltmp3, $1  }
0x3e: {  	_ =	sdelay $0x3  }
0x3f: {  	p2 =	sgt.s32 s22, $0x14C60;
	s2 =	smov.u32 s22;
	s3 =	sshra.s32 s22, $0x1F  }
0x40: {  	s2 =	simm.s32 @!p2 $0x14C60;
	s3 =	sand.u32 s3, s22  }
0x41: {  	s2 =	ssub.s32 s2, s3  }
0x42: {  	s29 =	smulhi.u32 $0xAAAAAAAB, s0;
	s2 =	sadd.s32 $0xFFFEB3A0, s2  }
0x43: {  	s30 =	sand.u32 $0x1, s0;
	s4 =	sshll.u32 s2, $0x2  }
0x44: {  	s5 =	simm.s32 $0xA;
	s3 =	sshrl.u32 s29, $0x1;
	s4 =	ssub.s32 $0x80, s4  }
0x45: {  	s3 =	smul.u32 $0x3, s3;
	p2 =	sgt.s32 s2, $0x1F;
	s2 =	sshrl.u32 s4, $0x2  }
0x46: {  	s8 =	sshrl.u32 s22, $0x3;
	s11 =	sand.u32 $0x7, s22;
	s2 =	simm.s32 @p2 $0x0  }
0x47: {  	s31 =	ssub.s32 s0, s3;
	s4 =	sshll.u32 s30, $0x5;
	_ =	swait.ge [sflag:s5], s2  }
0x48: {  	s7 =	ssub.s32 $0x0, s2;
	[sflag:s5] =	ssyncset.done $0x0;
	s10 =	rddreg [dreg:$0x6]  }
0x49: {  	s4 =	sadd.s32 $0x12CA8, s4;
	[sflag:s5] =	ssyncadd.s32 s7;
	s3 =	sadd.s32 s8, s10  }
0x4a: {  	[tilespmem:s4], [sflag:$0xB] =	stream.linear.gather [hbm4b:s3+s11], s2, $0x38;
	[tilespmem:$0x1ECE8] =	vst v63  }
0x4b: {  	s2 =	sshll.u32 s31, $0x5  }
0x4c: {  	v1 =	vld.msk [tilespmem:s2+$0x12C48], $0xffff;
	_ =	sdelay $0x3  }
0x4d: {  	s15 =	simm.s32 $0x0  }
0x4e: {  	(v2sf) =	vpush v1, s15;
	_ =	sdelay $0x5  }
0x4f: {  	s26 =	simm.s32 $0x1  }
0x50: {  	(v2sf) =	vpush v1, s26;
	_ =	sdelay $0x4  }
0x51: {  	s31 =	simm.s32 $0x2  }
0x52: {  	(v2sf) =	vpush v1, s31  }
0x53: {  	s7 =	simm.s32 $0x3  }
0x54: {  	s28 =	spop (v2sf);
	(v2sf) =	vpush v1, s7;
	_ =	sdelay $0x1  }
0x55: {  	s3 =	simm.s32 $0x1;
	s29 =	sshrl.u32 s28, $0x3  }
0x56: {  	s3 =	simm.s32 @!p0 $0x0;
	s0 =	sshll.u32 s28, $0x7;
	s4 =	smul.u32 $0x1800, s29  }
0x57: {  	s3 =	smul.u32 $0x18000, s3;
	s0 =	sand.u32 $0x380, s0  }
0x58: {  	s0 =	sor.u32 s0, s4  }
0x59: {  	s30 =	sshrl.u32 s3, $0x2;
	s0 =	sshrl.u32 s0, $0x3  }
0x5a: {  	s3 =	sadd.s32 $0x12CE8, s30;
	s5 =	spop (v2sf);
	s0 =	sadd.s32 s6, s0  }
0x5b: {  	[tilespmem:s3], [sflag:$0x9] =	stream.strided.gather [hbm4b:s0+s19], $0x300, s20, s19, $0x38;
	[tilespmem:$0x1ECE8] =	vst v63  }
0x5c: {  	s7 =	sshrl.u32 s5, $0x3;
	s4 =	simm.s32 $0x4;
	s0 =	sadd.s32 $0x15CE8, s30  }
.LBB2_5:
0x5d: {  	(v2sf) =	vpush v1, s4;
	s7 =	smul.u32 $0x1800, s7;
	s5 =	sshll.u32 s5, $0x7;
	p2 =	seq.s32 s4, $0xF  }
.Ltmp4:
0x5e: {  	s4 =	sadd.s32 $0x1, s4;
	s5 =	sand.u32 $0x380, s5;
	(pc) =	sbr.rel @!p2 .LBB2_5-.Ltmp4, $4  }
0x5f: {  	s7 =	sor.u32 s5, s7  }
0x60: {  	s5 =	spop (v2sf);
	s10 =	sshrl.u32 s7, $0x3  }
0x61: {  	s3 =	sadd.s32 $0x300, s3;
	s7 =	sshrl.u32 s5, $0x3;
	s10 =	sadd.s32 s6, s10  }
0x62: {  	[tilespmem:s3], [sflag:$0x9] =	stream.strided.gather [hbm4b:s10+s19], $0x300, s20, s19, $0x38;
	[tilespmem:$0x1ECE8] =	vst v63  }
0x63: {  	s4 =	smul.u32 $0x1800, s7;
	s5 =	sshll.u32 s5, $0x7  }
0x64: {  	s5 =	sand.u32 $0x380, s5  }
0x65: {  	s30 =	spop (v2sf);
	s3 =	sadd.s32 $0x300, s3;
	s4 =	sor.u32 s5, s4  }
0x66: {  	s31 =	sshrl.u32 s30, $0x3;
	s5 =	sshll.u32 s30, $0x7;
	s4 =	sshrl.u32 s4, $0x3  }
0x67: {  	s7 =	smul.u32 $0x1800, s31;
	s5 =	sand.u32 $0x380, s5;
	s4 =	sadd.s32 s6, s4  }
0x68: {  	[tilespmem:s3], [sflag:$0x9] =	stream.strided.gather [hbm4b:s4+s19], $0x300, s20, s19, $0x38;
	[tilespmem:$0x1ECE8] =	vst v63  }
0x69: {  	s4 =	sor.u32 s5, s7  }
0x6a: {  	s4 =	sshrl.u32 s4, $0x3  }
0x6b: {  	s3 =	sadd.s32 $0x300, s3;
	s4 =	sadd.s32 s6, s4  }
0x6c: {  	[tilespmem:s3], [sflag:$0x9] =	stream.strided.gather [hbm4b:s4+s19], $0x300, s20, s19, $0x38;
	[tilespmem:$0x1ECE8] =	vst v63  }
0x6d: {  	s8 =	spop (v2sf)  }
0x6e: {  	s10 =	sshrl.u32 s8, $0x3  }
0x6f: {  	s5 =	sshll.u32 s8, $0x7;
	s11 =	smul.u32 $0x1800, s10  }
0x70: {  	s5 =	sand.u32 $0x380, s5  }
0x71: {  	s4 =	sor.u32 s5, s11  }
0x72: {  	s4 =	sshrl.u32 s4, $0x3  }
0x73: {  	s3 =	sadd.s32 $0x300, s3;
	s4 =	sadd.s32 s6, s4  }
0x74: {  	[tilespmem:s3], [sflag:$0x9] =	stream.strided.gather [hbm4b:s4+s19], $0x300, s20, s19, $0x38;
	[tilespmem:$0x1ECE8] =	vst v63  }
0x75: {  	v1 =	vld.msk [tilespmem:s2+$0x12C58], $0xffff;
	_ =	sdelay $0x3  }
0x76: {  	s15 =	simm.s32 $0x0  }
0x77: {  	(v2sf) =	vpush v1, s15;
	_ =	sdelay $0x7  }
0x78: {  	s26 =	simm.s32 $0x1  }
0x79: {  	(v2sf) =	vpush v1, s26;
	_ =	sdelay $0x4  }
0x7a: {  	s30 =	simm.s32 $0x2  }
0x7b: {  	s28 =	spop (v2sf);
	(v2sf) =	vpush v1, s30  }
0x7c: {  	s31 =	simm.s32 $0x3  }
0x7d: {  	(v2sf) =	vpush v1, s31;
	_ =	sdelay $0x1  }
0x7e: {  	s29 =	sshrl.u32 s28, $0x3  }
0x7f: {  	s2 =	sshll.u32 s28, $0x7;
	s3 =	smul.u32 $0x1800, s29  }
0x80: {  	s2 =	sand.u32 $0x380, s2  }
0x81: {  	s2 =	sor.u32 s2, s3  }
0x82: {  	s2 =	sshrl.u32 s2, $0x3  }
0x83: {  	s3 =	spop (v2sf);
	s2 =	sadd.s32 s6, s2  }
0x84: {  	[tilespmem:s0], [sflag:$0x9] =	stream.strided.gather [hbm4b:s2+s19], $0x300, s20, s19, $0x38;
	[tilespmem:$0x1ECE8] =	vst v63  }
0x85: {  	s4 =	sshrl.u32 s3, $0x3;
	s2 =	simm.s32 $0x4  }
.LBB2_7:
0x86: {  	(v2sf) =	vpush v1, s2;
	s4 =	smul.u32 $0x1800, s4;
	s3 =	sshll.u32 s3, $0x7;
	p2 =	seq.s32 s2, $0xF  }
.Ltmp5:
0x87: {  	s2 =	sadd.s32 $0x1, s2;
	s3 =	sand.u32 $0x380, s3;
	(pc) =	sbr.rel @!p2 .LBB2_7-.Ltmp5, $4  }
0x88: {  	s4 =	sor.u32 s3, s4  }
0x89: {  	s3 =	spop (v2sf);
	s5 =	sshrl.u32 s4, $0x3  }
0x8a: {  	s0 =	sadd.s32 $0x300, s0;
	s4 =	sshrl.u32 s3, $0x3;
	s5 =	sadd.s32 s6, s5  }
0x8b: {  	[tilespmem:s0], [sflag:$0x9] =	stream.strided.gather [hbm4b:s5+s19], $0x300, s20, s19, $0x38;
	[tilespmem:$0x1ECE8] =	vst v63  }
0x8c: {  	s2 =	smul.u32 $0x1800, s4;
	s3 =	sshll.u32 s3, $0x7  }
0x8d: {  	s3 =	sand.u32 $0x380, s3  }
0x8e: {  	s15 =	spop (v2sf);
	s0 =	sadd.s32 $0x300, s0;
	s2 =	sor.u32 s3, s2  }
0x8f: {  	s26 =	sshrl.u32 s15, $0x3;
	s3 =	sshll.u32 s15, $0x7;
	s2 =	sshrl.u32 s2, $0x3  }
0x90: {  	s28 =	smul.u32 $0x1800, s26;
	s3 =	sand.u32 $0x380, s3;
	s2 =	sadd.s32 s6, s2  }
0x91: {  	[tilespmem:s0], [sflag:$0x9] =	stream.strided.gather [hbm4b:s2+s19], $0x300, s20, s19, $0x38;
	[tilespmem:$0x1ECE8] =	vst v63  }
0x92: {  	s2 =	sor.u32 s3, s28  }
0x93: {  	s2 =	sshrl.u32 s2, $0x3  }
0x94: {  	s0 =	sadd.s32 $0x300, s0;
	s2 =	sadd.s32 s6, s2  }
0x95: {  	[tilespmem:s0], [sflag:$0x9] =	stream.strided.gather [hbm4b:s2+s19], $0x300, s20, s19, $0x38;
	[tilespmem:$0x1ECE8] =	vst v63  }
0x96: {  	s29 =	spop (v2sf)  }
0x97: {  	s30 =	sshrl.u32 s29, $0x3  }
0x98: {  	s3 =	sshll.u32 s29, $0x7;
	s31 =	smul.u32 $0x1800, s30  }
0x99: {  	s3 =	sand.u32 $0x380, s3  }
0x9a: {  	s2 =	sor.u32 s3, s31  }
0x9b: {  	s2 =	sshrl.u32 s2, $0x3  }
0x9c: {  	s0 =	sadd.s32 $0x300, s0;
	s2 =	sadd.s32 s6, s2  }
0x9d: {  	[tilespmem:s0], [sflag:$0x9] =	stream.strided.gather [hbm4b:s2+s19], $0x300, s20, s19, $0x38;
	[tilespmem:$0x1ECE8] =	vst v63  }
.LBB2_9:
0x9e: {  	p2 =	slt.u32 s24, $0x2  }
.Ltmp6:
0x9f: {  	_ = 	snop;
	(pc) =	sbr.rel @p2 .LBB2_33-.Ltmp6, $1  }
0xa0: {  	_ =	sdelay $0x3  }
0xa1: {  	p2 =	sgt.s32 s25, $0x14C60;
	s0 =	smov.u32 s25;
	s2 =	sshra.s32 s25, $0x1F  }
0xa2: {  	s0 =	simm.s32 @!p2 $0x14C60;
	s2 =	sand.u32 s2, s25  }
0xa3: {  	s0 =	ssub.s32 s0, s2  }
0xa4: {  	s0 =	sadd.s32 $0xFFFEB3A0, s0  }
0xa5: {  	s3 =	simm.s32 $0x9;
	s29 =	sshll.u32 s0, $0x2  }
0xa6: {  	_ =	swait.ge [sflag:s3], $0x6000;
	s2 =	ssub.s32 $0x80, s29  }
0xa7: {  	[sflag:s3] =	ssyncset.done $0x0;
	p2 =	sgt.s32 s0, $0x1F;
	s0 =	sshrl.u32 s2, $0x2  }
0xa8: {  	s30 =	simm.s32 $0xB;
	[sflag:s3] =	ssyncadd.s32 $0xFFFFA000;
	s0 =	simm.s32 @p2 $0x0  }
0xa9: {  	_ =	swait.ge [sflag:s30], s0  }
0xaa: {  	s0 =	ssub.s32 $0x0, s0;
	[sflag:s30] =	ssyncset.done $0x0  }
0xab: {  	[sflag:s30] =	ssyncadd.s32 s0  }
0xac: {  	v1 =	vld [tilespmem:$0xCC08];
	_ =	sdelay $0x4  }
0xad: {  	(v2sf) =	vpush v1, $0x0  }
0xae: {  	(v2sf) =	vpush v1, $0x1  }
0xaf: {  	(v2sf) =	vpush v1, $0x2;
	_ =	sdelay $0x3  }
0xb0: {  	s0 =	sadd.s32 $0x20, s25  }
0xb1: {  	s4 =	ssub.s32 $0x29900, s25;
	p2 =	slt.s32 s9, s0  }
0xb2: {  	s0 =	smov.u32 @p2 s9;
	p2 =	sgt.s32 s4, $0x0  }
0xb3: {  	s26 =	ssub.s32 s0, s25;
	s4 =	simm.s32 @!p2 $0x0  }
0xb4: {  	p2 =	slt.s32 s4, s26  }
0xb5: {  	s26 =	smov.u32 @p2 s4  }
0xb6: {  	p2 =	slt.s32 s26, $0x1  }
.Ltmp7:
0xb7: {  	_ = 	snop;
	(pc) =	sbr.rel @p2 .LBB2_14-.Ltmp7, $4  }
0xb8: {  	s2 =	simm.s32 $0x1  }
0xb9: {  	s2 =	simm.s32 @!p1 $0x0;
	s3 =	spop (v2sf)  }
0xba: {  	s31 =	sshll.u32 s2, $0x5;
	s4 =	spop (v2sf)  }
0xbb: {  	s0 =	sadd.s32 $0x12CA8, s31;
	s25 =	spop (v2sf)  }
0xbc: {  	s5 =	smin.u32 s26, $0x10  }
0xbd: {  	v1 =	vmov s5  }
0xbe: {  	vm1 =	vgt.u32 v1, v0;
	_ =	sdelay $0x1  }
0xbf: {  	p3 =	sgt.s32 s26, $0x10  }
.Ltmp8:
0xc0: {  	_ = 	snop;
	(pc) =	sbr.rel @!p3 .LBB2_13-.Ltmp8, $3  }
0xc1: {  	_ =	sdelay $0x1  }
0xc2: {  	v1 =	vld.msk [tilespmem:s0+$0x0 ss:$0x1], vm1  }
0xc3: {  	s15 =	simm.s32 $0x10;
	s28 =	sadd.s32 $0xFFFFFFF0, s26;
	s5 =	smov.u32 s0;
	vm0 =	vmmov vm1  }
.LBB2_12:
0xc4: {  	s7 =	smin.u32 s28, $0x10;
	s15 =	sadd.s32 $0x10, s15  }
0xc5: {  	v2 =	vmov s7;
	p3 =	slt.s32 s15, s26  }
0xc6: {  	vm1 =	vgt.u32 v2, v0  }
0xc7: {  	v2 =	vshrl.u32 v1, $0x3  }
0xc8: {  	v1 =	vshll.u32 v1, $0x4;
	v2 =	vmul.u32 $0x300, v2  }
0xc9: {  	v1 =	vand.u32 $0x70, v1  }
.Ltmp9:
0xca: {  	v1 =	vor.u32 v1, v2;
	(pc) =	sbr.rel @p3 .LBB2_12-.Ltmp9, $3  }
0xcb: {  	[tilespmem:s5+$0x0] =	vst.msk vm0, v1;
	s5 =	sadd.s32 $0x10, s5;
	vm0 =	vmmov vm1  }
0xcc: {  	v1 =	vld.msk [tilespmem:s5+$0x0 ss:$0x1], vm1;
	_ =	sdelay $0x1  }
0xcd: {  	s28 =	sadd.s32 $0xFFFFFFF0, s28  }
.LBB2_13:
0xce: {  	_ =	sdelay $0x2  }
0xcf: {  	v2 =	vshrl.u32 v1, $0x3  }
0xd0: {  	v1 =	vshll.u32 v1, $0x4;
	v2 =	vmul.u32 $0x300, v2  }
0xd1: {  	v1 =	vand.u32 $0x70, v1  }
0xd2: {  	v1 =	vor.u32 v1, v2  }
0xd3: {  	[tilespmem:s5+$0x0] =	vst.msk vm0, v1  }
.LBB2_14:
0xd4: {  	s5 =	sand.u32 $0x1, s24  }
0xd5: {  	p3 =	sne.s32 s4, $0xFFFFFFFF;
	s5 =	sshll.u32 s5, $0x5  }
0xd6: {  	v1 =	vld.msk @!p3 [tilespmem:s5+$0x12CA8], $0x1;
	_ =	sdelay $0x4  }
0xd7: {  	(v2sf) =	vpush @!p3 v1, $0x0;
	_ =	sdelay $0xc  }
.Ltmp10:
0xd8: {  	_ = 	snop;
	(pc) =	sbr.rel @p2 .LBB2_31-.Ltmp10, $4  }
0xd9: {  	_ = 	snop  }
0xda: {  	s31 =	spop @!p3 (v2sf)  }
0xdb: {  	s25 =	simm.s32 @!p3 $0x0;
	s28 =	smov.u32 s31  }
0xdc: {  	[sflag:s17] =	ssyncpa.u1 $0x0;
	s31 =	smov.u32 @p3 s3;
	s28 =	smov.u32 @p3 s4  }
0xdd: {  	v1 =	vld.msk [tilespmem:s0+$0x0], $0x1;
	_ =	sdelay $0x4  }
0xde: {  	(v2sf) =	vpush v1, $0x0;
	_ =	sdelay $0xe  }
0xdf: {  	s13 =	smov.u32 s9;
	s4 =	spop (v2sf)  }
0xe0: {  	s2 =	smul.u32 $0x18000, s2;
	s29 =	simm.s32 $0x0;
	p2 =	seq.s32 s31, s4  }
0xe1: {  	s9 =	smov.u32 s12;
	p3 =	sgt.s32 @!p2 s31, $0x0;
	s3 =	smul.u32 @!p2 $0xC00, s29  }
0xe2: {  	s7 =	smov.u32 s31;
	s2 =	sshrl.u32 s2, $0x2;
	p3 =	por !p3, p2  }
0xe3: {  	s30 =	sadd.s32 $0x12CE8, s2;
	s7 =	simm.s32 @p3 $0x0;
	s11 =	sshra.s32 @!p2 s3, $0x2  }
0xe4: {  	s7 =	smin.u32 @!p2 s7, $0xEFD70;
	s2 =	sadd.s32 @!p2 $0x6908, s11;
	s10 =	sadd.s32 @!p2 $0x6988, s11  }
0xe5: {  	s3 =	sand.u32 @!p2 $0xFFFF8, s7;
	s15 =	sadd.s32 @!p2 $0x80, s7;
	s12 =	sadd.s32 @!p2 $0x100, s7  }
0xe6: {  	s14 =	sadd.s32 @!p2 s1, s3;
	s3 =	sand.u32 @!p2 $0x7, s7;
	s15 =	sand.u32 @!p2 $0x1FFFF8, s15  }
0xe7: {  	[tilespmem:s2], [sflag:$0x2] =	stream.linear.gather @!p2 [hbm4b:s14+s3], $0x80, $0x38;
	[tilespmem:$0x1ECE8] =	vst v63  }
0xe8: {  	s12 =	sand.u32 @!p2 $0x1FFFF8, s12;
	s2 =	sadd.s32 @!p2 s1, s15;
	s14 =	sadd.s32 @!p2 $0x180, s7  }
0xe9: {  	[tilespmem:s10], [sflag:$0x2] =	stream.linear.gather @!p2 [hbm4b:s2+s3], $0x80, $0x38;
	[tilespmem:$0x1ECE8] =	vst v63  }
0xea: {  	s2 =	sadd.s32 @!p2 s1, s12;
	s10 =	sadd.s32 @!p2 $0x6A08, s11;
	s12 =	sand.u32 @!p2 $0x1FFFF8, s14  }
0xeb: {  	[tilespmem:s10], [sflag:$0x2] =	stream.linear.gather @!p2 [hbm4b:s2+s3], $0x80, $0x38;
	[tilespmem:$0x1ECE8] =	vst v63  }
0xec: {  	s17 =	ssub.s32 $0x0, s26;
	s2 =	sadd.s32 @!p2 s1, s12;
	s10 =	sadd.s32 @!p2 $0x6A88, s11  }
0xed: {  	[tilespmem:s10], [sflag:$0x2] =	stream.linear.gather @!p2 [hbm4b:s2+s3], $0x80, $0x38;
	[tilespmem:$0x1ECE8] =	vst v63  }
0xee: {  	s2 =	sadd.s32 $0x1, s17  }
0xef: {  	p3 =	seq.s32 s2, $0x0  }
.Ltmp11:
0xf0: {  	s12 =	sadd.s32 @!p2 $0x200, s7;
	(pc) =	sbr.rel @p3 .LBB2_17-.Ltmp11, $4  }
0xf1: {  	s5 =	sadd.s32 $0x12CA8, s5;
	s15 =	simm.s32 @!p2 $0x1;
	s10 =	sand.u32 @!p2 $0x1FFFF8, s12  }
0xf2: {  	s7 =	sadd.s32 @!p2 $0x280, s7;
	s12 =	sadd.s32 @!p2 $0x6B08, s11;
	s10 =	sadd.s32 @!p2 s1, s10  }
0xf3: {  	[tilespmem:s12], [sflag:$0x2] =	stream.linear.gather @!p2 [hbm4b:s10+s3], $0x80, $0x38;
	[tilespmem:$0x1ECE8] =	vst v63  }
0xf4: {  	s15 =	smov.u32 @p2 s29;
	s10 =	sand.u32 @!p2 $0x1FFFF8, s7;
	s7 =	sadd.s32 @!p2 $0x6B88, s11  }
.LBB2_16:
0xf5: {  	s11 =	smov.u32 s15  }
0xf6: {  	s2 =	sadd.s32 $0x1, s2;
	s10 =	sadd.s32 @!p2 s1, s10;
	s0 =	sadd.s32 $0x1, s0  }
0xf7: {  	[tilespmem:s7], [sflag:$0x2] =	stream.linear.gather @!p2 [hbm4b:s10+s3], $0x80, $0x38;
	[tilespmem:$0x1ECE8] =	vst v63  }
0xf8: {  	p3 =	seq.s32 s2, $0x0;
	s3 =	smov.u32 s4;
	v1 =	vld.msk [tilespmem:s0+$0x0], $0x1;
	_ =	sdelay $0x4  }
0xf9: {  	(v2sf) =	vpush v1, $0x0;
	_ =	sdelay $0xe  }
0xfa: {  	s4 =	spop (v2sf)  }
0xfb: {  	p2 =	seq.s32 s3, s4  }
0xfc: {  	p4 =	sgt.s32 @!p2 s3, $0x0;
	s7 =	smul.u32 @!p2 $0xC00, s15;
	s15 =	sadd.s32 @!p2 $0x1, s15  }
0xfd: {  	p4 =	por !p4, p2;
	s15 =	smov.u32 @p2 s11  }
0xfe: {  	s3 =	simm.s32 @p4 $0x0;
	s7 =	sshra.s32 @!p2 s7, $0x2  }
0xff: {  	s10 =	smin.u32 @!p2 s3, $0xEFD70;
	s11 =	sadd.s32 @!p2 $0x6908, s7;
	s12 =	sadd.s32 @!p2 $0x6988, s7  }
0x100: {  	s3 =	sand.u32 @!p2 $0xFFFF8, s10;
	s14 =	sadd.s32 @!p2 $0x80, s10;
	s17 =	sadd.s32 @!p2 $0x100, s10  }
0x101: {  	s8 =	sadd.s32 @!p2 s1, s3;
	s3 =	sand.u32 @!p2 $0x7, s10;
	s14 =	sand.u32 @!p2 $0x1FFFF8, s14  }
0x102: {  	[tilespmem:s11], [sflag:$0x2] =	stream.linear.gather @!p2 [hbm4b:s8+s3], $0x80, $0x38;
	[tilespmem:$0x1ECE8] =	vst v63  }
0x103: {  	s8 =	sadd.s32 @!p2 s1, s14;
	s11 =	sand.u32 @!p2 $0x1FFFF8, s17;
	s14 =	sadd.s32 @!p2 $0x180, s10  }
0x104: {  	[tilespmem:s12], [sflag:$0x2] =	stream.linear.gather @!p2 [hbm4b:s8+s3], $0x80, $0x38;
	[tilespmem:$0x1ECE8] =	vst v63  }
0x105: {  	s8 =	sadd.s32 @!p2 s1, s11;
	s11 =	sadd.s32 @!p2 $0x6A08, s7;
	s12 =	sand.u32 @!p2 $0x1FFFF8, s14  }
0x106: {  	[tilespmem:s11], [sflag:$0x2] =	stream.linear.gather @!p2 [hbm4b:s8+s3], $0x80, $0x38;
	[tilespmem:$0x1ECE8] =	vst v63  }
0x107: {  	s8 =	sadd.s32 @!p2 s1, s12  }
.Ltmp12:
0x108: {  	s11 =	sadd.s32 @!p2 $0x6A88, s7;
	s12 =	sadd.s32 @!p2 $0x200, s10;
	(pc) =	sbr.rel @!p3 .LBB2_16-.Ltmp12, $4  }
0x109: {  	[tilespmem:s11], [sflag:$0x2] =	stream.linear.gather @!p2 [hbm4b:s8+s3], $0x80, $0x38;
	[tilespmem:$0x1ECE8] =	vst v63  }
0x10a: {  	s10 =	sadd.s32 @!p2 $0x280, s10;
	s8 =	sand.u32 @!p2 $0x1FFFF8, s12;
	s11 =	sadd.s32 @!p2 $0x6B08, s7  }
0x10b: {  	s10 =	sand.u32 @!p2 $0x1FFFF8, s10;
	s7 =	sadd.s32 @!p2 $0x6B88, s7;
	s8 =	sadd.s32 @!p2 s1, s8  }
0x10c: {  	[tilespmem:s11], [sflag:$0x2] =	stream.linear.gather @!p2 [hbm4b:s8+s3], $0x80, $0x38;
	[tilespmem:$0x1ECE8] =	vst v63  }
.LBB2_17:
0x10d: {  	s0 =	sadd.s32 @!p2 s1, s10;
	s2 =	smul.u32 $0xC00, s15  }
0x10e: {  	[tilespmem:s7], [sflag:$0x2] =	stream.linear.gather @!p2 [hbm4b:s0+s3], $0x80, $0x38;
	[tilespmem:$0x1ECE8] =	vst v63  }
.Ltmp13:
0x10f: {  	s17 =	simm.s32 $0x2;
	(pc) =	sbr.rel .LBB2_18-.Ltmp13, $4  }
0x110: {  	v1 =	vmov s5;
	s4 =	simm.s32 $0x0;
	s5 =	simm.s32 $0x0;
	s15 =	sshrl.u32 s2, $0x2  }
0x111: {  	s12 =	smov.u32 s9;
	s9 =	smov.u32 s13;
	_ =	swait.ge [sflag:s17], s15  }
0x112: {  	s0 =	ssub.s32 $0x0, s15;
	[sflag:s17] =	ssyncset.done $0x0;
	s13 =	rddreg [dreg:$0x5]  }
0x113: {  	s14 =	rddreg [dreg:$0x7];
	[sflag:s17] =	ssyncadd.s32 s0;
	s17 =	simm.s32 $0xC  }
.LBB2_28:
0x114: {  	[tilespmem:s2+$0x0] =	vst v2;
	s29 =	sadd.s32 $0x1, s29  }
.LBB2_29:
0x115: {  	s5 =	sadd.s32 $0x1, s5  }
0x116: {  	p2 =	sne.s32 s5, s26  }
.Ltmp14:
0x117: {  	_ = 	snop;
	(pc) =	sbr.rel @!p2 .LBB2_30-.Ltmp14, $2  }
0x118: {  	_ =	sdelay $0x2  }
0x119: {  	s30 =	sadd.s32 $0x300, s30;
	s31 =	smov.u32 s0  }
.LBB2_18:
0x11a: {  	_ =	sdelay $0x3  }
0x11b: {  	v2 =	vld.idx.msk [tilespmem:v1+s5+$0x0 ss:$0x1], $0x1;
	_ =	sdelay $0x4  }
0x11c: {  	(v2sf) =	vpush v2, $0x0;
	_ =	sdelay $0xe  }
0x11d: {  	s0 =	spop (v2sf)  }
0x11e: {  	p2 =	sne.s32 s31, s0  }
.Ltmp15:
0x11f: {  	_ = 	snop;
	(pc) =	sbr.rel @p2 .LBB2_22-.Ltmp15, $3  }
0x120: {  	_ = 	snop  }
0x121: {  	s2 =	smul.u32 $0xC00, s25;
	_ =	sdelay $0x1  }
0x122: {  	s2 =	sshra.s32 s2, $0x2  }
0x123: {  	s2 =	sadd.s32 $0x608, s2;
	s3 =	simm.s32 $0x0;
	v2 =	vld [tilespmem:s30+$0x0];
	s7 =	smov.u32 s30  }
.LBB2_20:
0x124: {  	s3 =	sadd.s32 $0x10, s3  }
0x125: {  	p2 =	slt.u32 s3, $0x2F0  }
.Ltmp16:
0x126: {  	_ = 	snop;
	(pc) =	sbr.rel @p2 .LBB2_20-.Ltmp16, $3  }
0x127: {  	_ =	sdelay $0x1  }
0x128: {  	s7 =	sadd.s32 $0x10, s7;
	[tilespmem:s2+$0x0] =	vst.add.f32.msk $0xffff, v2;
	s2 =	sadd.s32 $0x10, s2  }
0x129: {  	v2 =	vld [tilespmem:s7+$0x0]  }
.Ltmp17:
0x12a: {  	_ = 	snop;
	(pc) =	sbr.rel .LBB2_29-.Ltmp17, $2  }
0x12b: {  	_ =	sdelay $0x2  }
0x12c: {  	[tilespmem:s2+$0x0] =	vst.add.f32.msk $0xffff, v2  }
.LBB2_22:
0x12d: {  	p2 =	seq.s32 s31, s28  }
.Ltmp18:
0x12e: {  	_ = 	snop;
	(pc) =	sbr.rel @!p2 .LBB2_23-.Ltmp18, $1  }
0x12f: {  	_ =	sdelay $0x3  }
.Ltmp19:
0x130: {  	s2 =	sadd.s32 $0x608, s2;
	(pc) =	sbr.rel .LBB2_26-.Ltmp19, $4  }
0x131: {  	[spmem:s16] =	stream.linear.scatter [tilespmem:s2], [sflag:$0x1], $0x300, $0x38;
	[tilespmem:$0x1ECE8] =	vst v63  }
0x132: {  	_ =	swait.ge [sflag:s18], $0x300  }
0x133: {  	[sflag:s18] =	ssyncset.done $0x0  }
0x134: {  	[sflag:s18] =	ssyncadd.s32 $0xFFFFFD00  }
.LBB2_23:
0x135: {  	s3 =	smul.u32 $0xC00, s29;
	_ =	sdelay $0x1  }
0x136: {  	s3 =	sshra.s32 s3, $0x2  }
0x137: {  	s7 =	sadd.s32 $0x6908, s3;
	s3 =	sadd.s32 $0x608, s2  }
0x138: {  	s15 =	simm.s32 $0x0;
	v2 =	vld [tilespmem:s7+$0x0];
	s10 =	smov.u32 s3  }
.LBB2_24:
0x139: {  	s15 =	sadd.s32 $0x10, s15  }
0x13a: {  	p2 =	slt.u32 s15, $0x2F0  }
.Ltmp20:
0x13b: {  	_ = 	snop;
	(pc) =	sbr.rel @p2 .LBB2_24-.Ltmp20, $3  }
0x13c: {  	_ =	sdelay $0x1  }
0x13d: {  	s7 =	sadd.s32 $0x10, s7;
	[tilespmem:s10+$0x0] =	vst.add.f32.msk $0xffff, v2;
	s10 =	sadd.s32 $0x10, s10  }
0x13e: {  	v2 =	vld [tilespmem:s7+$0x0]  }
0x13f: {  	_ =	sdelay $0x1  }
0x140: {  	p2 =	sgt.u32 s31, $0xEFD70  }
0x141: {  	s7 =	sand.u32 @!p2 $0xFFFF8, s31  }
0x142: {  	s8 =	sand.u32 @!p2 $0x7, s31;
	s7 =	sadd.s32 @!p2 s1, s7;
	[tilespmem:s10+$0x0] =	vst.add.f32.msk $0xffff, v2  }
0x143: {  	[hbm4b:s7+s8] =	stream.linear.scatter @!p2 [tilespmem:s3], [sflag:$0xC], $0x80, $0x38;
	[tilespmem:$0x1ECE8] =	vst v63  }
0x144: {  	s3 =	sadd.s32 @!p2 $0x80, s31  }
0x145: {  	s3 =	sand.u32 @!p2 $0x1FFFF8, s3  }
0x146: {  	s7 =	sadd.s32 @!p2 $0x688, s2;
	s3 =	sadd.s32 @!p2 s1, s3  }
0x147: {  	[hbm4b:s3+s8] =	stream.linear.scatter @!p2 [tilespmem:s7], [sflag:$0xC], $0x80, $0x38;
	[tilespmem:$0x1ECE8] =	vst v63  }
0x148: {  	s3 =	sadd.s32 @!p2 $0x100, s31  }
0x149: {  	s3 =	sand.u32 @!p2 $0x1FFFF8, s3  }
0x14a: {  	s7 =	sadd.s32 @!p2 $0x708, s2;
	s3 =	sadd.s32 @!p2 s1, s3  }
0x14b: {  	[hbm4b:s3+s8] =	stream.linear.scatter @!p2 [tilespmem:s7], [sflag:$0xC], $0x80, $0x38;
	[tilespmem:$0x1ECE8] =	vst v63  }
0x14c: {  	s3 =	sadd.s32 @!p2 $0x180, s31  }
0x14d: {  	s3 =	sand.u32 @!p2 $0x1FFFF8, s3  }
0x14e: {  	s7 =	sadd.s32 @!p2 $0x788, s2;
	s3 =	sadd.s32 @!p2 s1, s3  }
0x14f: {  	[hbm4b:s3+s8] =	stream.linear.scatter @!p2 [tilespmem:s7], [sflag:$0xC], $0x80, $0x38;
	[tilespmem:$0x1ECE8] =	vst v63  }
0x150: {  	s3 =	sadd.s32 @!p2 $0x200, s31  }
0x151: {  	s3 =	sand.u32 @!p2 $0x1FFFF8, s3  }
0x152: {  	s7 =	sadd.s32 @!p2 $0x808, s2;
	s3 =	sadd.s32 @!p2 s1, s3  }
0x153: {  	[hbm4b:s3+s8] =	stream.linear.scatter @!p2 [tilespmem:s7], [sflag:$0xC], $0x80, $0x38;
	[tilespmem:$0x1ECE8] =	vst v63  }
0x154: {  	s3 =	sadd.s32 @!p2 $0x280, s31;
	s7 =	simm.s32 $0x0  }
0x155: {  	s3 =	sand.u32 @!p2 $0x1FFFF8, s3;
	s7 =	simm.s32 @!p2 $0xC00  }
0x156: {  	s2 =	sadd.s32 @!p2 $0x888, s2;
	s3 =	sadd.s32 @!p2 s1, s3;
	s4 =	sadd.s32 s7, s4  }
0x157: {  	[hbm4b:s3+s8] =	stream.linear.scatter @!p2 [tilespmem:s2], [sflag:$0xC], $0x80, $0x38;
	[tilespmem:$0x1ECE8] =	vst v63  }
.LBB2_26:
0x158: {  	s2 =	sadd.s32 $0x1, s25  }
0x159: {  	s25 =	sand.u32 $0x1F, s2  }
0x15a: {  	s2 =	smul.u32 $0xC00, s25;
	_ =	sdelay $0x1  }
0x15b: {  	s2 =	sshrl.u32 s2, $0x2  }
0x15c: {  	s3 =	simm.s32 $0x0;
	v2 =	vld [tilespmem:s30+$0x0];
	s7 =	smov.u32 s30;
	s2 =	sadd.s32 $0x608, s2  }
.LBB2_27:
0x15d: {  	s3 =	sadd.s32 $0x10, s3  }
0x15e: {  	p2 =	slt.u32 s3, $0x2F0  }
.Ltmp21:
0x15f: {  	_ = 	snop;
	(pc) =	sbr.rel @p2 .LBB2_27-.Ltmp21, $3  }
0x160: {  	_ =	sdelay $0x1  }
0x161: {  	[tilespmem:s2+$0x0] =	vst v2;
	s2 =	sadd.s32 $0x10, s2;
	s7 =	sadd.s32 $0x10, s7  }
0x162: {  	v2 =	vld [tilespmem:s7+$0x0]  }
.Ltmp22:
0x163: {  	_ = 	snop;
	(pc) =	sbr.rel .LBB2_28-.Ltmp22, $1  }
0x164: {  	_ =	sdelay $0x3  }
.LBB2_31:
.Ltmp23:
0x165: {  	(pc) =	sbr.rel .LBB2_32-.Ltmp23, $4  }
0x166: {  	_ = 	snop  }
0x167: {  	s0 =	simm.s32 $0x2  }
0x168: {  	_ =	swait.ge [sflag:s0], $0x0  }
0x169: {  	s2 =	simm.s32 $0x0;
	[sflag:s0] =	ssyncset.done $0x0;
	s0 =	smov.u32 s31  }
.LBB2_34:
0x16a: {  	_ =	sfence.sel $0x180000  }
0x16b: {  	s0 =	simm.s32 $0x9;
	[bflag:$0x0] =	sbarrier.arrive $0xFFFF  }
0x16c: {  	s24 =	simm.s32 $0xA;
	[sflag:s0] =	ssyncpa.u1 $0x1  }
0x16d: {  	s25 =	simm.s32 $0xB;
	[sflag:s24] =	ssyncpa.u1 $0x1  }
0x16e: {  	s26 =	simm.s32 $0x2;
	[sflag:s25] =	ssyncpa.u1 $0x1  }
0x16f: {  	[sflag:s26] =	ssyncpa.u1 $0x1  }
0x170: {  	v0 =	vld [tilespmem:$0xCC08];
	_ =	sdelay $0x4  }
0x171: {  	(v2sf) =	vpush v0, $0x0  }
0x172: {  	(v2sf) =	vpush v0, $0x1  }
0x173: {  	(v2sf) =	vpush v0, $0x2;
	_ =	sdelay $0xc  }
0x174: {  	s0 =	spop (v2sf)  }
0x175: {  	s2 =	spop (v2sf)  }
0x176: {  	s3 =	smov.u32 s0;
	p0 =	sne.s32 s0, s2;
	s4 =	spop (v2sf)  }
0x177: {  	s3 =	simm.s32 @!p0 $0xFFFFFFFF;
	p0 =	seq.s32 s4, $0xFFFFFFFF  }
0x178: {  	v2 =	vimm.s32 $0x1;
	v3 =	vlaneseq.u32;
	v1 =	vmov s3;
	p1 =	sne.s32 @!p0 s0, s2  }
0x179: {  	s19 =	stileid.u32;
	v0 =	vperm.xlane v0, v2;
	s0 =	simm.s32 @!p0 $0x1;
	v1 =	vperm.xlane v1, v3;
	p1 =	por !p1, p0  }
0x17a: {  	vm0 =	vcmask $0x3F04;
	s3 =	sshll.u32 s19, $0x1;
	s2 =	smul.u32 @!p0 $0xC00, s4;
	s0 =	simm.s32 @p1 $0x0  }
0x17b: {  	s6 =	simm.s32 $0xCC08;
	v0 =	vsel vm0, v1, v0;
	s0 =	sor.u32 @!p0 s0, s3  }
0x17c: {  	s5 =	sor.u32 $0x6000, s3;
	s2 =	sshra.s32 @!p0 s2, $0x2;
	[tilespmem:$0xCC08] =	vst v0;
	s0 =	smul.u32 @!p0 $0xC00, s0  }
0x17d: {  	[spmem:s5] =	stream.linear.scatter [tilespmem:s6], [sflag:$0x1], $0x2, $0x38;
	[tilespmem:$0x1ECE8] =	vst v63  }
0x17e: {  	s2 =	sadd.s32 @!p0 $0x608, s2;
	s0 =	sshrl.u32 @!p0 s0, $0x2  }
0x17f: {  	[spmem:s0] =	stream.linear.scatter @!p0 [tilespmem:s2], [sflag:$0x1], $0x300, $0x38;
	[tilespmem:$0x1ECE8] =	vst v63  }
0x180: {  	s0 =	simm.s32 @!p0 $0x302  }
0x181: {  	s28 =	simm.s32 $0x1;
	s0 =	simm.s32 @p0 $0x2  }
0x182: {  	_ =	swait.ge [sflag:s28], s0  }
0x183: {  	s0 =	ssub.s32 $0x0, s0;
	[sflag:s28] =	ssyncset.done $0x0  }
0x184: {  	p0 =	sne.s32 s19, $0x0;
	[sflag:s28] =	ssyncadd.s32 s0  }
.Ltmp24:
0x185: {  	_ =	sfence.stream.spmem;
	(pc) =	sbr.rel @p0 .LBB2_59-.Ltmp24, $4  }
0x186: {  	s29 =	simm.s32 $0x3;
	[bflag:$0x0] =	sbarrier.arrive $0xFFFF  }
0x187: {  	s30 =	simm.s32 $0x4;
	[sflag:s29] =	ssyncpa.u1 $0x1  }
0x188: {  	s31 =	simm.s32 $0x3C;
	[sflag:s30] =	ssyncpa.u1 $0x1  }
0x189: {  	s18 =	rddreg [dreg:$0x4];
	[sflag:s31] =	ssyncpa.u1 $0x1  }
0x18a: {  	_ =	sfence.stream.spmem;
	s0 =	simm.s32 $0x5  }
0x18b: {  	s2 =	simm.s32 $0x6000;
	s3 =	simm.s32 $0xCC18;
	[sflag:s0] =	ssyncpa.u1 $0x0  }
0x18c: {  	[tilespmem:s3], [sflag:$0x5] =	stream.linear.gather [spmem:s2], $0x20, $0x38;
	[tilespmem:$0x1ECE8] =	vst v63  }
0x18d: {  	s26 =	simm.s32 $0x0;
	s28 =	simm.s32 $0xCC38  }
0x18e: {  	[tilespmem:s28], [sflag:$0x5] =	stream.linear.gather [spmem:s26], $0x6000, $0x38;
	[tilespmem:$0x1ECE8] =	vst v63  }
0x18f: {  	_ =	swait.ge [sflag:s0], $0x6020  }
0x190: {  	[sflag:s0] =	ssyncset.done $0x0  }
0x191: {  	s29 =	simm.s32 $0x0;
	[sflag:s0] =	ssyncadd.s32 $0xFFFF9FE0  }
0x192: {  	v0 =	vld.msk [tilespmem:s29+$0xCC18], $0x1;
	_ =	sdelay $0x1  }
0x193: {  	s30 =	simm.s32 $0x1  }
0x194: {  	v1 =	vld.msk [tilespmem:s30+$0xCC18], $0x1;
	_ =	sdelay $0x1  }
0x195: {  	(v2sf) =	vpush v0, $0x0;
	_ =	sdelay $0x2  }
0x196: {  	(v2sf) =	vpush v1, $0x0;
	_ =	sdelay $0x2  }
0x197: {  	s31 =	simm.s32 $0x2  }
0x198: {  	v0 =	vld.msk [tilespmem:s31+$0xCC18], $0x1;
	_ =	sdelay $0x2  }
0x199: {  	s3 =	simm.s32 $0xFFFFFFFF;
	s2 =	simm.s32 $0xFFFFFFFF;
	s0 =	simm.s32 $0xC  }
.LBB2_36:
0x19a: {  	s4 =	smov.u32 s2;
	s5 =	smov.u32 s3  }
0x19b: {  	s2 =	sshra.s32 s0, $0x2;
	p1 =	sne.s32 s0, $0x7C;
	s0 =	sadd.s32 $0x4, s0;
	(v2sf) =	vpush v0, $0x0  }
0x19c: {  	v0 =	vld.msk [tilespmem:s2+$0xCC18], $0x1  }
.Ltmp25:
0x19d: {  	(pc) =	sbr.rel @p1 .LBB2_36-.Ltmp25, $4  }
0x19e: {  	s2 =	spop (v2sf)  }
0x19f: {  	p2 =	sne.s32 s3, $0xFFFFFFFF;
	s3 =	smov.u32 s2  }
0x1a0: {  	p3 =	seq.s32 s2, $0xFFFFFFFF;
	s3 =	smov.u32 @p2 s5  }
0x1a1: {  	s2 =	smov.u32 @p3 s4;
	s3 =	smov.u32 @p3 s5  }
0x1a2: {  	(v2sf) =	vpush v0, $0x0;
	_ =	sdelay $0x7  }
0x1a3: {  	s4 =	spop (v2sf);
	p1 =	sne.s32 s3, $0xFFFFFFFF  }
0x1a4: {  	s8 =	simm.s32 $0x6;
	s6 =	simm.s32 $0x0;
	s9 =	simm.s32 $0xCC38  }
0x1a5: {  	s10 =	simm.s32 $0xC988;
	s11 =	simm.s32 $0xCA08;
	s0 =	smov.u32 s4  }
0x1a6: {  	s12 =	simm.s32 $0xCA88;
	p2 =	seq.s32 s4, $0xFFFFFFFF;
	s0 =	smov.u32 @p1 s3  }
0x1a7: {  	s13 =	simm.s32 $0xCB08;
	s0 =	smov.u32 @p2 s3;
	s3 =	spop (v2sf)  }
0x1a8: {  	s14 =	simm.s32 $0xCB88;
	p1 =	sne.s32 s0, $0xFFFFFFFF;
	s5 =	smov.u32 s3  }
.Ltmp26:
0x1a9: {  	s5 =	smov.u32 @p1 s0;
	p1 =	seq.s32 s3, $0xFFFFFFFF;
	(pc) =	sbr.rel .LBB2_38-.Ltmp26, $4  }
0x1aa: {  	s15 =	simm.s32 $0x0;
	s5 =	smov.u32 @p1 s0;
	s7 =	spop (v2sf)  }
0x1ab: {  	s4 =	smov.u32 @p2 s2;
	p2 =	sne.s32 s5, $0xFFFFFFFF;
	s0 =	smov.u32 s7  }
0x1ac: {  	s3 =	smov.u32 @p1 s4;
	p1 =	seq.s32 s7, $0xFFFFFFFF;
	s0 =	smov.u32 @p2 s5  }
0x1ad: {  	[sflag:s8] =	ssyncpa.u1 $0x0;
	s7 =	smov.u32 @p1 s3;
	s0 =	smov.u32 @p1 s5  }
.LBB2_53:
0x1ae: {  	s15 =	sadd.s32 $0x1, s15  }
0x1af: {  	p1 =	sne.s32 s15, $0x20  }
.Ltmp27:
0x1b0: {  	_ = 	snop;
	(pc) =	sbr.rel @!p1 .LBB2_54-.Ltmp27, $2  }
0x1b1: {  	_ =	sdelay $0x2  }
0x1b2: {  	s9 =	sadd.s32 $0x300, s9  }
.LBB2_38:
0x1b3: {  	v0 =	vld.msk [tilespmem:s15+$0xCC18], $0x1;
	_ =	sdelay $0x4  }
0x1b4: {  	(v2sf) =	vpush v0, $0x0;
	_ =	sdelay $0xe  }
0x1b5: {  	s2 =	spop (v2sf)  }
0x1b6: {  	p1 =	seq.s32 s2, $0xFFFFFFFF  }
.Ltmp28:
0x1b7: {  	_ = 	snop;
	(pc) =	sbr.rel @p1 .LBB2_53-.Ltmp28, $1  }
0x1b8: {  	_ =	sdelay $0x3  }
0x1b9: {  	p1 =	slt.s32 s6, $0x1  }
.Ltmp29:
0x1ba: {  	_ = 	snop;
	(pc) =	sbr.rel @p1 .LBB2_46-.Ltmp29, $1  }
0x1bb: {  	_ =	sdelay $0x3  }
0x1bc: {  	s3 =	simm.s32 $0xCC18;
	p1 =	por $0x0, $0x0  }
0x1bd: {  	v1 =	vld.msk @!p1 [tilespmem:s3+$0x0], $0x1;
	_ =	sdelay $0x4  }
0x1be: {  	(v2sf) =	vpush @!p1 v1, $0x0;
	_ =	sdelay $0xd  }
0x1bf: {  	p3 =	sne.s32 s6, $0x1  }
.Ltmp30:
0x1c0: {  	s4 =	spop @!p1 (v2sf);
	(pc) =	sbr.rel @!p3 .LBB2_42-.Ltmp30, $4  }
0x1c1: {  	p2 =	seq.s32 @!p1 s2, s4  }
0x1c2: {  	s4 =	simm.s32 $0x0;
	p2 =	por !p2, p1  }
0x1c3: {  	s16 =	simm.s32 $0xFFFFFFFF;
	s4 =	simm.s32 @p2 $0xFFFFFFFF  }
0x1c4: {  	s5 =	simm.s32 $0x1;
	s4 =	smov.u32 @p1 s16  }
.LBB2_41:
0x1c5: {  	s16 =	smov.u32 s4;
	p1 =	sne.s32 s4, $0xFFFFFFFF  }
0x1c6: {  	s3 =	sadd.s32 $0x1, s3;
	s4 =	smov.u32 s5;
	s5 =	sadd.s32 $0x1, s5  }
0x1c7: {  	p2 =	sne.s32 s6, s5;
	v1 =	vld.msk @!p1 [tilespmem:s3+$0x0], $0x1;
	_ =	sdelay $0x4  }
0x1c8: {  	(v2sf) =	vpush @!p1 v1, $0x0;
	_ =	sdelay $0xe  }
.Ltmp31:
0x1c9: {  	s17 =	spop @!p1 (v2sf);
	(pc) =	sbr.rel @p2 .LBB2_41-.Ltmp31, $4  }
0x1ca: {  	p3 =	seq.s32 @!p1 s2, s17  }
0x1cb: {  	p3 =	por !p3, p1  }
0x1cc: {  	s4 =	simm.s32 @p3 $0xFFFFFFFF  }
0x1cd: {  	s4 =	smov.u32 @p1 s16  }
.LBB2_42:
0x1ce: {  	p1 =	seq.s32 s4, $0xFFFFFFFF  }
.Ltmp32:
0x1cf: {  	_ = 	snop;
	(pc) =	sbr.rel @p1 .LBB2_46-.Ltmp32, $1  }
0x1d0: {  	_ =	sdelay $0x3  }
0x1d1: {  	s2 =	smul.u32 $0xC00, s4;
	_ =	sdelay $0x1  }
0x1d2: {  	s2 =	sshra.s32 s2, $0x2  }
0x1d3: {  	s3 =	simm.s32 $0x0;
	v0 =	vld [tilespmem:s9+$0x0];
	s4 =	smov.u32 s9;
	s2 =	sadd.s32 $0xCC38, s2  }
.LBB2_44:
0x1d4: {  	s3 =	sadd.s32 $0x10, s3  }
0x1d5: {  	p1 =	slt.u32 s3, $0x2F0  }
.Ltmp33:
0x1d6: {  	_ = 	snop;
	(pc) =	sbr.rel @p1 .LBB2_44-.Ltmp33, $3  }
0x1d7: {  	_ =	sdelay $0x1  }
0x1d8: {  	s4 =	sadd.s32 $0x10, s4;
	[tilespmem:s2+$0x0] =	vst.add.f32.msk $0xffff, v0;
	s2 =	sadd.s32 $0x10, s2  }
0x1d9: {  	v0 =	vld [tilespmem:s4+$0x0]  }
.Ltmp34:
0x1da: {  	_ = 	snop;
	(pc) =	sbr.rel .LBB2_53-.Ltmp34, $2  }
0x1db: {  	_ =	sdelay $0x2  }
0x1dc: {  	[tilespmem:s2+$0x0] =	vst.add.f32.msk $0xffff, v0  }
.LBB2_46:
0x1dd: {  	p1 =	sgt.u32 s2, $0xEFD70  }
0x1de: {  	p2 =	seq.s32 @!p1 s2, s0  }
0x1df: {  	p1 =	por p1, p2  }
0x1e0: {  	p2 =	seq.s32 @!p1 s2, s7  }
0x1e1: {  	p1 =	por p1, p2  }
.Ltmp35:
0x1e2: {  	_ = 	snop;
	(pc) =	sbr.rel @p1 .LBB2_50-.Ltmp35, $1  }
0x1e3: {  	_ =	sdelay $0x3  }
0x1e4: {  	s3 =	sand.u32 $0xFFFF8, s2;
	s5 =	sand.u32 $0x7, s2  }
0x1e5: {  	s26 =	sadd.s32 $0x80, s2;
	s4 =	sadd.s32 s1, s3;
	s3 =	simm.s32 $0xC908  }
0x1e6: {  	[tilespmem:s3], [sflag:$0x6] =	stream.linear.gather [hbm4b:s4+s5], $0x80, $0x38;
	[tilespmem:$0x1ECE8] =	vst v63  }
0x1e7: {  	s4 =	sand.u32 $0x1FFFF8, s26  }
0x1e8: {  	s28 =	sadd.s32 $0x100, s2;
	s4 =	sadd.s32 s1, s4  }
0x1e9: {  	[tilespmem:s10], [sflag:$0x6] =	stream.linear.gather [hbm4b:s4+s5], $0x80, $0x38;
	[tilespmem:$0x1ECE8] =	vst v63  }
0x1ea: {  	s4 =	sand.u32 $0x1FFFF8, s28  }
0x1eb: {  	s29 =	sadd.s32 $0x180, s2;
	s4 =	sadd.s32 s1, s4  }
0x1ec: {  	[tilespmem:s11], [sflag:$0x6] =	stream.linear.gather [hbm4b:s4+s5], $0x80, $0x38;
	[tilespmem:$0x1ECE8] =	vst v63  }
0x1ed: {  	s4 =	sand.u32 $0x1FFFF8, s29  }
0x1ee: {  	s30 =	sadd.s32 $0x200, s2;
	s4 =	sadd.s32 s1, s4  }
0x1ef: {  	[tilespmem:s12], [sflag:$0x6] =	stream.linear.gather [hbm4b:s4+s5], $0x80, $0x38;
	[tilespmem:$0x1ECE8] =	vst v63  }
0x1f0: {  	s31 =	sadd.s32 $0x280, s2;
	s4 =	sand.u32 $0x1FFFF8, s30  }
0x1f1: {  	s2 =	sand.u32 $0x1FFFF8, s31;
	s4 =	sadd.s32 s1, s4  }
0x1f2: {  	[tilespmem:s13], [sflag:$0x6] =	stream.linear.gather [hbm4b:s4+s5], $0x80, $0x38;
	[tilespmem:$0x1ECE8] =	vst v63  }
0x1f3: {  	s2 =	sadd.s32 s1, s2  }
0x1f4: {  	[tilespmem:s14], [sflag:$0x6] =	stream.linear.gather [hbm4b:s2+s5], $0x80, $0x38;
	[tilespmem:$0x1ECE8] =	vst v63  }
0x1f5: {  	_ =	swait.ge [sflag:s8], $0x300  }
0x1f6: {  	[sflag:s8] =	ssyncset.done $0x0  }
0x1f7: {  	[sflag:s8] =	ssyncadd.s32 $0xFFFFFD00  }
0x1f8: {  	s4 =	smov.u32 s9;
	s2 =	simm.s32 $0x0;
	v1 =	vld [tilespmem:s3+$0x0]  }
.LBB2_48:
0x1f9: {  	s2 =	sadd.s32 $0x10, s2  }
0x1fa: {  	p1 =	slt.u32 s2, $0x2F0  }
.Ltmp36:
0x1fb: {  	_ = 	snop;
	(pc) =	sbr.rel @p1 .LBB2_48-.Ltmp36, $3  }
0x1fc: {  	_ =	sdelay $0x1  }
0x1fd: {  	s3 =	sadd.s32 $0x10, s3;
	[tilespmem:s4+$0x0] =	vst.add.f32.msk $0xffff, v1;
	s4 =	sadd.s32 $0x10, s4  }
0x1fe: {  	v1 =	vld [tilespmem:s3+$0x0]  }
0x1ff: {  	_ =	sdelay $0x3  }
0x200: {  	[tilespmem:s4+$0x0] =	vst.add.f32.msk $0xffff, v1  }
.LBB2_50:
0x201: {  	s2 =	smul.u32 $0xC00, s6;
	_ =	sdelay $0x1  }
0x202: {  	[tilespmem:s6+$0xCC18] =	vst.msk $0x1, v0;
	s2 =	sshra.s32 s2, $0x2  }
0x203: {  	s3 =	simm.s32 $0x0;
	s4 =	smov.u32 s9;
	v0 =	vld [tilespmem:s9+$0x0];
	s2 =	sadd.s32 $0xCC38, s2  }
.LBB2_51:
0x204: {  	s3 =	sadd.s32 $0x10, s3  }
0x205: {  	p1 =	slt.u32 s3, $0x2F0  }
.Ltmp37:
0x206: {  	_ = 	snop;
	(pc) =	sbr.rel @p1 .LBB2_51-.Ltmp37, $3  }
0x207: {  	_ =	sdelay $0x1  }
0x208: {  	s4 =	sadd.s32 $0x10, s4;
	[tilespmem:s2+$0x0] =	vst v0;
	s2 =	sadd.s32 $0x10, s2  }
0x209: {  	v0 =	vld [tilespmem:s4+$0x0]  }
.Ltmp38:
0x20a: {  	_ = 	snop;
	(pc) =	sbr.rel .LBB2_53-.Ltmp38, $2  }
0x20b: {  	_ =	sdelay $0x2  }
0x20c: {  	s6 =	sadd.s32 $0x1, s6;
	[tilespmem:s2+$0x0] =	vst v0  }
.LBB2_54:
0x20d: {  	s2 =	simm.s32 $0x6;
	p1 =	seq.s32 s6, $0x0  }
0x20e: {  	[sflag:s2] =	ssyncpa.u1 $0x1;
	v0 =	vimm.s32 @p1 $0xFFFFFFFF  }
0x20f: {  	s2 =	sadd.s32 $0xFFFFFFFF, s6;
	[tilespmem:$0x12C38] =	vst @p1 v0  }
0x210: {  	v0 =	vld.msk @!p1 [tilespmem:s2+$0xCC18], $0x1;
	_ =	sdelay $0x1  }
0x211: {  	v1 =	vld.msk @!p1 [tilespmem:$0xCC18], $0x1;
	_ =	sdelay $0x2  }
0x212: {  	p2 =	seq.s32 @!p1 s2, $0x0;
	v0 =	vbroadcast @!p1 v0, $0x0  }
0x213: {  	vm0 =	vmmov @!p1 $0x1;
	p3 =	por !p2, p1  }
0x214: {  	p2 =	sne.s32 @!p1 s0, s7;
	v1 =	vnsel @!p1 vm0, $0xFFFFFFFF, v1;
	vm0 =	vcmask @!p1 $0x308;
	v0 =	vpsel !p3, $0xFFFFFFFF, v0  }
0x215: {  	p3 =	por !p2, p1;
	v0 =	vsel @!p1 vm0, v1, v0  }
0x216: {  	s3 =	simm.s32 @!p1 $0x0;
	s0 =	simm.s32 @!p1 $0xCC38;
	s4 =	smul.u32 @!p3 $0xC00, s2;
	[tilespmem:$0x12C38] =	vst @!p1 v0  }
0x217: {  	[spmem:s3] =	stream.linear.scatter @!p1 [tilespmem:s0], [sflag:$0x1], $0x300, $0x38;
	[tilespmem:$0x1ECE8] =	vst v63  }
0x218: {  	s0 =	sshra.s32 @!p3 s4, $0x2  }
0x219: {  	s3 =	simm.s32 @!p3 $0x300;
	s0 =	sadd.s32 @!p3 $0xCC38, s0  }
0x21a: {  	[spmem:s3] =	stream.linear.scatter @!p3 [tilespmem:s0], [sflag:$0x1], $0x300, $0x38;
	[tilespmem:$0x1ECE8] =	vst v63  }
0x21b: {  	s0 =	simm.s32 @!p3 $0x1  }
0x21c: {  	_ =	swait.ge @!p3 [sflag:s0], $0x600  }
0x21d: {  	p1 =	por p2, p1;
	[sflag:s0] =	ssyncset.done @!p3 $0x0  }
0x21e: {  	[sflag:s0] =	ssyncadd.s32 @!p3 $0xFFFFFA00;
	s0 =	simm.s32 @!p1 $0x1  }
0x21f: {  	_ =	swait.ge @!p1 [sflag:s0], $0x300  }
0x220: {  	s29 =	simm.s32 $0x12C38;
	[sflag:s0] =	ssyncset.done @!p1 $0x0  }
0x221: {  	s30 =	simm.s32 $0x6000;
	s31 =	simm.s32 $0x1;
	[sflag:s0] =	ssyncadd.s32 @!p1 $0xFFFFFD00  }
0x222: {  	[spmem:s30] =	stream.linear.scatter [tilespmem:s29], [sflag:$0x1], $0x10, $0x38;
	[tilespmem:$0x1ECE8] =	vst v63  }
0x223: {  	_ =	swait.ge [sflag:s31], $0x10  }
0x224: {  	[sflag:s31] =	ssyncset.done $0x0  }
0x225: {  	p1 =	seq.s32 s18, $0x0;
	s9 =	rddreg [dreg:$0x1];
	[sflag:s31] =	ssyncadd.s32 $0xFFFFFFF0  }
0x226: {  	s3 =	sshll.u32 @p1 s9, $0xE;
	s8 =	rddreg [dreg:$0x2]  }
0x227: {  	s0 =	sadd.s32 @p1 $0x15C3C, s3;
	s3 =	sshll.u32 @p1 s8, $0x11  }
0x228: {  	_ =	sfence.stream.spmem;
	s0 =	sor.u32 @p1 s3, s0  }
0x229: {  	[sflag:s0] =	ssyncadd.remote.s32 @p1 $0x1;
	s0 =	simm.s32 @p1 $0x4  }
0x22a: {  	s4 =	simm.s32 @!p1 $0x3C;
	s3 =	sand.u32 $0xFFFFFFFE, s9;
	_ =	swait.ge @p1 [sflag:s0], $0xC2  }
0x22b: {  	s5 =	simm.s32 @!p1 $0x0;
	s3 =	sadd.s32 @!p1 $0x4, s3;
	[sflag:s0] =	ssyncset.done @p1 $0x0  }
0x22c: {  	s7 =	simm.s32 @!p1 $0x600;
	[sflag:s0] =	ssyncadd.s32 @p1 $0xFFFFFF3E;
	s0 =	sshll.u32 @!p1 s3, $0x1A  }
0x22d: {  	s3 =	sshll.u32 @!p1 s3, $0xD;
	s0 =	sor.u32 @!p1 s0, s8;
	_ =	swait.eq @!p1 [sflag:s4], $0x1  }
0x22e: {  	s3 =	sor.u32 @!p1 $0x1C04, s3;
	s4 =	simm.s32 @!p1 $0x1C03;
	s0 =	sor.u32 @!p1 $0x80004000, s0  }
0x22f: {  	[spmem:s7], [sflag:s3] =	dma.general @!p1 [spmem:s5], [sflag:s4], length:$0xC0, [dreg:$0x0], stride_count:$0x0, ici_dest:s0, dma_misc:DstOpCode:WRITE  }
0x230: {  	p2 =	slt.s32 s2, $0x2;
	s5 =	simm.s32 @!p1 $0xC00;
	s7 =	simm.s32 @!p1 $0xC02  }
0x231: {  	[spmem:s7], [sflag:s3] =	dma.general @!p1 [spmem:s5], [sflag:s4], length:$0x2, [dreg:$0x0], stride_count:$0x0, ici_dest:s0, dma_misc:DstOpCode:WRITE  }
.Ltmp39:
0x232: {  	s0 =	simm.s32 @!p1 $0x3;
	(pc) =	sbr.rel @p2 .LBB2_58-.Ltmp39, $4  }
0x233: {  	s3 =	sshll.u32 @!p1 s9, $0xE;
	_ =	swait.ge @!p1 [sflag:s0], $0xC2  }
0x234: {  	s4 =	sshll.u32 @!p1 s8, $0x11;
	s3 =	sadd.s32 @!p1 $0x11C3C, s3;
	[sflag:s0] =	ssyncset.done @!p1 $0x0  }
0x235: {  	[sflag:s0] =	ssyncadd.s32 @!p1 $0xFFFFFF3E;
	s0 =	sor.u32 @!p1 s4, s3  }
0x236: {  	[sflag:s0] =	ssyncadd.remote.s32 @!p1 $0xFFFFFFFF;
	s0 =	simm.s32 $0x0  }
0x237: {  	s0 =	simm.s32 $0xCC19  }
0x238: {  	v0 =	vld.msk [tilespmem:s0+$0x0], $0x1;
	_ =	sdelay $0x4  }
0x239: {  	(v2sf) =	vpush v0, $0x0;
	_ =	sdelay $0xd  }
0x23a: {  	s2 =	sadd.s32 $0xFFFFFFFE, s6;
	s5 =	simm.s32 $0xCF38  }
0x23b: {  	s6 =	simm.s32 $0xCC1A;
	s4 =	sadd.s32 $0xFFFFFFFF, s2;
	s2 =	spop (v2sf)  }
0x23c: {  	s7 =	simm.s32 $0xD238;
	s0 =	simm.s32 $0x0;
	p1 =	sgt.u32 s2, $0xEFD70  }
0x23d: {  	p2 =	sne.s32 s4, $0x0;
	s3 =	sand.u32 @!p1 $0xFFFF8, s2;
	s9 =	sadd.s32 @!p1 $0x80, s2  }
0x23e: {  	s8 =	sadd.s32 @!p1 s1, s3;
	s3 =	sand.u32 @!p1 $0x7, s2;
	s9 =	sand.u32 @!p1 $0x1FFFF8, s9  }
0x23f: {  	[hbm4b:s8+s3] =	stream.linear.scatter @!p1 [tilespmem:s5], [sflag:$0x5], $0x80, $0x38;
	[tilespmem:$0x1ECE8] =	vst v63  }
0x240: {  	s11 =	simm.s32 @!p1 $0xCFB8;
	s8 =	sadd.s32 @!p1 $0x100, s2;
	s9 =	sadd.s32 @!p1 s1, s9  }
0x241: {  	[hbm4b:s9+s3] =	stream.linear.scatter @!p1 [tilespmem:s11], [sflag:$0x5], $0x80, $0x38;
	[tilespmem:$0x1ECE8] =	vst v63  }
.Ltmp40:
0x242: {  	s10 =	sadd.s32 @!p1 $0x180, s2;
	s8 =	sand.u32 @!p1 $0x1FFFF8, s8;
	(pc) =	sbr.rel @!p2 .LBB2_57-.Ltmp40, $4  }
0x243: {  	s9 =	simm.s32 @!p1 $0xD038;
	s8 =	sadd.s32 @!p1 s1, s8;
	s11 =	sand.u32 @!p1 $0x1FFFF8, s10  }
0x244: {  	[hbm4b:s8+s3] =	stream.linear.scatter @!p1 [tilespmem:s9], [sflag:$0x5], $0x80, $0x38;
	[tilespmem:$0x1ECE8] =	vst v63  }
0x245: {  	s10 =	simm.s32 @!p1 $0xD0B8;
	s11 =	sadd.s32 @!p1 s1, s11;
	s9 =	sadd.s32 @!p1 $0x200, s2  }
0x246: {  	s8 =	sadd.s32 @!p1 $0x280, s2;
	s2 =	simm.s32 $0x0;
	s9 =	sand.u32 @!p1 $0x1FFFF8, s9  }
.LBB2_56:
0x247: {  	[hbm4b:s11+s3] =	stream.linear.scatter @!p1 [tilespmem:s10], [sflag:$0x5], $0x80, $0x38;
	[tilespmem:$0x1ECE8] =	vst v63  }
0x248: {  	s10 =	sadd.s32 @!p1 $0x200, s5;
	s9 =	sadd.s32 @!p1 s1, s9;
	s8 =	sand.u32 @!p1 $0x1FFFF8, s8  }
0x249: {  	[hbm4b:s9+s3] =	stream.linear.scatter @!p1 [tilespmem:s10], [sflag:$0x5], $0x80, $0x38;
	[tilespmem:$0x1ECE8] =	vst v63  }
0x24a: {  	s9 =	simm.s32 $0x0  }
0x24b: {  	s5 =	sadd.s32 @!p1 $0x280, s5;
	s8 =	sadd.s32 @!p1 s1, s8;
	s9 =	simm.s32 @!p1 $0xC00  }
0x24c: {  	[hbm4b:s8+s3] =	stream.linear.scatter @!p1 [tilespmem:s5], [sflag:$0x5], $0x80, $0x38;
	[tilespmem:$0x1ECE8] =	vst v63  }
0x24d: {  	s4 =	sadd.s32 $0xFFFFFFFF, s4;
	s2 =	sadd.s32 s2, s9;
	s5 =	smov.u32 s7;
	v0 =	vld.msk [tilespmem:s6+$0x0], $0x1  }
0x24e: {  	p2 =	sne.s32 s4, $0x0;
	_ =	sdelay $0x3  }
0x24f: {  	(v2sf) =	vpush v0, $0x0;
	_ =	sdelay $0xe  }
0x250: {  	s8 =	spop (v2sf)  }
0x251: {  	p1 =	sgt.u32 s8, $0xEFD70  }
0x252: {  	s7 =	sadd.s32 $0x300, s7;
	s6 =	sadd.s32 $0x1, s6;
	s3 =	sand.u32 @!p1 $0xFFFF8, s8  }
0x253: {  	s9 =	sadd.s32 @!p1 $0x100, s8;
	s10 =	sadd.s32 @!p1 $0x180, s8;
	s12 =	sadd.s32 @!p1 $0x80, s8  }
0x254: {  	s13 =	sadd.s32 @!p1 $0x100, s5;
	s11 =	sadd.s32 @!p1 s1, s3;
	s3 =	sand.u32 @!p1 $0x7, s8  }
0x255: {  	[hbm4b:s11+s3] =	stream.linear.scatter @!p1 [tilespmem:s5], [sflag:$0x5], $0x80, $0x38;
	[tilespmem:$0x1ECE8] =	vst v63  }
0x256: {  	s12 =	sand.u32 @!p1 $0x1FFFF8, s12;
	s9 =	sand.u32 @!p1 $0x1FFFF8, s9;
	s11 =	sadd.s32 @!p1 $0x80, s5  }
.Ltmp41:
0x257: {  	s12 =	sadd.s32 @!p1 s1, s12;
	s9 =	sadd.s32 @!p1 s1, s9;
	(pc) =	sbr.rel @p2 .LBB2_56-.Ltmp41, $4  }
0x258: {  	[hbm4b:s12+s3] =	stream.linear.scatter @!p1 [tilespmem:s11], [sflag:$0x5], $0x80, $0x38;
	[tilespmem:$0x1ECE8] =	vst v63  }
0x259: {  	s11 =	sand.u32 @!p1 $0x1FFFF8, s10;
	s12 =	sadd.s32 @!p1 $0x200, s8;
	s8 =	sadd.s32 @!p1 $0x280, s8  }
0x25a: {  	[hbm4b:s9+s3] =	stream.linear.scatter @!p1 [tilespmem:s13], [sflag:$0x5], $0x80, $0x38;
	[tilespmem:$0x1ECE8] =	vst v63  }
0x25b: {  	s10 =	sadd.s32 @!p1 $0x180, s5;
	s11 =	sadd.s32 @!p1 s1, s11;
	s9 =	sand.u32 @!p1 $0x1FFFF8, s12  }
.LBB2_57:
0x25c: {  	[hbm4b:s11+s3] =	stream.linear.scatter @!p1 [tilespmem:s10], [sflag:$0x5], $0x80, $0x38;
	[tilespmem:$0x1ECE8] =	vst v63  }
0x25d: {  	s4 =	sadd.s32 @!p1 $0x200, s5;
	s0 =	simm.s32 @!p1 $0xC00  }
0x25e: {  	s6 =	sadd.s32 @!p1 s1, s9;
	s7 =	sand.u32 @!p1 $0x1FFFF8, s8;
	s0 =	sadd.s32 s2, s0  }
0x25f: {  	[hbm4b:s6+s3] =	stream.linear.scatter @!p1 [tilespmem:s4], [sflag:$0x5], $0x80, $0x38;
	[tilespmem:$0x1ECE8] =	vst v63  }
0x260: {  	s4 =	sadd.s32 @!p1 $0x280, s5;
	s5 =	sadd.s32 @!p1 s1, s7;
	s0 =	sshrl.u32 s0, $0x2  }
0x261: {  	[hbm4b:s5+s3] =	stream.linear.scatter @!p1 [tilespmem:s4], [sflag:$0x5], $0x80, $0x38;
	[tilespmem:$0x1ECE8] =	vst v63  }
.LBB2_58:
0x262: {  	s2 =	simm.s32 $0x5  }
0x263: {  	_ =	swait.ge [sflag:s2], s0  }
0x264: {  	s31 =	ssub.s32 $0x0, s0;
	[sflag:s2] =	ssyncset.done $0x0  }
0x265: {  	[sflag:s2] =	ssyncadd.s32 s31  }
0x266: {  	[sflag:s2] =	ssyncpa.u1 $0x1  }
.LBB2_59:
0x267: {  	s0 =	sor.u32 s18, s19  }
0x268: {  	p1 =	sne.s32 s0, $0x0  }
.Ltmp42:
0x269: {  	_ = 	snop;
	(pc) =	sbr.rel @p1 .LBB2_82-.Ltmp42, $3  }
0x26a: {  	_ =	sdelay $0x1  }
0x26b: {  	[bflag:$0x0] =	sbarrier.arrive $0xFFFF  }
0x26c: {  	_ =	sfence  }
0x26d: {  	s3 =	simm.s32 $0x7  }
0x26e: {  	s0 =	simm.s32 $0x6000;
	s2 =	simm.s32 $0xCC18;
	[sflag:s3] =	ssyncpa.u1 $0x0  }
0x26f: {  	[tilespmem:s2], [sflag:$0x7] =	stream.linear.gather [spmem:s0], $0x20, $0x38;
	[tilespmem:$0x1ECE8] =	vst v63  }
0x270: {  	s0 =	simm.s32 $0x0;
	s2 =	simm.s32 $0xCC38  }
0x271: {  	[tilespmem:s2], [sflag:$0x7] =	stream.linear.gather [spmem:s0], $0x6000, $0x38;
	[tilespmem:$0x1ECE8] =	vst v63  }
.Ltmp43:
0x272: {  	_ = 	snop;
	(pc) =	sbr.rel .LBB2_61-.Ltmp43, $4  }
0x273: {  	s4 =	simm.s32 $0xC988;
	_ =	swait.ge [sflag:s3], $0x6020  }
0x274: {  	s5 =	simm.s32 $0xCA08;
	s6 =	simm.s32 $0xCA88;
	[sflag:s3] =	ssyncset.done $0x0  }
0x275: {  	s7 =	simm.s32 $0xCB08;
	[sflag:s3] =	ssyncadd.s32 $0xFFFF9FE0;
	s3 =	simm.s32 $0x8  }
0x276: {  	s8 =	simm.s32 $0xCB88;
	s9 =	simm.s32 $0x0;
	[sflag:s3] =	ssyncpa.u1 $0x0  }
.LBB2_76:
0x277: {  	s9 =	sadd.s32 $0x1, s9  }
0x278: {  	p1 =	sne.s32 s9, $0x20  }
.Ltmp44:
0x279: {  	_ = 	snop;
	(pc) =	sbr.rel @!p1 .LBB2_77-.Ltmp44, $2  }
0x27a: {  	_ =	sdelay $0x2  }
0x27b: {  	s2 =	sadd.s32 $0x300, s2  }
.LBB2_61:
0x27c: {  	v0 =	vld.msk [tilespmem:s9+$0xCC18], $0x1;
	_ =	sdelay $0x4  }
0x27d: {  	(v2sf) =	vpush v0, $0x0;
	_ =	sdelay $0xe  }
0x27e: {  	s10 =	spop (v2sf)  }
0x27f: {  	p1 =	seq.s32 s10, $0xFFFFFFFF  }
.Ltmp45:
0x280: {  	_ = 	snop;
	(pc) =	sbr.rel @p1 .LBB2_76-.Ltmp45, $1  }
0x281: {  	_ =	sdelay $0x3  }
0x282: {  	p1 =	slt.s32 s0, $0x1  }
.Ltmp46:
0x283: {  	_ = 	snop;
	(pc) =	sbr.rel @p1 .LBB2_69-.Ltmp46, $1  }
0x284: {  	_ =	sdelay $0x3  }
0x285: {  	s11 =	simm.s32 $0xCC18;
	p1 =	por $0x0, $0x0  }
0x286: {  	v1 =	vld.msk @!p1 [tilespmem:s11+$0x0], $0x1;
	_ =	sdelay $0x4  }
0x287: {  	(v2sf) =	vpush @!p1 v1, $0x0;
	_ =	sdelay $0xd  }
0x288: {  	p3 =	sne.s32 s0, $0x1  }
.Ltmp47:
0x289: {  	s12 =	spop @!p1 (v2sf);
	(pc) =	sbr.rel @!p3 .LBB2_65-.Ltmp47, $4  }
0x28a: {  	p2 =	seq.s32 @!p1 s10, s12  }
0x28b: {  	s12 =	simm.s32 $0x0;
	p2 =	por !p2, p1  }
0x28c: {  	s14 =	simm.s32 $0xFFFFFFFF;
	s12 =	simm.s32 @p2 $0xFFFFFFFF  }
0x28d: {  	s13 =	simm.s32 $0x1;
	s12 =	smov.u32 @p1 s14  }
.LBB2_64:
0x28e: {  	s14 =	smov.u32 s12;
	p1 =	sne.s32 s12, $0xFFFFFFFF  }
0x28f: {  	s11 =	sadd.s32 $0x1, s11;
	s12 =	smov.u32 s13;
	s13 =	sadd.s32 $0x1, s13  }
0x290: {  	p2 =	sne.s32 s0, s13;
	v1 =	vld.msk @!p1 [tilespmem:s11+$0x0], $0x1;
	_ =	sdelay $0x4  }
0x291: {  	(v2sf) =	vpush @!p1 v1, $0x0;
	_ =	sdelay $0xe  }
.Ltmp48:
0x292: {  	s15 =	spop @!p1 (v2sf);
	(pc) =	sbr.rel @p2 .LBB2_64-.Ltmp48, $4  }
0x293: {  	p3 =	seq.s32 @!p1 s10, s15  }
0x294: {  	p3 =	por !p3, p1  }
0x295: {  	s12 =	simm.s32 @p3 $0xFFFFFFFF  }
0x296: {  	s12 =	smov.u32 @p1 s14  }
.LBB2_65:
0x297: {  	p1 =	seq.s32 s12, $0xFFFFFFFF  }
.Ltmp49:
0x298: {  	_ = 	snop;
	(pc) =	sbr.rel @p1 .LBB2_69-.Ltmp49, $1  }
0x299: {  	_ =	sdelay $0x3  }
0x29a: {  	s10 =	smul.u32 $0xC00, s12;
	_ =	sdelay $0x1  }
0x29b: {  	s10 =	sshra.s32 s10, $0x2  }
0x29c: {  	s11 =	simm.s32 $0x0;
	v0 =	vld [tilespmem:s2+$0x0];
	s12 =	smov.u32 s2;
	s10 =	sadd.s32 $0xCC38, s10  }
.LBB2_67:
0x29d: {  	s11 =	sadd.s32 $0x10, s11  }
0x29e: {  	p1 =	slt.u32 s11, $0x2F0  }
.Ltmp50:
0x29f: {  	_ = 	snop;
	(pc) =	sbr.rel @p1 .LBB2_67-.Ltmp50, $3  }
0x2a0: {  	_ =	sdelay $0x1  }
0x2a1: {  	s12 =	sadd.s32 $0x10, s12;
	[tilespmem:s10+$0x0] =	vst.add.f32.msk $0xffff, v0;
	s10 =	sadd.s32 $0x10, s10  }
0x2a2: {  	v0 =	vld [tilespmem:s12+$0x0]  }
.Ltmp51:
0x2a3: {  	_ = 	snop;
	(pc) =	sbr.rel .LBB2_76-.Ltmp51, $2  }
0x2a4: {  	_ =	sdelay $0x2  }
0x2a5: {  	[tilespmem:s10+$0x0] =	vst.add.f32.msk $0xffff, v0  }
.LBB2_69:
0x2a6: {  	p1 =	sgt.u32 s10, $0xEFD70  }
.Ltmp52:
0x2a7: {  	_ = 	snop;
	(pc) =	sbr.rel @p1 .LBB2_73-.Ltmp52, $1  }
0x2a8: {  	_ =	sdelay $0x3  }
0x2a9: {  	s11 =	sand.u32 $0xFFFF8, s10;
	s13 =	sand.u32 $0x7, s10  }
0x2aa: {  	s26 =	sadd.s32 $0x80, s10;
	s12 =	sadd.s32 s1, s11;
	s11 =	simm.s32 $0xC908  }
0x2ab: {  	[tilespmem:s11], [sflag:$0x8] =	stream.linear.gather [hbm4b:s12+s13], $0x80, $0x38;
	[tilespmem:$0x1ECE8] =	vst v63  }
0x2ac: {  	s12 =	sand.u32 $0x1FFFF8, s26  }
0x2ad: {  	s28 =	sadd.s32 $0x100, s10;
	s12 =	sadd.s32 s1, s12  }
0x2ae: {  	[tilespmem:s4], [sflag:$0x8] =	stream.linear.gather [hbm4b:s12+s13], $0x80, $0x38;
	[tilespmem:$0x1ECE8] =	vst v63  }
0x2af: {  	s12 =	sand.u32 $0x1FFFF8, s28  }
0x2b0: {  	s29 =	sadd.s32 $0x180, s10;
	s12 =	sadd.s32 s1, s12  }
0x2b1: {  	[tilespmem:s5], [sflag:$0x8] =	stream.linear.gather [hbm4b:s12+s13], $0x80, $0x38;
	[tilespmem:$0x1ECE8] =	vst v63  }
0x2b2: {  	s12 =	sand.u32 $0x1FFFF8, s29  }
0x2b3: {  	s30 =	sadd.s32 $0x200, s10;
	s12 =	sadd.s32 s1, s12  }
0x2b4: {  	[tilespmem:s6], [sflag:$0x8] =	stream.linear.gather [hbm4b:s12+s13], $0x80, $0x38;
	[tilespmem:$0x1ECE8] =	vst v63  }
0x2b5: {  	s31 =	sadd.s32 $0x280, s10;
	s12 =	sand.u32 $0x1FFFF8, s30  }
0x2b6: {  	s10 =	sand.u32 $0x1FFFF8, s31;
	s12 =	sadd.s32 s1, s12  }
0x2b7: {  	[tilespmem:s7], [sflag:$0x8] =	stream.linear.gather [hbm4b:s12+s13], $0x80, $0x38;
	[tilespmem:$0x1ECE8] =	vst v63  }
0x2b8: {  	s10 =	sadd.s32 s1, s10  }
0x2b9: {  	[tilespmem:s8], [sflag:$0x8] =	stream.linear.gather [hbm4b:s10+s13], $0x80, $0x38;
	[tilespmem:$0x1ECE8] =	vst v63  }
0x2ba: {  	_ =	swait.ge [sflag:s3], $0x300  }
0x2bb: {  	[sflag:s3] =	ssyncset.done $0x0  }
0x2bc: {  	[sflag:s3] =	ssyncadd.s32 $0xFFFFFD00  }
0x2bd: {  	s12 =	smov.u32 s2;
	s10 =	simm.s32 $0x0;
	v1 =	vld [tilespmem:s11+$0x0]  }
.LBB2_71:
0x2be: {  	s10 =	sadd.s32 $0x10, s10  }
0x2bf: {  	p1 =	slt.u32 s10, $0x2F0  }
.Ltmp53:
0x2c0: {  	_ = 	snop;
	(pc) =	sbr.rel @p1 .LBB2_71-.Ltmp53, $3  }
0x2c1: {  	_ =	sdelay $0x1  }
0x2c2: {  	s11 =	sadd.s32 $0x10, s11;
	[tilespmem:s12+$0x0] =	vst.add.f32.msk $0xffff, v1;
	s12 =	sadd.s32 $0x10, s12  }
0x2c3: {  	v1 =	vld [tilespmem:s11+$0x0]  }
0x2c4: {  	_ =	sdelay $0x3  }
0x2c5: {  	[tilespmem:s12+$0x0] =	vst.add.f32.msk $0xffff, v1  }
.LBB2_73:
0x2c6: {  	s10 =	smul.u32 $0xC00, s0;
	_ =	sdelay $0x1  }
0x2c7: {  	[tilespmem:s0+$0xCC18] =	vst.msk $0x1, v0;
	s10 =	sshra.s32 s10, $0x2  }
0x2c8: {  	s11 =	simm.s32 $0x0;
	s12 =	smov.u32 s2;
	v0 =	vld [tilespmem:s2+$0x0];
	s10 =	sadd.s32 $0xCC38, s10  }
.LBB2_74:
0x2c9: {  	s11 =	sadd.s32 $0x10, s11  }
0x2ca: {  	p1 =	slt.u32 s11, $0x2F0  }
.Ltmp54:
0x2cb: {  	_ = 	snop;
	(pc) =	sbr.rel @p1 .LBB2_74-.Ltmp54, $3  }
0x2cc: {  	_ =	sdelay $0x1  }
0x2cd: {  	s12 =	sadd.s32 $0x10, s12;
	[tilespmem:s10+$0x0] =	vst v0;
	s10 =	sadd.s32 $0x10, s10  }
0x2ce: {  	v0 =	vld [tilespmem:s12+$0x0]  }
.Ltmp55:
0x2cf: {  	_ = 	snop;
	(pc) =	sbr.rel .LBB2_76-.Ltmp55, $2  }
0x2d0: {  	_ =	sdelay $0x2  }
0x2d1: {  	s0 =	sadd.s32 $0x1, s0;
	[tilespmem:s10+$0x0] =	vst v0  }
.LBB2_77:
0x2d2: {  	p1 =	slt.s32 s0, $0x1  }
.Ltmp56:
0x2d3: {  	_ = 	snop;
	(pc) =	sbr.rel @p1 .LBB2_81-.Ltmp56, $3  }
0x2d4: {  	_ =	sdelay $0x1  }
0x2d5: {  	s2 =	simm.s32 $0x8  }
0x2d6: {  	[sflag:s2] =	ssyncpa.u1 $0x1;
	s2 =	simm.s32 $0x0  }
0x2d7: {  	s3 =	simm.s32 $0xCC18  }
0x2d8: {  	v0 =	vld.msk [tilespmem:s3+$0x0], $0x1;
	_ =	sdelay $0x4  }
0x2d9: {  	(v2sf) =	vpush v0, $0x0;
	_ =	sdelay $0xe  }
0x2da: {  	s4 =	simm.s32 $0xCC38;
	s0 =	sadd.s32 $0xFFFFFFFF, s0;
	s8 =	spop (v2sf)  }
0x2db: {  	s5 =	simm.s32 $0xCC19;
	s3 =	simm.s32 $0x0;
	p1 =	sgt.u32 s8, $0xEFD70  }
0x2dc: {  	p2 =	sne.s32 s0, $0x0;
	s6 =	sand.u32 @!p1 $0xFFFF8, s8;
	s9 =	sadd.s32 @!p1 $0x80, s8  }
0x2dd: {  	s7 =	sand.u32 @!p1 $0x7, s8;
	s6 =	sadd.s32 @!p1 s1, s6;
	s9 =	sand.u32 @!p1 $0x1FFFF8, s9  }
0x2de: {  	[hbm4b:s6+s7] =	stream.linear.scatter @!p1 [tilespmem:s4], [sflag:$0x7], $0x80, $0x38;
	[tilespmem:$0x1ECE8] =	vst v63  }
0x2df: {  	s10 =	sadd.s32 @!p1 $0x100, s8;
	s11 =	simm.s32 @!p1 $0xCCB8;
	s9 =	sadd.s32 @!p1 s1, s9  }
0x2e0: {  	[hbm4b:s9+s7] =	stream.linear.scatter @!p1 [tilespmem:s11], [sflag:$0x7], $0x80, $0x38;
	[tilespmem:$0x1ECE8] =	vst v63  }
.Ltmp57:
0x2e1: {  	s12 =	sadd.s32 @!p1 $0x200, s8;
	s10 =	sand.u32 @!p1 $0x1FFFF8, s10;
	(pc) =	sbr.rel @!p2 .LBB2_80-.Ltmp57, $4  }
0x2e2: {  	s6 =	simm.s32 $0xCF38;
	s10 =	sadd.s32 @!p1 s1, s10;
	s9 =	sadd.s32 @!p1 $0x180, s8  }
0x2e3: {  	s11 =	simm.s32 @!p1 $0xCD38;
	s8 =	sadd.s32 @!p1 $0x280, s8;
	s9 =	sand.u32 @!p1 $0x1FFFF8, s9  }
0x2e4: {  	[hbm4b:s10+s7] =	stream.linear.scatter @!p1 [tilespmem:s11], [sflag:$0x7], $0x80, $0x38;
	[tilespmem:$0x1ECE8] =	vst v63  }
0x2e5: {  	s10 =	simm.s32 @!p1 $0xCDB8;
	s11 =	sadd.s32 @!p1 s1, s9;
	s9 =	sand.u32 @!p1 $0x1FFFF8, s12  }
.LBB2_79:
0x2e6: {  	[hbm4b:s11+s7] =	stream.linear.scatter @!p1 [tilespmem:s10], [sflag:$0x7], $0x80, $0x38;
	[tilespmem:$0x1ECE8] =	vst v63  }
0x2e7: {  	s10 =	sadd.s32 @!p1 $0x200, s4;
	s9 =	sadd.s32 @!p1 s1, s9;
	s8 =	sand.u32 @!p1 $0x1FFFF8, s8  }
0x2e8: {  	[hbm4b:s9+s7] =	stream.linear.scatter @!p1 [tilespmem:s10], [sflag:$0x7], $0x80, $0x38;
	[tilespmem:$0x1ECE8] =	vst v63  }
0x2e9: {  	s9 =	simm.s32 $0x0  }
0x2ea: {  	s4 =	sadd.s32 @!p1 $0x280, s4;
	s8 =	sadd.s32 @!p1 s1, s8;
	s9 =	simm.s32 @!p1 $0xC00  }
0x2eb: {  	[hbm4b:s8+s7] =	stream.linear.scatter @!p1 [tilespmem:s4], [sflag:$0x7], $0x80, $0x38;
	[tilespmem:$0x1ECE8] =	vst v63  }
0x2ec: {  	s0 =	sadd.s32 $0xFFFFFFFF, s0;
	s2 =	sadd.s32 s2, s9;
	s4 =	smov.u32 s6;
	v0 =	vld.msk [tilespmem:s5+$0x0], $0x1  }
0x2ed: {  	p2 =	sne.s32 s0, $0x0;
	_ =	sdelay $0x3  }
0x2ee: {  	(v2sf) =	vpush v0, $0x0;
	_ =	sdelay $0xe  }
0x2ef: {  	s8 =	spop (v2sf)  }
0x2f0: {  	p1 =	sgt.u32 s8, $0xEFD70  }
0x2f1: {  	s6 =	sadd.s32 $0x300, s6;
	s5 =	sadd.s32 $0x1, s5;
	s7 =	sand.u32 @!p1 $0xFFFF8, s8  }
0x2f2: {  	s9 =	sadd.s32 @!p1 $0x100, s8;
	s10 =	sadd.s32 @!p1 $0x180, s8;
	s12 =	sadd.s32 @!p1 $0x80, s8  }
0x2f3: {  	s13 =	sadd.s32 @!p1 $0x100, s4;
	s11 =	sadd.s32 @!p1 s1, s7;
	s7 =	sand.u32 @!p1 $0x7, s8  }
0x2f4: {  	[hbm4b:s11+s7] =	stream.linear.scatter @!p1 [tilespmem:s4], [sflag:$0x7], $0x80, $0x38;
	[tilespmem:$0x1ECE8] =	vst v63  }
0x2f5: {  	s12 =	sand.u32 @!p1 $0x1FFFF8, s12;
	s9 =	sand.u32 @!p1 $0x1FFFF8, s9;
	s11 =	sadd.s32 @!p1 $0x80, s4  }
.Ltmp58:
0x2f6: {  	s12 =	sadd.s32 @!p1 s1, s12;
	s9 =	sadd.s32 @!p1 s1, s9;
	(pc) =	sbr.rel @p2 .LBB2_79-.Ltmp58, $4  }
0x2f7: {  	[hbm4b:s12+s7] =	stream.linear.scatter @!p1 [tilespmem:s11], [sflag:$0x7], $0x80, $0x38;
	[tilespmem:$0x1ECE8] =	vst v63  }
0x2f8: {  	s11 =	sand.u32 @!p1 $0x1FFFF8, s10;
	s12 =	sadd.s32 @!p1 $0x200, s8;
	s8 =	sadd.s32 @!p1 $0x280, s8  }
0x2f9: {  	[hbm4b:s9+s7] =	stream.linear.scatter @!p1 [tilespmem:s13], [sflag:$0x7], $0x80, $0x38;
	[tilespmem:$0x1ECE8] =	vst v63  }
0x2fa: {  	s10 =	sadd.s32 @!p1 $0x180, s4;
	s11 =	sadd.s32 @!p1 s1, s11;
	s9 =	sand.u32 @!p1 $0x1FFFF8, s12  }
.LBB2_80:
0x2fb: {  	[hbm4b:s11+s7] =	stream.linear.scatter @!p1 [tilespmem:s10], [sflag:$0x7], $0x80, $0x38;
	[tilespmem:$0x1ECE8] =	vst v63  }
0x2fc: {  	s0 =	sadd.s32 @!p1 $0x200, s4;
	s3 =	simm.s32 @!p1 $0xC00  }
0x2fd: {  	s5 =	sadd.s32 @!p1 s1, s9;
	s6 =	sand.u32 @!p1 $0x1FFFF8, s8;
	s31 =	sadd.s32 s2, s3  }
0x2fe: {  	[hbm4b:s5+s7] =	stream.linear.scatter @!p1 [tilespmem:s0], [sflag:$0x7], $0x80, $0x38;
	[tilespmem:$0x1ECE8] =	vst v63  }
0x2ff: {  	s1 =	sadd.s32 @!p1 s1, s6;
	s0 =	sadd.s32 @!p1 $0x280, s4;
	s2 =	sshrl.u32 s31, $0x2  }
0x300: {  	[hbm4b:s1+s7] =	stream.linear.scatter @!p1 [tilespmem:s0], [sflag:$0x7], $0x80, $0x38;
	[tilespmem:$0x1ECE8] =	vst v63  }
.LBB2_81:
0x301: {  	s0 =	simm.s32 $0x7  }
0x302: {  	_ =	swait.ge [sflag:s0], s2  }
0x303: {  	s1 =	ssub.s32 $0x0, s2;
	[sflag:s0] =	ssyncset.done $0x0  }
0x304: {  	[sflag:s0] =	ssyncadd.s32 s1  }
0x305: {  	[sflag:s0] =	ssyncpa.u1 $0x1  }
.LBB2_82:
0x306: {  	_ =	sfence;
	s0 =	simm.s32 $0x1  }
0x307: {  	[sflag:s0] =	ssyncpa.u1 $0x1  }
0x308: {  	_ =	strace $0x90000056  }
0x309: {  	[bflag:$0x2] =	sbarrier.arrive $0xFFFF  }
0x30a: {  	s0 =	rddreg [dreg:$0x3]  }
0x30b: {  	s0 =	sadd.s32 @!p0 $0x100000, s0  }
0x30c: {  	[sflag:s0] =	ssyncadd.tile.s32 @!p0 $0x1;
	_ =	shalt  }
.Lfunc_end2:
_tile_overlayer_lowered:
.L_overlay_start_2:
0x30d: {  	(tag) =	ssettag $0x2  }
0x30e: {  	s0 =	rddreg [dreg:$0x0];
	s2 =	stileid.u32  }
0x30f: {  	s1 =	rddreg [dreg:$0x1];
	p0 =	sne.s32 s2, $0x0  }
0x310: {  	s3 =	rddreg [dreg:$0x2];
	[bflag:$0x3] =	sbarrier.arrive $0xFFFF;
	s2 =	simm.s32 @!p0 $0x1C01  }
0x311: {  	[timem:s3], [sflag:s2] =	dma.local @!p0 [hbm:s0], s1  }
0x312: {  	s0 =	simm.s32 @!p0 $0x1  }
0x313: {  	_ =	swait.ge @!p0 [sflag:s0], s1  }
0x314: {  	s1 =	ssub.s32 @!p0 $0x0, s1;
	[sflag:s0] =	ssyncset.done @!p0 $0x0  }
0x315: {  	[sflag:s0] =	ssyncadd.s32 @!p0 s1  }
0x316: {  	[bflag:$0x3] =	sbarrier.arrive $0xFFFF  }
0x317: {  	_ =	shalt  }

// kernel: scatter_offload_async_start
scs
__scs_entry_jumppad:
0x0: {  	(pc) =	sbr.rel $0x88, $3  }
0x1: {  	(tag) =	ssettag $0x0;
	lr =	simm.s32 $0x1  }
0x2: {  	[smem:$0x3F8F] =	sst lr;
	_ =	strace $0xD0000000  }
0x3: {  	_ = 	snop  }
0x4: {  	_ = 	snop  }
0x5: {  	_ = 	snop  }
0x6: {  	_ = 	snop  }
0x7: {  	_ = 	snop  }
__scs_overlays_trampoline_lowered:
0x8: {  	[smem:$0x3F9E] =	sst s0  }
0x9: {  	[smem:$0x3F9F] =	sst s1  }
0xa: {  	[smem:$0x3FA0] =	sst s2  }
0xb: {  	[smem:$0x3FA1] =	sst s3  }
0xc: {  	[smem:$0x3FA2] =	sst s4  }
0xd: {  	[smem:$0x3FA3] =	sst s5  }
0xe: {  	[smem:$0x3FA4] =	sst s6  }
0xf: {  	[smem:$0x3FA5] =	sst s7  }
0x10: {  	[smem:$0x3FA6] =	sst s8  }
0x11: {  	[smem:$0x3FA7] =	sst s9;
	s0 =	simm.s32 @!p0 $0x0  }
0x12: {  	s1 =	sld [smem:$0x3F8D];
	s0 =	simm.s32 @p0 $0x1  }
0x13: {  	[smem:$0x3FA8] =	sst s0;
	s0 =	simm.s32 @!p1 $0x0  }
0x14: {  	s2 =	sld [smem:$0x3F8C];
	s0 =	simm.s32 @p1 $0x1  }
0x15: {  	[smem:$0x3FA9] =	sst s0;
	s0 =	simm.s32 @!p2 $0x0  }
0x16: {  	s3 =	sld [smem:$0x3FDB];
	s0 =	simm.s32 @p2 $0x1  }
0x17: {  	s4 =	simm.s32 $0x1BF5;
	[smem:$0x3FAB] =	sst s0  }
0x18: {  	s0 =	sld [smem:$0x3F8E];
	_ =	swait.ge [sflag:s4], $0x0  }
0x19: {  	s7 =	sld [smem:$0x3F8F]  }
0x1a: {  	s8 =	sadd.s32 $0xFFFFE003, lr  }
0x1b: {  	s9 =	sadd.s32 $0xFFFFFEF7, lr;
	s5 =	simm.s32 $0xFFFFFFFF;
	p2 =	slt.u32 s8, $0xFFFFF086  }
0x1c: {  	p1 =	slt.u32 s9, $0xF7A;
	s5 =	simm.s32 @!p2 $0x0  }
0x1d: {  	s5 =	simm.s32 @p1 $0x1;
	p0 =	seq.s32 s7, s2  }
0x1e: {  	s7 =	smul.u32 @!p0 $0xF7A, s2;
	p2 =	seq.s32 @!p0 s5, $0x0  }
0x1f: {  	s9 =	smul.u32 $0xF7A, s1;
	s8 =	simm.s32 @!p0 $0x1BF5;
	p2 =	por !p2, p0  }
0x20: {  	[sflag:s8] =	ssyncset.s32 @!p0 $0xFFFFF086;
	s6 =	sadd.s32 @!p0 s3, s7;
	s7 =	simm.s32 @!p0 $0x108  }
0x21: {  	s3 =	sadd.s32 s3, s9;
	s6 =	sadd.s32 @!p0 $0x88, s6;
	s7 =	simm.s32 @p2 $0x1082  }
0x22: {  	[simem:s7], [sflag:s8] =	dma.local @!p0 [hbm:s6], $0xF7A  }
0x23: {  	s9 =	sor.u32 $0xD0000000, s2;
	s6 =	simm.s32 $0x108;
	_ =	swait.ge @!p0 [sflag:s8], $0x0  }
0x24: {  	s3 =	sadd.s32 $0x88, s3;
	s6 =	simm.s32 @!p1 $0x1082;
	[sflag:s4] =	ssyncset.s32 $0xFFFFF086  }
0x25: {  	[simem:s6], [sflag:s4] =	dma.local [hbm:s3], $0xF7A  }
0x26: {  	[smem:$0x3F8F] =	sst s1;
	(tag) =	ssettag s2;
	_ =	strace s9  }
0x27: {  	s1 =	sld [smem:$0x3F9F]  }
0x28: {  	s2 =	sld [smem:$0x3FA0]  }
0x29: {  	s4 =	sld [smem:$0x3FA2]  }
0x2a: {  	p0 =	seq.s32 s5, $0x0;
	s5 =	sld [smem:$0x3FA3]  }
0x2b: {  	s6 =	sld [smem:$0x3FA4]  }
0x2c: {  	s7 =	sld [smem:$0x3FA5]  }
0x2d: {  	s3 =	simm.s32 $0x108;
	s8 =	sld [smem:$0x3FA6]  }
0x2e: {  	s3 =	simm.s32 @!p0 $0x1082;
	s9 =	sld [smem:$0x3FA7]  }
0x2f: {  	lr =	sadd.s32 s0, s3;
	s0 =	sld [smem:$0x3F9E]  }
0x30: {  	s3 =	sld [smem:$0x3FA1]  }
0x31: {  	[smem:$0x3FAA] =	sst s10  }
0x32: {  	s10 =	sld [smem:$0x3FA8];
	_ =	sdelay $0x3  }
0x33: {  	p0 =	seq.s32 s10, $0x1;
	s10 =	sld [smem:$0x3FAA];
	_ =	sdelay $0x3  }
0x34: {  	[smem:$0x3FAA] =	sst s10  }
0x35: {  	s10 =	sld [smem:$0x3FA9];
	_ =	sdelay $0x3  }
0x36: {  	p1 =	seq.s32 s10, $0x1;
	s10 =	sld [smem:$0x3FAA];
	_ =	sdelay $0x3  }
0x37: {  	[smem:$0x3FAA] =	sst s10  }
0x38: {  	s10 =	sld [smem:$0x3FAB]  }
0x39: {  	_ = 	snop;
	(pc) =	sbr.ind lr, $3  }
0x3a: {  	_ = 	snop  }
0x3b: {  	_ = 	snop  }
0x3c: {  	p2 =	seq.s32 s10, $0x1;
	s10 =	sld [smem:$0x3FAA]  }
0x3d: {  	_ =	shalt  }
0x3e: {  	_ =	shalt  }
0x3f: {  	_ =	shalt  }
0x40: {  	_ =	shalt  }
0x41: {  	_ =	shalt  }
0x42: {  	_ =	shalt  }
0x43: {  	_ =	shalt  }
0x44: {  	_ =	shalt  }
0x45: {  	_ =	shalt  }
0x46: {  	_ =	shalt  }
0x47: {  	_ =	shalt  }
0x48: {  	_ =	shalt  }
0x49: {  	_ =	shalt  }
0x4a: {  	_ =	shalt  }
0x4b: {  	_ =	shalt  }
0x4c: {  	_ =	shalt  }
0x4d: {  	_ =	shalt  }
0x4e: {  	_ =	shalt  }
0x4f: {  	_ =	shalt  }
0x50: {  	_ =	shalt  }
0x51: {  	_ =	shalt  }
0x52: {  	_ =	shalt  }
0x53: {  	_ =	shalt  }
0x54: {  	_ =	shalt  }
0x55: {  	_ =	shalt  }
0x56: {  	_ =	shalt  }
0x57: {  	_ =	shalt  }
0x58: {  	_ =	shalt  }
0x59: {  	_ =	shalt  }
0x5a: {  	_ =	shalt  }
0x5b: {  	_ =	shalt  }
0x5c: {  	_ =	shalt  }
0x5d: {  	_ =	shalt  }
0x5e: {  	_ =	shalt  }
0x5f: {  	_ =	shalt  }
0x60: {  	_ =	shalt  }
0x61: {  	_ =	shalt  }
0x62: {  	_ =	shalt  }
0x63: {  	_ =	shalt  }
0x64: {  	_ =	shalt  }
0x65: {  	_ =	shalt  }
0x66: {  	_ =	shalt  }
0x67: {  	_ =	shalt  }
0x68: {  	_ =	shalt  }
0x69: {  	_ =	shalt  }
0x6a: {  	_ =	shalt  }
0x6b: {  	_ =	shalt  }
0x6c: {  	_ =	shalt  }
0x6d: {  	_ =	shalt  }
0x6e: {  	_ =	shalt  }
0x6f: {  	_ =	shalt  }
0x70: {  	_ =	shalt  }
0x71: {  	_ =	shalt  }
0x72: {  	_ =	shalt  }
0x73: {  	_ =	shalt  }
0x74: {  	_ =	shalt  }
0x75: {  	_ =	shalt  }
0x76: {  	_ =	shalt  }
0x77: {  	_ =	shalt  }
0x78: {  	_ =	shalt  }
0x79: {  	_ =	shalt  }
0x7a: {  	_ =	shalt  }
0x7b: {  	_ =	shalt  }
0x7c: {  	_ =	shalt  }
0x7d: {  	_ =	shalt  }
0x7e: {  	_ =	shalt  }
0x7f: {  	_ =	shalt  }
0x80: {  	_ =	shalt  }
0x81: {  	_ =	shalt  }
0x82: {  	_ =	shalt  }
0x83: {  	_ =	shalt  }
0x84: {  	_ =	shalt  }
0x85: {  	_ =	shalt  }
0x86: {  	_ =	shalt  }
0x87: {  	_ =	shalt  }
.Lfunc_end0:
.L_simem_size_0:
called_computation_lowered:
.L_overlay_start_0:
0x88: {  	s2 =	sld [smem:$0x3FD9]  }
0x89: {  	s3 =	sld [smem:$0x3FFE];
	_ =	sdelay $0x1  }
0x8a: {  	s1 =	srdreg.scid  }
0x8b: {  	s0 =	sand.u32 $0x1, s1  }
0x8c: {  	s17 =	sshll.u32 s0, $0xA;
	s2 =	sadd.s32 s3, s2  }
0x8d: {  	s2 =	sadd.s32 s2, s17  }
0x8e: {  	[smem:$0x3FB6] =	sst s2  }
0x8f: {  	_ = 	snop  }
0x90: {  	(tm) =	ssettm $0x1  }
0x91: {  	s18 =	sld [smem:$0x3FFB];
	_ =	sdelay $0x3  }
0x92: {  	_ =	strace s18  }
0x93: {  	s2 =	sld [smem:$0x3FFC];
	_ =	sdelay $0x3  }
0x94: {  	_ =	strace s2  }
0x95: {  	s2 =	sld [smem:$0x3FFD];
	_ =	sdelay $0x3  }
0x96: {  	_ =	strace s2  }
0x97: {  	_ =	strace $0x8FFFFFFF  }
0x98: {  	s19 =	sld [smem:$0x3FDB];
	_ =	sdelay $0x1  }
0x99: {  	s20 =	simm.s32 $_scs_section_size  }
0x9a: {  	s4 =	simm.s32 $_size__tile_overlayer_lowered;
	s5 =	simm.s32 $_tile_overlayer_lowered  }
0x9b: {  	s6 =	simm.s32 $0x1BFF;
	s21 =	sshll.u32 s5, $0x1;
	s3 =	sadd.s32 s20, s19  }
0x9c: {  	s22 =	simm.s32 $0x0;
	s4 =	sshll.u32 s4, $0x1;
	s5 =	sadd.s32 s21, s3  }
0x9d: {  	[timem:s22], [sflag:s6] =	dma.local [hbm:s5], s4  }
0x9e: {  	_ =	swait.ge [sflag:s6], s4  }
0x9f: {  	s4 =	ssub.s32 $0x0, s4;
	[sflag:s6] =	ssyncset.done $0x0  }
0xa0: {  	[sflag:s6] =	ssyncadd.s32 s4;
	_ =	sdelay $0x1  }
0xa1: {  	s23 =	simm.s32 $0x1B8B  }
0xa2: {  	_ =	swait.ge [sflag:s23], $0x1  }
0xa3: {  	[sflag:s23] =	ssyncset.done $0x0  }
0xa4: {  	[sflag:s23] =	ssyncadd.s32 $0xFFFFFFFF  }
0xa5: {  	s4 =	sld [smem:$0x0]  }
0xa6: {  	s5 =	sand.u32 $0xFFFFFFFE, s1  }
0xa7: {  	p0 =	sne.s32 s1, s5  }
0xa8: {  	s5 =	sshll.u32 @p0 s5, $0xE  }
0xa9: {  	s5 =	sadd.s32 @p0 $0x11B8D, s5;
	s6 =	sshll.u32 @p0 s4, $0x11  }
0xaa: {  	s5 =	sor.u32 @p0 s6, s5  }
0xab: {  	[sflag:s5] =	ssyncadd.remote.s32 @p0 $0x1;
	_ =	sdelay $0x1  }
0xac: {  	s5 =	simm.s32 @p0 $0x1B8D  }
0xad: {  	_ =	swait.eq @p0 [sflag:s5], $0x1  }
0xae: {  	[sflag:s5] =	ssyncadd.s32 @p0 $0xFFFFFFFF  }
0xaf: {  	s6 =	sshll.u32 @!p0 s1, $0xE  }
0xb0: {  	s6 =	sor.u32 @!p0 $0x4000, s6;
	s5 =	simm.s32 @!p0 $0x1B8D  }
0xb1: {  	s7 =	sshll.u32 @!p0 s4, $0x11;
	s6 =	sadd.s32 @!p0 $0x11B8D, s6;
	_ =	swait.eq @!p0 [sflag:s5], $0x1  }
0xb2: {  	[sflag:s5] =	ssyncadd.s32 @!p0 $0xFFFFFFFF;
	s5 =	sor.u32 @!p0 s7, s6  }
0xb3: {  	s25 =	simm.s32 $0x1B8E;
	s24 =	sld [smem:$0x3FFE];
	[sflag:s5] =	ssyncadd.remote.s32 @!p0 $0x1  }
0xb4: {  	s26 =	simm.s32 $execute0_lowered;
	[smem:$0x3FD2] =	sst s25  }
0xb5: {  	s6 =	sshll.u32 s26, $0x1;
	_ =	strace $0x8000004F;
	[dreg:$0x1] =	wrdreg $0xFFFFFFFF  }
0xb6: {  	s28 =	simm.s32 $_size_execute0_lowered;
	s3 =	sadd.s32 s3, s6;
	[dreg:$0x0] =	wrdreg $0x0  }
0xb7: {  	s6 =	sshll.u32 s28, $0x1;
	[dreg:$0x2] =	wrdreg s3  }
0xb8: {  	[dreg:$0x3] =	wrdreg s6  }
0xb9: {  	[dreg:$0x4] =	wrdreg $0xC0  }
0xba: {  	_ =	task [dreg:s22], $0x5FFFF  }
0xbb: {  	[dreg:$0x1] =	wrdreg $0xFFFFFFFF  }
0xbc: {  	[dreg:$0x0] =	wrdreg $0x60  }
0xbd: {  	[dreg:$0x2] =	wrdreg s24  }
0xbe: {  	[dreg:$0x3] =	wrdreg s1  }
0xbf: {  	[dreg:$0x4] =	wrdreg s4  }
0xc0: {  	[dreg:$0x5] =	wrdreg $0x9  }
0xc1: {  	_ =	task.clear_ibuf [dreg:s22], $0x6FFFF;
	_ =	strace $0x9000004F  }
0xc2: {  	s29 =	simm.s32 $0x9;
	_ =	strace $0x80000051  }
0xc3: {  	_ =	swait.ge [sflag:s29], $0x1  }
0xc4: {  	[sflag:s29] =	ssyncadd.s32 $0xFFFFFFFF  }
0xc5: {  	_ =	strace $0x90000051  }
0xc6: {  	_ =	sfence  }
0xc7: {  	s30 =	sld [smem:$0x0];
	_ =	sdelay $0x2  }
0xc8: {  	s31 =	sshll.u32 s1, $0xD;
	s1 =	sshrl.u32 s1, $0x2  }
0xc9: {  	s4 =	sand.u32 $0x4000, s31;
	s1 =	sadd.s32 s1, s30  }
0xca: {  	s0 =	sor.u32 s4, s0;
	s1 =	sshll.u32 s1, $0x11  }
0xcb: {  	s0 =	sor.u32 s1, s0  }
0xcc: {  	s0 =	sadd.s32 $0x8F2B, s0  }
0xcd: {  	[sflag:s0] =	ssyncadd.remote.s32 $0x1  }
0xce: {  	_ =	sfence.sel $0xFFFF  }
0xcf: {  	[dreg:$0x0] =	wrdreg $0xFFFFFFFF;
	(pc) =	sbr.abs _section_cstart, $3  }
0xd0: {  	[dreg:$0x1] =	wrdreg $0xFFFFFFFF  }
0xd1: {  	_ =	task.clear_ibuf [dreg:s22], $0x2FFFF;
	_ =	strace $0x9FFFFFFF  }
0xd2: {  	(tm) =	ssettm $0x7FFFFFFF  }
0xd3: {  	_ =	shalt  }
tec
execute0_lowered:
.L_overlay_start_1:
0x0: {  	(tag) =	ssettag $0x1  }
0x1: {  	s11 =	rddreg [dreg:$0x0]  }
0x2: {  	s2 =	rddreg [dreg:$0x1];
	_ =	strace $0x80000050;
	s12 =	simm.s32 $0x1  }
0x3: {  	v0 =	vimm.s32 $0x0;
	[sflag:s12] =	ssyncpa.u1 $0x0  }
0x4: {  	[tilespmem:$0x28] =	vst v0  }
0x5: {  	[tilespmem:$0x38] =	vst v0  }
0x6: {  	[tilespmem:$0x48] =	vst v0  }
0x7: {  	[tilespmem:$0x58] =	vst v0  }
0x8: {  	[tilespmem:$0x68] =	vst v0  }
0x9: {  	[tilespmem:$0x78] =	vst v0  }
0xa: {  	[tilespmem:$0x88] =	vst v0  }
0xb: {  	[tilespmem:$0x98] =	vst v0  }
0xc: {  	[tilespmem:$0xA8] =	vst v0  }
0xd: {  	[tilespmem:$0xB8] =	vst v0  }
0xe: {  	[tilespmem:$0xC8] =	vst v0  }
0xf: {  	[tilespmem:$0xD8] =	vst v0  }
0x10: {  	[tilespmem:$0xE8] =	vst v0  }
0x11: {  	[tilespmem:$0xF8] =	vst v0  }
0x12: {  	[tilespmem:$0x108] =	vst v0  }
0x13: {  	[tilespmem:$0x118] =	vst v0  }
0x14: {  	[tilespmem:$0x128] =	vst v0  }
0x15: {  	[tilespmem:$0x138] =	vst v0  }
0x16: {  	[tilespmem:$0x148] =	vst v0  }
0x17: {  	[tilespmem:$0x158] =	vst v0  }
0x18: {  	[tilespmem:$0x168] =	vst v0  }
0x19: {  	[tilespmem:$0x178] =	vst v0  }
0x1a: {  	[tilespmem:$0x188] =	vst v0  }
0x1b: {  	[tilespmem:$0x198] =	vst v0  }
0x1c: {  	[tilespmem:$0x1A8] =	vst v0  }
0x1d: {  	[tilespmem:$0x1B8] =	vst v0  }
0x1e: {  	[tilespmem:$0x1C8] =	vst v0  }
0x1f: {  	[tilespmem:$0x1D8] =	vst v0  }
0x20: {  	[tilespmem:$0x1E8] =	vst v0  }
0x21: {  	[tilespmem:$0x1F8] =	vst v0  }
0x22: {  	[tilespmem:$0x208] =	vst v0  }
0x23: {  	[tilespmem:$0x218] =	vst v0  }
0x24: {  	[tilespmem:$0x228] =	vst v0  }
0x25: {  	[tilespmem:$0x238] =	vst v0  }
0x26: {  	[tilespmem:$0x248] =	vst v0  }
0x27: {  	[tilespmem:$0x258] =	vst v0  }
0x28: {  	[tilespmem:$0x268] =	vst v0  }
0x29: {  	[tilespmem:$0x278] =	vst v0  }
0x2a: {  	[tilespmem:$0x288] =	vst v0  }
0x2b: {  	[tilespmem:$0x298] =	vst v0  }
0x2c: {  	[tilespmem:$0x2A8] =	vst v0  }
0x2d: {  	[tilespmem:$0x2B8] =	vst v0  }
0x2e: {  	[tilespmem:$0x2C8] =	vst v0  }
0x2f: {  	[tilespmem:$0x2D8] =	vst v0  }
0x30: {  	[tilespmem:$0x2E8] =	vst v0  }
0x31: {  	[tilespmem:$0x2F8] =	vst v0  }
0x32: {  	[tilespmem:$0x308] =	vst v0  }
0x33: {  	[tilespmem:$0x318] =	vst v0  }
0x34: {  	[tilespmem:$0x328] =	vst v0  }
0x35: {  	[tilespmem:$0x338] =	vst v0  }
0x36: {  	[tilespmem:$0x348] =	vst v0  }
0x37: {  	[tilespmem:$0x358] =	vst v0  }
0x38: {  	[tilespmem:$0x368] =	vst v0  }
0x39: {  	[tilespmem:$0x378] =	vst v0  }
0x3a: {  	[tilespmem:$0x388] =	vst v0  }
0x3b: {  	[tilespmem:$0x398] =	vst v0  }
0x3c: {  	[tilespmem:$0x3A8] =	vst v0  }
0x3d: {  	[tilespmem:$0x3B8] =	vst v0  }
0x3e: {  	[tilespmem:$0x3C8] =	vst v0  }
0x3f: {  	[tilespmem:$0x3D8] =	vst v0  }
0x40: {  	[tilespmem:$0x3E8] =	vst v0  }
0x41: {  	[tilespmem:$0x3F8] =	vst v0  }
0x42: {  	[tilespmem:$0x408] =	vst v0  }
0x43: {  	[tilespmem:$0x418] =	vst v0  }
0x44: {  	[tilespmem:$0x428] =	vst v0  }
0x45: {  	[tilespmem:$0x438] =	vst v0  }
0x46: {  	[tilespmem:$0x448] =	vst v0  }
0x47: {  	[tilespmem:$0x458] =	vst v0  }
0x48: {  	[tilespmem:$0x468] =	vst v0  }
0x49: {  	[tilespmem:$0x478] =	vst v0  }
0x4a: {  	[tilespmem:$0x488] =	vst v0  }
0x4b: {  	[tilespmem:$0x498] =	vst v0  }
0x4c: {  	[tilespmem:$0x4A8] =	vst v0  }
0x4d: {  	[tilespmem:$0x4B8] =	vst v0  }
0x4e: {  	[tilespmem:$0x4C8] =	vst v0  }
0x4f: {  	[tilespmem:$0x4D8] =	vst v0  }
0x50: {  	[tilespmem:$0x4E8] =	vst v0  }
0x51: {  	[tilespmem:$0x4F8] =	vst v0  }
0x52: {  	[tilespmem:$0x508] =	vst v0  }
0x53: {  	[tilespmem:$0x518] =	vst v0  }
0x54: {  	[tilespmem:$0x528] =	vst v0  }
0x55: {  	[tilespmem:$0x538] =	vst v0  }
0x56: {  	[tilespmem:$0x548] =	vst v0  }
0x57: {  	[tilespmem:$0x558] =	vst v0  }
0x58: {  	[tilespmem:$0x568] =	vst v0  }
0x59: {  	[tilespmem:$0x578] =	vst v0  }
0x5a: {  	[tilespmem:$0x588] =	vst v0  }
0x5b: {  	[tilespmem:$0x598] =	vst v0  }
0x5c: {  	[tilespmem:$0x5A8] =	vst v0  }
0x5d: {  	[tilespmem:$0x5B8] =	vst v0  }
0x5e: {  	[tilespmem:$0x5C8] =	vst v0  }
0x5f: {  	[tilespmem:$0x5D8] =	vst v0  }
0x60: {  	[tilespmem:$0x5E8] =	vst v0  }
0x61: {  	[tilespmem:$0x5F8] =	vst v0  }
0x62: {  	[tilespmem:$0x608] =	vst v0  }
0x63: {  	[tilespmem:$0x618] =	vst v0  }
0x64: {  	[tilespmem:$0x628] =	vst v0  }
0x65: {  	[tilespmem:$0x638] =	vst v0  }
0x66: {  	[tilespmem:$0x648] =	vst v0  }
0x67: {  	[tilespmem:$0x658] =	vst v0  }
0x68: {  	[tilespmem:$0x668] =	vst v0  }
0x69: {  	[tilespmem:$0x678] =	vst v0  }
0x6a: {  	[tilespmem:$0x688] =	vst v0  }
0x6b: {  	[tilespmem:$0x698] =	vst v0  }
0x6c: {  	[tilespmem:$0x6A8] =	vst v0  }
0x6d: {  	[tilespmem:$0x6B8] =	vst v0  }
0x6e: {  	[tilespmem:$0x6C8] =	vst v0  }
0x6f: {  	[tilespmem:$0x6D8] =	vst v0  }
0x70: {  	[tilespmem:$0x6E8] =	vst v0  }
0x71: {  	[tilespmem:$0x6F8] =	vst v0  }
0x72: {  	[tilespmem:$0x708] =	vst v0  }
0x73: {  	[tilespmem:$0x718] =	vst v0  }
0x74: {  	[tilespmem:$0x728] =	vst v0  }
0x75: {  	[tilespmem:$0x738] =	vst v0  }
0x76: {  	[tilespmem:$0x748] =	vst v0  }
0x77: {  	[tilespmem:$0x758] =	vst v0  }
0x78: {  	[tilespmem:$0x768] =	vst v0  }
0x79: {  	[tilespmem:$0x778] =	vst v0  }
0x7a: {  	[tilespmem:$0x788] =	vst v0  }
0x7b: {  	[tilespmem:$0x798] =	vst v0  }
0x7c: {  	[tilespmem:$0x7A8] =	vst v0  }
0x7d: {  	[tilespmem:$0x7B8] =	vst v0  }
0x7e: {  	[tilespmem:$0x7C8] =	vst v0  }
0x7f: {  	[tilespmem:$0x7D8] =	vst v0  }
0x80: {  	[tilespmem:$0x7E8] =	vst v0  }
0x81: {  	[tilespmem:$0x7F8] =	vst v0  }
0x82: {  	[tilespmem:$0x808] =	vst v0  }
0x83: {  	[tilespmem:$0x818] =	vst v0  }
0x84: {  	[tilespmem:$0x828] =	vst v0  }
0x85: {  	[tilespmem:$0x838] =	vst v0  }
0x86: {  	[tilespmem:$0x848] =	vst v0  }
0x87: {  	[tilespmem:$0x858] =	vst v0  }
0x88: {  	[tilespmem:$0x868] =	vst v0  }
0x89: {  	[tilespmem:$0x878] =	vst v0  }
0x8a: {  	[tilespmem:$0x888] =	vst v0  }
0x8b: {  	[tilespmem:$0x898] =	vst v0  }
0x8c: {  	[tilespmem:$0x8A8] =	vst v0  }
0x8d: {  	[tilespmem:$0x8B8] =	vst v0  }
0x8e: {  	[tilespmem:$0x8C8] =	vst v0  }
0x8f: {  	[tilespmem:$0x8D8] =	vst v0  }
0x90: {  	[tilespmem:$0x8E8] =	vst v0  }
0x91: {  	[tilespmem:$0x8F8] =	vst v0  }
0x92: {  	[tilespmem:$0x908] =	vst v0  }
0x93: {  	[tilespmem:$0x918] =	vst v0  }
0x94: {  	[tilespmem:$0x928] =	vst v0  }
0x95: {  	[tilespmem:$0x938] =	vst v0  }
0x96: {  	[tilespmem:$0x948] =	vst v0  }
0x97: {  	[tilespmem:$0x958] =	vst v0  }
0x98: {  	[tilespmem:$0x968] =	vst v0  }
0x99: {  	[tilespmem:$0x978] =	vst v0  }
0x9a: {  	[tilespmem:$0x988] =	vst v0  }
0x9b: {  	[tilespmem:$0x998] =	vst v0  }
0x9c: {  	[tilespmem:$0x9A8] =	vst v0  }
0x9d: {  	[tilespmem:$0x9B8] =	vst v0  }
0x9e: {  	[tilespmem:$0x9C8] =	vst v0  }
0x9f: {  	[tilespmem:$0x9D8] =	vst v0  }
0xa0: {  	[tilespmem:$0x9E8] =	vst v0  }
0xa1: {  	[tilespmem:$0x9F8] =	vst v0  }
0xa2: {  	[tilespmem:$0xA08] =	vst v0  }
0xa3: {  	[tilespmem:$0xA18] =	vst v0  }
0xa4: {  	[tilespmem:$0xA28] =	vst v0  }
0xa5: {  	[tilespmem:$0xA38] =	vst v0  }
0xa6: {  	[tilespmem:$0xA48] =	vst v0  }
0xa7: {  	[tilespmem:$0xA58] =	vst v0  }
0xa8: {  	[tilespmem:$0xA68] =	vst v0  }
0xa9: {  	[tilespmem:$0xA78] =	vst v0  }
0xaa: {  	[tilespmem:$0xA88] =	vst v0  }
0xab: {  	[tilespmem:$0xA98] =	vst v0  }
0xac: {  	[tilespmem:$0xAA8] =	vst v0  }
0xad: {  	[tilespmem:$0xAB8] =	vst v0  }
0xae: {  	[tilespmem:$0xAC8] =	vst v0  }
0xaf: {  	[tilespmem:$0xAD8] =	vst v0  }
0xb0: {  	[tilespmem:$0xAE8] =	vst v0  }
0xb1: {  	[tilespmem:$0xAF8] =	vst v0  }
0xb2: {  	[tilespmem:$0xB08] =	vst v0  }
0xb3: {  	[tilespmem:$0xB18] =	vst v0  }
0xb4: {  	[tilespmem:$0xB28] =	vst v0  }
0xb5: {  	[tilespmem:$0xB38] =	vst v0  }
0xb6: {  	[tilespmem:$0xB48] =	vst v0  }
0xb7: {  	[tilespmem:$0xB58] =	vst v0  }
0xb8: {  	[tilespmem:$0xB68] =	vst v0  }
0xb9: {  	[tilespmem:$0xB78] =	vst v0  }
0xba: {  	[tilespmem:$0xB88] =	vst v0  }
0xbb: {  	[tilespmem:$0xB98] =	vst v0  }
0xbc: {  	[tilespmem:$0xBA8] =	vst v0  }
0xbd: {  	[tilespmem:$0xBB8] =	vst v0  }
0xbe: {  	[tilespmem:$0xBC8] =	vst v0  }
0xbf: {  	[tilespmem:$0xBD8] =	vst v0  }
0xc0: {  	[tilespmem:$0xBE8] =	vst v0  }
0xc1: {  	[tilespmem:$0xBF8] =	vst v0  }
0xc2: {  	[tilespmem:$0xC08] =	vst v0  }
0xc3: {  	[tilespmem:$0xC18] =	vst v0  }
0xc4: {  	[tilespmem:$0xC28] =	vst v0  }
0xc5: {  	[tilespmem:$0xC38] =	vst v0  }
0xc6: {  	[tilespmem:$0xC48] =	vst v0  }
0xc7: {  	[tilespmem:$0xC58] =	vst v0  }
0xc8: {  	[tilespmem:$0xC68] =	vst v0  }
0xc9: {  	[tilespmem:$0xC78] =	vst v0  }
0xca: {  	[tilespmem:$0xC88] =	vst v0  }
0xcb: {  	[tilespmem:$0xC98] =	vst v0  }
0xcc: {  	[tilespmem:$0xCA8] =	vst v0  }
0xcd: {  	[tilespmem:$0xCB8] =	vst v0  }
0xce: {  	[tilespmem:$0xCC8] =	vst v0  }
0xcf: {  	[tilespmem:$0xCD8] =	vst v0  }
0xd0: {  	[tilespmem:$0xCE8] =	vst v0  }
0xd1: {  	[tilespmem:$0xCF8] =	vst v0  }
0xd2: {  	[tilespmem:$0xD08] =	vst v0  }
0xd3: {  	[tilespmem:$0xD18] =	vst v0  }
0xd4: {  	[tilespmem:$0xD28] =	vst v0  }
0xd5: {  	[tilespmem:$0xD38] =	vst v0  }
0xd6: {  	[tilespmem:$0xD48] =	vst v0  }
0xd7: {  	[tilespmem:$0xD58] =	vst v0  }
0xd8: {  	[tilespmem:$0xD68] =	vst v0  }
0xd9: {  	[tilespmem:$0xD78] =	vst v0  }
0xda: {  	[tilespmem:$0xD88] =	vst v0  }
0xdb: {  	[tilespmem:$0xD98] =	vst v0  }
0xdc: {  	[tilespmem:$0xDA8] =	vst v0  }
0xdd: {  	[tilespmem:$0xDB8] =	vst v0  }
0xde: {  	[tilespmem:$0xDC8] =	vst v0  }
0xdf: {  	[tilespmem:$0xDD8] =	vst v0  }
0xe0: {  	[tilespmem:$0xDE8] =	vst v0  }
0xe1: {  	[tilespmem:$0xDF8] =	vst v0  }
0xe2: {  	[tilespmem:$0xE08] =	vst v0  }
0xe3: {  	[tilespmem:$0xE18] =	vst v0  }
0xe4: {  	[tilespmem:$0xE28] =	vst v0  }
0xe5: {  	[tilespmem:$0xE38] =	vst v0  }
0xe6: {  	[tilespmem:$0xE48] =	vst v0  }
0xe7: {  	[tilespmem:$0xE58] =	vst v0  }
0xe8: {  	[tilespmem:$0xE68] =	vst v0  }
0xe9: {  	[tilespmem:$0xE78] =	vst v0  }
0xea: {  	[tilespmem:$0xE88] =	vst v0  }
0xeb: {  	[tilespmem:$0xE98] =	vst v0  }
0xec: {  	[tilespmem:$0xEA8] =	vst v0  }
0xed: {  	[tilespmem:$0xEB8] =	vst v0  }
0xee: {  	[tilespmem:$0xEC8] =	vst v0  }
0xef: {  	[tilespmem:$0xED8] =	vst v0  }
0xf0: {  	[tilespmem:$0xEE8] =	vst v0  }
0xf1: {  	[tilespmem:$0xEF8] =	vst v0  }
0xf2: {  	[tilespmem:$0xF08] =	vst v0  }
0xf3: {  	[tilespmem:$0xF18] =	vst v0  }
0xf4: {  	[tilespmem:$0xF28] =	vst v0  }
0xf5: {  	[tilespmem:$0xF38] =	vst v0  }
0xf6: {  	[tilespmem:$0xF48] =	vst v0  }
0xf7: {  	[tilespmem:$0xF58] =	vst v0  }
0xf8: {  	[tilespmem:$0xF68] =	vst v0  }
0xf9: {  	[tilespmem:$0xF78] =	vst v0  }
0xfa: {  	[tilespmem:$0xF88] =	vst v0  }
0xfb: {  	[tilespmem:$0xF98] =	vst v0  }
0xfc: {  	[tilespmem:$0xFA8] =	vst v0  }
0xfd: {  	[tilespmem:$0xFB8] =	vst v0  }
0xfe: {  	[tilespmem:$0xFC8] =	vst v0  }
0xff: {  	[tilespmem:$0xFD8] =	vst v0  }
0x100: {  	[tilespmem:$0xFE8] =	vst v0  }
0x101: {  	[tilespmem:$0xFF8] =	vst v0  }
0x102: {  	[tilespmem:$0x1028] =	vst v0  }
0x103: {  	[tilespmem:$0x10E8] =	vst v0  }
0x104: {  	[tilespmem:$0x1068] =	vst v0  }
0x105: {  	[tilespmem:$0x1B28] =	vst v0  }
0x106: {  	[tilespmem:$0x1B18] =	vst v0  }
0x107: {  	[tilespmem:$0x1B08] =	vst v0  }
0x108: {  	[tilespmem:$0x1AF8] =	vst v0  }
0x109: {  	[tilespmem:$0x1AE8] =	vst v0  }
0x10a: {  	[tilespmem:$0x1AD8] =	vst v0  }
0x10b: {  	[tilespmem:$0x1AC8] =	vst v0  }
0x10c: {  	[tilespmem:$0x1AB8] =	vst v0  }
0x10d: {  	[tilespmem:$0x1AA8] =	vst v0  }
0x10e: {  	[tilespmem:$0x1A98] =	vst v0  }
0x10f: {  	[tilespmem:$0x1A88] =	vst v0  }
0x110: {  	[tilespmem:$0x1A78] =	vst v0  }
0x111: {  	[tilespmem:$0x1A68] =	vst v0  }
0x112: {  	[tilespmem:$0x1A58] =	vst v0  }
0x113: {  	[tilespmem:$0x1A48] =	vst v0  }
0x114: {  	[tilespmem:$0x1A38] =	vst v0  }
0x115: {  	[tilespmem:$0x1A28] =	vst v0  }
0x116: {  	[tilespmem:$0x1A18] =	vst v0  }
0x117: {  	[tilespmem:$0x1A08] =	vst v0  }
0x118: {  	[tilespmem:$0x19F8] =	vst v0  }
0x119: {  	[tilespmem:$0x19E8] =	vst v0  }
0x11a: {  	[tilespmem:$0x19D8] =	vst v0  }
0x11b: {  	[tilespmem:$0x19C8] =	vst v0  }
0x11c: {  	[tilespmem:$0x19B8] =	vst v0  }
0x11d: {  	[tilespmem:$0x19A8] =	vst v0  }
0x11e: {  	[tilespmem:$0x1998] =	vst v0  }
0x11f: {  	[tilespmem:$0x1988] =	vst v0  }
0x120: {  	[tilespmem:$0x1978] =	vst v0  }
0x121: {  	[tilespmem:$0x1968] =	vst v0  }
0x122: {  	[tilespmem:$0x1958] =	vst v0  }
0x123: {  	[tilespmem:$0x1948] =	vst v0  }
0x124: {  	[tilespmem:$0x1938] =	vst v0  }
0x125: {  	[tilespmem:$0x1928] =	vst v0  }
0x126: {  	[tilespmem:$0x1918] =	vst v0  }
0x127: {  	[tilespmem:$0x1908] =	vst v0  }
0x128: {  	[tilespmem:$0x18F8] =	vst v0  }
0x129: {  	[tilespmem:$0x18E8] =	vst v0  }
0x12a: {  	[tilespmem:$0x18D8] =	vst v0  }
0x12b: {  	[tilespmem:$0x18C8] =	vst v0  }
0x12c: {  	[tilespmem:$0x18B8] =	vst v0  }
0x12d: {  	[tilespmem:$0x18A8] =	vst v0  }
0x12e: {  	[tilespmem:$0x1898] =	vst v0  }
0x12f: {  	[tilespmem:$0x1888] =	vst v0  }
0x130: {  	[tilespmem:$0x1878] =	vst v0  }
0x131: {  	[tilespmem:$0x1868] =	vst v0  }
0x132: {  	[tilespmem:$0x1858] =	vst v0  }
0x133: {  	[tilespmem:$0x1848] =	vst v0  }
0x134: {  	[tilespmem:$0x1838] =	vst v0  }
0x135: {  	[tilespmem:$0x1828] =	vst v0  }
0x136: {  	[tilespmem:$0x1818] =	vst v0  }
0x137: {  	[tilespmem:$0x1808] =	vst v0  }
0x138: {  	[tilespmem:$0x17F8] =	vst v0  }
0x139: {  	[tilespmem:$0x17E8] =	vst v0  }
0x13a: {  	[tilespmem:$0x17D8] =	vst v0  }
0x13b: {  	[tilespmem:$0x17C8] =	vst v0  }
0x13c: {  	[tilespmem:$0x17B8] =	vst v0  }
0x13d: {  	[tilespmem:$0x17A8] =	vst v0  }
0x13e: {  	[tilespmem:$0x1798] =	vst v0  }
0x13f: {  	[tilespmem:$0x1788] =	vst v0  }
0x140: {  	[tilespmem:$0x1778] =	vst v0  }
0x141: {  	[tilespmem:$0x1768] =	vst v0  }
0x142: {  	[tilespmem:$0x1758] =	vst v0  }
0x143: {  	[tilespmem:$0x1748] =	vst v0  }
0x144: {  	[tilespmem:$0x1738] =	vst v0  }
0x145: {  	[tilespmem:$0x1728] =	vst v0  }
0x146: {  	[tilespmem:$0x1718] =	vst v0  }
0x147: {  	[tilespmem:$0x1708] =	vst v0  }
0x148: {  	[tilespmem:$0x16F8] =	vst v0  }
0x149: {  	[tilespmem:$0x16E8] =	vst v0  }
0x14a: {  	[tilespmem:$0x16D8] =	vst v0  }
0x14b: {  	[tilespmem:$0x16C8] =	vst v0  }
0x14c: {  	[tilespmem:$0x16B8] =	vst v0  }
0x14d: {  	[tilespmem:$0x16A8] =	vst v0  }
0x14e: {  	[tilespmem:$0x1698] =	vst v0  }
0x14f: {  	[tilespmem:$0x1688] =	vst v0  }
0x150: {  	[tilespmem:$0x1678] =	vst v0  }
0x151: {  	[tilespmem:$0x1668] =	vst v0  }
0x152: {  	[tilespmem:$0x1658] =	vst v0  }
0x153: {  	[tilespmem:$0x1648] =	vst v0  }
0x154: {  	[tilespmem:$0x1638] =	vst v0  }
0x155: {  	[tilespmem:$0x1628] =	vst v0  }
0x156: {  	[tilespmem:$0x1618] =	vst v0  }
0x157: {  	[tilespmem:$0x1608] =	vst v0  }
0x158: {  	[tilespmem:$0x15F8] =	vst v0  }
0x159: {  	[tilespmem:$0x15E8] =	vst v0  }
0x15a: {  	[tilespmem:$0x15D8] =	vst v0  }
0x15b: {  	[tilespmem:$0x15C8] =	vst v0  }
0x15c: {  	[tilespmem:$0x15B8] =	vst v0  }
0x15d: {  	[tilespmem:$0x15A8] =	vst v0  }
0x15e: {  	[tilespmem:$0x1598] =	vst v0  }
0x15f: {  	[tilespmem:$0x1588] =	vst v0  }
0x160: {  	[tilespmem:$0x1578] =	vst v0  }
0x161: {  	[tilespmem:$0x1568] =	vst v0  }
0x162: {  	[tilespmem:$0x1558] =	vst v0  }
0x163: {  	[tilespmem:$0x1548] =	vst v0  }
0x164: {  	[tilespmem:$0x1538] =	vst v0  }
0x165: {  	[tilespmem:$0x1528] =	vst v0  }
0x166: {  	[tilespmem:$0x1518] =	vst v0  }
0x167: {  	[tilespmem:$0x1508] =	vst v0  }
0x168: {  	[tilespmem:$0x14F8] =	vst v0  }
0x169: {  	[tilespmem:$0x14E8] =	vst v0  }
0x16a: {  	[tilespmem:$0x14D8] =	vst v0  }
0x16b: {  	[tilespmem:$0x14C8] =	vst v0  }
0x16c: {  	[tilespmem:$0x14B8] =	vst v0  }
0x16d: {  	[tilespmem:$0x14A8] =	vst v0  }
0x16e: {  	[tilespmem:$0x1498] =	vst v0  }
0x16f: {  	[tilespmem:$0x1488] =	vst v0  }
0x170: {  	[tilespmem:$0x1478] =	vst v0  }
0x171: {  	[tilespmem:$0x1468] =	vst v0  }
0x172: {  	[tilespmem:$0x1458] =	vst v0  }
0x173: {  	[tilespmem:$0x1448] =	vst v0  }
0x174: {  	[tilespmem:$0x1438] =	vst v0  }
0x175: {  	[tilespmem:$0x1428] =	vst v0  }
0x176: {  	[tilespmem:$0x1418] =	vst v0  }
0x177: {  	[tilespmem:$0x1408] =	vst v0  }
0x178: {  	[tilespmem:$0x13F8] =	vst v0  }
0x179: {  	[tilespmem:$0x13E8] =	vst v0  }
0x17a: {  	[tilespmem:$0x13D8] =	vst v0  }
0x17b: {  	[tilespmem:$0x13C8] =	vst v0  }
0x17c: {  	[tilespmem:$0x13B8] =	vst v0  }
0x17d: {  	[tilespmem:$0x13A8] =	vst v0  }
0x17e: {  	[tilespmem:$0x1398] =	vst v0  }
0x17f: {  	[tilespmem:$0x1388] =	vst v0  }
0x180: {  	[tilespmem:$0x1378] =	vst v0  }
0x181: {  	[tilespmem:$0x1368] =	vst v0  }
0x182: {  	[tilespmem:$0x1358] =	vst v0  }
0x183: {  	[tilespmem:$0x1348] =	vst v0  }
0x184: {  	[tilespmem:$0x1338] =	vst v0  }
0x185: {  	[tilespmem:$0x1328] =	vst v0  }
0x186: {  	[tilespmem:$0x1318] =	vst v0  }
0x187: {  	[tilespmem:$0x1308] =	vst v0  }
0x188: {  	[tilespmem:$0x12F8] =	vst v0  }
0x189: {  	[tilespmem:$0x12E8] =	vst v0  }
0x18a: {  	[tilespmem:$0x12D8] =	vst v0  }
0x18b: {  	[tilespmem:$0x12C8] =	vst v0  }
0x18c: {  	[tilespmem:$0x12B8] =	vst v0  }
0x18d: {  	[tilespmem:$0x12A8] =	vst v0  }
0x18e: {  	[tilespmem:$0x1298] =	vst v0  }
0x18f: {  	[tilespmem:$0x1288] =	vst v0  }
0x190: {  	[tilespmem:$0x1278] =	vst v0  }
0x191: {  	[tilespmem:$0x1268] =	vst v0  }
0x192: {  	[tilespmem:$0x1258] =	vst v0  }
0x193: {  	[tilespmem:$0x1248] =	vst v0  }
0x194: {  	[tilespmem:$0x1238] =	vst v0  }
0x195: {  	[tilespmem:$0x1228] =	vst v0  }
0x196: {  	[tilespmem:$0x1218] =	vst v0  }
0x197: {  	[tilespmem:$0x1208] =	vst v0  }
0x198: {  	[tilespmem:$0x11F8] =	vst v0  }
0x199: {  	[tilespmem:$0x11E8] =	vst v0  }
0x19a: {  	[tilespmem:$0x11D8] =	vst v0  }
0x19b: {  	[tilespmem:$0x11C8] =	vst v0  }
0x19c: {  	[tilespmem:$0x11B8] =	vst v0  }
0x19d: {  	[tilespmem:$0x11A8] =	vst v0  }
0x19e: {  	[tilespmem:$0x1198] =	vst v0  }
0x19f: {  	[tilespmem:$0x1188] =	vst v0  }
0x1a0: {  	[tilespmem:$0x1178] =	vst v0  }
0x1a1: {  	[tilespmem:$0x1168] =	vst v0  }
0x1a2: {  	[tilespmem:$0x1158] =	vst v0  }
0x1a3: {  	[tilespmem:$0x1148] =	vst v0  }
0x1a4: {  	[tilespmem:$0x1138] =	vst v0  }
0x1a5: {  	[tilespmem:$0x1128] =	vst v0  }
0x1a6: {  	[tilespmem:$0x1118] =	vst v0  }
0x1a7: {  	s4 =	stileid.u32;
	[tilespmem:$0x1108] =	vst v0  }
0x1a8: {  	s0 =	smul.u32 $0xC, s4;
	[tilespmem:$0x10F8] =	vst v0  }
0x1a9: {  	s1 =	smin.u32 s4, $0x6;
	[tilespmem:$0x10C8] =	vst v0  }
0x1aa: {  	[tilespmem:$0x10D8] =	vst v0;
	s0 =	sadd.s32 s1, s0  }
0x1ab: {  	p0 =	slt.u32 s4, $0x6;
	[tilespmem:$0x10B8] =	vst v0;
	s1 =	simm.s32 $0x15F0;
	s6 =	smul.u32 $0x1B0, s0  }
0x1ac: {  	s1 =	simm.s32 @!p0 $0x1440;
	[tilespmem:$0x1038] =	vst v0  }
0x1ad: {  	[tilespmem:$0x10A8] =	vst v0;
	s0 =	sadd.s32 s1, s6  }
0x1ae: {  	s3 =	simm.s32 $0x2;
	s8 =	simm.s32 $0x9;
	[tilespmem:$0x1098] =	vst v0;
	s7 =	smin.u32 s0, $0x14C80  }
0x1af: {  	s10 =	simm.s32 $0xA;
	s30 =	simm.s32 $0xB;
	[tilespmem:$0x1088] =	vst v0;
	s0 =	ssub.s32 s7, s6  }
0x1b0: {  	s16 =	simm.s32 $0x0;
	p4 =	por $0x0, $0x0;
	[tilespmem:$0x1078] =	vst v0;
	p0 =	sgt.s32 s0, $0x0  }
0x1b1: {  	s17 =	simm.s32 $0xC;
	s21 =	simm.s32 $0x0;
	[tilespmem:$0x1058] =	vst v0;
	s0 =	simm.s32 @!p0 $0x0  }
0x1b2: {  	s18 =	simm.s32 $0x0;
	s2 =	sand.u32 $0x1, s2;
	[tilespmem:$0x1048] =	vst v0;
	s29 =	smulhi.u32 $0x4BDA12F7, s0  }
0x1b3: {  	s20 =	simm.s32 $0x0;
	s31 =	sshll.u32 s4, $0x5;
	[tilespmem:$0x1018] =	vst v0;
	[dreg:$0x5] =	wrdreg s2  }
0x1b4: {  	s2 =	smul.u32 $0x2990, s2;
	[tilespmem:$0x1008] =	vst v0;
	[sflag:s3] =	ssyncpa.u1 $0x0;
	s1 =	sshrl.u32 s29, $0x7  }
0x1b5: {  	v0 =	vimm.s32 $0xFFFFFFFF;
	s3 =	sadd.s32 $0xD78200, s11;
	[dreg:$0x4] =	wrdreg s31;
	s5 =	smul.u32 $0x1B0, s1  }
.Ltmp0:
0x1b6: {  	[tilespmem:$0x3648] =	vst v0;
	[sflag:s8] =	ssyncpa.u1 $0x0;
	s2 =	sadd.s32 s2, s11;
	(pc) =	sbr.rel .LBB2_1-.Ltmp0, $4  }
0x1b7: {  	[sflag:s10] =	ssyncpa.u1 $0x0;
	s11 =	sadd.s32 $0x128E00, s11;
	p0 =	sne.s32 s0, s5  }
0x1b8: {  	[sflag:s30] =	ssyncpa.u1 $0x0;
	s14 =	sadd.s32 $0x7A00, s2;
	s12 =	simm.s32 @!p0 $0x0  }
0x1b9: {  	s15 =	sadd.s32 $0x2600, s2;
	s19 =	smov.u32 s6;
	s12 =	sadd.s32 s12, s1  }
0x1ba: {  	v0 =	vlaneseq.u32;
	[dreg:$0x6] =	wrdreg s6;
	p0 =	por $0x1, $0x1;
	s4 =	sadd.s32 $0x1, s12  }
.LBB2_18:
0x1bb: {  	s0 =	simm.s32 $0x2  }
0x1bc: {  	_ =	swait.ge [sflag:s0], $0x0  }
0x1bd: {  	[sflag:s0] =	ssyncset.done $0x0;
	s0 =	simm.s32 $0x0  }
.LBB2_19:
0x1be: {  	_ =	swait.ge [sflag:s17], s0  }
0x1bf: {  	s31 =	ssub.s32 $0x0, s0;
	v1 =	vmov s23;
	vm0 =	veq.s32 v0, $0x0;
	[sflag:s17] =	ssyncset.done $0x0  }
0x1c0: {  	vm15 =	veq.s32 v0, $0x2;
	v1 =	vsel vm0, s28, v1;
	[sflag:s17] =	ssyncadd.s32 s31  }
0x1c1: {  	v1 =	vsel vm15, s21, v1;
	[sflag:s17] =	ssyncpa.u1 $0x1  }
0x1c2: {  	[tilespmem:$0x3648] =	vst v1  }
.LBB2_20:
0x1c3: {  	s0 =	sadd.s32 $0x1B0, s19  }
0x1c4: {  	s1 =	smov.u32 s6;
	p1 =	slt.s32 s0, s7  }
0x1c5: {  	s1 =	smov.u32 @p1 s0;
	p1 =	sne.s32 s20, s4  }
.Ltmp1:
0x1c6: {  	_ = 	snop;
	(pc) =	sbr.rel @!p1 .LBB2_21-.Ltmp1, $4  }
0x1c7: {  	_ = 	snop  }
0x1c8: {  	s21 =	smov.u32 s18  }
0x1c9: {  	s31 =	sadd.s32 $0x1, s20;
	s18 =	smov.u32 s19;
	p0 =	por !p0, !p0  }
0x1ca: {  	p4 =	por !p4, !p4;
	s20 =	smov.u32 s31;
	s19 =	smov.u32 s1  }
.LBB2_1:
0x1cb: {  	p2 =	sge.u32 s20, s12  }
0x1cc: {  	s0 =	smulhi.u32 @!p2 $0xAAAAAAAB, s20  }
0x1cd: {  	s1 =	smov.u32 s19;
	p3 =	sgt.s32 @!p2 s19, $0x14AD0  }
0x1ce: {  	s2 =	sshra.s32 @!p2 s19, $0x1F;
	p3 =	por !p3, p2;
	s0 =	sshrl.u32 @!p2 s0, $0x1  }
0x1cf: {  	s2 =	sand.u32 @!p2 s2, s19;
	s1 =	simm.s32 @p3 $0x14AD0;
	s0 =	smul.u32 @!p2 $0x3, s0  }
0x1d0: {  	s1 =	ssub.s32 @!p2 s1, s2  }
0x1d1: {  	s23 =	sadd.s32 $0xFFFFFFFF, s20;
	s1 =	sadd.s32 @!p2 $0xFFFEB530, s1;
	s0 =	ssub.s32 @!p2 s20, s0  }
0x1d2: {  	s2 =	sshll.u32 @!p2 s1, $0x2;
	p3 =	sgt.s32 @!p2 s1, $0x1AF;
	s0 =	smul.u32 @!p2 $0x6C0, s0  }
0x1d3: {  	s5 =	sand.u32 @!p2 $0x7, s19;
	s1 =	ssub.s32 @!p2 $0x6C0, s2;
	p3 =	por !p3, p2  }
0x1d4: {  	s2 =	sshrl.u32 @!p2 s19, $0x3;
	s1 =	sshrl.u32 @!p2 s1, $0x2;
	s0 =	sshrl.u32 @!p2 s0, $0x2  }
0x1d5: {  	s2 =	sadd.s32 @!p2 s2, s14;
	s1 =	simm.s32 @!p3 $0x0;
	s0 =	sadd.s32 @!p2 $0x3888, s0  }
0x1d6: {  	[tilespmem:s0], [sflag:$0xA] =	stream.linear.gather @!p2 [hbm4b:s2+s5], s1, $0x38;
	[tilespmem:$0x1F0F8] =	vst v63  }
0x1d7: {  	p2 =	sge.u32 s23, s12  }
0x1d8: {  	p3 =	sgt.s32 @!p2 s18, $0x14AD0  }
0x1d9: {  	s0 =	smov.u32 s18;
	s1 =	sshra.s32 @!p2 s18, $0x1F;
	p3 =	por !p3, p2  }
0x1da: {  	s1 =	sand.u32 @!p2 s1, s18;
	s0 =	simm.s32 @p3 $0x14AD0  }
0x1db: {  	s0 =	ssub.s32 @!p2 s0, s1  }
0x1dc: {  	s0 =	sadd.s32 @!p2 $0xFFFEB530, s0  }
0x1dd: {  	s1 =	sshll.u32 @!p2 s0, $0x2  }
0x1de: {  	p3 =	sgt.s32 @!p2 s0, $0x1AF;
	s0 =	ssub.s32 @!p2 $0x6C0, s1  }
0x1df: {  	s22 =	ssub.s32 @!p2 $0x14C80, s18;
	p3 =	por !p3, p2;
	s0 =	sshrl.u32 @!p2 s0, $0x2  }
0x1e0: {  	s1 =	sand.u32 @!p2 $0x1, s23;
	s0 =	simm.s32 @!p3 $0x0;
	p3 =	slt.s32 @!p2 s22, $0x1  }
0x1e1: {  	s2 =	simm.s32 @!p2 $0xA;
	s1 =	smul.u32 @!p2 $0x6C0, s1;
	p3 =	por p2, p3  }
.Ltmp2:
0x1e2: {  	_ =	swait.ge @!p2 [sflag:s2], s0;
	(pc) =	sbr.rel @p3 .LBB2_7-.Ltmp2, $4  }
0x1e3: {  	s5 =	ssub.s32 @!p2 $0x0, s0;
	[sflag:s2] =	ssyncset.done @!p2 $0x0  }
0x1e4: {  	s1 =	sshrl.u32 @!p2 s1, $0x2;
	[sflag:s2] =	ssyncadd.s32 @!p2 s5;
	s2 =	sshrl.u32 @!p2 s18, $0x3  }
0x1e5: {  	s1 =	sadd.s32 @!p2 $0x3D98, s1;
	s5 =	sand.u32 @!p2 $0x7, s18;
	s2 =	sadd.s32 @!p2 s2, s15  }
0x1e6: {  	[tilespmem:s1], [sflag:$0xB] =	stream.linear.gather @!p2 [hbm4b:s2+s5], s0, $0x38;
	[tilespmem:$0x1F0F8] =	vst v63  }
0x1e7: {  	s0 =	smulhi.u32 $0xAAAAAAAB, s23;
	_ =	sdelay $0x1  }
0x1e8: {  	s0 =	sshrl.u32 s0, $0x1  }
0x1e9: {  	s0 =	smul.u32 $0x3, s0;
	_ =	sdelay $0x1  }
0x1ea: {  	s0 =	ssub.s32 s23, s0  }
0x1eb: {  	s1 =	simm.s32 $0x1;
	s0 =	smul.u32 $0x6C0, s0  }
.Ltmp3:
0x1ec: {  	s1 =	simm.s32 @!p0 $0x0;
	(pc) =	sbr.rel .LBB2_4-.Ltmp3, $4  }
0x1ed: {  	s1 =	smul.u32 $0x36000, s1  }
0x1ee: {  	p3 =	slt.s32 @!p2 s22, $0x1B0;
	s0 =	sshrl.u32 s0, $0x2  }
0x1ef: {  	p2 =	por !p3, p2;
	s1 =	sshrl.u32 s1, $0x2;
	s0 =	sadd.s32 $0x3888, s0  }
0x1f0: {  	s24 =	simm.s32 $0x0;
	s22 =	simm.s32 @p2 $0x1B0;
	s23 =	sadd.s32 $0x40F8, s1;
	v1 =	vmov s0  }
.LBB2_3:
0x1f1: {  	p2 =	sge.s32 s24, s22  }
.Ltmp4:
0x1f2: {  	_ = 	snop;
	(pc) =	sbr.rel @p2 .LBB2_7-.Ltmp4, $2  }
0x1f3: {  	_ =	sdelay $0x2  }
0x1f4: {  	s23 =	sadd.s32 $0x800, s23  }
.LBB2_4:
0x1f5: {  	p2 =	sle.s32 s22, s24  }
.Ltmp5:
0x1f6: {  	_ = 	snop;
	(pc) =	sbr.rel @p2 .LBB2_3-.Ltmp5, $2  }
0x1f7: {  	_ =	sdelay $0x2  }
0x1f8: {  	s0 =	smov.u32 s24;
	s24 =	sadd.s32 $0x10, s24  }
0x1f9: {  	s1 =	ssub.s32 s22, s0  }
0x1fa: {  	p2 =	slt.s32 s1, $0x10  }
0x1fb: {  	s1 =	simm.s32 @!p2 $0x10  }
0x1fc: {  	v2 =	vmov s1  }
0x1fd: {  	vm0 =	vgt.s32 v2, v0;
	_ =	sdelay $0x5  }
0x1fe: {  	v2 =	vld.idx.msk [tilespmem:v1+s0+$0x0 ss:$0x1], vm0;
	_ =	sdelay $0x2  }
0x1ff: {  	p2 =	slt.s32 s24, s22;
	s1 =	smov.u32 s22  }
0x200: {  	s2 =	smov.u32 s23;
	s25 =	simm.s32 $0x0;
	s1 =	smov.u32 @p2 s24  }
.LBB2_6:
0x201: {  	(v2sf) =	vpush v2, s25;
	_ =	sdelay $0xc  }
0x202: {  	s25 =	sadd.s32 $0x1, s25  }
0x203: {  	s31 =	sadd.s32 s25, s0  }
0x204: {  	p2 =	slt.s32 s31, s1;
	s5 =	spop (v2sf)  }
.Ltmp6:
0x205: {  	s5 =	sshll.u32 s5, $0x4;
	(pc) =	sbr.rel @p2 .LBB2_6-.Ltmp6, $4  }
0x206: {  	s5 =	sand.u32 $0x1FFFFFF0, s5  }
0x207: {  	s5 =	sadd.s32 s11, s5  }
0x208: {  	[tilespmem:s2], [sflag:$0x9] =	stream.linear.gather [hbm4b:s5+s16], $0x10, $0x38;
	[tilespmem:$0x1F0F8] =	vst v63  }
0x209: {  	s2 =	sadd.s32 $0x80, s2  }
.Ltmp7:
0x20a: {  	_ = 	snop;
	(pc) =	sbr.rel .LBB2_3-.Ltmp7, $1  }
0x20b: {  	_ =	sdelay $0x3  }
.LBB2_7:
0x20c: {  	p2 =	slt.u32 s20, $0x2  }
.Ltmp8:
0x20d: {  	_ = 	snop;
	(pc) =	sbr.rel @p2 .LBB2_20-.Ltmp8, $1  }
0x20e: {  	_ =	sdelay $0x3  }
0x20f: {  	p2 =	sgt.s32 s21, $0x14AD0  }
0x210: {  	s0 =	smov.u32 s21;
	s1 =	sshra.s32 s21, $0x1F;
	s2 =	ssub.s32 $0x14C80, s21  }
0x211: {  	s0 =	simm.s32 @!p2 $0x14AD0;
	s1 =	sand.u32 s1, s21;
	p2 =	slt.s32 s2, $0x1B0  }
0x212: {  	s0 =	ssub.s32 s0, s1;
	s2 =	simm.s32 @!p2 $0x1B0  }
0x213: {  	s0 =	sadd.s32 $0xFFFEB530, s0;
	s24 =	sshll.u32 s2, $0x4  }
0x214: {  	s28 =	simm.s32 $0x9;
	s25 =	sshll.u32 s0, $0x2;
	s1 =	sand.u32 $0x3FFFFFF0, s24  }
0x215: {  	p2 =	sgt.s32 s0, $0x1AF;
	s26 =	ssub.s32 $0x6C0, s25;
	_ =	swait.ge [sflag:s28], s1  }
0x216: {  	s1 =	ssub.s32 $0x0, s1;
	[sflag:s28] =	ssyncset.done $0x0;
	s0 =	sshrl.u32 s26, $0x2  }
0x217: {  	s30 =	simm.s32 $0xB;
	[sflag:s28] =	ssyncadd.s32 s1;
	s0 =	simm.s32 @p2 $0x0  }
0x218: {  	_ =	swait.ge [sflag:s30], s0  }
0x219: {  	s0 =	ssub.s32 $0x0, s0;
	[sflag:s30] =	ssyncset.done $0x0  }
0x21a: {  	[sflag:s30] =	ssyncadd.s32 s0  }
0x21b: {  	v1 =	vld [tilespmem:$0x3648];
	_ =	sdelay $0x4  }
0x21c: {  	(v2sf) =	vpush v1, $0x0  }
0x21d: {  	(v2sf) =	vpush v1, $0x1  }
0x21e: {  	(v2sf) =	vpush v1, $0x2;
	_ =	sdelay $0x3  }
0x21f: {  	s0 =	sadd.s32 $0x1B0, s21  }
0x220: {  	s1 =	ssub.s32 $0x29900, s21;
	p2 =	slt.s32 s7, s0  }
0x221: {  	s0 =	smov.u32 @p2 s7;
	p2 =	sgt.s32 s1, $0x0  }
0x222: {  	s25 =	ssub.s32 s0, s21;
	s1 =	simm.s32 @!p2 $0x0  }
0x223: {  	p2 =	slt.s32 s1, s25  }
0x224: {  	s25 =	smov.u32 @p2 s1  }
0x225: {  	s24 =	simm.s32 $0x1;
	p2 =	slt.s32 s25, $0x1  }
.Ltmp9:
0x226: {  	s24 =	simm.s32 @!p4 $0x0;
	(pc) =	sbr.rel @p2 .LBB2_12-.Ltmp9, $4  }
0x227: {  	s31 =	smul.u32 $0x6C0, s24  }
0x228: {  	s26 =	spop (v2sf)  }
0x229: {  	s0 =	sshrl.u32 s31, $0x2;
	s29 =	spop (v2sf)  }
0x22a: {  	s22 =	sadd.s32 $0x3D98, s0;
	s21 =	spop (v2sf)  }
0x22b: {  	s0 =	smin.u32 s25, $0x10  }
0x22c: {  	v1 =	vmov s0  }
0x22d: {  	p3 =	sgt.s32 s25, $0x10;
	vm1 =	vgt.u32 v1, v0  }
.Ltmp10:
0x22e: {  	_ = 	snop;
	(pc) =	sbr.rel @!p3 .LBB2_11-.Ltmp10, $2  }
0x22f: {  	_ =	sdelay $0x2  }
0x230: {  	s23 =	simm.s32 $0x10;
	s28 =	sadd.s32 $0xFFFFFFF0, s25;
	s0 =	smov.u32 s22;
	vm0 =	vmmov vm1  }
.LBB2_10:
0x231: {  	s1 =	smin.u32 s28, $0x10;
	s23 =	sadd.s32 $0x10, s23;
	v1 =	vld.msk [tilespmem:s0+$0x0 ss:$0x1], vm1  }
0x232: {  	v2 =	vmov s1;
	p3 =	slt.s32 s23, s25  }
0x233: {  	vm1 =	vgt.u32 v2, v0  }
.Ltmp11:
0x234: {  	(pc) =	sbr.rel @p3 .LBB2_10-.Ltmp11, $3  }
0x235: {  	_ =	sdelay $0x1  }
0x236: {  	v1 =	vshll.u32 v1, $0x4  }
0x237: {  	s28 =	sadd.s32 $0xFFFFFFF0, s28;
	[tilespmem:s0+$0x0] =	vst.msk vm0, v1;
	s0 =	sadd.s32 $0x10, s0;
	vm0 =	vmmov vm1  }
.LBB2_11:
0x238: {  	_ =	sdelay $0x4  }
0x239: {  	v1 =	vld.msk [tilespmem:s0+$0x0 ss:$0x1], vm1;
	_ =	sdelay $0x4  }
0x23a: {  	v1 =	vshll.u32 v1, $0x4  }
0x23b: {  	[tilespmem:s0+$0x0] =	vst.msk vm0, v1  }
.LBB2_12:
0x23c: {  	s0 =	sand.u32 $0x1, s20  }
0x23d: {  	s0 =	smul.u32 $0x1B0, s0  }
0x23e: {  	p3 =	sne.s32 s29, $0xFFFFFFFF  }
0x23f: {  	v1 =	vld.msk @!p3 [tilespmem:s0+$0x3D98], $0x1;
	_ =	sdelay $0x4  }
0x240: {  	(v2sf) =	vpush @!p3 v1, $0x0;
	_ =	sdelay $0xc  }
.Ltmp12:
0x241: {  	_ = 	snop;
	(pc) =	sbr.rel @p2 .LBB2_18-.Ltmp12, $4  }
0x242: {  	_ = 	snop  }
0x243: {  	s28 =	spop @!p3 (v2sf)  }
0x244: {  	s21 =	simm.s32 @!p3 $0x0;
	s23 =	smov.u32 s28  }
0x245: {  	[sflag:s17] =	ssyncpa.u1 $0x0;
	s28 =	smov.u32 @p3 s26;
	s23 =	smov.u32 @p3 s29  }
0x246: {  	v1 =	vld.msk [tilespmem:s22+$0x0], $0x1;
	_ =	sdelay $0x4  }
0x247: {  	(v2sf) =	vpush v1, $0x0;
	_ =	sdelay $0xe  }
0x248: {  	s0 =	simm.s32 @!p4 $0x0;
	s26 =	smul.u32 $0x36000, s24;
	s31 =	spop (v2sf)  }
0x249: {  	s29 =	ssub.s32 $0x0, s25;
	s0 =	simm.s32 @p4 $0x1;
	p2 =	seq.s32 s28, s31  }
0x24a: {  	s1 =	smov.u32 s28;
	[smem:$0x7FD] =	sst s0;
	p3 =	sgt.s32 @!p2 s28, $0x0  }
0x24b: {  	s0 =	sshrl.u32 s26, $0x2;
	s26 =	sadd.s32 $0x1, s29;
	p3 =	por !p3, p2  }
0x24c: {  	s1 =	simm.s32 @p3 $0x0;
	p3 =	seq.s32 s26, $0x0  }
.Ltmp13:
0x24d: {  	_ = 	snop;
	(pc) =	sbr.rel @p3 .LBB2_15-.Ltmp13, $4  }
0x24e: {  	s6 =	smov.u32 s4;
	s25 =	simm.s32 $0x0  }
0x24f: {  	s24 =	sadd.s32 $0x40F8, s0;
	s0 =	simm.s32 @!p2 $0x1;
	s2 =	smin.u32 @!p2 s1, $0x27FFE  }
0x250: {  	s30 =	sadd.s32 $0x1, s22;
	s0 =	smov.u32 @p2 s25;
	s5 =	sand.u32 @!p2 $0x3FFF8, s2  }
0x251: {  	s1 =	simm.s32 @!p2 $0x1B38;
	s2 =	sand.u32 @!p2 $0x7, s2;
	s5 =	sadd.s32 @!p2 s3, s5  }
.LBB2_14:
0x252: {  	s4 =	smov.u32 s0  }
0x253: {  	[tilespmem:s1], [sflag:$0x2] =	stream.linear.gather @!p2 [hbm4b:s5+s2], $0x10, $0x38;
	[tilespmem:$0x1F0F8] =	vst v63  }
0x254: {  	s26 =	sadd.s32 $0x1, s26;
	s2 =	smov.u32 s31;
	v1 =	vld.msk [tilespmem:s30+$0x0], $0x1  }
0x255: {  	p3 =	seq.s32 s26, $0x0;
	_ =	sdelay $0x3  }
0x256: {  	(v2sf) =	vpush v1, $0x0;
	_ =	sdelay $0xe  }
0x257: {  	s31 =	spop (v2sf)  }
0x258: {  	p2 =	seq.s32 s2, s31  }
0x259: {  	p4 =	sgt.s32 @!p2 s2, $0x0;
	s1 =	sshll.u32 @!p2 s0, $0x6;
	s0 =	sadd.s32 @!p2 $0x1, s0  }
.Ltmp14:
0x25a: {  	p4 =	por !p4, p2;
	s1 =	sshra.s32 @!p2 s1, $0x2;
	(pc) =	sbr.rel @!p3 .LBB2_14-.Ltmp14, $4  }
0x25b: {  	s0 =	smov.u32 @p2 s4;
	s2 =	simm.s32 @p4 $0x0;
	s1 =	sadd.s32 @!p2 $0x1B38, s1  }
0x25c: {  	s2 =	smin.u32 @!p2 s2, $0x27FFE  }
0x25d: {  	s4 =	sand.u32 @!p2 $0x3FFF8, s2;
	s2 =	sand.u32 @!p2 $0x7, s2  }
0x25e: {  	s30 =	sadd.s32 $0x1, s30;
	s5 =	sadd.s32 @!p2 s3, s4  }
.LBB2_15:
0x25f: {  	[tilespmem:s1], [sflag:$0x2] =	stream.linear.gather @!p2 [hbm4b:s5+s2], $0x10, $0x38;
	[tilespmem:$0x1F0F8] =	vst v63  }
0x260: {  	s0 =	sshll.u32 s0, $0x4  }
0x261: {  	s31 =	simm.s32 $0x2;
	s0 =	sand.u32 $0x3FFFFFF0, s0  }
0x262: {  	_ =	swait.ge [sflag:s31], s0  }
0x263: {  	s0 =	ssub.s32 $0x0, s0;
	[sflag:s31] =	ssyncset.done $0x0  }
0x264: {  	[sflag:s31] =	ssyncadd.s32 s0  }
0x265: {  	v1 =	vld.msk [tilespmem:s22+$0x0], $0x1;
	_ =	sdelay $0x4  }
0x266: {  	(v2sf) =	vpush v1, $0x0;
	_ =	sdelay $0xe  }
0x267: {  	s26 =	spop (v2sf)  }
0x268: {  	p2 =	sne.s32 s28, s26  }
0x269: {  	p4 =	sne.s32 @p2 s28, s23  }
0x26a: {  	p3 =	por !p4, !p2  }
0x26b: {  	s0 =	simm.s32 @!p3 $0x0  }
0x26c: {  	v1 =	vld @!p3 [tilespmem:s0+$0x1B38]  }
0x26d: {  	p5 =	sgt.u32 @!p3 s28, $0x27FFE  }
0x26e: {  	s1 =	sshll.u32 @!p3 s21, $0x6;
	p6 =	por @p2 p5, !p4  }
0x26f: {  	s1 =	sshra.s32 @!p3 s1, $0x2;
	p1 =	por p6, !p2;
	p6 =	por p4, !p2  }
0x270: {  	s2 =	sadd.s32 @!p3 $0x28, s1;
	s4 =	sand.u32 @!p1 $0x3FFF8, s28;
	s5 =	sshll.u32 @!p6 s21, $0x6  }
0x271: {  	s28 =	sand.u32 @!p1 $0x7, s28;
	[tilespmem:s1+$0x28] =	vst.add.f32.msk @!p3 $0xffff, v1;
	s1 =	sadd.s32 @!p1 s3, s4;
	s4 =	sshra.s32 @!p6 s5, $0x2  }
0x272: {  	[hbm4b:s1+s28] =	stream.linear.scatter @!p1 [tilespmem:s2], [sflag:$0xC], $0x10, $0x38;
	[tilespmem:$0x1F0F8] =	vst v63  }
0x273: {  	s0 =	rddreg [dreg:$0x4];
	s1 =	sadd.s32 @!p6 $0x28, s4;
	s2 =	simm.s32 @!p6 $0x1  }
0x274: {  	[spmem:s0] =	stream.linear.scatter @!p6 [tilespmem:s1], [sflag:$0x1], $0x10, $0x38;
	[tilespmem:$0x1F0F8] =	vst v63  }
0x275: {  	s0 =	sadd.s32 @p2 $0x1, s21;
	_ =	swait.ge @!p6 [sflag:s2], $0x10  }
0x276: {  	s1 =	sshrl.u32 @p2 s0, $0x4;
	[sflag:s2] =	ssyncset.done @!p6 $0x0  }
0x277: {  	s1 =	smulhi.u32 @p2 $0x97B425F, s1;
	[sflag:s2] =	ssyncadd.s32 @!p6 $0xFFFFFFF0  }
0x278: {  	s28 =	sadd.s32 $0x1, s29;
	v1 =	vld @p2 [tilespmem:s24+$0x0]  }
0x279: {  	p1 =	por @p2 !p5, !p4;
	p4 =	seq.s32 s28, $0x0;
	s1 =	smul.u32 @p2 $0x1B0, s1  }
.Ltmp15:
0x27a: {  	p1 =	por !p1, !p2;
	s2 =	simm.s32 @!p3 $0x0;
	(pc) =	sbr.rel @p4 .LBB2_17-.Ltmp15, $4  }
0x27b: {  	s4 =	sshll.u32 @!p2 s21, $0x6;
	s2 =	simm.s32 @!p1 $0x40;
	s0 =	ssub.s32 @p2 s0, s1  }
0x27c: {  	s29 =	simm.s32 $0x0;
	s2 =	sadd.s32 @!p3 $0x0, s2;
	s5 =	sshll.u32 @p2 s0, $0x4  }
0x27d: {  	s30 =	sshra.s32 @!p2 s4, $0x2;
	s1 =	simm.s32 @p2 $0x1;
	s2 =	smov.u32 @p3 s25;
	[tilespmem:s5+$0x28] =	vst @p2 v1  }
0x27e: {  	s21 =	smov.u32 @p2 s0;
	s29 =	smov.u32 @p2 s2;
	s25 =	smov.u32 @p2 s1;
	v1 =	vld @!p2 [tilespmem:s24+$0x0]  }
.LBB2_16:
0x27f: {  	_ =	sdelay $0x3  }
0x280: {  	s22 =	sadd.s32 $0x1, s22;
	[tilespmem:s30+$0x28] =	vst.add.f32.msk @!p2 $0xffff, v1  }
0x281: {  	v1 =	vld.msk [tilespmem:s22+$0x0], $0x1;
	_ =	sdelay $0x4  }
0x282: {  	(v2sf) =	vpush v1, $0x0;
	_ =	sdelay $0xe  }
0x283: {  	s0 =	smov.u32 s26;
	s26 =	spop (v2sf)  }
0x284: {  	p2 =	sne.s32 s0, s26  }
0x285: {  	p5 =	sne.s32 @p2 s0, s23  }
0x286: {  	s4 =	sshll.u32 @!p2 s21, $0x6;
	p4 =	por !p5, !p2  }
0x287: {  	s30 =	sshra.s32 @!p2 s4, $0x2;
	s4 =	sshll.u32 @!p4 s25, $0x6  }
0x288: {  	s4 =	sshra.s32 @!p4 s4, $0x2  }
0x289: {  	p1 =	sgt.u32 @!p4 s0, $0x27FFE;
	v1 =	vld @!p4 [tilespmem:s4+$0x1B38]  }
0x28a: {  	s31 =	sshll.u32 @!p4 s21, $0x6;
	p6 =	por @p2 p1, !p5;
	p1 =	por @p2 !p1, !p5  }
0x28b: {  	s8 =	simm.s32 @!p4 $0x0;
	s31 =	sshra.s32 @!p4 s31, $0x2;
	p1 =	por !p1, !p2  }
0x28c: {  	p5 =	por p5, !p2;
	s8 =	simm.s32 @!p1 $0x40;
	p1 =	por p6, !p2  }
0x28d: {  	s4 =	sadd.s32 @!p4 $0x28, s31;
	s13 =	sshll.u32 @!p5 s21, $0x6;
	s10 =	sand.u32 @!p1 $0x3FFF8, s0  }
0x28e: {  	s13 =	sshra.s32 @!p5 s13, $0x2;
	s0 =	sand.u32 @!p1 $0x7, s0;
	s10 =	sadd.s32 @!p1 s3, s10;
	[tilespmem:s31+$0x28] =	vst.add.f32.msk @!p4 $0xffff, v1  }
0x28f: {  	[hbm4b:s10+s0] =	stream.linear.scatter @!p1 [tilespmem:s4], [sflag:$0xC], $0x10, $0x38;
	[tilespmem:$0x1F0F8] =	vst v63  }
0x290: {  	s1 =	rddreg [dreg:$0x4];
	s0 =	sadd.s32 @!p5 $0x28, s13;
	s4 =	simm.s32 @!p5 $0x1  }
0x291: {  	[spmem:s1] =	stream.linear.scatter @!p5 [tilespmem:s0], [sflag:$0x1], $0x10, $0x38;
	[tilespmem:$0x1F0F8] =	vst v63  }
0x292: {  	s2 =	sadd.s32 @p2 $0x1, s21;
	_ =	swait.ge @!p5 [sflag:s4], $0x10  }
0x293: {  	s5 =	sshrl.u32 @p2 s2, $0x4;
	[sflag:s4] =	ssyncset.done @!p5 $0x0  }
0x294: {  	s24 =	sadd.s32 $0x80, s24;
	s5 =	smulhi.u32 @p2 $0x97B425F, s5;
	[sflag:s4] =	ssyncadd.s32 @!p5 $0xFFFFFFF0  }
0x295: {  	s28 =	sadd.s32 $0x1, s28;
	v1 =	vld @p2 [tilespmem:s24+$0x0]  }
0x296: {  	p3 =	seq.s32 s28, $0x0;
	s5 =	smul.u32 @p2 $0x1B0, s5  }
.Ltmp16:
0x297: {  	_ = 	snop;
	(pc) =	sbr.rel @!p3 .LBB2_16-.Ltmp16, $4  }
0x298: {  	s2 =	ssub.s32 @p2 s2, s5  }
0x299: {  	s8 =	sadd.s32 @!p4 s8, s29;
	s5 =	sshll.u32 @p2 s2, $0x4  }
0x29a: {  	s9 =	sadd.s32 @p2 $0x1, s25;
	s8 =	smov.u32 @p4 s29;
	[tilespmem:s5+$0x28] =	vst @p2 v1  }
0x29b: {  	s25 =	smov.u32 @p2 s9;
	s21 =	smov.u32 @p2 s2;
	s29 =	smov.u32 @p2 s8;
	v1 =	vld @!p2 [tilespmem:s24+$0x0]  }
.LBB2_17:
.Ltmp17:
0x29c: {  	_ = 	snop;
	(pc) =	sbr.rel .LBB2_19-.Ltmp17, $3  }
0x29d: {  	s1 =	sld [smem:$0x7FD];
	_ =	sdelay $0x1  }
0x29e: {  	s0 =	sshrl.u32 s29, $0x2;
	s28 =	smov.u32 s26  }
0x29f: {  	s4 =	smov.u32 s6;
	s6 =	rddreg [dreg:$0x6];
	p4 =	seq.s32 s1, $0x1;
	[tilespmem:s30+$0x28] =	vst.add.f32.msk @!p2 $0xffff, v1  }
.LBB2_21:
0x2a0: {  	_ =	sfence.sel $0x180000  }
0x2a1: {  	s0 =	simm.s32 $0x9;
	[bflag:$0x0] =	sbarrier.arrive $0xFFFF  }
0x2a2: {  	s24 =	simm.s32 $0xA;
	[sflag:s0] =	ssyncpa.u1 $0x1  }
0x2a3: {  	s25 =	simm.s32 $0xB;
	[sflag:s24] =	ssyncpa.u1 $0x1  }
0x2a4: {  	s26 =	simm.s32 $0x2;
	[sflag:s25] =	ssyncpa.u1 $0x1  }
0x2a5: {  	[sflag:s26] =	ssyncpa.u1 $0x1  }
0x2a6: {  	v0 =	vld [tilespmem:$0x3648];
	_ =	sdelay $0x4  }
0x2a7: {  	(v2sf) =	vpush v0, $0x0  }
0x2a8: {  	(v2sf) =	vpush v0, $0x1;
	_ =	sdelay $0x1  }
0x2a9: {  	(v2sf) =	vpush v0, $0x2;
	_ =	sdelay $0xb  }
0x2aa: {  	s0 =	spop (v2sf)  }
0x2ab: {  	s1 =	spop (v2sf)  }
0x2ac: {  	s2 =	smov.u32 s0;
	p0 =	sne.s32 s0, s1  }
0x2ad: {  	s4 =	spop (v2sf);
	s2 =	simm.s32 @!p0 $0xFFFFFFFF  }
0x2ae: {  	v2 =	vimm.s32 $0x1;
	v3 =	vlaneseq.u32;
	p0 =	seq.s32 s4, $0xFFFFFFFF;
	v1 =	vmov s2  }
0x2af: {  	s16 =	stileid.u32;
	v0 =	vperm.xlane v0, v2;
	p1 =	sne.s32 @!p0 s0, s1;
	v1 =	vperm.xlane v1, v3  }
0x2b0: {  	vm0 =	vcmask $0x3F04;
	s6 =	simm.s32 $0x3648;
	s0 =	simm.s32 @!p0 $0x1;
	p1 =	por !p1, p0  }
0x2b1: {  	s2 =	sshll.u32 s16, $0x1;
	s1 =	sshll.u32 @!p0 s4, $0x6;
	s0 =	simm.s32 @p1 $0x0;
	v0 =	vsel vm0, v1, v0  }
0x2b2: {  	s5 =	sor.u32 $0x200, s2;
	s1 =	sshra.s32 @!p0 s1, $0x2;
	s0 =	sor.u32 @!p0 s0, s2;
	[tilespmem:$0x3648] =	vst v0  }
0x2b3: {  	[spmem:s5] =	stream.linear.scatter [tilespmem:s6], [sflag:$0x1], $0x2, $0x38;
	[tilespmem:$0x1F0F8] =	vst v63  }
0x2b4: {  	s1 =	sadd.s32 @!p0 $0x28, s1;
	s0 =	sshll.u32 @!p0 s0, $0x4  }
0x2b5: {  	[spmem:s0] =	stream.linear.scatter @!p0 [tilespmem:s1], [sflag:$0x1], $0x10, $0x38;
	[tilespmem:$0x1F0F8] =	vst v63  }
0x2b6: {  	s0 =	simm.s32 @!p0 $0x12  }
0x2b7: {  	s28 =	simm.s32 $0x1;
	s0 =	simm.s32 @p0 $0x2  }
0x2b8: {  	_ =	swait.ge [sflag:s28], s0  }
0x2b9: {  	s0 =	ssub.s32 $0x0, s0;
	[sflag:s28] =	ssyncset.done $0x0  }
0x2ba: {  	p0 =	sne.s32 s16, $0x0;
	[sflag:s28] =	ssyncadd.s32 s0  }
.Ltmp18:
0x2bb: {  	_ =	sfence.stream.spmem;
	(pc) =	sbr.rel @p0 .LBB2_38-.Ltmp18, $4  }
0x2bc: {  	s29 =	simm.s32 $0x3;
	[bflag:$0x0] =	sbarrier.arrive $0xFFFF  }
0x2bd: {  	s30 =	simm.s32 $0x4;
	[sflag:s29] =	ssyncpa.u1 $0x1  }
0x2be: {  	s31 =	simm.s32 $0x3C;
	[sflag:s30] =	ssyncpa.u1 $0x1  }
0x2bf: {  	s17 =	rddreg [dreg:$0x5];
	[sflag:s31] =	ssyncpa.u1 $0x1  }
0x2c0: {  	_ =	sfence.stream.spmem;
	s0 =	simm.s32 $0x5  }
0x2c1: {  	s1 =	simm.s32 $0x200;
	s2 =	simm.s32 $0x3658;
	[sflag:s0] =	ssyncpa.u1 $0x0  }
0x2c2: {  	[tilespmem:s2], [sflag:$0x5] =	stream.linear.gather [spmem:s1], $0x20, $0x38;
	[tilespmem:$0x1F0F8] =	vst v63  }
0x2c3: {  	s26 =	simm.s32 $0x0;
	s28 =	simm.s32 $0x3678  }
0x2c4: {  	[tilespmem:s28], [sflag:$0x5] =	stream.linear.gather [spmem:s26], $0x200, $0x38;
	[tilespmem:$0x1F0F8] =	vst v63  }
0x2c5: {  	_ =	swait.ge [sflag:s0], $0x220  }
0x2c6: {  	[sflag:s0] =	ssyncset.done $0x0  }
0x2c7: {  	s29 =	simm.s32 $0x0;
	[sflag:s0] =	ssyncadd.s32 $0xFFFFFDE0  }
0x2c8: {  	v0 =	vld.msk [tilespmem:s29+$0x3658], $0x1;
	_ =	sdelay $0x1  }
0x2c9: {  	s30 =	simm.s32 $0x1  }
0x2ca: {  	v1 =	vld.msk [tilespmem:s30+$0x3658], $0x1;
	_ =	sdelay $0x1  }
0x2cb: {  	(v2sf) =	vpush v0, $0x0;
	_ =	sdelay $0x2  }
0x2cc: {  	(v2sf) =	vpush v1, $0x0;
	_ =	sdelay $0x2  }
0x2cd: {  	s31 =	simm.s32 $0x2  }
0x2ce: {  	v0 =	vld.msk [tilespmem:s31+$0x3658], $0x1;
	_ =	sdelay $0x2  }
0x2cf: {  	s6 =	simm.s32 $0xFFFFFFFF;
	s1 =	simm.s32 $0xFFFFFFFF;
	s0 =	simm.s32 $0xC  }
.LBB2_23:
0x2d0: {  	s2 =	smov.u32 s6;
	s4 =	smov.u32 s1  }
0x2d1: {  	s1 =	sshra.s32 s0, $0x2;
	p1 =	sne.s32 s0, $0x7C;
	s0 =	sadd.s32 $0x4, s0;
	(v2sf) =	vpush v0, $0x0  }
0x2d2: {  	v0 =	vld.msk [tilespmem:s1+$0x3658], $0x1  }
.Ltmp19:
0x2d3: {  	(pc) =	sbr.rel @p1 .LBB2_23-.Ltmp19, $4  }
0x2d4: {  	s6 =	spop (v2sf)  }
0x2d5: {  	p2 =	sne.s32 s4, $0xFFFFFFFF;
	s1 =	smov.u32 s6  }
0x2d6: {  	p3 =	seq.s32 s6, $0xFFFFFFFF;
	s1 =	smov.u32 @p2 s4  }
0x2d7: {  	s6 =	smov.u32 @p3 s2;
	s1 =	smov.u32 @p3 s4  }
0x2d8: {  	(v2sf) =	vpush v0, $0x0;
	_ =	sdelay $0x8  }
0x2d9: {  	s0 =	spop (v2sf)  }
0x2da: {  	p1 =	sne.s32 s1, $0xFFFFFFFF;
	s2 =	smov.u32 s0  }
0x2db: {  	s9 =	simm.s32 $0x6;
	p2 =	seq.s32 s0, $0xFFFFFFFF;
	s2 =	smov.u32 @p1 s1  }
0x2dc: {  	s10 =	simm.s32 $0x3638;
	s2 =	smov.u32 @p2 s1;
	s1 =	spop (v2sf)  }
0x2dd: {  	s0 =	smov.u32 @p2 s6;
	p1 =	sne.s32 s2, $0xFFFFFFFF;
	s4 =	smov.u32 s1  }
.Ltmp20:
0x2de: {  	p2 =	seq.s32 s1, $0xFFFFFFFF;
	s4 =	smov.u32 @p1 s2;
	(pc) =	sbr.rel .LBB2_25-.Ltmp20, $4  }
0x2df: {  	s11 =	simm.s32 $0x0;
	s4 =	smov.u32 @p2 s2;
	s7 =	spop (v2sf)  }
0x2e0: {  	[sflag:s9] =	ssyncpa.u1 $0x0;
	p1 =	sne.s32 s4, $0xFFFFFFFF;
	s8 =	smov.u32 s7  }
0x2e1: {  	s1 =	smov.u32 @p2 s0;
	p2 =	seq.s32 s7, $0xFFFFFFFF;
	s8 =	smov.u32 @p1 s4  }
0x2e2: {  	s6 =	simm.s32 $0x0;
	s7 =	smov.u32 @p2 s1;
	s8 =	smov.u32 @p2 s4  }
.LBB2_30:
0x2e3: {  	p1 =	sgt.u32 s12, $0x27FFE  }
0x2e4: {  	p2 =	seq.s32 @!p1 s12, s8  }
0x2e5: {  	p1 =	por p1, p2  }
0x2e6: {  	p2 =	sne.s32 @!p1 s12, s7  }
0x2e7: {  	p1 =	por p1, !p2  }
0x2e8: {  	s0 =	sshll.u32 @p1 s11, $0x6  }
0x2e9: {  	s0 =	sand.u32 @!p1 $0x3FFF8, s12  }
0x2ea: {  	s1 =	sand.u32 @!p1 $0x7, s12;
	s0 =	sadd.s32 @!p1 s3, s0  }
0x2eb: {  	[tilespmem:s10], [sflag:$0x6] =	stream.linear.gather @!p1 [hbm4b:s0+s1], $0x10, $0x38;
	[tilespmem:$0x1F0F8] =	vst v63  }
0x2ec: {  	_ =	swait.ge @!p1 [sflag:s9], $0x10  }
0x2ed: {  	[sflag:s9] =	ssyncset.done @!p1 $0x0  }
0x2ee: {  	[sflag:s9] =	ssyncadd.s32 @!p1 $0xFFFFFFF0  }
0x2ef: {  	v1 =	vld @!p1 [tilespmem:$0x3638];
	_ =	sdelay $0x2  }
0x2f0: {  	s0 =	sshll.u32 @!p1 s11, $0x6  }
0x2f1: {  	s1 =	sshrl.u32 @!p1 s0, $0x2  }
0x2f2: {  	[tilespmem:s1+$0x3678] =	vst.add.f32.msk @!p1 $0xffff, v1  }
0x2f3: {  	s0 =	sshrl.u32 s0, $0x2;
	[tilespmem:s6+$0x3658] =	vst.msk $0x1, v0  }
0x2f4: {  	v0 =	vld [tilespmem:s0+$0x3678];
	_ =	sdelay $0x2  }
0x2f5: {  	s31 =	sshll.u32 s6, $0x6  }
0x2f6: {  	s0 =	sshra.s32 s31, $0x2  }
0x2f7: {  	s6 =	sadd.s32 $0x1, s6;
	[tilespmem:s0+$0x3678] =	vst v0  }
.LBB2_32:
0x2f8: {  	s11 =	sadd.s32 $0x1, s11  }
0x2f9: {  	p1 =	sne.s32 s11, $0x20  }
.Ltmp21:
0x2fa: {  	_ = 	snop;
	(pc) =	sbr.rel @!p1 .LBB2_33-.Ltmp21, $1  }
0x2fb: {  	_ =	sdelay $0x3  }
.LBB2_25:
0x2fc: {  	v0 =	vld.msk [tilespmem:s11+$0x3658], $0x1;
	_ =	sdelay $0x4  }
0x2fd: {  	(v2sf) =	vpush v0, $0x0;
	_ =	sdelay $0xe  }
0x2fe: {  	s12 =	spop (v2sf)  }
0x2ff: {  	p1 =	seq.s32 s12, $0xFFFFFFFF  }
.Ltmp22:
0x300: {  	_ = 	snop;
	(pc) =	sbr.rel @p1 .LBB2_32-.Ltmp22, $1  }
0x301: {  	_ =	sdelay $0x3  }
0x302: {  	p1 =	slt.s32 s6, $0x1  }
.Ltmp23:
0x303: {  	_ = 	snop;
	(pc) =	sbr.rel @p1 .LBB2_30-.Ltmp23, $1  }
0x304: {  	_ =	sdelay $0x3  }
0x305: {  	s13 =	simm.s32 $0x3658;
	p1 =	por $0x0, $0x0  }
0x306: {  	v1 =	vld.msk @!p1 [tilespmem:s13+$0x0], $0x1;
	_ =	sdelay $0x4  }
0x307: {  	(v2sf) =	vpush @!p1 v1, $0x0;
	_ =	sdelay $0xd  }
0x308: {  	p3 =	sne.s32 s6, $0x1  }
.Ltmp24:
0x309: {  	s0 =	spop @!p1 (v2sf);
	(pc) =	sbr.rel @!p3 .LBB2_29-.Ltmp24, $4  }
0x30a: {  	p2 =	seq.s32 @!p1 s12, s0  }
0x30b: {  	s14 =	simm.s32 $0x0;
	p2 =	por !p2, p1  }
0x30c: {  	s0 =	simm.s32 $0xFFFFFFFF;
	s14 =	simm.s32 @p2 $0xFFFFFFFF  }
0x30d: {  	s15 =	simm.s32 $0x1;
	s14 =	smov.u32 @p1 s0  }
.LBB2_28:
0x30e: {  	s0 =	smov.u32 s14;
	p1 =	sne.s32 s14, $0xFFFFFFFF  }
0x30f: {  	s13 =	sadd.s32 $0x1, s13;
	s14 =	smov.u32 s15;
	s15 =	sadd.s32 $0x1, s15  }
0x310: {  	p2 =	sne.s32 s6, s15;
	v1 =	vld.msk @!p1 [tilespmem:s13+$0x0], $0x1;
	_ =	sdelay $0x4  }
0x311: {  	(v2sf) =	vpush @!p1 v1, $0x0;
	_ =	sdelay $0xe  }
.Ltmp25:
0x312: {  	s1 =	spop @!p1 (v2sf);
	(pc) =	sbr.rel @p2 .LBB2_28-.Ltmp25, $4  }
0x313: {  	p3 =	seq.s32 @!p1 s12, s1  }
0x314: {  	p3 =	por !p3, p1  }
0x315: {  	s14 =	simm.s32 @p3 $0xFFFFFFFF  }
0x316: {  	s14 =	smov.u32 @p1 s0  }
.LBB2_29:
0x317: {  	p1 =	sne.s32 s14, $0xFFFFFFFF  }
.Ltmp26:
0x318: {  	_ = 	snop;
	(pc) =	sbr.rel @!p1 .LBB2_30-.Ltmp26, $1  }
0x319: {  	_ =	sdelay $0x3  }
0x31a: {  	s0 =	sshll.u32 s11, $0x4  }
0x31b: {  	s0 =	sand.u32 $0x3FFFFFF0, s0  }
0x31c: {  	v0 =	vld [tilespmem:s0+$0x3678]  }
.Ltmp27:
0x31d: {  	_ = 	snop;
	(pc) =	sbr.rel .LBB2_32-.Ltmp27, $4  }
0x31e: {  	_ = 	snop  }
0x31f: {  	s31 =	sshll.u32 s14, $0x6  }
0x320: {  	s0 =	sshra.s32 s31, $0x2  }
0x321: {  	[tilespmem:s0+$0x3678] =	vst.add.f32.msk $0xffff, v0  }
.LBB2_33:
0x322: {  	s0 =	simm.s32 $0x6;
	p1 =	seq.s32 s6, $0x0  }
0x323: {  	[sflag:s0] =	ssyncpa.u1 $0x1;
	v0 =	vimm.s32 @p1 $0xFFFFFFFF  }
0x324: {  	s9 =	sadd.s32 $0xFFFFFFFF, s6;
	[tilespmem:$0x3878] =	vst @p1 v0  }
0x325: {  	v0 =	vld.msk @!p1 [tilespmem:s9+$0x3658], $0x1;
	_ =	sdelay $0x1  }
0x326: {  	v1 =	vld.msk @!p1 [tilespmem:$0x3658], $0x1;
	_ =	sdelay $0x2  }
0x327: {  	p2 =	seq.s32 @!p1 s9, $0x0;
	v0 =	vbroadcast @!p1 v0, $0x0  }
0x328: {  	vm0 =	vmmov @!p1 $0x1;
	p2 =	por !p2, p1  }
0x329: {  	v1 =	vnsel @!p1 vm0, $0xFFFFFFFF, v1;
	vm0 =	vcmask @!p1 $0x308;
	v0 =	vpsel !p2, $0xFFFFFFFF, v0  }
0x32a: {  	p2 =	sne.s32 @!p1 s8, s7;
	v0 =	vsel @!p1 vm0, v1, v0  }
0x32b: {  	s0 =	simm.s32 @!p1 $0x3678;
	s1 =	simm.s32 @!p1 $0x0;
	p3 =	por !p2, p1;
	[tilespmem:$0x3878] =	vst @!p1 v0  }
0x32c: {  	[spmem:s1] =	stream.linear.scatter @!p1 [tilespmem:s0], [sflag:$0x1], $0x10, $0x38;
	[tilespmem:$0x1F0F8] =	vst v63  }
0x32d: {  	s0 =	sshll.u32 @!p3 s9, $0x6  }
0x32e: {  	s0 =	sshra.s32 @!p3 s0, $0x2  }
0x32f: {  	s1 =	simm.s32 @!p3 $0x10;
	s0 =	sadd.s32 @!p3 $0x3678, s0  }
0x330: {  	[spmem:s1] =	stream.linear.scatter @!p3 [tilespmem:s0], [sflag:$0x1], $0x10, $0x38;
	[tilespmem:$0x1F0F8] =	vst v63  }
0x331: {  	s0 =	simm.s32 @!p3 $0x1  }
0x332: {  	_ =	swait.ge @!p3 [sflag:s0], $0x20  }
0x333: {  	p1 =	por p2, p1;
	[sflag:s0] =	ssyncset.done @!p3 $0x0  }
0x334: {  	[sflag:s0] =	ssyncadd.s32 @!p3 $0xFFFFFFE0;
	s0 =	simm.s32 @!p1 $0x1  }
0x335: {  	_ =	swait.ge @!p1 [sflag:s0], $0x10  }
0x336: {  	s29 =	simm.s32 $0x3878;
	[sflag:s0] =	ssyncset.done @!p1 $0x0  }
0x337: {  	s30 =	simm.s32 $0x200;
	s31 =	simm.s32 $0x1;
	[sflag:s0] =	ssyncadd.s32 @!p1 $0xFFFFFFF0  }
0x338: {  	[spmem:s30] =	stream.linear.scatter [tilespmem:s29], [sflag:$0x1], $0x10, $0x38;
	[tilespmem:$0x1F0F8] =	vst v63  }
0x339: {  	_ =	swait.ge [sflag:s31], $0x10  }
0x33a: {  	[sflag:s31] =	ssyncset.done $0x0  }
0x33b: {  	p1 =	seq.s32 s17, $0x0;
	s8 =	rddreg [dreg:$0x1];
	[sflag:s31] =	ssyncadd.s32 $0xFFFFFFF0  }
0x33c: {  	s1 =	sshll.u32 @p1 s8, $0xE;
	s7 =	rddreg [dreg:$0x2]  }
0x33d: {  	s0 =	sadd.s32 @p1 $0x15C3C, s1;
	s1 =	sshll.u32 @p1 s7, $0x11  }
0x33e: {  	_ =	sfence.stream.spmem;
	s0 =	sor.u32 @p1 s1, s0  }
0x33f: {  	[sflag:s0] =	ssyncadd.remote.s32 @p1 $0x1;
	s0 =	simm.s32 @p1 $0x4  }
0x340: {  	s2 =	simm.s32 @!p1 $0x3C;
	s1 =	sand.u32 $0xFFFFFFFE, s8;
	_ =	swait.ge @p1 [sflag:s0], $0x6  }
0x341: {  	s4 =	simm.s32 @!p1 $0x0;
	s1 =	sadd.s32 @!p1 $0x4, s1;
	[sflag:s0] =	ssyncset.done @p1 $0x0  }
0x342: {  	s5 =	simm.s32 @!p1 $0x20;
	[sflag:s0] =	ssyncadd.s32 @p1 $0xFFFFFFFA;
	s0 =	sshll.u32 @!p1 s1, $0x1A  }
0x343: {  	s1 =	sshll.u32 @!p1 s1, $0xD;
	s0 =	sor.u32 @!p1 s0, s7;
	_ =	swait.eq @!p1 [sflag:s2], $0x1  }
0x344: {  	s1 =	sor.u32 @!p1 $0x1C04, s1;
	s2 =	simm.s32 @!p1 $0x1C03;
	s0 =	sor.u32 @!p1 $0x80004000, s0  }
0x345: {  	[spmem:s5], [sflag:s1] =	dma.general @!p1 [spmem:s4], [sflag:s2], length:$0x4, [dreg:$0x0], stride_count:$0x0, ici_dest:s0, dma_misc:DstOpCode:WRITE  }
0x346: {  	p2 =	slt.s32 s9, $0x2;
	s4 =	simm.s32 @!p1 $0x40;
	s5 =	simm.s32 @!p1 $0x42  }
0x347: {  	[spmem:s5], [sflag:s1] =	dma.general @!p1 [spmem:s4], [sflag:s2], length:$0x2, [dreg:$0x0], stride_count:$0x0, ici_dest:s0, dma_misc:DstOpCode:WRITE  }
.Ltmp28:
0x348: {  	s0 =	simm.s32 @!p1 $0x3;
	(pc) =	sbr.rel @p2 .LBB2_37-.Ltmp28, $4  }
0x349: {  	s1 =	sshll.u32 @!p1 s8, $0xE;
	_ =	swait.ge @!p1 [sflag:s0], $0x6  }
0x34a: {  	s2 =	sshll.u32 @!p1 s7, $0x11;
	s1 =	sadd.s32 @!p1 $0x11C3C, s1;
	[sflag:s0] =	ssyncset.done @!p1 $0x0  }
0x34b: {  	[sflag:s0] =	ssyncadd.s32 @!p1 $0xFFFFFFFA;
	s0 =	sor.u32 @!p1 s2, s1  }
0x34c: {  	[sflag:s0] =	ssyncadd.remote.s32 @!p1 $0xFFFFFFFF;
	s0 =	simm.s32 $0x0  }
0x34d: {  	s0 =	simm.s32 $0x3659  }
0x34e: {  	v0 =	vld.msk [tilespmem:s0+$0x0], $0x1;
	_ =	sdelay $0x4  }
0x34f: {  	(v2sf) =	vpush v0, $0x0;
	_ =	sdelay $0xd  }
0x350: {  	s2 =	sadd.s32 $0xFFFFFFFE, s6  }
0x351: {  	s2 =	sadd.s32 $0xFFFFFFFF, s2;
	s0 =	spop (v2sf)  }
0x352: {  	p2 =	sne.s32 s2, $0x0;
	p1 =	sgt.u32 s0, $0x27FFE  }
.Ltmp29:
0x353: {  	s4 =	sand.u32 @!p1 $0x3FFF8, s0;
	(pc) =	sbr.rel @!p2 .LBB2_36-.Ltmp29, $4  }
0x354: {  	s1 =	simm.s32 $0x3688;
	s0 =	sand.u32 @!p1 $0x7, s0;
	s4 =	sadd.s32 @!p1 s3, s4  }
0x355: {  	[hbm4b:s4+s0] =	stream.linear.scatter @!p1 [tilespmem:s1], [sflag:$0x5], $0x10, $0x38;
	[tilespmem:$0x1F0F8] =	vst v63  }
0x356: {  	s0 =	simm.s32 $0x0  }
0x357: {  	s6 =	simm.s32 $0x0;
	s7 =	simm.s32 $0x365A;
	s0 =	simm.s32 @!p1 $0x40  }
.LBB2_35:
0x358: {  	v0 =	vld.msk [tilespmem:s7+$0x0], $0x1;
	s2 =	sadd.s32 $0xFFFFFFFF, s2;
	s6 =	sadd.s32 s6, s0  }
0x359: {  	p1 =	sne.s32 s2, $0x0;
	_ =	sdelay $0x3  }
0x35a: {  	(v2sf) =	vpush v0, $0x0;
	_ =	sdelay $0xe  }
.Ltmp30:
0x35b: {  	s4 =	spop (v2sf);
	(pc) =	sbr.rel @p1 .LBB2_35-.Ltmp30, $4  }
0x35c: {  	s0 =	simm.s32 $0x0;
	p2 =	sgt.u32 s4, $0x27FFE  }
0x35d: {  	s1 =	sadd.s32 $0x10, s1;
	s0 =	simm.s32 @!p2 $0x40;
	s5 =	sand.u32 @!p2 $0x3FFF8, s4  }
0x35e: {  	s7 =	sadd.s32 $0x1, s7;
	s4 =	sand.u32 @!p2 $0x7, s4;
	s5 =	sadd.s32 @!p2 s3, s5  }
0x35f: {  	[hbm4b:s5+s4] =	stream.linear.scatter @!p2 [tilespmem:s1], [sflag:$0x5], $0x10, $0x38;
	[tilespmem:$0x1F0F8] =	vst v63  }
.LBB2_36:
0x360: {  	s0 =	sadd.s32 s6, s0  }
0x361: {  	s0 =	sshrl.u32 s0, $0x2  }
.LBB2_37:
0x362: {  	s1 =	simm.s32 $0x5  }
0x363: {  	_ =	swait.ge [sflag:s1], s0  }
0x364: {  	s31 =	ssub.s32 $0x0, s0;
	[sflag:s1] =	ssyncset.done $0x0  }
0x365: {  	[sflag:s1] =	ssyncadd.s32 s31  }
0x366: {  	[sflag:s1] =	ssyncpa.u1 $0x1  }
.LBB2_38:
0x367: {  	s0 =	sor.u32 s17, s16  }
0x368: {  	p1 =	sne.s32 s0, $0x0  }
.Ltmp31:
0x369: {  	_ = 	snop;
	(pc) =	sbr.rel @p1 .LBB2_53-.Ltmp31, $3  }
0x36a: {  	_ =	sdelay $0x1  }
0x36b: {  	[bflag:$0x0] =	sbarrier.arrive $0xFFFF  }
0x36c: {  	_ =	sfence  }
0x36d: {  	s0 =	simm.s32 $0x7  }
0x36e: {  	s1 =	simm.s32 $0x200;
	s2 =	simm.s32 $0x3658;
	[sflag:s0] =	ssyncpa.u1 $0x0  }
0x36f: {  	[tilespmem:s2], [sflag:$0x7] =	stream.linear.gather [spmem:s1], $0x20, $0x38;
	[tilespmem:$0x1F0F8] =	vst v63  }
0x370: {  	s30 =	simm.s32 $0x3678;
	s1 =	simm.s32 $0x0  }
0x371: {  	[tilespmem:s30], [sflag:$0x7] =	stream.linear.gather [spmem:s1], $0x200, $0x38;
	[tilespmem:$0x1F0F8] =	vst v63  }
.Ltmp32:
0x372: {  	_ = 	snop;
	(pc) =	sbr.rel .LBB2_40-.Ltmp32, $4  }
0x373: {  	_ =	swait.ge [sflag:s0], $0x220  }
0x374: {  	[sflag:s0] =	ssyncset.done $0x0  }
0x375: {  	s31 =	simm.s32 $0x8;
	[sflag:s0] =	ssyncadd.s32 $0xFFFFFDE0  }
0x376: {  	s2 =	simm.s32 $0x0;
	[sflag:s31] =	ssyncpa.u1 $0x0  }
.LBB2_45:
0x377: {  	p1 =	slt.u32 s4, $0x27FFF  }
0x378: {  	s0 =	sand.u32 @p1 $0x3FFF8, s4  }
0x379: {  	s4 =	sand.u32 @p1 $0x7, s4;
	s5 =	simm.s32 @p1 $0x3638;
	s0 =	sadd.s32 @p1 s3, s0  }
0x37a: {  	[tilespmem:s5], [sflag:$0x8] =	stream.linear.gather @p1 [hbm4b:s0+s4], $0x10, $0x38;
	[tilespmem:$0x1F0F8] =	vst v63  }
0x37b: {  	s0 =	simm.s32 @p1 $0x8  }
0x37c: {  	_ =	swait.ge @p1 [sflag:s0], $0x10  }
0x37d: {  	[sflag:s0] =	ssyncset.done @p1 $0x0  }
0x37e: {  	[sflag:s0] =	ssyncadd.s32 @p1 $0xFFFFFFF0  }
0x37f: {  	v1 =	vld @p1 [tilespmem:$0x3638];
	_ =	sdelay $0x2  }
0x380: {  	s0 =	sshll.u32 @p1 s2, $0x6  }
0x381: {  	s5 =	sshll.u32 @!p1 s2, $0x6;
	s4 =	sshrl.u32 @p1 s0, $0x2  }
0x382: {  	s5 =	smov.u32 @p1 s0;
	[tilespmem:s4+$0x3678] =	vst.add.f32.msk @p1 $0xffff, v1  }
0x383: {  	s0 =	sshrl.u32 s5, $0x2;
	[tilespmem:s1+$0x3658] =	vst.msk $0x1, v0  }
0x384: {  	v0 =	vld [tilespmem:s0+$0x3678];
	_ =	sdelay $0x2  }
0x385: {  	s31 =	sshll.u32 s1, $0x6  }
0x386: {  	s0 =	sshra.s32 s31, $0x2  }
0x387: {  	s1 =	sadd.s32 $0x1, s1;
	[tilespmem:s0+$0x3678] =	vst v0  }
.LBB2_47:
0x388: {  	s2 =	sadd.s32 $0x1, s2  }
0x389: {  	p1 =	sne.s32 s2, $0x20  }
.Ltmp33:
0x38a: {  	_ = 	snop;
	(pc) =	sbr.rel @!p1 .LBB2_48-.Ltmp33, $1  }
0x38b: {  	_ =	sdelay $0x3  }
.LBB2_40:
0x38c: {  	v0 =	vld.msk [tilespmem:s2+$0x3658], $0x1;
	_ =	sdelay $0x4  }
0x38d: {  	(v2sf) =	vpush v0, $0x0;
	_ =	sdelay $0xe  }
0x38e: {  	s4 =	spop (v2sf)  }
0x38f: {  	p1 =	seq.s32 s4, $0xFFFFFFFF  }
.Ltmp34:
0x390: {  	_ = 	snop;
	(pc) =	sbr.rel @p1 .LBB2_47-.Ltmp34, $1  }
0x391: {  	_ =	sdelay $0x3  }
0x392: {  	p1 =	slt.s32 s1, $0x1  }
.Ltmp35:
0x393: {  	_ = 	snop;
	(pc) =	sbr.rel @p1 .LBB2_45-.Ltmp35, $1  }
0x394: {  	_ =	sdelay $0x3  }
0x395: {  	s5 =	simm.s32 $0x3658;
	p1 =	por $0x0, $0x0  }
0x396: {  	v1 =	vld.msk @!p1 [tilespmem:s5+$0x0], $0x1;
	_ =	sdelay $0x4  }
0x397: {  	(v2sf) =	vpush @!p1 v1, $0x0;
	_ =	sdelay $0xd  }
0x398: {  	p3 =	sne.s32 s1, $0x1  }
.Ltmp36:
0x399: {  	s0 =	spop @!p1 (v2sf);
	(pc) =	sbr.rel @!p3 .LBB2_44-.Ltmp36, $4  }
0x39a: {  	p2 =	seq.s32 @!p1 s4, s0  }
0x39b: {  	s6 =	simm.s32 $0x0;
	p2 =	por !p2, p1  }
0x39c: {  	s0 =	simm.s32 $0xFFFFFFFF;
	s6 =	simm.s32 @p2 $0xFFFFFFFF  }
0x39d: {  	s7 =	simm.s32 $0x1;
	s6 =	smov.u32 @p1 s0  }
.LBB2_43:
0x39e: {  	s0 =	smov.u32 s6;
	p1 =	sne.s32 s6, $0xFFFFFFFF  }
0x39f: {  	s5 =	sadd.s32 $0x1, s5;
	s6 =	smov.u32 s7;
	s7 =	sadd.s32 $0x1, s7  }
0x3a0: {  	p2 =	sne.s32 s1, s7;
	v1 =	vld.msk @!p1 [tilespmem:s5+$0x0], $0x1;
	_ =	sdelay $0x4  }
0x3a1: {  	(v2sf) =	vpush @!p1 v1, $0x0;
	_ =	sdelay $0xe  }
.Ltmp37:
0x3a2: {  	s8 =	spop @!p1 (v2sf);
	(pc) =	sbr.rel @p2 .LBB2_43-.Ltmp37, $4  }
0x3a3: {  	p3 =	seq.s32 @!p1 s4, s8  }
0x3a4: {  	p3 =	por !p3, p1  }
0x3a5: {  	s6 =	simm.s32 @p3 $0xFFFFFFFF  }
0x3a6: {  	s6 =	smov.u32 @p1 s0  }
.LBB2_44:
0x3a7: {  	p1 =	sne.s32 s6, $0xFFFFFFFF  }
.Ltmp38:
0x3a8: {  	_ = 	snop;
	(pc) =	sbr.rel @!p1 .LBB2_45-.Ltmp38, $1  }
0x3a9: {  	_ =	sdelay $0x3  }
0x3aa: {  	s0 =	sshll.u32 s2, $0x4  }
0x3ab: {  	s0 =	sand.u32 $0x3FFFFFF0, s0  }
0x3ac: {  	v0 =	vld [tilespmem:s0+$0x3678]  }
.Ltmp39:
0x3ad: {  	_ = 	snop;
	(pc) =	sbr.rel .LBB2_47-.Ltmp39, $4  }
0x3ae: {  	_ = 	snop  }
0x3af: {  	s31 =	sshll.u32 s6, $0x6  }
0x3b0: {  	s0 =	sshra.s32 s31, $0x2  }
0x3b1: {  	[tilespmem:s0+$0x3678] =	vst.add.f32.msk $0xffff, v0  }
.LBB2_48:
0x3b2: {  	p1 =	slt.s32 s1, $0x1  }
.Ltmp40:
0x3b3: {  	_ = 	snop;
	(pc) =	sbr.rel @p1 .LBB2_52-.Ltmp40, $3  }
0x3b4: {  	_ =	sdelay $0x1  }
0x3b5: {  	s0 =	simm.s32 $0x8  }
0x3b6: {  	s2 =	simm.s32 $0x0;
	[sflag:s0] =	ssyncpa.u1 $0x1  }
0x3b7: {  	s0 =	simm.s32 $0x3658  }
0x3b8: {  	v0 =	vld.msk [tilespmem:s0+$0x0], $0x1;
	_ =	sdelay $0x4  }
0x3b9: {  	(v2sf) =	vpush v0, $0x0;
	_ =	sdelay $0xe  }
0x3ba: {  	s1 =	sadd.s32 $0xFFFFFFFF, s1;
	s0 =	spop (v2sf)  }
0x3bb: {  	p2 =	sne.s32 s1, $0x0;
	p1 =	sgt.u32 s0, $0x27FFE  }
.Ltmp41:
0x3bc: {  	s5 =	sand.u32 @!p1 $0x3FFF8, s0;
	(pc) =	sbr.rel @!p2 .LBB2_51-.Ltmp41, $4  }
0x3bd: {  	s4 =	simm.s32 $0x3678;
	s0 =	sand.u32 @!p1 $0x7, s0;
	s5 =	sadd.s32 @!p1 s3, s5  }
0x3be: {  	[hbm4b:s5+s0] =	stream.linear.scatter @!p1 [tilespmem:s4], [sflag:$0x7], $0x10, $0x38;
	[tilespmem:$0x1F0F8] =	vst v63  }
0x3bf: {  	s0 =	simm.s32 $0x0  }
0x3c0: {  	s5 =	simm.s32 $0x3659;
	s0 =	simm.s32 @!p1 $0x40  }
.LBB2_50:
0x3c1: {  	v0 =	vld.msk [tilespmem:s5+$0x0], $0x1;
	s1 =	sadd.s32 $0xFFFFFFFF, s1;
	s2 =	sadd.s32 s2, s0  }
0x3c2: {  	p1 =	sne.s32 s1, $0x0;
	_ =	sdelay $0x3  }
0x3c3: {  	(v2sf) =	vpush v0, $0x0;
	_ =	sdelay $0xe  }
.Ltmp42:
0x3c4: {  	s6 =	spop (v2sf);
	(pc) =	sbr.rel @p1 .LBB2_50-.Ltmp42, $4  }
0x3c5: {  	s0 =	simm.s32 $0x0;
	p2 =	sgt.u32 s6, $0x27FFE  }
0x3c6: {  	s4 =	sadd.s32 $0x10, s4;
	s0 =	simm.s32 @!p2 $0x40;
	s7 =	sand.u32 @!p2 $0x3FFF8, s6  }
0x3c7: {  	s5 =	sadd.s32 $0x1, s5;
	s6 =	sand.u32 @!p2 $0x7, s6;
	s7 =	sadd.s32 @!p2 s3, s7  }
0x3c8: {  	[hbm4b:s7+s6] =	stream.linear.scatter @!p2 [tilespmem:s4], [sflag:$0x7], $0x10, $0x38;
	[tilespmem:$0x1F0F8] =	vst v63  }
.LBB2_51:
0x3c9: {  	s0 =	sadd.s32 s2, s0  }
0x3ca: {  	s2 =	sshrl.u32 s0, $0x2  }
.LBB2_52:
0x3cb: {  	s0 =	simm.s32 $0x7  }
0x3cc: {  	_ =	swait.ge [sflag:s0], s2  }
0x3cd: {  	s1 =	ssub.s32 $0x0, s2;
	[sflag:s0] =	ssyncset.done $0x0  }
0x3ce: {  	[sflag:s0] =	ssyncadd.s32 s1  }
0x3cf: {  	[sflag:s0] =	ssyncpa.u1 $0x1  }
.LBB2_53:
0x3d0: {  	_ =	sfence;
	s0 =	simm.s32 $0x1  }
0x3d1: {  	[sflag:s0] =	ssyncpa.u1 $0x1  }
0x3d2: {  	_ =	strace $0x90000050  }
0x3d3: {  	[bflag:$0x2] =	sbarrier.arrive $0xFFFF  }
0x3d4: {  	s0 =	rddreg [dreg:$0x3]  }
0x3d5: {  	s0 =	sadd.s32 @!p0 $0x100000, s0  }
0x3d6: {  	[sflag:s0] =	ssyncadd.tile.s32 @!p0 $0x1;
	_ =	shalt  }
.Lfunc_end2:
_tile_overlayer_lowered:
.L_overlay_start_2:
0x3d7: {  	(tag) =	ssettag $0x2  }
0x3d8: {  	s0 =	rddreg [dreg:$0x0];
	s2 =	stileid.u32  }
0x3d9: {  	s1 =	rddreg [dreg:$0x1];
	p0 =	sne.s32 s2, $0x0  }
0x3da: {  	s3 =	rddreg [dreg:$0x2];
	[bflag:$0x3] =	sbarrier.arrive $0xFFFF;
	s2 =	simm.s32 @!p0 $0x1C01  }
0x3db: {  	[timem:s3], [sflag:s2] =	dma.local @!p0 [hbm:s0], s1  }
0x3dc: {  	s0 =	simm.s32 @!p0 $0x1  }
0x3dd: {  	_ =	swait.ge @!p0 [sflag:s0], s1  }
0x3de: {  	s1 =	ssub.s32 @!p0 $0x0, s1;
	[sflag:s0] =	ssyncset.done @!p0 $0x0  }
0x3df: {  	[sflag:s0] =	ssyncadd.s32 @!p0 s1  }
0x3e0: {  	[bflag:$0x3] =	sbarrier.arrive $0xFFFF  }
0x3e1: {  	_ =	shalt  }

// kernel: sparse-core-data-format-call.1.cloned.1.call-start
scs
called_computation.4_lowered:
.L_overlay_start_0:
0x0: {  	s2 =	sld [smem:$0x3FD9]  }
0x1: {  	s3 =	sld [smem:$0x3FFE];
	_ =	sdelay $0x1  }
0x2: {  	s1 =	srdreg.scid  }
0x3: {  	s0 =	sand.u32 $0x1, s1  }
0x4: {  	s18 =	sshll.u32 s0, $0xA;
	s2 =	sadd.s32 s3, s2  }
0x5: {  	s2 =	sadd.s32 s2, s18  }
0x6: {  	[smem:$0x3FB6] =	sst s2  }
0x7: {  	_ = 	snop  }
0x8: {  	(tm) =	ssettm $0x1  }
0x9: {  	s19 =	sld [smem:$0x3FFB];
	_ =	sdelay $0x3  }
0xa: {  	_ =	strace s19  }
0xb: {  	s2 =	sld [smem:$0x3FFC];
	_ =	sdelay $0x3  }
0xc: {  	_ =	strace s2  }
0xd: {  	s2 =	sld [smem:$0x3FFD];
	_ =	sdelay $0x3  }
0xe: {  	_ =	strace s2  }
0xf: {  	_ =	strace $0x8FFFFFFF  }
0x10: {  	s20 =	sld [smem:$0x3FDB];
	_ =	sdelay $0x1  }
0x11: {  	s21 =	simm.s32 $_scs_section_size  }
0x12: {  	s4 =	simm.s32 $_size__tile_overlayer_lowered;
	s5 =	simm.s32 $_tile_overlayer_lowered  }
0x13: {  	s6 =	simm.s32 $0x1BFF;
	s22 =	sshll.u32 s5, $0x1;
	s3 =	sadd.s32 s21, s20  }
0x14: {  	s23 =	simm.s32 $0x0;
	s4 =	sshll.u32 s4, $0x1;
	s5 =	sadd.s32 s22, s3  }
0x15: {  	[timem:s23], [sflag:s6] =	dma.local [hbm:s5], s4  }
0x16: {  	_ =	swait.ge [sflag:s6], s4  }
0x17: {  	s4 =	ssub.s32 $0x0, s4;
	[sflag:s6] =	ssyncset.done $0x0  }
0x18: {  	[sflag:s6] =	ssyncadd.s32 s4;
	_ =	sdelay $0x1  }
0x19: {  	s24 =	simm.s32 $0x1B8B  }
0x1a: {  	_ =	swait.ge [sflag:s24], $0x1  }
0x1b: {  	[sflag:s24] =	ssyncset.done $0x0  }
0x1c: {  	[sflag:s24] =	ssyncadd.s32 $0xFFFFFFFF  }
0x1d: {  	s4 =	sld [smem:$0x0]  }
0x1e: {  	s5 =	sand.u32 $0xFFFFFFFE, s1  }
0x1f: {  	p0 =	sne.s32 s1, s5  }
0x20: {  	s5 =	sshll.u32 @p0 s5, $0xE  }
0x21: {  	s5 =	sadd.s32 @p0 $0x11B8D, s5;
	s6 =	sshll.u32 @p0 s4, $0x11  }
0x22: {  	s5 =	sor.u32 @p0 s6, s5  }
0x23: {  	[sflag:s5] =	ssyncadd.remote.s32 @p0 $0x1;
	_ =	sdelay $0x1  }
0x24: {  	s5 =	simm.s32 @p0 $0x1B8D  }
0x25: {  	_ =	swait.eq @p0 [sflag:s5], $0x1  }
0x26: {  	[sflag:s5] =	ssyncadd.s32 @p0 $0xFFFFFFFF  }
0x27: {  	s6 =	sshll.u32 @!p0 s1, $0xE  }
0x28: {  	s6 =	sor.u32 @!p0 $0x4000, s6;
	s5 =	simm.s32 @!p0 $0x1B8D  }
0x29: {  	s4 =	sshll.u32 @!p0 s4, $0x11;
	s6 =	sadd.s32 @!p0 $0x11B8D, s6;
	_ =	swait.eq @!p0 [sflag:s5], $0x1  }
0x2a: {  	s4 =	sor.u32 @!p0 s4, s6;
	[sflag:s5] =	ssyncadd.s32 @!p0 $0xFFFFFFFF  }
0x2b: {  	s26 =	simm.s32 $0x1B8E;
	s25 =	sld [smem:$0x3FFE];
	[sflag:s4] =	ssyncadd.remote.s32 @!p0 $0x1  }
0x2c: {  	s27 =	simm.s32 $execute0_lowered;
	[smem:$0x3FD2] =	sst s26  }
0x2d: {  	s5 =	sshll.u32 s27, $0x1;
	_ =	strace $0x8000004C;
	[dreg:$0x1] =	wrdreg $0xFFFFFFFF  }
0x2e: {  	s28 =	simm.s32 $_size_execute0_lowered;
	s3 =	sadd.s32 s3, s5;
	[dreg:$0x0] =	wrdreg $0x0  }
0x2f: {  	s5 =	sshll.u32 s28, $0x1;
	[dreg:$0x2] =	wrdreg s3  }
0x30: {  	[dreg:$0x3] =	wrdreg s5  }
0x31: {  	[dreg:$0x4] =	wrdreg $0xC0  }
0x32: {  	_ =	task [dreg:s23], $0x5FFFF  }
0x33: {  	[dreg:$0x1] =	wrdreg $0xFFFFFFFF  }
0x34: {  	[dreg:$0x0] =	wrdreg $0x60  }
0x35: {  	[dreg:$0x2] =	wrdreg s25  }
0x36: {  	[dreg:$0x3] =	wrdreg $0xB  }
0x37: {  	_ =	task.clear_ibuf [dreg:s23], $0x4FFFF;
	_ =	strace $0x9000004C  }
0x38: {  	s29 =	simm.s32 $0xB;
	_ =	strace $0x8000004E  }
0x39: {  	_ =	swait.ge [sflag:s29], $0x1  }
0x3a: {  	[sflag:s29] =	ssyncadd.s32 $0xFFFFFFFF  }
0x3b: {  	_ =	strace $0x9000004E  }
0x3c: {  	_ =	sfence  }
0x3d: {  	s30 =	sld [smem:$0x0];
	_ =	sdelay $0x2  }
0x3e: {  	s31 =	sshll.u32 s1, $0xD;
	s1 =	sshrl.u32 s1, $0x2  }
0x3f: {  	s4 =	sand.u32 $0x4000, s31;
	s1 =	sadd.s32 s1, s30  }
0x40: {  	s0 =	sor.u32 s4, s0;
	s1 =	sshll.u32 s1, $0x11  }
0x41: {  	s0 =	sor.u32 s1, s0  }
0x42: {  	s0 =	sadd.s32 $0x8F2B, s0  }
0x43: {  	[sflag:s0] =	ssyncadd.remote.s32 $0x1  }
0x44: {  	_ =	sfence.sel $0xFFFF  }
0x45: {  	[dreg:$0x0] =	wrdreg $0xFFFFFFFF;
	(pc) =	sbr.abs _section_cstart, $3  }
0x46: {  	[dreg:$0x1] =	wrdreg $0xFFFFFFFF  }
0x47: {  	_ =	task.clear_ibuf [dreg:s23], $0x2FFFF;
	_ =	strace $0x9FFFFFFF  }
0x48: {  	(tm) =	ssettm $0x7FFFFFFF  }
0x49: {  	_ =	shalt  }
tec
execute0_lowered:
.L_overlay_start_1:
0x0: {  	(tag) =	ssettag $0x1  }
0x1: {  	s0 =	srdreg.scid  }
0x2: {  	s1 =	sshll.u32 s0, $0x4  }
0x3: {  	s0 =	stileid.u32;
	s1 =	sand.u32 $0x10, s1  }
0x4: {  	s1 =	sor.u32 s0, s1  }
0x5: {  	s6 =	rddreg [dreg:$0x0];
	s7 =	simm.s32 $0x2;
	s2 =	sshll.u32 s1, $0x7  }
0x6: {  	s13 =	simm.s32 $0x0;
	s8 =	simm.s32 $0x1800;
	s1 =	ssub.s32 $0xDE00, s2  }
0x7: {  	s12 =	simm.s32 $0x0;
	s10 =	simm.s32 $0x0;
	s3 =	sand.u32 $0xF80, s1  }
0x8: {  	s11 =	simm.s32 $0x0;
	p0 =	sne.s32 s3, $0x0;
	s3 =	simm.s32 $0x1  }
.Ltmp0:
0x9: {  	s4 =	sshrl.u32 s1, $0xC;
	s3 =	simm.s32 @!p0 $0x0;
	(pc) =	sbr.rel .LBB1_1-.Ltmp0, $4  }
0xa: {  	s5 =	sadd.s32 $0x1817A00, s6;
	s1 =	rddreg [dreg:$0x1];
	s4 =	sadd.s32 s3, s4  }
0xb: {  	_ =	strace $0x8000004D;
	s3 =	simm.s32 $0x1;
	s4 =	smul.u32 $0x6, s4  }
0xc: {  	s6 =	sadd.s32 $0x1CA5200, s6;
	s9 =	smov.u32 s2;
	[sflag:s3] =	ssyncpa.u1 $0x0  }
0xd: {  	p0 =	por $0x0, $0x0;
	[sflag:s7] =	ssyncpa.u1 $0x0;
	s7 =	sor.u32 $0x1, s4  }
.LBB1_4:
0xe: {  	s19 =	sshrl.u32 s13, $0x3  }
0xf: {  	s20 =	sshll.u32 s12, $0x3;
	s19 =	smul.u32 $0x1800, s19  }
0x10: {  	s24 =	sshll.u32 s13, $0x7;
	s20 =	sand.u32 $0xFFFFFC00, s20  }
0x11: {  	s13 =	sand.u32 $0x380, s24;
	s19 =	sadd.s32 s20, s19  }
0x12: {  	s13 =	sor.u32 s13, s19  }
0x13: {  	v5 =	vld [tilespmem:s16+$0xFFFFFFD0];
	[tilespmem:s17+$0x2040 ss:$0x81] =	vst.msk $0xffff, v4;
	s25 =	sand.u32 $0x7F, s12;
	s19 =	smulhi.u32 $0xAAAAAAAB, s13  }
0x14: {  	v58 =	vld [tilespmem:s16+$0xFFFFFFE0];
	[tilespmem:s17+$0x2850 ss:$0x81] =	vst.msk $0xffff, v3;
	s12 =	sor.u32 s25, s13  }
0x15: {  	s26 =	sshra.s32 s18, $0x2;
	v59 =	vld [tilespmem:s16+$0xFFFFFFF0];
	[tilespmem:s17+$0x3060 ss:$0x81] =	vst.msk $0xffff, v2;
	s27 =	smulhi.u32 $0xAAAAAAAB, s12;
	s19 =	sshrl.u32 s19, $0x9  }
0x16: {  	v60 =	vld [tilespmem:s16+$0x0];
	[tilespmem:s17+$0x0 ss:$0x81] =	vst.msk $0xffff, v0;
	s13 =	sadd.s32 s26, s15;
	s28 =	smulhi.u32 $0x49CD43, s19  }
0x17: {  	v61 =	vld [tilespmem:s16+$0x10];
	[tilespmem:s13+$0x3870 ss:$0x81] =	vst.msk $0xffff, v1;
	s29 =	sshrl.u32 s27, $0x9  }
0x18: {  	v62 =	vld [tilespmem:s16+$0x20];
	[tilespmem:s13+$0x810 ss:$0x81] =	vst.msk $0xffff, v5;
	s17 =	smul.u32 $0x300, s29;
	s15 =	sshrl.u32 s28, $0x6  }
0x19: {  	v63 =	vld [tilespmem:s16+$0xFFFFFFC0];
	[tilespmem:s13+$0x1020 ss:$0x81] =	vst.msk $0xffff, v58;
	s15 =	smul.u32 $0xDE00, s15  }
0x1a: {  	[tilespmem:s13+$0x1830 ss:$0x81] =	vst.msk $0xffff, v59  }
0x1b: {  	[tilespmem:s13+$0x2040 ss:$0x81] =	vst.msk $0xffff, v60;
	s12 =	ssub.s32 s12, s17;
	s15 =	ssub.s32 s19, s15  }
0x1c: {  	[tilespmem:s13+$0x2850 ss:$0x81] =	vst.msk $0xffff, v61;
	s30 =	sshrl.u32 s12, $0x3;
	s12 =	sand.u32 $0x7, s12;
	s15 =	smul.u32 $0x60, s15  }
0x1d: {  	[tilespmem:s13+$0x3060 ss:$0x81] =	vst.msk $0xffff, v62;
	s16 =	sadd.s32 s6, s30;
	s12 =	sshll.u32 s12, $0x12  }
0x1e: {  	[tilespmem:s13+$0x0 ss:$0x81] =	vst.msk $0xffff, v63;
	s12 =	sor.u32 $0x400, s12;
	s31 =	sadd.s32 s15, s16  }
0x1f: {  	[hbm4b:s31+s12] =	stream.strided.scatter [tilespmem:s14], [sflag:$0x2], $0x4000, s8, s12, $0x20;
	[tilespmem:$0x10100] =	vst v63  }
.LBB1_5:
0x20: {  	s14 =	sadd.s32 $0x1000, s9  }
0x21: {  	s12 =	sadd.s32 $0x80, s10;
	s16 =	smov.u32 s10;
	p2 =	sgt.s32 s14, $0xDDFF  }
0x22: {  	s16 =	smov.u32 @p2 s12  }
0x23: {  	s14 =	smov.u32 @p2 s2;
	p2 =	sgt.s32 s16, $0x29F  }
0x24: {  	s16 =	simm.s32 @p2 $0x0;
	p2 =	sne.s32 s11, s7  }
.Ltmp1:
0x25: {  	p1 =	slt.u32 s11, $0x2;
	(pc) =	sbr.rel @!p2 .LBB1_6-.Ltmp1, $4  }
0x26: {  	s15 =	simm.s32 @!p1 $0x2  }
0x27: {  	s13 =	smov.u32 s9;
	p0 =	por !p0, !p0;
	_ =	swait.ge @!p1 [sflag:s15], $0x4000  }
0x28: {  	s12 =	smov.u32 s10;
	[sflag:s15] =	ssyncset.done @!p1 $0x0;
	s9 =	smov.u32 s14  }
0x29: {  	s11 =	sadd.s32 $0x1, s11;
	[sflag:s15] =	ssyncadd.s32 @!p1 $0xFFFFC000;
	s10 =	smov.u32 s16  }
.LBB1_1:
0x2a: {  	p1 =	sge.u32 s11, s4  }
0x2b: {  	s14 =	sshrl.u32 @!p1 s10, $0x3  }
0x2c: {  	s18 =	smov.u32 s9;
	s15 =	sshll.u32 @!p1 s9, $0x3;
	s14 =	smul.u32 @!p1 $0x6F000, s14  }
0x2d: {  	s31 =	sadd.s32 $0xFFFFFFFF, s11;
	s16 =	sshll.u32 @!p1 s10, $0x7;
	s15 =	sand.u32 @!p1 $0xFFFFFC00, s15  }
0x2e: {  	p2 =	sgt.s32 @!p1 s10, $0x220;
	s14 =	sadd.s32 @!p1 s14, s15;
	s15 =	sand.u32 @!p1 $0x380, s16  }
0x2f: {  	s17 =	sshra.s32 @!p1 s10, $0x1F;
	s16 =	sand.u32 @!p1 $0x7F, s9;
	s14 =	sor.u32 @!p1 s15, s14  }
0x30: {  	p2 =	por !p2, p1;
	s15 =	sor.u32 @!p1 s16, s14;
	s16 =	smov.u32 s10  }
0x31: {  	s14 =	sshrl.u32 @!p1 s14, $0x9;
	s16 =	simm.s32 @p2 $0x220;
	p2 =	sgt.s32 @!p1 s9, $0xDD80  }
0x32: {  	s19 =	sshra.s32 @!p1 s9, $0x1F;
	s14 =	smulhi.u32 @!p1 $0x24E6A18, s14;
	p2 =	por !p2, p1  }
0x33: {  	s17 =	sand.u32 @!p1 s17, s10;
	s19 =	sand.u32 @!p1 s19, s9;
	s18 =	simm.s32 @p2 $0xDD80  }
0x34: {  	s16 =	ssub.s32 @!p1 s16, s17;
	s20 =	smul.u32 @!p1 $0xDE00, s14;
	s17 =	ssub.s32 @!p1 s18, s19  }
0x35: {  	s18 =	smulhi.u32 @!p1 $0x618619, s14;
	s19 =	sadd.s32 @!p1 $0xFFFFFDE0, s16;
	s16 =	ssub.s32 @!p1 $0x2A0, s16  }
0x36: {  	s21 =	sadd.s32 @!p1 $0xFFFF2280, s17;
	s15 =	ssub.s32 @!p1 s15, s20;
	p2 =	sgt.s32 @!p1 s19, $0x7F  }
0x37: {  	s19 =	sxor.u32 @!p1 $0xFFFFFFFF, s11;
	s17 =	ssub.s32 @!p1 $0xDE00, s17;
	p3 =	sgt.s32 @!p1 s21, $0x7F  }
0x38: {  	s18 =	smul.u32 @!p1 $0x2A0, s18;
	p2 =	por !p2, p1;
	p3 =	por !p3, p1  }
0x39: {  	s19 =	sshll.u32 @!p1 s19, $0xE;
	s16 =	simm.s32 @!p2 $0x0;
	s17 =	simm.s32 @!p3 $0x0  }
0x3a: {  	s19 =	sand.u32 @!p1 $0x4000, s19;
	s14 =	ssub.s32 @!p1 s14, s18;
	s16 =	smul.u32 @!p1 s16, s17  }
0x3b: {  	s14 =	smul.u32 @!p1 $0x1BC0, s14;
	s17 =	sshrl.u32 @!p1 s15, $0x3;
	s15 =	sand.u32 @!p1 $0x7, s15  }
0x3c: {  	s17 =	sadd.s32 @!p1 s5, s17;
	s15 =	sshll.u32 @!p1 s15, $0x12;
	s16 =	sand.u32 @!p1 $0x3FFFFFFF, s16  }
0x3d: {  	s14 =	sadd.s32 @!p1 s14, s17;
	s15 =	sor.u32 @!p1 $0x400, s15;
	s17 =	simm.s32 @!p1 $0x6F000  }
0x3e: {  	[tilespmem:s19], [sflag:$0x1] =	stream.strided.gather @!p1 [hbm4b:s14+s15], s16, s17, s15, $0x38;
	[tilespmem:$0x10100] =	vst v63  }
0x3f: {  	p1 =	sge.u32 s31, s4  }
.Ltmp2:
0x40: {  	_ = 	snop;
	(pc) =	sbr.rel @p1 .LBB1_5-.Ltmp2, $1  }
0x41: {  	_ =	sdelay $0x3  }
0x42: {  	p1 =	sgt.s32 s12, $0x220  }
0x43: {  	s14 =	smov.u32 s12;
	s15 =	sshra.s32 s12, $0x1F;
	s16 =	smov.u32 s13  }
0x44: {  	s17 =	sshra.s32 s13, $0x1F;
	s14 =	simm.s32 @!p1 $0x220;
	p1 =	sgt.s32 s13, $0xDD80  }
0x45: {  	s15 =	sand.u32 s15, s12;
	s27 =	sand.u32 s17, s13;
	s16 =	simm.s32 @!p1 $0xDD80  }
0x46: {  	s14 =	ssub.s32 s14, s15;
	s15 =	ssub.s32 s16, s27  }
0x47: {  	s28 =	sadd.s32 $0xFFFFFDE0, s14;
	s14 =	ssub.s32 $0x2A0, s14;
	s16 =	sadd.s32 $0xFFFF2280, s15  }
0x48: {  	p1 =	sgt.s32 s28, $0x7F;
	s15 =	ssub.s32 $0xDE00, s15;
	p2 =	sgt.s32 s16, $0x7F  }
0x49: {  	s14 =	simm.s32 @p1 $0x0;
	s15 =	simm.s32 @p2 $0x0  }
0x4a: {  	s14 =	smul.u32 s14, s15;
	_ =	sdelay $0x1  }
0x4b: {  	s15 =	simm.s32 $0x1;
	s14 =	sand.u32 $0x3FFFFFFF, s14  }
0x4c: {  	s15 =	simm.s32 @!p0 $0x0;
	_ =	swait.ge [sflag:s3], s14  }
0x4d: {  	s29 =	sshll.u32 s15, $0xE;
	s14 =	ssub.s32 $0x0, s14;
	[sflag:s3] =	ssyncset.done $0x0  }
0x4e: {  	s16 =	sor.u32 $0x40, s29;
	[sflag:s3] =	ssyncadd.s32 s14  }
0x4f: {  	s30 =	smul.u32 $0x10200, s15;
	v0 =	vld [tilespmem:s16+$0x30]  }
0x50: {  	v1 =	vld [tilespmem:s16+$0xFFFFFFD0]  }
0x51: {  	s14 =	sshrl.u32 s30, $0x2;
	v5 =	vld [tilespmem:s16+$0xFFFFFFE0]  }
0x52: {  	s15 =	sor.u32 $0x8000, s14;
	v6 =	vld [tilespmem:s16+$0xFFFFFFF0]  }
0x53: {  	s31 =	sand.u32 $0x1, s11;
	v4 =	vld [tilespmem:s16+$0x0];
	s17 =	sadd.s32 $0x0, s15  }
0x54: {  	s14 =	smul.u32 $0x10200, s31;
	v3 =	vld [tilespmem:s16+$0x10];
	[tilespmem:s17+$0x3870 ss:$0x81] =	vst.msk $0xffff, v0  }
0x55: {  	v2 =	vld [tilespmem:s16+$0x20];
	[tilespmem:s17+$0x810 ss:$0x81] =	vst.msk $0xffff, v1  }
0x56: {  	s14 =	sshrl.u32 s14, $0x2;
	v0 =	vld [tilespmem:s16+$0xFFFFFFC0];
	[tilespmem:s17+$0x1020 ss:$0x81] =	vst.msk $0xffff, v5;
	s16 =	sadd.s32 $0x80, s16  }
0x57: {  	s18 =	simm.s32 $0x4;
	s19 =	simm.s32 $0x8;
	s14 =	sor.u32 $0x8000, s14;
	[tilespmem:s17+$0x1830 ss:$0x81] =	vst.msk $0xffff, v6;
	v1 =	vld [tilespmem:s16+$0x30]  }
.LBB1_3:
0x58: {  	p1 =	sne.s32 s19, $0x1FC;
	v5 =	vld [tilespmem:s16+$0xFFFFFFD0];
	[tilespmem:s17+$0x2040 ss:$0x81] =	vst.msk $0xffff, v4  }
0x59: {  	v6 =	vld [tilespmem:s16+$0xFFFFFFE0];
	[tilespmem:s17+$0x2850 ss:$0x81] =	vst.msk $0xffff, v3  }
0x5a: {  	s20 =	sshra.s32 s18, $0x2;
	s18 =	smov.u32 s19;
	v7 =	vld [tilespmem:s16+$0xFFFFFFF0];
	[tilespmem:s17+$0x3060 ss:$0x81] =	vst.msk $0xffff, v2  }
.Ltmp3:
0x5b: {  	v4 =	vld [tilespmem:s16+$0x0];
	[tilespmem:s17+$0x0 ss:$0x81] =	vst.msk $0xffff, v0;
	s17 =	sadd.s32 s20, s15;
	(pc) =	sbr.rel @p1 .LBB1_3-.Ltmp3, $4  }
0x5c: {  	v3 =	vld [tilespmem:s16+$0x10];
	[tilespmem:s17+$0x3870 ss:$0x81] =	vst.msk $0xffff, v1  }
0x5d: {  	[tilespmem:s17+$0x810 ss:$0x81] =	vst.msk $0xffff, v5;
	v2 =	vld [tilespmem:s16+$0x20]  }
0x5e: {  	v0 =	vld [tilespmem:s16+$0xFFFFFFC0];
	[tilespmem:s17+$0x1020 ss:$0x81] =	vst.msk $0xffff, v6;
	s16 =	sadd.s32 $0x80, s16  }
0x5f: {  	s19 =	sadd.s32 $0x4, s19;
	v1 =	vld [tilespmem:s16+$0x30];
	[tilespmem:s17+$0x1830 ss:$0x81] =	vst.msk $0xffff, v7  }
.Ltmp4:
0x60: {  	_ = 	snop;
	(pc) =	sbr.rel .LBB1_4-.Ltmp4, $1  }
0x61: {  	_ =	sdelay $0x3  }
.LBB1_6:
0x62: {  	_ =	sfence.sel $0x180000  }
0x63: {  	s2 =	simm.s32 $0x1;
	[bflag:$0x0] =	sbarrier.arrive $0xFFFF  }
0x64: {  	s31 =	simm.s32 $0x2;
	[sflag:s2] =	ssyncpa.u1 $0x1  }
0x65: {  	[sflag:s31] =	ssyncpa.u1 $0x1  }
0x66: {  	p0 =	sne.s32 s0, $0x0;
	_ =	strace $0x9000004D  }
0x67: {  	s0 =	sadd.s32 @!p0 $0x100000, s1;
	[bflag:$0x2] =	sbarrier.arrive $0xFFFF  }
0x68: {  	[sflag:s0] =	ssyncadd.tile.s32 @!p0 $0x1;
	_ =	shalt  }
.Lfunc_end1:
_tile_overlayer_lowered:
.L_overlay_start_2:
0x69: {  	(tag) =	ssettag $0x2  }
0x6a: {  	s0 =	rddreg [dreg:$0x0];
	s2 =	stileid.u32  }
0x6b: {  	s1 =	rddreg [dreg:$0x1];
	p0 =	sne.s32 s2, $0x0  }
0x6c: {  	s3 =	rddreg [dreg:$0x2];
	[bflag:$0x3] =	sbarrier.arrive $0xFFFF;
	s2 =	simm.s32 @!p0 $0x1C01  }
0x6d: {  	[timem:s3], [sflag:s2] =	dma.local @!p0 [hbm:s0], s1  }
0x6e: {  	s0 =	simm.s32 @!p0 $0x1  }
0x6f: {  	_ =	swait.ge @!p0 [sflag:s0], s1  }
0x70: {  	s1 =	ssub.s32 @!p0 $0x0, s1;
	[sflag:s0] =	ssyncset.done @!p0 $0x0  }
0x71: {  	[sflag:s0] =	ssyncadd.s32 @!p0 s1  }
0x72: {  	[bflag:$0x3] =	sbarrier.arrive $0xFFFF  }
0x73: {  	_ =	shalt  }

// kernel: sparse-core-data-format-call.2.cloned.1.call-start
scs
called_computation.5_lowered:
.L_overlay_start_0:
0x0: {  	s1 =	sld [smem:$0x3FD9]  }
0x1: {  	s2 =	sld [smem:$0x3FFE];
	_ =	sdelay $0x1  }
0x2: {  	s3 =	srdreg.scid  }
0x3: {  	s0 =	sand.u32 $0x1, s3  }
0x4: {  	s17 =	sshll.u32 s0, $0xA;
	s1 =	sadd.s32 s2, s1  }
0x5: {  	s1 =	sadd.s32 s1, s17  }
0x6: {  	[smem:$0x3FB6] =	sst s1  }
0x7: {  	_ = 	snop  }
0x8: {  	(tm) =	ssettm $0x1  }
0x9: {  	s18 =	sld [smem:$0x3FFB];
	_ =	sdelay $0x3  }
0xa: {  	_ =	strace s18  }
0xb: {  	s1 =	sld [smem:$0x3FFC];
	_ =	sdelay $0x3  }
0xc: {  	_ =	strace s1  }
0xd: {  	s1 =	sld [smem:$0x3FFD];
	_ =	sdelay $0x3  }
0xe: {  	_ =	strace s1  }
0xf: {  	_ =	strace $0x8FFFFFFF  }
0x10: {  	s19 =	sld [smem:$0x3FDB];
	_ =	sdelay $0x1  }
0x11: {  	s20 =	simm.s32 $_scs_section_size  }
0x12: {  	s4 =	simm.s32 $_size__tile_overlayer_lowered;
	s5 =	simm.s32 $_tile_overlayer_lowered  }
0x13: {  	s23 =	simm.s32 $0x1BFF;
	s22 =	sshll.u32 s5, $0x1;
	s1 =	sadd.s32 s20, s19  }
0x14: {  	s6 =	simm.s32 $0x0;
	s21 =	sshll.u32 s4, $0x1;
	s4 =	sadd.s32 s22, s1  }
0x15: {  	[timem:s6], [sflag:s23] =	dma.local [hbm:s4], s21  }
0x16: {  	_ =	swait.ge [sflag:s23], s21  }
0x17: {  	s2 =	ssub.s32 $0x0, s21;
	[sflag:s23] =	ssyncset.done $0x0  }
0x18: {  	[sflag:s23] =	ssyncadd.s32 s2;
	_ =	sdelay $0x1  }
0x19: {  	s24 =	simm.s32 $0x1B8B  }
0x1a: {  	_ =	swait.ge [sflag:s24], $0x1  }
0x1b: {  	[sflag:s24] =	ssyncset.done $0x0  }
0x1c: {  	s26 =	simm.s32 $0x1B8E;
	s25 =	sld [smem:$0x3FFE];
	[sflag:s24] =	ssyncadd.s32 $0xFFFFFFFF  }
0x1d: {  	s27 =	simm.s32 $execute0_lowered;
	[smem:$0x3FD2] =	sst s26  }
0x1e: {  	s4 =	sshll.u32 s27, $0x1;
	_ =	strace $0x80000046;
	[dreg:$0x1] =	wrdreg $0xFFFFFFFF  }
0x1f: {  	s28 =	simm.s32 $_size_execute0_lowered;
	s1 =	sadd.s32 s1, s4;
	[dreg:$0x0] =	wrdreg $0x0  }
0x20: {  	s4 =	sshll.u32 s28, $0x1;
	[dreg:$0x2] =	wrdreg s1  }
0x21: {  	[dreg:$0x3] =	wrdreg s4  }
0x22: {  	[dreg:$0x4] =	wrdreg $0xC0  }
0x23: {  	_ =	task [dreg:s6], $0x5FFFF  }
0x24: {  	[dreg:$0x1] =	wrdreg $0xFFFFFFFF  }
0x25: {  	[dreg:$0x0] =	wrdreg $0x60  }
0x26: {  	[dreg:$0x2] =	wrdreg s25  }
0x27: {  	[dreg:$0x3] =	wrdreg $0xC  }
0x28: {  	_ =	task.clear_ibuf [dreg:s6], $0x4FFFF;
	_ =	strace $0x90000046  }
0x29: {  	s29 =	simm.s32 $0xC;
	_ =	strace $0x80000048  }
0x2a: {  	_ =	swait.ge [sflag:s29], $0x1  }
0x2b: {  	[sflag:s29] =	ssyncadd.s32 $0xFFFFFFFF  }
0x2c: {  	_ =	strace $0x90000048  }
0x2d: {  	_ =	sfence  }
0x2e: {  	s30 =	sld [smem:$0x0];
	_ =	sdelay $0x2  }
0x2f: {  	s31 =	sshll.u32 s3, $0xD;
	s3 =	sshrl.u32 s3, $0x2  }
0x30: {  	s2 =	sand.u32 $0x4000, s31;
	s1 =	sadd.s32 s3, s30  }
0x31: {  	s0 =	sor.u32 s2, s0;
	s1 =	sshll.u32 s1, $0x11  }
0x32: {  	s0 =	sor.u32 s1, s0  }
0x33: {  	s0 =	sadd.s32 $0x8F2B, s0  }
0x34: {  	[sflag:s0] =	ssyncadd.remote.s32 $0x1  }
0x35: {  	_ =	sfence.sel $0xFFFF  }
0x36: {  	[dreg:$0x0] =	wrdreg $0xFFFFFFFF;
	(pc) =	sbr.abs _section_cstart, $3  }
0x37: {  	[dreg:$0x1] =	wrdreg $0xFFFFFFFF  }
0x38: {  	_ =	task.clear_ibuf [dreg:s6], $0x2FFFF;
	_ =	strace $0x9FFFFFFF  }
0x39: {  	(tm) =	ssettm $0x7FFFFFFF  }
tec
execute0_lowered:
.L_overlay_start_1:
0x0: {  	(tag) =	ssettag $0x1  }
0x1: {  	s0 =	srdreg.scid  }
0x2: {  	s1 =	sshll.u32 s0, $0x4  }
0x3: {  	s0 =	stileid.u32;
	s1 =	sand.u32 $0x10, s1  }
0x4: {  	s1 =	sor.u32 s0, s1  }
0x5: {  	s6 =	rddreg [dreg:$0x0];
	s7 =	simm.s32 $0x2;
	s2 =	sshll.u32 s1, $0x7  }
0x6: {  	s13 =	simm.s32 $0x0;
	s8 =	simm.s32 $0x1800;
	s1 =	ssub.s32 $0xDD00, s2  }
0x7: {  	s12 =	simm.s32 $0x0;
	s10 =	simm.s32 $0x0;
	s3 =	sand.u32 $0xF80, s1  }
0x8: {  	s11 =	simm.s32 $0x0;
	p0 =	sne.s32 s3, $0x0;
	s3 =	simm.s32 $0x1  }
.Ltmp0:
0x9: {  	s4 =	sshrl.u32 s1, $0xC;
	s3 =	simm.s32 @!p0 $0x0;
	(pc) =	sbr.rel .LBB1_1-.Ltmp0, $4  }
0xa: {  	s5 =	sadd.s32 $0x3C1E00, s6;
	s1 =	rddreg [dreg:$0x1];
	s4 =	sadd.s32 s3, s4  }
0xb: {  	_ =	strace $0x80000047;
	s3 =	simm.s32 $0x1;
	s4 =	smul.u32 $0x6, s4  }
0xc: {  	s6 =	sadd.s32 $0x84A200, s6;
	s9 =	smov.u32 s2;
	[sflag:s3] =	ssyncpa.u1 $0x0  }
0xd: {  	p0 =	por $0x0, $0x0;
	[sflag:s7] =	ssyncpa.u1 $0x0;
	s7 =	sor.u32 $0x1, s4  }
.LBB1_4:
0xe: {  	s19 =	sshrl.u32 s13, $0x3  }
0xf: {  	s20 =	sshll.u32 s12, $0x3;
	s19 =	smul.u32 $0x1800, s19  }
0x10: {  	s24 =	sshll.u32 s13, $0x7;
	s20 =	sand.u32 $0xFFFFFC00, s20  }
0x11: {  	s13 =	sand.u32 $0x380, s24;
	s19 =	sadd.s32 s20, s19  }
0x12: {  	s13 =	sor.u32 s13, s19  }
0x13: {  	v5 =	vld [tilespmem:s16+$0xFFFFFFD0];
	[tilespmem:s17+$0x2040 ss:$0x81] =	vst.msk $0xffff, v4;
	s25 =	sand.u32 $0x7F, s12;
	s19 =	smulhi.u32 $0xAAAAAAAB, s13  }
0x14: {  	v58 =	vld [tilespmem:s16+$0xFFFFFFE0];
	[tilespmem:s17+$0x2850 ss:$0x81] =	vst.msk $0xffff, v3;
	s12 =	sor.u32 s25, s13  }
0x15: {  	s26 =	sshra.s32 s18, $0x2;
	v59 =	vld [tilespmem:s16+$0xFFFFFFF0];
	[tilespmem:s17+$0x3060 ss:$0x81] =	vst.msk $0xffff, v2;
	s27 =	smulhi.u32 $0xAAAAAAAB, s12;
	s19 =	sshrl.u32 s19, $0x9  }
0x16: {  	v60 =	vld [tilespmem:s16+$0x0];
	[tilespmem:s17+$0x0 ss:$0x81] =	vst.msk $0xffff, v0;
	s13 =	sadd.s32 s26, s15;
	s28 =	smulhi.u32 $0x944581, s19  }
0x17: {  	v61 =	vld [tilespmem:s16+$0x10];
	[tilespmem:s13+$0x3870 ss:$0x81] =	vst.msk $0xffff, v1;
	s29 =	sshrl.u32 s27, $0x9  }
0x18: {  	v62 =	vld [tilespmem:s16+$0x20];
	[tilespmem:s13+$0x810 ss:$0x81] =	vst.msk $0xffff, v5;
	s17 =	smul.u32 $0x300, s29;
	s15 =	sshrl.u32 s28, $0x7  }
0x19: {  	v63 =	vld [tilespmem:s16+$0xFFFFFFC0];
	[tilespmem:s13+$0x1020 ss:$0x81] =	vst.msk $0xffff, v58;
	s15 =	smul.u32 $0xDD00, s15  }
0x1a: {  	[tilespmem:s13+$0x1830 ss:$0x81] =	vst.msk $0xffff, v59  }
0x1b: {  	[tilespmem:s13+$0x2040 ss:$0x81] =	vst.msk $0xffff, v60;
	s12 =	ssub.s32 s12, s17;
	s15 =	ssub.s32 s19, s15  }
0x1c: {  	[tilespmem:s13+$0x2850 ss:$0x81] =	vst.msk $0xffff, v61;
	s30 =	sshrl.u32 s12, $0x3;
	s12 =	sand.u32 $0x7, s12;
	s15 =	smul.u32 $0x60, s15  }
0x1d: {  	[tilespmem:s13+$0x3060 ss:$0x81] =	vst.msk $0xffff, v62;
	s16 =	sadd.s32 s6, s30;
	s12 =	sshll.u32 s12, $0x12  }
0x1e: {  	[tilespmem:s13+$0x0 ss:$0x81] =	vst.msk $0xffff, v63;
	s12 =	sor.u32 $0x400, s12;
	s31 =	sadd.s32 s15, s16  }
0x1f: {  	[hbm4b:s31+s12] =	stream.strided.scatter [tilespmem:s14], [sflag:$0x2], $0x4000, s8, s12, $0x20;
	[tilespmem:$0x10100] =	vst v63  }
.LBB1_5:
0x20: {  	s14 =	sadd.s32 $0x1000, s9  }
0x21: {  	s12 =	sadd.s32 $0x80, s10;
	s16 =	smov.u32 s10;
	p2 =	sgt.s32 s14, $0xDCFF  }
0x22: {  	s16 =	smov.u32 @p2 s12  }
0x23: {  	s14 =	smov.u32 @p2 s2;
	p2 =	sgt.s32 s16, $0x29F  }
0x24: {  	s16 =	simm.s32 @p2 $0x0;
	p2 =	sne.s32 s11, s7  }
.Ltmp1:
0x25: {  	p1 =	slt.u32 s11, $0x2;
	(pc) =	sbr.rel @!p2 .LBB1_6-.Ltmp1, $4  }
0x26: {  	s15 =	simm.s32 @!p1 $0x2  }
0x27: {  	s13 =	smov.u32 s9;
	p0 =	por !p0, !p0;
	_ =	swait.ge @!p1 [sflag:s15], $0x4000  }
0x28: {  	s12 =	smov.u32 s10;
	[sflag:s15] =	ssyncset.done @!p1 $0x0;
	s9 =	smov.u32 s14  }
0x29: {  	s11 =	sadd.s32 $0x1, s11;
	[sflag:s15] =	ssyncadd.s32 @!p1 $0xFFFFC000;
	s10 =	smov.u32 s16  }
.LBB1_1:
0x2a: {  	p1 =	sge.u32 s11, s4  }
0x2b: {  	s14 =	sshrl.u32 @!p1 s10, $0x3  }
0x2c: {  	s18 =	smov.u32 s9;
	s15 =	sshll.u32 @!p1 s9, $0x3;
	s14 =	smul.u32 @!p1 $0x6E800, s14  }
0x2d: {  	s31 =	sadd.s32 $0xFFFFFFFF, s11;
	s16 =	sshll.u32 @!p1 s10, $0x7;
	s15 =	sand.u32 @!p1 $0xFFFFFC00, s15  }
0x2e: {  	p2 =	sgt.s32 @!p1 s10, $0x220;
	s14 =	sadd.s32 @!p1 s14, s15;
	s15 =	sand.u32 @!p1 $0x380, s16  }
0x2f: {  	s17 =	sshra.s32 @!p1 s10, $0x1F;
	s16 =	sand.u32 @!p1 $0x7F, s9;
	s14 =	sor.u32 @!p1 s15, s14  }
0x30: {  	p2 =	por !p2, p1;
	s15 =	sor.u32 @!p1 s16, s14;
	s16 =	smov.u32 s10  }
0x31: {  	s14 =	sshrl.u32 @!p1 s14, $0x8;
	s16 =	simm.s32 @p2 $0x220;
	p2 =	sgt.s32 @!p1 s9, $0xDC80  }
0x32: {  	s19 =	sshra.s32 @!p1 s9, $0x1F;
	s14 =	smulhi.u32 @!p1 $0x1288B02, s14;
	p2 =	por !p2, p1  }
0x33: {  	s17 =	sand.u32 @!p1 s17, s10;
	s19 =	sand.u32 @!p1 s19, s9;
	s18 =	simm.s32 @p2 $0xDC80  }
0x34: {  	s16 =	ssub.s32 @!p1 s16, s17;
	s20 =	smul.u32 @!p1 $0xDD00, s14;
	s17 =	ssub.s32 @!p1 s18, s19  }
0x35: {  	s18 =	smulhi.u32 @!p1 $0x618619, s14;
	s19 =	sadd.s32 @!p1 $0xFFFFFDE0, s16;
	s16 =	ssub.s32 @!p1 $0x2A0, s16  }
0x36: {  	s21 =	sadd.s32 @!p1 $0xFFFF2380, s17;
	s15 =	ssub.s32 @!p1 s15, s20;
	p2 =	sgt.s32 @!p1 s19, $0x7F  }
0x37: {  	s19 =	sxor.u32 @!p1 $0xFFFFFFFF, s11;
	s17 =	ssub.s32 @!p1 $0xDD00, s17;
	p3 =	sgt.s32 @!p1 s21, $0x7F  }
0x38: {  	s18 =	smul.u32 @!p1 $0x2A0, s18;
	p2 =	por !p2, p1;
	p3 =	por !p3, p1  }
0x39: {  	s19 =	sshll.u32 @!p1 s19, $0xE;
	s16 =	simm.s32 @!p2 $0x0;
	s17 =	simm.s32 @!p3 $0x0  }
0x3a: {  	s19 =	sand.u32 @!p1 $0x4000, s19;
	s14 =	ssub.s32 @!p1 s14, s18;
	s16 =	smul.u32 @!p1 s16, s17  }
0x3b: {  	s14 =	smul.u32 @!p1 $0x1BA0, s14;
	s17 =	sshrl.u32 @!p1 s15, $0x3;
	s15 =	sand.u32 @!p1 $0x7, s15  }
0x3c: {  	s17 =	sadd.s32 @!p1 s5, s17;
	s15 =	sshll.u32 @!p1 s15, $0x12;
	s16 =	sand.u32 @!p1 $0x3FFFFFFF, s16  }
0x3d: {  	s14 =	sadd.s32 @!p1 s14, s17;
	s15 =	sor.u32 @!p1 $0x400, s15;
	s17 =	simm.s32 @!p1 $0x6E800  }
0x3e: {  	[tilespmem:s19], [sflag:$0x1] =	stream.strided.gather @!p1 [hbm4b:s14+s15], s16, s17, s15, $0x38;
	[tilespmem:$0x10100] =	vst v63  }
0x3f: {  	p1 =	sge.u32 s31, s4  }
.Ltmp2:
0x40: {  	_ = 	snop;
	(pc) =	sbr.rel @p1 .LBB1_5-.Ltmp2, $1  }
0x41: {  	_ =	sdelay $0x3  }
0x42: {  	p1 =	sgt.s32 s12, $0x220  }
0x43: {  	s14 =	smov.u32 s12;
	s15 =	sshra.s32 s12, $0x1F;
	s16 =	smov.u32 s13  }
0x44: {  	s17 =	sshra.s32 s13, $0x1F;
	s14 =	simm.s32 @!p1 $0x220;
	p1 =	sgt.s32 s13, $0xDC80  }
0x45: {  	s15 =	sand.u32 s15, s12;
	s27 =	sand.u32 s17, s13;
	s16 =	simm.s32 @!p1 $0xDC80  }
0x46: {  	s14 =	ssub.s32 s14, s15;
	s15 =	ssub.s32 s16, s27  }
0x47: {  	s28 =	sadd.s32 $0xFFFFFDE0, s14;
	s14 =	ssub.s32 $0x2A0, s14;
	s16 =	sadd.s32 $0xFFFF2380, s15  }
0x48: {  	p1 =	sgt.s32 s28, $0x7F;
	s15 =	ssub.s32 $0xDD00, s15;
	p2 =	sgt.s32 s16, $0x7F  }
0x49: {  	s14 =	simm.s32 @p1 $0x0;
	s15 =	simm.s32 @p2 $0x0  }
0x4a: {  	s14 =	smul.u32 s14, s15;
	_ =	sdelay $0x1  }
0x4b: {  	s15 =	simm.s32 $0x1;
	s14 =	sand.u32 $0x3FFFFFFF, s14  }
0x4c: {  	s15 =	simm.s32 @!p0 $0x0;
	_ =	swait.ge [sflag:s3], s14  }
0x4d: {  	s29 =	sshll.u32 s15, $0xE;
	s14 =	ssub.s32 $0x0, s14;
	[sflag:s3] =	ssyncset.done $0x0  }
0x4e: {  	s16 =	sor.u32 $0x40, s29;
	[sflag:s3] =	ssyncadd.s32 s14  }
0x4f: {  	s30 =	smul.u32 $0x10200, s15;
	v0 =	vld [tilespmem:s16+$0x30]  }
0x50: {  	v1 =	vld [tilespmem:s16+$0xFFFFFFD0]  }
0x51: {  	s14 =	sshrl.u32 s30, $0x2;
	v5 =	vld [tilespmem:s16+$0xFFFFFFE0]  }
0x52: {  	s15 =	sor.u32 $0x8000, s14;
	v6 =	vld [tilespmem:s16+$0xFFFFFFF0]  }
0x53: {  	s31 =	sand.u32 $0x1, s11;
	v4 =	vld [tilespmem:s16+$0x0];
	s17 =	sadd.s32 $0x0, s15  }
0x54: {  	s14 =	smul.u32 $0x10200, s31;
	v3 =	vld [tilespmem:s16+$0x10];
	[tilespmem:s17+$0x3870 ss:$0x81] =	vst.msk $0xffff, v0  }
0x55: {  	v2 =	vld [tilespmem:s16+$0x20];
	[tilespmem:s17+$0x810 ss:$0x81] =	vst.msk $0xffff, v1  }
0x56: {  	s14 =	sshrl.u32 s14, $0x2;
	v0 =	vld [tilespmem:s16+$0xFFFFFFC0];
	[tilespmem:s17+$0x1020 ss:$0x81] =	vst.msk $0xffff, v5;
	s16 =	sadd.s32 $0x80, s16  }
0x57: {  	s18 =	simm.s32 $0x4;
	s19 =	simm.s32 $0x8;
	s14 =	sor.u32 $0x8000, s14;
	[tilespmem:s17+$0x1830 ss:$0x81] =	vst.msk $0xffff, v6;
	v1 =	vld [tilespmem:s16+$0x30]  }
.LBB1_3:
0x58: {  	p1 =	sne.s32 s19, $0x1FC;
	v5 =	vld [tilespmem:s16+$0xFFFFFFD0];
	[tilespmem:s17+$0x2040 ss:$0x81] =	vst.msk $0xffff, v4  }
0x59: {  	v6 =	vld [tilespmem:s16+$0xFFFFFFE0];
	[tilespmem:s17+$0x2850 ss:$0x81] =	vst.msk $0xffff, v3  }
0x5a: {  	s20 =	sshra.s32 s18, $0x2;
	s18 =	smov.u32 s19;
	v7 =	vld [tilespmem:s16+$0xFFFFFFF0];
	[tilespmem:s17+$0x3060 ss:$0x81] =	vst.msk $0xffff, v2  }
.Ltmp3:
0x5b: {  	v4 =	vld [tilespmem:s16+$0x0];
	[tilespmem:s17+$0x0 ss:$0x81] =	vst.msk $0xffff, v0;
	s17 =	sadd.s32 s20, s15;
	(pc) =	sbr.rel @p1 .LBB1_3-.Ltmp3, $4  }
0x5c: {  	v3 =	vld [tilespmem:s16+$0x10];
	[tilespmem:s17+$0x3870 ss:$0x81] =	vst.msk $0xffff, v1  }
0x5d: {  	[tilespmem:s17+$0x810 ss:$0x81] =	vst.msk $0xffff, v5;
	v2 =	vld [tilespmem:s16+$0x20]  }
0x5e: {  	v0 =	vld [tilespmem:s16+$0xFFFFFFC0];
	[tilespmem:s17+$0x1020 ss:$0x81] =	vst.msk $0xffff, v6;
	s16 =	sadd.s32 $0x80, s16  }
0x5f: {  	s19 =	sadd.s32 $0x4, s19;
	v1 =	vld [tilespmem:s16+$0x30];
	[tilespmem:s17+$0x1830 ss:$0x81] =	vst.msk $0xffff, v7  }
.Ltmp4:
0x60: {  	_ = 	snop;
	(pc) =	sbr.rel .LBB1_4-.Ltmp4, $1  }
0x61: {  	_ =	sdelay $0x3  }
.LBB1_6:
0x62: {  	_ =	sfence.sel $0x180000  }
0x63: {  	s2 =	simm.s32 $0x1;
	[bflag:$0x0] =	sbarrier.arrive $0xFFFF  }
0x64: {  	s31 =	simm.s32 $0x2;
	[sflag:s2] =	ssyncpa.u1 $0x1  }
0x65: {  	[sflag:s31] =	ssyncpa.u1 $0x1  }
0x66: {  	p0 =	sne.s32 s0, $0x0;
	_ =	strace $0x90000047  }
0x67: {  	s0 =	sadd.s32 @!p0 $0x100000, s1;
	[bflag:$0x2] =	sbarrier.arrive $0xFFFF  }
0x68: {  	[sflag:s0] =	ssyncadd.tile.s32 @!p0 $0x1;
	_ =	shalt  }
.Lfunc_end1:
_tile_overlayer_lowered:
.L_overlay_start_2:
0x69: {  	(tag) =	ssettag $0x2  }
0x6a: {  	s0 =	rddreg [dreg:$0x0];
	s2 =	stileid.u32  }
0x6b: {  	s1 =	rddreg [dreg:$0x1];
	p0 =	sne.s32 s2, $0x0  }
0x6c: {  	s3 =	rddreg [dreg:$0x2];
	[bflag:$0x3] =	sbarrier.arrive $0xFFFF;
	s2 =	simm.s32 @!p0 $0x1C01  }
0x6d: {  	[timem:s3], [sflag:s2] =	dma.local @!p0 [hbm:s0], s1  }
0x6e: {  	s0 =	simm.s32 @!p0 $0x1  }
0x6f: {  	_ =	swait.ge @!p0 [sflag:s0], s1  }
0x70: {  	s1 =	ssub.s32 @!p0 $0x0, s1;
	[sflag:s0] =	ssyncset.done @!p0 $0x0  }
0x71: {  	[sflag:s0] =	ssyncadd.s32 @!p0 s1  }
0x72: {  	[bflag:$0x3] =	sbarrier.arrive $0xFFFF  }
0x73: {  	_ =	shalt  }

// kernel: sparse-core-data-format-call.cloned.1.call-start
scs
called_computation.3_lowered:
.L_overlay_start_0:
0x0: {  	s2 =	sld [smem:$0x3FD9]  }
0x1: {  	s3 =	sld [smem:$0x3FFE];
	_ =	sdelay $0x1  }
0x2: {  	s1 =	srdreg.scid  }
0x3: {  	s0 =	sand.u32 $0x1, s1  }
0x4: {  	s18 =	sshll.u32 s0, $0xA;
	s2 =	sadd.s32 s3, s2  }
0x5: {  	s2 =	sadd.s32 s2, s18  }
0x6: {  	[smem:$0x3FB6] =	sst s2  }
0x7: {  	_ = 	snop  }
0x8: {  	(tm) =	ssettm $0x1  }
0x9: {  	s19 =	sld [smem:$0x3FFB];
	_ =	sdelay $0x3  }
0xa: {  	_ =	strace s19  }
0xb: {  	s2 =	sld [smem:$0x3FFC];
	_ =	sdelay $0x3  }
0xc: {  	_ =	strace s2  }
0xd: {  	s2 =	sld [smem:$0x3FFD];
	_ =	sdelay $0x3  }
0xe: {  	_ =	strace s2  }
0xf: {  	_ =	strace $0x8FFFFFFF  }
0x10: {  	s20 =	sld [smem:$0x3FDB];
	_ =	sdelay $0x1  }
0x11: {  	s21 =	simm.s32 $_scs_section_size  }
0x12: {  	s4 =	simm.s32 $_size__tile_overlayer_lowered;
	s5 =	simm.s32 $_tile_overlayer_lowered  }
0x13: {  	s6 =	simm.s32 $0x1BFF;
	s22 =	sshll.u32 s5, $0x1;
	s3 =	sadd.s32 s21, s20  }
0x14: {  	s23 =	simm.s32 $0x0;
	s4 =	sshll.u32 s4, $0x1;
	s5 =	sadd.s32 s22, s3  }
0x15: {  	[timem:s23], [sflag:s6] =	dma.local [hbm:s5], s4  }
0x16: {  	_ =	swait.ge [sflag:s6], s4  }
0x17: {  	s4 =	ssub.s32 $0x0, s4;
	[sflag:s6] =	ssyncset.done $0x0  }
0x18: {  	[sflag:s6] =	ssyncadd.s32 s4;
	_ =	sdelay $0x1  }
0x19: {  	s24 =	simm.s32 $0x1B8B  }
0x1a: {  	_ =	swait.ge [sflag:s24], $0x1  }
0x1b: {  	[sflag:s24] =	ssyncset.done $0x0  }
0x1c: {  	[sflag:s24] =	ssyncadd.s32 $0xFFFFFFFF  }
0x1d: {  	s4 =	sld [smem:$0x0]  }
0x1e: {  	s5 =	sand.u32 $0xFFFFFFFE, s1  }
0x1f: {  	p0 =	sne.s32 s1, s5  }
0x20: {  	s5 =	sshll.u32 @p0 s5, $0xE  }
0x21: {  	s5 =	sadd.s32 @p0 $0x11B8D, s5;
	s6 =	sshll.u32 @p0 s4, $0x11  }
0x22: {  	s5 =	sor.u32 @p0 s6, s5  }
0x23: {  	[sflag:s5] =	ssyncadd.remote.s32 @p0 $0x1;
	_ =	sdelay $0x1  }
0x24: {  	s5 =	simm.s32 @p0 $0x1B8D  }
0x25: {  	_ =	swait.eq @p0 [sflag:s5], $0x1  }
0x26: {  	[sflag:s5] =	ssyncadd.s32 @p0 $0xFFFFFFFF  }
0x27: {  	s6 =	sshll.u32 @!p0 s1, $0xE  }
0x28: {  	s6 =	sor.u32 @!p0 $0x4000, s6;
	s5 =	simm.s32 @!p0 $0x1B8D  }
0x29: {  	s4 =	sshll.u32 @!p0 s4, $0x11;
	s6 =	sadd.s32 @!p0 $0x11B8D, s6;
	_ =	swait.eq @!p0 [sflag:s5], $0x1  }
0x2a: {  	s4 =	sor.u32 @!p0 s4, s6;
	[sflag:s5] =	ssyncadd.s32 @!p0 $0xFFFFFFFF  }
0x2b: {  	s26 =	simm.s32 $0x1B8E;
	s25 =	sld [smem:$0x3FFE];
	[sflag:s4] =	ssyncadd.remote.s32 @!p0 $0x1  }
0x2c: {  	s27 =	simm.s32 $execute0_lowered;
	[smem:$0x3FD2] =	sst s26  }
0x2d: {  	s5 =	sshll.u32 s27, $0x1;
	_ =	strace $0x80000049;
	[dreg:$0x1] =	wrdreg $0xFFFFFFFF  }
0x2e: {  	s28 =	simm.s32 $_size_execute0_lowered;
	s3 =	sadd.s32 s3, s5;
	[dreg:$0x0] =	wrdreg $0x0  }
0x2f: {  	s5 =	sshll.u32 s28, $0x1;
	[dreg:$0x2] =	wrdreg s3  }
0x30: {  	[dreg:$0x3] =	wrdreg s5  }
0x31: {  	[dreg:$0x4] =	wrdreg $0xC0  }
0x32: {  	_ =	task [dreg:s23], $0x5FFFF  }
0x33: {  	[dreg:$0x1] =	wrdreg $0xFFFFFFFF  }
0x34: {  	[dreg:$0x0] =	wrdreg $0x60  }
0x35: {  	[dreg:$0x2] =	wrdreg s25  }
0x36: {  	[dreg:$0x3] =	wrdreg $0xA  }
0x37: {  	_ =	task.clear_ibuf [dreg:s23], $0x4FFFF;
	_ =	strace $0x90000049  }
0x38: {  	s29 =	simm.s32 $0xA;
	_ =	strace $0x8000004B  }
0x39: {  	_ =	swait.ge [sflag:s29], $0x1  }
0x3a: {  	[sflag:s29] =	ssyncadd.s32 $0xFFFFFFFF  }
0x3b: {  	_ =	strace $0x9000004B  }
0x3c: {  	_ =	sfence  }
0x3d: {  	s30 =	sld [smem:$0x0];
	_ =	sdelay $0x2  }
0x3e: {  	s31 =	sshll.u32 s1, $0xD;
	s1 =	sshrl.u32 s1, $0x2  }
0x3f: {  	s4 =	sand.u32 $0x4000, s31;
	s1 =	sadd.s32 s1, s30  }
0x40: {  	s0 =	sor.u32 s4, s0;
	s1 =	sshll.u32 s1, $0x11  }
0x41: {  	s0 =	sor.u32 s1, s0  }
0x42: {  	s0 =	sadd.s32 $0x8F2B, s0  }
0x43: {  	[sflag:s0] =	ssyncadd.remote.s32 $0x1  }
0x44: {  	_ =	sfence.sel $0xFFFF  }
0x45: {  	[dreg:$0x0] =	wrdreg $0xFFFFFFFF;
	(pc) =	sbr.abs _section_cstart, $3  }
0x46: {  	[dreg:$0x1] =	wrdreg $0xFFFFFFFF  }
0x47: {  	_ =	task.clear_ibuf [dreg:s23], $0x2FFFF;
	_ =	strace $0x9FFFFFFF  }
0x48: {  	(tm) =	ssettm $0x7FFFFFFF  }
0x49: {  	_ =	shalt  }
tec
execute0_lowered:
.L_overlay_start_1:
0x0: {  	(tag) =	ssettag $0x1  }
0x1: {  	s0 =	srdreg.scid  }
0x2: {  	s1 =	sshll.u32 s0, $0x4  }
0x3: {  	s0 =	stileid.u32;
	s1 =	sand.u32 $0x10, s1  }
0x4: {  	s1 =	sor.u32 s0, s1  }
0x5: {  	s6 =	rddreg [dreg:$0x0];
	s7 =	simm.s32 $0x2;
	s2 =	sshll.u32 s1, $0x7  }
0x6: {  	s13 =	simm.s32 $0x0;
	s8 =	simm.s32 $0x1800;
	s1 =	ssub.s32 $0xDE00, s2  }
0x7: {  	s12 =	simm.s32 $0x0;
	s10 =	simm.s32 $0x0;
	s3 =	sand.u32 $0xF80, s1  }
0x8: {  	s11 =	simm.s32 $0x0;
	p0 =	sne.s32 s3, $0x0;
	s3 =	simm.s32 $0x1  }
.Ltmp0:
0x9: {  	s4 =	sshrl.u32 s1, $0xC;
	s3 =	simm.s32 @!p0 $0x0;
	(pc) =	sbr.rel .LBB1_1-.Ltmp0, $4  }
0xa: {  	s5 =	sadd.s32 $0xE56200, s6;
	s1 =	rddreg [dreg:$0x1];
	s4 =	sadd.s32 s3, s4  }
0xb: {  	_ =	strace $0x8000004A;
	s3 =	simm.s32 $0x1;
	s4 =	smul.u32 $0x6, s4  }
0xc: {  	s6 =	sadd.s32 $0x12E3A00, s6;
	s9 =	smov.u32 s2;
	[sflag:s3] =	ssyncpa.u1 $0x0  }
0xd: {  	p0 =	por $0x0, $0x0;
	[sflag:s7] =	ssyncpa.u1 $0x0;
	s7 =	sor.u32 $0x1, s4  }
.LBB1_4:
0xe: {  	s19 =	sshrl.u32 s13, $0x3  }
0xf: {  	s20 =	sshll.u32 s12, $0x3;
	s19 =	smul.u32 $0x1800, s19  }
0x10: {  	s24 =	sshll.u32 s13, $0x7;
	s20 =	sand.u32 $0xFFFFFC00, s20  }
0x11: {  	s13 =	sand.u32 $0x380, s24;
	s19 =	sadd.s32 s20, s19  }
0x12: {  	s13 =	sor.u32 s13, s19  }
0x13: {  	v5 =	vld [tilespmem:s16+$0xFFFFFFD0];
	[tilespmem:s17+$0x2040 ss:$0x81] =	vst.msk $0xffff, v4;
	s25 =	sand.u32 $0x7F, s12;
	s19 =	smulhi.u32 $0xAAAAAAAB, s13  }
0x14: {  	v58 =	vld [tilespmem:s16+$0xFFFFFFE0];
	[tilespmem:s17+$0x2850 ss:$0x81] =	vst.msk $0xffff, v3;
	s12 =	sor.u32 s25, s13  }
0x15: {  	s26 =	sshra.s32 s18, $0x2;
	v59 =	vld [tilespmem:s16+$0xFFFFFFF0];
	[tilespmem:s17+$0x3060 ss:$0x81] =	vst.msk $0xffff, v2;
	s27 =	smulhi.u32 $0xAAAAAAAB, s12;
	s19 =	sshrl.u32 s19, $0x9  }
0x16: {  	v60 =	vld [tilespmem:s16+$0x0];
	[tilespmem:s17+$0x0 ss:$0x81] =	vst.msk $0xffff, v0;
	s13 =	sadd.s32 s26, s15;
	s28 =	smulhi.u32 $0x49CD43, s19  }
0x17: {  	v61 =	vld [tilespmem:s16+$0x10];
	[tilespmem:s13+$0x3870 ss:$0x81] =	vst.msk $0xffff, v1;
	s29 =	sshrl.u32 s27, $0x9  }
0x18: {  	v62 =	vld [tilespmem:s16+$0x20];
	[tilespmem:s13+$0x810 ss:$0x81] =	vst.msk $0xffff, v5;
	s17 =	smul.u32 $0x300, s29;
	s15 =	sshrl.u32 s28, $0x6  }
0x19: {  	v63 =	vld [tilespmem:s16+$0xFFFFFFC0];
	[tilespmem:s13+$0x1020 ss:$0x81] =	vst.msk $0xffff, v58;
	s15 =	smul.u32 $0xDE00, s15  }
0x1a: {  	[tilespmem:s13+$0x1830 ss:$0x81] =	vst.msk $0xffff, v59  }
0x1b: {  	[tilespmem:s13+$0x2040 ss:$0x81] =	vst.msk $0xffff, v60;
	s12 =	ssub.s32 s12, s17;
	s15 =	ssub.s32 s19, s15  }
0x1c: {  	[tilespmem:s13+$0x2850 ss:$0x81] =	vst.msk $0xffff, v61;
	s30 =	sshrl.u32 s12, $0x3;
	s12 =	sand.u32 $0x7, s12;
	s15 =	smul.u32 $0x60, s15  }
0x1d: {  	[tilespmem:s13+$0x3060 ss:$0x81] =	vst.msk $0xffff, v62;
	s16 =	sadd.s32 s6, s30;
	s12 =	sshll.u32 s12, $0x12  }
0x1e: {  	[tilespmem:s13+$0x0 ss:$0x81] =	vst.msk $0xffff, v63;
	s12 =	sor.u32 $0x400, s12;
	s31 =	sadd.s32 s15, s16  }
0x1f: {  	[hbm4b:s31+s12] =	stream.strided.scatter [tilespmem:s14], [sflag:$0x2], $0x4000, s8, s12, $0x20;
	[tilespmem:$0x10100] =	vst v63  }
.LBB1_5:
0x20: {  	s14 =	sadd.s32 $0x1000, s9  }
0x21: {  	s12 =	sadd.s32 $0x80, s10;
	s16 =	smov.u32 s10;
	p2 =	sgt.s32 s14, $0xDDFF  }
0x22: {  	s16 =	smov.u32 @p2 s12  }
0x23: {  	s14 =	smov.u32 @p2 s2;
	p2 =	sgt.s32 s16, $0x29F  }
0x24: {  	s16 =	simm.s32 @p2 $0x0;
	p2 =	sne.s32 s11, s7  }
.Ltmp1:
0x25: {  	p1 =	slt.u32 s11, $0x2;
	(pc) =	sbr.rel @!p2 .LBB1_6-.Ltmp1, $4  }
0x26: {  	s15 =	simm.s32 @!p1 $0x2  }
0x27: {  	s13 =	smov.u32 s9;
	p0 =	por !p0, !p0;
	_ =	swait.ge @!p1 [sflag:s15], $0x4000  }
0x28: {  	s12 =	smov.u32 s10;
	[sflag:s15] =	ssyncset.done @!p1 $0x0;
	s9 =	smov.u32 s14  }
0x29: {  	s11 =	sadd.s32 $0x1, s11;
	[sflag:s15] =	ssyncadd.s32 @!p1 $0xFFFFC000;
	s10 =	smov.u32 s16  }
.LBB1_1:
0x2a: {  	p1 =	sge.u32 s11, s4  }
0x2b: {  	s14 =	sshrl.u32 @!p1 s10, $0x3  }
0x2c: {  	s18 =	smov.u32 s9;
	s15 =	sshll.u32 @!p1 s9, $0x3;
	s14 =	smul.u32 @!p1 $0x6F000, s14  }
0x2d: {  	s31 =	sadd.s32 $0xFFFFFFFF, s11;
	s16 =	sshll.u32 @!p1 s10, $0x7;
	s15 =	sand.u32 @!p1 $0xFFFFFC00, s15  }
0x2e: {  	p2 =	sgt.s32 @!p1 s10, $0x220;
	s14 =	sadd.s32 @!p1 s14, s15;
	s15 =	sand.u32 @!p1 $0x380, s16  }
0x2f: {  	s17 =	sshra.s32 @!p1 s10, $0x1F;
	s16 =	sand.u32 @!p1 $0x7F, s9;
	s14 =	sor.u32 @!p1 s15, s14  }
0x30: {  	p2 =	por !p2, p1;
	s15 =	sor.u32 @!p1 s16, s14;
	s16 =	smov.u32 s10  }
0x31: {  	s14 =	sshrl.u32 @!p1 s14, $0x9;
	s16 =	simm.s32 @p2 $0x220;
	p2 =	sgt.s32 @!p1 s9, $0xDD80  }
0x32: {  	s19 =	sshra.s32 @!p1 s9, $0x1F;
	s14 =	smulhi.u32 @!p1 $0x24E6A18, s14;
	p2 =	por !p2, p1  }
0x33: {  	s17 =	sand.u32 @!p1 s17, s10;
	s19 =	sand.u32 @!p1 s19, s9;
	s18 =	simm.s32 @p2 $0xDD80  }
0x34: {  	s16 =	ssub.s32 @!p1 s16, s17;
	s20 =	smul.u32 @!p1 $0xDE00, s14;
	s17 =	ssub.s32 @!p1 s18, s19  }
0x35: {  	s18 =	smulhi.u32 @!p1 $0x618619, s14;
	s19 =	sadd.s32 @!p1 $0xFFFFFDE0, s16;
	s16 =	ssub.s32 @!p1 $0x2A0, s16  }
0x36: {  	s21 =	sadd.s32 @!p1 $0xFFFF2280, s17;
	s15 =	ssub.s32 @!p1 s15, s20;
	p2 =	sgt.s32 @!p1 s19, $0x7F  }
0x37: {  	s19 =	sxor.u32 @!p1 $0xFFFFFFFF, s11;
	s17 =	ssub.s32 @!p1 $0xDE00, s17;
	p3 =	sgt.s32 @!p1 s21, $0x7F  }
0x38: {  	s18 =	smul.u32 @!p1 $0x2A0, s18;
	p2 =	por !p2, p1;
	p3 =	por !p3, p1  }
0x39: {  	s19 =	sshll.u32 @!p1 s19, $0xE;
	s16 =	simm.s32 @!p2 $0x0;
	s17 =	simm.s32 @!p3 $0x0  }
0x3a: {  	s19 =	sand.u32 @!p1 $0x4000, s19;
	s14 =	ssub.s32 @!p1 s14, s18;
	s16 =	smul.u32 @!p1 s16, s17  }
0x3b: {  	s14 =	smul.u32 @!p1 $0x1BC0, s14;
	s17 =	sshrl.u32 @!p1 s15, $0x3;
	s15 =	sand.u32 @!p1 $0x7, s15  }
0x3c: {  	s17 =	sadd.s32 @!p1 s5, s17;
	s15 =	sshll.u32 @!p1 s15, $0x12;
	s16 =	sand.u32 @!p1 $0x3FFFFFFF, s16  }
0x3d: {  	s14 =	sadd.s32 @!p1 s14, s17;
	s15 =	sor.u32 @!p1 $0x400, s15;
	s17 =	simm.s32 @!p1 $0x6F000  }
0x3e: {  	[tilespmem:s19], [sflag:$0x1] =	stream.strided.gather @!p1 [hbm4b:s14+s15], s16, s17, s15, $0x38;
	[tilespmem:$0x10100] =	vst v63  }
0x3f: {  	p1 =	sge.u32 s31, s4  }
.Ltmp2:
0x40: {  	_ = 	snop;
	(pc) =	sbr.rel @p1 .LBB1_5-.Ltmp2, $1  }
0x41: {  	_ =	sdelay $0x3  }
0x42: {  	p1 =	sgt.s32 s12, $0x220  }
0x43: {  	s14 =	smov.u32 s12;
	s15 =	sshra.s32 s12, $0x1F;
	s16 =	smov.u32 s13  }
0x44: {  	s17 =	sshra.s32 s13, $0x1F;
	s14 =	simm.s32 @!p1 $0x220;
	p1 =	sgt.s32 s13, $0xDD80  }
0x45: {  	s15 =	sand.u32 s15, s12;
	s27 =	sand.u32 s17, s13;
	s16 =	simm.s32 @!p1 $0xDD80  }
0x46: {  	s14 =	ssub.s32 s14, s15;
	s15 =	ssub.s32 s16, s27  }
0x47: {  	s28 =	sadd.s32 $0xFFFFFDE0, s14;
	s14 =	ssub.s32 $0x2A0, s14;
	s16 =	sadd.s32 $0xFFFF2280, s15  }
0x48: {  	p1 =	sgt.s32 s28, $0x7F;
	s15 =	ssub.s32 $0xDE00, s15;
	p2 =	sgt.s32 s16, $0x7F  }
0x49: {  	s14 =	simm.s32 @p1 $0x0;
	s15 =	simm.s32 @p2 $0x0  }
0x4a: {  	s14 =	smul.u32 s14, s15;
	_ =	sdelay $0x1  }
0x4b: {  	s15 =	simm.s32 $0x1;
	s14 =	sand.u32 $0x3FFFFFFF, s14  }
0x4c: {  	s15 =	simm.s32 @!p0 $0x0;
	_ =	swait.ge [sflag:s3], s14  }
0x4d: {  	s29 =	sshll.u32 s15, $0xE;
	s14 =	ssub.s32 $0x0, s14;
	[sflag:s3] =	ssyncset.done $0x0  }
0x4e: {  	s16 =	sor.u32 $0x40, s29;
	[sflag:s3] =	ssyncadd.s32 s14  }
0x4f: {  	s30 =	smul.u32 $0x10200, s15;
	v0 =	vld [tilespmem:s16+$0x30]  }
0x50: {  	v1 =	vld [tilespmem:s16+$0xFFFFFFD0]  }
0x51: {  	s14 =	sshrl.u32 s30, $0x2;
	v5 =	vld [tilespmem:s16+$0xFFFFFFE0]  }
0x52: {  	s15 =	sor.u32 $0x8000, s14;
	v6 =	vld [tilespmem:s16+$0xFFFFFFF0]  }
0x53: {  	s31 =	sand.u32 $0x1, s11;
	v4 =	vld [tilespmem:s16+$0x0];
	s17 =	sadd.s32 $0x0, s15  }
0x54: {  	s14 =	smul.u32 $0x10200, s31;
	v3 =	vld [tilespmem:s16+$0x10];
	[tilespmem:s17+$0x3870 ss:$0x81] =	vst.msk $0xffff, v0  }
0x55: {  	v2 =	vld [tilespmem:s16+$0x20];
	[tilespmem:s17+$0x810 ss:$0x81] =	vst.msk $0xffff, v1  }
0x56: {  	s14 =	sshrl.u32 s14, $0x2;
	v0 =	vld [tilespmem:s16+$0xFFFFFFC0];
	[tilespmem:s17+$0x1020 ss:$0x81] =	vst.msk $0xffff, v5;
	s16 =	sadd.s32 $0x80, s16  }
0x57: {  	s18 =	simm.s32 $0x4;
	s19 =	simm.s32 $0x8;
	s14 =	sor.u32 $0x8000, s14;
	[tilespmem:s17+$0x1830 ss:$0x81] =	vst.msk $0xffff, v6;
	v1 =	vld [tilespmem:s16+$0x30]  }
.LBB1_3:
0x58: {  	p1 =	sne.s32 s19, $0x1FC;
	v5 =	vld [tilespmem:s16+$0xFFFFFFD0];
	[tilespmem:s17+$0x2040 ss:$0x81] =	vst.msk $0xffff, v4  }
0x59: {  	v6 =	vld [tilespmem:s16+$0xFFFFFFE0];
	[tilespmem:s17+$0x2850 ss:$0x81] =	vst.msk $0xffff, v3  }
0x5a: {  	s20 =	sshra.s32 s18, $0x2;
	s18 =	smov.u32 s19;
	v7 =	vld [tilespmem:s16+$0xFFFFFFF0];
	[tilespmem:s17+$0x3060 ss:$0x81] =	vst.msk $0xffff, v2  }
.Ltmp3:
0x5b: {  	v4 =	vld [tilespmem:s16+$0x0];
	[tilespmem:s17+$0x0 ss:$0x81] =	vst.msk $0xffff, v0;
	s17 =	sadd.s32 s20, s15;
	(pc) =	sbr.rel @p1 .LBB1_3-.Ltmp3, $4  }
0x5c: {  	v3 =	vld [tilespmem:s16+$0x10];
	[tilespmem:s17+$0x3870 ss:$0x81] =	vst.msk $0xffff, v1  }
0x5d: {  	[tilespmem:s17+$0x810 ss:$0x81] =	vst.msk $0xffff, v5;
	v2 =	vld [tilespmem:s16+$0x20]  }
0x5e: {  	v0 =	vld [tilespmem:s16+$0xFFFFFFC0];
	[tilespmem:s17+$0x1020 ss:$0x81] =	vst.msk $0xffff, v6;
	s16 =	sadd.s32 $0x80, s16  }
0x5f: {  	s19 =	sadd.s32 $0x4, s19;
	v1 =	vld [tilespmem:s16+$0x30];
	[tilespmem:s17+$0x1830 ss:$0x81] =	vst.msk $0xffff, v7  }
.Ltmp4:
0x60: {  	_ = 	snop;
	(pc) =	sbr.rel .LBB1_4-.Ltmp4, $1  }
0x61: {  	_ =	sdelay $0x3  }
.LBB1_6:
0x62: {  	_ =	sfence.sel $0x180000  }
0x63: {  	s2 =	simm.s32 $0x1;
	[bflag:$0x0] =	sbarrier.arrive $0xFFFF  }
0x64: {  	s31 =	simm.s32 $0x2;
	[sflag:s2] =	ssyncpa.u1 $0x1  }
0x65: {  	[sflag:s31] =	ssyncpa.u1 $0x1  }
0x66: {  	p0 =	sne.s32 s0, $0x0;
	_ =	strace $0x9000004A  }
0x67: {  	s0 =	sadd.s32 @!p0 $0x100000, s1;
	[bflag:$0x2] =	sbarrier.arrive $0xFFFF  }
0x68: {  	[sflag:s0] =	ssyncadd.tile.s32 @!p0 $0x1;
	_ =	shalt  }
.Lfunc_end1:
_tile_overlayer_lowered:
.L_overlay_start_2:
0x69: {  	(tag) =	ssettag $0x2  }
0x6a: {  	s0 =	rddreg [dreg:$0x0];
	s2 =	stileid.u32  }
0x6b: {  	s1 =	rddreg [dreg:$0x1];
	p0 =	sne.s32 s2, $0x0  }
0x6c: {  	s3 =	rddreg [dreg:$0x2];
	[bflag:$0x3] =	sbarrier.arrive $0xFFFF;
	s2 =	simm.s32 @!p0 $0x1C01  }
0x6d: {  	[timem:s3], [sflag:s2] =	dma.local @!p0 [hbm:s0], s1  }
0x6e: {  	s0 =	simm.s32 @!p0 $0x1  }
0x6f: {  	_ =	swait.ge @!p0 [sflag:s0], s1  }
0x70: {  	s1 =	ssub.s32 @!p0 $0x0, s1;
	[sflag:s0] =	ssyncset.done @!p0 $0x0  }
0x71: {  	[sflag:s0] =	ssyncadd.s32 @!p0 s1  }
0x72: {  	[bflag:$0x3] =	sbarrier.arrive $0xFFFF  }
0x73: {  	_ =	shalt  }

</sc_bundles>
